<compile_context>
chip_gen: v7x
topology: tpu7x:2x2x1
jax: 0.10.2.dev20260603
libtpu: 0.0.44.dev20260713+nightly
codegen_flags: <defaults>
</compile_context>

<pallas_src>
import jax
import jax.numpy as jnp
from jax import lax
from jax.experimental import pallas as pl
from jax.experimental.pallas import tpu as pltpu
import jax.experimental.pallas.tpu_sc as plsc

_N = 10000
_C = 128
_NC = 2
_NS = 16
_NW = _NC * _NS
_B = 64
_G = 16
_NCH = 10
_NBUF = 4
_NCH_A = 18
_NCH_B = 2 * _NCH - _NCH_A
_TCH = _NS * (_NCH_A + _NCH_B)
_EB = _G * _NCH
_EPP = _B * _EB
_EPAD = _NW * _EPP
_NPAD = 10240
_RPT = _NPAD // _NS

_mesh = plsc.VectorSubcoreMesh(core_axis_name="c", subcore_axis_name="s",
                               num_cores=_NC, num_subcores=_NS)


def _deg_body(dst_hbm, out_hbm, dst_v, ones_v, stage_v, deg_sh):
    c = lax.axis_index("c")
    s = lax.axis_index("s")
    w = s * _NC + c

    def _fill_zero(i, _):
        stage_v[pl.ds(i * 16, 16)] = jnp.zeros((16,), jnp.float32)
        return 0
    lax.fori_loop(0, _RPT // 16, _fill_zero, 0)

    def _fill_one(i, _):
        ones_v[pl.ds(i * 16, 16)] = jnp.ones((16,), jnp.float32)
        return 0
    lax.fori_loop(0, _B // 16, _fill_one, 0)

    pltpu.sync_copy(stage_v, deg_sh.at[pl.ds(s * _RPT, _RPT)])
    plsc.subcore_barrier()

    pltpu.sync_copy(dst_hbm.at[w], dst_v)

    def _scatter(b, _):
        pltpu.sync_copy(ones_v, deg_sh.at[dst_v.at[b]], add=True)
        return 0
    lax.fori_loop(0, _EB, _scatter, 0)
    plsc.subcore_barrier()

    pltpu.sync_copy(deg_sh.at[pl.ds(s * _RPT, _RPT)], stage_v)
    pltpu.sync_copy(stage_v, out_hbm.at[c, pl.ds(s * _RPT, _RPT)])


def _deg_call(dstp):
    return pl.kernel(
        _deg_body,
        out_type=jax.ShapeDtypeStruct((_NC, _NPAD), jnp.float32),
        mesh=_mesh,
        scratch_types=[
            pltpu.VMEM((_EB, _B), jnp.int32),
            pltpu.VMEM((_B,), jnp.float32),
            pltpu.VMEM((_RPT,), jnp.float32),
            pltpu.VMEM_SHARED((_NPAD,), jnp.float32),
        ],
    )(dstp)


def _agg_body(ix_hbm, y_hbm, out_hbm,
              ix_a, ix_b, bufs, acc_sh, sem_i, *sems):
    c = lax.axis_index("c")
    s = lax.axis_index("s")
    w = s * _NC + c
    buf0 = bufs[0]

    def _zero(i, _):
        buf0[i // 8, pl.ds((i % 8) * 16, 16)] = jnp.zeros((16,), jnp.float32)
        return 0
    lax.fori_loop(0, _B * (_C // 16), _zero, 0)

    for k in range(_RPT // _B):
        pltpu.sync_copy(buf0, acc_sh.at[pl.ds(s * _RPT + k * _B, _B)])
    plsc.subcore_barrier()

    def _chunk(ix_cur):
        descs = {}
        for t in range(min(_NBUF - 1, _G)):
            descs[t] = pltpu.async_copy(y_hbm.at[ix_cur.at[0, t]],
                                        bufs[t % _NBUF], sems[t % _NBUF])
        for t in range(_G):
            tp = t + _NBUF - 1
            if tp < _G:
                descs[tp] = pltpu.async_copy(y_hbm.at[ix_cur.at[0, tp]],
                                             bufs[tp % _NBUF], sems[tp % _NBUF])
            descs.pop(t).wait()
            pltpu.sync_copy(bufs[t % _NBUF], acc_sh.at[ix_cur.at[1, t]],
                            add=True)

    n_half = jnp.where(c == 0, _NCH_A // 2, _NCH_B // 2)
    base = jnp.where(c == 0, s * _NCH_A, _NS * _NCH_A + s * _NCH_B)
    last = jnp.minimum(base + 2 * n_half - 1, _TCH - 1)

    pltpu.sync_copy(ix_hbm.at[jnp.minimum(base, _TCH - 1)], ix_a)

    def _body(i, _):
        i2 = 2 * i
        d1 = pltpu.async_copy(ix_hbm.at[base + i2 + 1], ix_b, sem_i)
        _chunk(ix_a)
        d1.wait()
        d2 = pltpu.async_copy(ix_hbm.at[jnp.minimum(base + i2 + 2, last)],
                              ix_a, sem_i)
        _chunk(ix_b)
        d2.wait()
        return 0
    lax.fori_loop(0, n_half, _body, 0)
    plsc.subcore_barrier()

    for k in range(_RPT // _B):
        base = s * _RPT + k * _B
        pltpu.sync_copy(acc_sh.at[pl.ds(base, _B)], buf0)
        pltpu.sync_copy(buf0, out_hbm.at[c, pl.ds(base, _B)])


def _agg_call(ixp, y):
    return pl.kernel(
        _agg_body,
        out_type=jax.ShapeDtypeStruct((_NC, _NPAD, _C), jnp.float32),
        mesh=_mesh,
        scratch_types=[
            pltpu.VMEM((2, _G, _B), jnp.int32),
            pltpu.VMEM((2, _G, _B), jnp.int32),
            [pltpu.VMEM((_B, _C), jnp.float32)] * _NBUF,
            pltpu.VMEM_SHARED((_NPAD, _C), jnp.float32),
            pltpu.SemaphoreType.DMA,
        ] + [pltpu.SemaphoreType.DMA] * _NBUF,
    )(ixp, y)


def _pre_body(x_ref, degp_ref, w0_ref, wih_ref, whh_ref, bih_ref, bhh_ref,
              y_ref):
    w0 = w0_ref[...]
    gi = lax.dot_general(w0, wih_ref[...], (((1,), (1,)), ((), ()))) + bih_ref[...][None, :]
    gh = lax.dot_general(w0, whh_ref[...], (((1,), (1,)), ((), ()))) + bhh_ref[...][None, :]
    r = jax.nn.sigmoid(gi[:, :_C] + gh[:, :_C])
    z = jax.nn.sigmoid(gi[:, _C:2 * _C] + gh[:, _C:2 * _C])
    n = jnp.tanh(gi[:, 2 * _C:] + r * gh[:, 2 * _C:])
    wev = (1.0 - z) * n + z * w0
    xw = jnp.dot(x_ref[...], wev, preferred_element_type=jnp.float32)
    deg = 1.0 + degp_ref[0, :_N] + degp_ref[1, :_N]
    dinv = lax.rsqrt(deg)
    y_ref[...] = xw * dinv[:, None]


def _pre_call(x, degp, w0, wih, whh, bih, bhh):
    return pl.pallas_call(
        _pre_body,
        out_shape=jax.ShapeDtypeStruct((_N, _C), jnp.float32),
    )(x, degp, w0, wih, whh, bih, bhh)


def _post_body(accp_ref, y_ref, degp_ref, wcls_ref, bcls_ref, out_ref):
    deg = 1.0 + degp_ref[0, :_N] + degp_ref[1, :_N]
    dinv = lax.rsqrt(deg)
    total = accp_ref[0, :_N, :] + accp_ref[1, :_N, :] + y_ref[...]
    h = jnp.maximum(total * dinv[:, None], 0.0)
    out = lax.dot_general(h, wcls_ref[...], (((1,), (1,)), ((), ())))
    out_ref[...] = out + bcls_ref[...][None, :]


def _post_call(accp, y, degp, wcls, bcls):
    return pl.pallas_call(
        _post_body,
        out_shape=jax.ShapeDtypeStruct((_N, wcls.shape[0]), jnp.float32),
    )(accp, y, degp, wcls, bcls)



def kernel(x, edge_index, initial_weight, W_ih, W_hh, b_ih, b_hh, W_cls, b_cls):
    src = edge_index[0]
    dst = edge_index[1]
    pad = _EPAD - src.shape[0]
    srcp = jnp.concatenate([src, jnp.zeros((pad,), jnp.int32)])
    dstp = jnp.concatenate([dst, jnp.full((pad,), _N, jnp.int32)])
    ixp = jnp.stack([srcp.reshape(_TCH, _G, _B),
                     dstp.reshape(_TCH, _G, _B)], axis=1)
    degp = _deg_call(dstp.reshape(_NW, _EB, _B))
    y = _pre_call(x, degp, initial_weight, W_ih, W_hh, b_ih, b_hh)
    accp = _agg_call(ixp, y)
    return _post_call(accp, y, degp, W_cls, b_cls)

# --- scband reference (transcript-rebuilt; emitter-appended) ---
"""Pipeline reference for scband-temporal-gcnclassifier-o-48996986912815 (READ-ONLY COPY).

The authoritative reference and input builder live on the scoring server;
editing this copy changes nothing except your own understanding.
"""

import jax, jax.numpy as jnp
import numpy as np

N = 10000
E = 320000
C = 128
NUM_CLASSES = 2


def setup_inputs(seed: int = 0) -> dict:
    key = jax.random.key(seed)
    ks = jax.random.split(key, 9)
    x = jax.random.normal(ks[0], (N, C), dtype=jnp.float32)
    edge_index = jax.random.randint(ks[1], (2, E), 0, N, dtype=jnp.int32)
    s = 1.0 / np.sqrt(C)
    initial_weight = jax.random.uniform(ks[2], (C, C), dtype=jnp.float32, minval=-s, maxval=s)
    W_ih = jax.random.uniform(ks[3], (3 * C, C), dtype=jnp.float32, minval=-s, maxval=s)
    W_hh = jax.random.uniform(ks[4], (3 * C, C), dtype=jnp.float32, minval=-s, maxval=s)
    b_ih = jax.random.uniform(ks[5], (3 * C,), dtype=jnp.float32, minval=-s, maxval=s)
    b_hh = jax.random.uniform(ks[6], (3 * C,), dtype=jnp.float32, minval=-s, maxval=s)
    W_cls = jax.random.uniform(ks[7], (NUM_CLASSES, C), dtype=jnp.float32, minval=-s, maxval=s)
    b_cls = jax.random.uniform(ks[8], (NUM_CLASSES,), dtype=jnp.float32, minval=-s, maxval=s)
    return {"x": x, "edge_index": edge_index, "initial_weight": initial_weight,
            "W_ih": W_ih, "W_hh": W_hh, "b_ih": b_ih, "b_hh": b_hh,
            "W_cls": W_cls, "b_cls": b_cls}


def reference(x, edge_index, initial_weight, W_ih, W_hh, b_ih, b_hh, W_cls, b_cls):
    # EvolveGCN-O: evolve GCN weight via one GRU step where input = hidden = previous weight.
    # First call: weight is None, so input = hidden = initial_weight.
    gi = initial_weight @ W_ih.T + b_ih
    gh = initial_weight @ W_hh.T + b_hh
    i_r, i_z, i_n = jnp.split(gi, 3, axis=1)
    h_r, h_z, h_n = jnp.split(gh, 3, axis=1)
    r = jax.nn.sigmoid(i_r + h_r)
    z = jax.nn.sigmoid(i_z + h_z)
    n = jnp.tanh(i_n + r * h_n)
    W = (1.0 - z) * n + z * initial_weight
    # GCNConv with fixed evolved weight W: out = D^{-1/2} (A + I) D^{-1/2} X W
    Nn = x.shape[0]
    loop = jnp.arange(Nn, dtype=edge_index.dtype)
    src = jnp.concatenate([edge_index[0], loop])
    dst = jnp.concatenate([edge_index[1], loop])
    ew = jnp.ones(src.shape[0], dtype=x.dtype)
    deg = jax.ops.segment_sum(ew, dst, num_segments=Nn)
    dinv = jnp.where(deg > 0, 1.0 / jnp.sqrt(deg), 0.0)
    norm = dinv[src] * dinv[dst]
    xw = x @ W
    msg = norm[:, None] * xw[src]
    agg = jax.ops.segment_sum(msg, dst, num_segments=Nn)
    # classifier head (dropout is identity at inference)
    h = jax.nn.relu(agg)
    out = h @ W_cls.T + b_cls
    return out

if __name__ == "__main__":
    import jax
    _d = setup_inputs()
    print(jax.jit(kernel)(*tuple(_d.values())))

</pallas_src>

<mosaic_0001>
#map = affine_map<(d0, d1) -> (0, 0, 0)>
#map1 = affine_map<(d0, d1) -> (0, 0)>
module attributes {stable_mosaic.version = 14 : i64} {
  func.func @_deg_body(%arg0: i32, %arg1: i32, %arg2: memref<32x160x64xi32, #tpu.memory_space<hbm>>, %arg3: memref<2x10240xf32, #tpu.memory_space<hbm>>, %arg4: memref<160x64xi32, #tpu.memory_space<vmem>>, %arg5: memref<64xf32, #tpu.memory_space<vmem>>, %arg6: memref<640xf32, #tpu.memory_space<vmem>>, %arg7: memref<10240xf32, #tpu.memory_space<vmem_shared>>) attributes {dimension_semantics = [#tpu.dimension_semantics<core_parallel>, #tpu.dimension_semantics<subcore_parallel>], iteration_bounds = array<i64: 2, 16>, scalar_prefetch = 0 : i64, scratch_operands = 4 : i64, tpu.core_type = #tpu.core_type<sc_vector_subcore>, window_params = [{transform_indices = #map}, {transform_indices = #map1}]} {
    %mul3A = arith.constant 2 : i32
    %mul3A_0 = arith.muli %arg1, %mul3A : i32
    %add3A = arith.addi %mul3A_0, %arg0 : i32
    %scan3A = arith.constant 0 : i32
    %scan3A_1 = arith.constant 0 : i32
    %scan3A_2 = arith.constant 40 : i32
    %scan3A_3 = arith.addi %scan3A_1, %scan3A_2 : i32
    %scan3A_4 = arith.constant 1 : i32
    %scan3A_5 = scf.for %scan3A_28 = %scan3A_1 to %scan3A_3 step %scan3A_4 iter_args(%scan3A_29 = %scan3A) -> (i32)  : i32 {
      %broadcast_in_dim3A = arith.constant 0.000000e+00 : f32
      %broadcast_in_dim3A_30 = vector.broadcast %broadcast_in_dim3A : f32 to vector<16xf32>
      %mul3A_31 = arith.constant 16 : i32
      %mul3A_32 = arith.muli %scan3A_28, %mul3A_31 : i32
      %swap3A = arith.index_cast %mul3A_32 : i32 to index
      %swap3A_33 = tpu.vector_load %arg6[%swap3A] {strides = array<i32>} : memref<640xf32, #tpu.memory_space<vmem>>, vector<16xf32>,
      %swap3A_34 = vector.shape_cast %swap3A_33 : vector<16xf32> to vector<16xf32>
      %swap3A_35 = vector.shape_cast %broadcast_in_dim3A_30 : vector<16xf32> to vector<16xf32>
      tpu.vector_store %arg6[%swap3A], %swap3A_35 {strides = array<i32>} : memref<640xf32, #tpu.memory_space<vmem>>, vector<16xf32>,
      %scan3A_36 = arith.constant 0 : i32
      scf.yield %scan3A_36 : i32
    }
    %scan3A_6 = arith.constant 40 : i32
    %scan3A_7 = arith.constant 0 : i32
    %scan3A_8 = arith.constant 0 : i32
    %scan3A_9 = arith.constant 4 : i32
    %scan3A_10 = arith.addi %scan3A_8, %scan3A_9 : i32
    %scan3A_11 = arith.constant 1 : i32
    %scan3A_12 = scf.for %scan3A_28 = %scan3A_8 to %scan3A_10 step %scan3A_11 iter_args(%scan3A_29 = %scan3A_7) -> (i32)  : i32 {
      %broadcast_in_dim3A = arith.constant 1.000000e+00 : f32
      %broadcast_in_dim3A_30 = vector.broadcast %broadcast_in_dim3A : f32 to vector<16xf32>
      %mul3A_31 = arith.constant 16 : i32
      %mul3A_32 = arith.muli %scan3A_28, %mul3A_31 : i32
      %swap3A = arith.index_cast %mul3A_32 : i32 to index
      %swap3A_33 = tpu.vector_load %arg5[%swap3A] {strides = array<i32>} : memref<64xf32, #tpu.memory_space<vmem>>, vector<16xf32>,
      %swap3A_34 = vector.shape_cast %swap3A_33 : vector<16xf32> to vector<16xf32>
      %swap3A_35 = vector.shape_cast %broadcast_in_dim3A_30 : vector<16xf32> to vector<16xf32>
      tpu.vector_store %arg5[%swap3A], %swap3A_35 {strides = array<i32>} : memref<64xf32, #tpu.memory_space<vmem>>, vector<16xf32>,
      %scan3A_36 = arith.constant 0 : i32
      scf.yield %scan3A_36 : i32
    }
    %scan3A_13 = arith.constant 4 : i32
    %mul3A_14 = arith.constant 640 : i32
    %mul3A_15 = arith.muli %arg1, %mul3A_14 : i32
    "tpu.region"() ({
      %run_scoped3A = tpu.sem_alloc : memref<!tpu.dma_semaphore, #tpu.memory_space<semaphore_mem>>
      %dma_start3A = tpu.memref_slice %arg7[%mul3A_15] : memref<10240xf32, #tpu.memory_space<vmem_shared>> -> memref<640xf32, #tpu.memory_space<vmem_shared>>
      %dma_start3A_28 = tpu.memref_slice %arg7[%mul3A_15] : memref<10240xf32, #tpu.memory_space<vmem_shared>> -> memref<640xf32, #tpu.memory_space<vmem_shared>>
      tpu.enqueue_dma source(%arg6 : memref<640xf32, #tpu.memory_space<vmem>>) target(%dma_start3A_28 : memref<640xf32, #tpu.memory_space<vmem_shared>>) target_semaphore(%run_scoped3A : memref<!tpu.dma_semaphore, #tpu.memory_space<semaphore_mem>>)
      %dma_wait3A = tpu.memref_slice %arg7[%mul3A_15] : memref<10240xf32, #tpu.memory_space<vmem_shared>> -> memref<640xf32, #tpu.memory_space<vmem_shared>>
      %dma_wait3A_29 = tpu.memref_slice %arg7[%mul3A_15] : memref<10240xf32, #tpu.memory_space<vmem_shared>> -> memref<640xf32, #tpu.memory_space<vmem_shared>>
      tpu.wait_dma2 semaphore(%run_scoped3A : memref<!tpu.dma_semaphore, #tpu.memory_space<semaphore_mem>>) src(%arg6 : memref<640xf32, #tpu.memory_space<vmem>>) dst(%dma_wait3A_29 : memref<640xf32, #tpu.memory_space<vmem_shared>>)
      tpu.yield
    }) : () -> ()
    %barrier3A = arith.constant 0 : index
    tpu.barrier barrier_id(%barrier3A)
    "tpu.region"() ({
      %run_scoped3A = tpu.sem_alloc : memref<!tpu.dma_semaphore, #tpu.memory_space<semaphore_mem>>
      %dma_start3A = arith.constant 0 : i32
      %dma_start3A_28 = arith.constant 0 : i32
      %dma_start3A_29 = tpu.memref_slice %arg2[%add3A, %dma_start3A, %dma_start3A_28] : memref<32x160x64xi32, #tpu.memory_space<hbm>> -> memref<1x160x64xi32, #tpu.memory_space<hbm>>
      %dma_start3A_30 = tpu.memref_squeeze %dma_start3A_29 : memref<1x160x64xi32, #tpu.memory_space<hbm>> -> memref<160x64xi32, #tpu.memory_space<hbm>>
      %dma_start3A_31 = arith.constant 0 : i32
      %dma_start3A_32 = arith.constant 0 : i32
      %dma_start3A_33 = tpu.memref_slice %arg2[%add3A, %dma_start3A_31, %dma_start3A_32] : memref<32x160x64xi32, #tpu.memory_space<hbm>> -> memref<1x160x64xi32, #tpu.memory_space<hbm>>
      %dma_start3A_34 = tpu.memref_squeeze %dma_start3A_33 : memref<1x160x64xi32, #tpu.memory_space<hbm>> -> memref<160x64xi32, #tpu.memory_space<hbm>>
      tpu.enqueue_dma source(%dma_start3A_34 : memref<160x64xi32, #tpu.memory_space<hbm>>) target(%arg4 : memref<160x64xi32, #tpu.memory_space<vmem>>) target_semaphore(%run_scoped3A : memref<!tpu.dma_semaphore, #tpu.memory_space<semaphore_mem>>)
      %dma_wait3A = arith.constant 0 : i32
      %dma_wait3A_35 = arith.constant 0 : i32
      %dma_wait3A_36 = tpu.memref_slice %arg2[%add3A, %dma_wait3A, %dma_wait3A_35] : memref<32x160x64xi32, #tpu.memory_space<hbm>> -> memref<1x160x64xi32, #tpu.memory_space<hbm>>
      %dma_wait3A_37 = tpu.memref_squeeze %dma_wait3A_36 : memref<1x160x64xi32, #tpu.memory_space<hbm>> -> memref<160x64xi32, #tpu.memory_space<hbm>>
      %dma_wait3A_38 = arith.constant 0 : i32
      %dma_wait3A_39 = arith.constant 0 : i32
      %dma_wait3A_40 = tpu.memref_slice %arg2[%add3A, %dma_wait3A_38, %dma_wait3A_39] : memref<32x160x64xi32, #tpu.memory_space<hbm>> -> memref<1x160x64xi32, #tpu.memory_space<hbm>>
      %dma_wait3A_41 = tpu.memref_squeeze %dma_wait3A_40 : memref<1x160x64xi32, #tpu.memory_space<hbm>> -> memref<160x64xi32, #tpu.memory_space<hbm>>
      tpu.wait_dma2 semaphore(%run_scoped3A : memref<!tpu.dma_semaphore, #tpu.memory_space<semaphore_mem>>) src(%dma_wait3A_41 : memref<160x64xi32, #tpu.memory_space<hbm>>) dst(%arg4 : memref<160x64xi32, #tpu.memory_space<vmem>>)
      tpu.yield
    }) : () -> ()
    %scan3A_16 = arith.constant 0 : i32
    %scan3A_17 = arith.constant 0 : i32
    %scan3A_18 = arith.constant 160 : i32
    %scan3A_19 = arith.addi %scan3A_17, %scan3A_18 : i32
    %scan3A_20 = arith.constant 1 : i32
    %scan3A_21 = scf.for %scan3A_28 = %scan3A_17 to %scan3A_19 step %scan3A_20 iter_args(%scan3A_29 = %scan3A_16) -> (i32)  : i32 {
      "tpu.region"() ({
        %run_scoped3A = tpu.sem_alloc : memref<!tpu.dma_semaphore, #tpu.memory_space<semaphore_mem>>
        %dma_start3A = arith.constant 0 : i32
        %dma_start3A_31 = tpu.memref_slice %arg4[%scan3A_28, %dma_start3A] : memref<160x64xi32, #tpu.memory_space<vmem>> -> memref<1x64xi32, #tpu.memory_space<vmem>>
        %dma_start3A_32 = tpu.memref_squeeze %dma_start3A_31 : memref<1x64xi32, #tpu.memory_space<vmem>> -> memref<64xi32, #tpu.memory_space<vmem>>
        %dma_start3A_33 = arith.constant 0 : i32
        %dma_start3A_34 = tpu.memref_slice %arg7[%dma_start3A_33] : memref<10240xf32, #tpu.memory_space<vmem_shared>> -> memref<10240xf32, #tpu.memory_space<vmem_shared>>
        tpu.enqueue_indirect_dma source(%arg5 : memref<64xf32, #tpu.memory_space<vmem>>) target(%dma_start3A_34 : memref<10240xf32, #tpu.memory_space<vmem_shared>>) offsets(%dma_start3A_32 : memref<64xi32, #tpu.memory_space<vmem>>) semaphore(%run_scoped3A : memref<!tpu.dma_semaphore, #tpu.memory_space<semaphore_mem>>) {add = true}
        %dma_wait3A = arith.constant 0 : i32
        %dma_wait3A_35 = tpu.memref_slice %arg4[%scan3A_28, %dma_wait3A] : memref<160x64xi32, #tpu.memory_space<vmem>> -> memref<1x64xi32, #tpu.memory_space<vmem>>
        %dma_wait3A_36 = tpu.memref_squeeze %dma_wait3A_35 : memref<1x64xi32, #tpu.memory_space<vmem>> -> memref<64xi32, #tpu.memory_space<vmem>>
        %dma_wait3A_37 = arith.constant 0 : i32
        %dma_wait3A_38 = tpu.memref_slice %arg7[%dma_wait3A_37] : memref<10240xf32, #tpu.memory_space<vmem_shared>> -> memref<10240xf32, #tpu.memory_space<vmem_shared>>
        tpu.wait_indirect_dma semaphore(%run_scoped3A : memref<!tpu.dma_semaphore, #tpu.memory_space<semaphore_mem>>) src(%arg5 : memref<64xf32, #tpu.memory_space<vmem>>) dst(%dma_wait3A_38 : memref<10240xf32, #tpu.memory_space<vmem_shared>>)
        tpu.yield
      }) : () -> ()
      %scan3A_30 = arith.constant 0 : i32
      scf.yield %scan3A_30 : i32
    }
    %scan3A_22 = arith.constant 160 : i32
    %barrier3A_23 = arith.constant 0 : index
    tpu.barrier barrier_id(%barrier3A_23)
    %mul3A_24 = arith.constant 640 : i32
    %mul3A_25 = arith.muli %arg1, %mul3A_24 : i32
    "tpu.region"() ({
      %run_scoped3A = tpu.sem_alloc : memref<!tpu.dma_semaphore, #tpu.memory_space<semaphore_mem>>
      %dma_start3A = tpu.memref_slice %arg7[%mul3A_25] : memref<10240xf32, #tpu.memory_space<vmem_shared>> -> memref<640xf32, #tpu.memory_space<vmem_shared>>
      %dma_start3A_28 = tpu.memref_slice %arg7[%mul3A_25] : memref<10240xf32, #tpu.memory_space<vmem_shared>> -> memref<640xf32, #tpu.memory_space<vmem_shared>>
      tpu.enqueue_dma source(%dma_start3A_28 : memref<640xf32, #tpu.memory_space<vmem_shared>>) target(%arg6 : memref<640xf32, #tpu.memory_space<vmem>>) target_semaphore(%run_scoped3A : memref<!tpu.dma_semaphore, #tpu.memory_space<semaphore_mem>>)
      %dma_wait3A = tpu.memref_slice %arg7[%mul3A_25] : memref<10240xf32, #tpu.memory_space<vmem_shared>> -> memref<640xf32, #tpu.memory_space<vmem_shared>>
      %dma_wait3A_29 = tpu.memref_slice %arg7[%mul3A_25] : memref<10240xf32, #tpu.memory_space<vmem_shared>> -> memref<640xf32, #tpu.memory_space<vmem_shared>>
      tpu.wait_dma2 semaphore(%run_scoped3A : memref<!tpu.dma_semaphore, #tpu.memory_space<semaphore_mem>>) src(%dma_wait3A_29 : memref<640xf32, #tpu.memory_space<vmem_shared>>) dst(%arg6 : memref<640xf32, #tpu.memory_space<vmem>>)
      tpu.yield
    }) : () -> ()
    %mul3A_26 = arith.constant 640 : i32
    %mul3A_27 = arith.muli %arg1, %mul3A_26 : i32
    "tpu.region"() ({
      %run_scoped3A = tpu.sem_alloc : memref<!tpu.dma_semaphore, #tpu.memory_space<semaphore_mem>>
      %dma_start3A = tpu.memref_slice %arg3[%arg0, %mul3A_27] : memref<2x10240xf32, #tpu.memory_space<hbm>> -> memref<1x640xf32, #tpu.memory_space<hbm>>
      %dma_start3A_28 = tpu.memref_squeeze %dma_start3A : memref<1x640xf32, #tpu.memory_space<hbm>> -> memref<640xf32, #tpu.memory_space<hbm>>
      %dma_start3A_29 = tpu.memref_slice %arg3[%arg0, %mul3A_27] : memref<2x10240xf32, #tpu.memory_space<hbm>> -> memref<1x640xf32, #tpu.memory_space<hbm>>
      %dma_start3A_30 = tpu.memref_squeeze %dma_start3A_29 : memref<1x640xf32, #tpu.memory_space<hbm>> -> memref<640xf32, #tpu.memory_space<hbm>>
      tpu.enqueue_dma source(%arg6 : memref<640xf32, #tpu.memory_space<vmem>>) target(%dma_start3A_30 : memref<640xf32, #tpu.memory_space<hbm>>) target_semaphore(%run_scoped3A : memref<!tpu.dma_semaphore, #tpu.memory_space<semaphore_mem>>)
      %dma_wait3A = tpu.memref_slice %arg3[%arg0, %mul3A_27] : memref<2x10240xf32, #tpu.memory_space<hbm>> -> memref<1x640xf32, #tpu.memory_space<hbm>>
      %dma_wait3A_31 = tpu.memref_squeeze %dma_wait3A : memref<1x640xf32, #tpu.memory_space<hbm>> -> memref<640xf32, #tpu.memory_space<hbm>>
      %dma_wait3A_32 = tpu.memref_slice %arg3[%arg0, %mul3A_27] : memref<2x10240xf32, #tpu.memory_space<hbm>> -> memref<1x640xf32, #tpu.memory_space<hbm>>
      %dma_wait3A_33 = tpu.memref_squeeze %dma_wait3A_32 : memref<1x640xf32, #tpu.memory_space<hbm>> -> memref<640xf32, #tpu.memory_space<hbm>>
      tpu.wait_dma2 semaphore(%run_scoped3A : memref<!tpu.dma_semaphore, #tpu.memory_space<semaphore_mem>>) src(%arg6 : memref<640xf32, #tpu.memory_space<vmem>>) dst(%dma_wait3A_33 : memref<640xf32, #tpu.memory_space<hbm>>)
      tpu.yield
    }) : () -> ()
    return
  }
}

#map = affine_map<(d0, d1) -> (0, 0, 0, 0)>
#map1 = affine_map<(d0, d1) -> (0, 0)>
#map2 = affine_map<(d0, d1) -> (0, 0, 0)>
module attributes {stable_mosaic.version = 14 : i64} {
  func.func @_agg_body(%arg0: i32, %arg1: i32, %arg2: memref<320x2x16x64xi32, #tpu.memory_space<hbm>>, %arg3: memref<10000x128xf32, #tpu.memory_space<hbm>>, %arg4: memref<2x10240x128xf32, #tpu.memory_space<hbm>>, %arg5: memref<2x16x64xi32, #tpu.memory_space<vmem>>, %arg6: memref<2x16x64xi32, #tpu.memory_space<vmem>>, %arg7: memref<64x128xf32, #tpu.memory_space<vmem>>, %arg8: memref<64x128xf32, #tpu.memory_space<vmem>>, %arg9: memref<64x128xf32, #tpu.memory_space<vmem>>, %arg10: memref<64x128xf32, #tpu.memory_space<vmem>>, %arg11: memref<10240x128xf32, #tpu.memory_space<vmem_shared>>, %arg12: memref<!tpu.dma_semaphore, #tpu.memory_space<semaphore_mem>>, %arg13: memref<!tpu.dma_semaphore, #tpu.memory_space<semaphore_mem>>, %arg14: memref<!tpu.dma_semaphore, #tpu.memory_space<semaphore_mem>>, %arg15: memref<!tpu.dma_semaphore, #tpu.memory_space<semaphore_mem>>, %arg16: memref<!tpu.dma_semaphore, #tpu.memory_space<semaphore_mem>>) attributes {dimension_semantics = [#tpu.dimension_semantics<core_parallel>, #tpu.dimension_semantics<subcore_parallel>], iteration_bounds = array<i64: 2, 16>, scalar_prefetch = 0 : i64, scratch_operands = 12 : i64, tpu.core_type = #tpu.core_type<sc_vector_subcore>, window_params = [{transform_indices = #map}, {transform_indices = #map1}, {transform_indices = #map2}]} {
    %mul3A = arith.constant 2 : i32
    %mul3A_0 = arith.muli %arg1, %mul3A : i32
    %add3A = arith.addi %mul3A_0, %arg0 : i32
    %scan3A = arith.constant 0 : i32
    %scan3A_1 = arith.constant 0 : i32
    %scan3A_2 = arith.constant 512 : i32
    %scan3A_3 = arith.addi %scan3A_1, %scan3A_2 : i32
    %scan3A_4 = arith.constant 1 : i32
    %scan3A_5 = scf.for %scan3A_117 = %scan3A_1 to %scan3A_3 step %scan3A_4 iter_args(%scan3A_118 = %scan3A) -> (i32)  : i32 {
      %broadcast_in_dim3A = arith.constant 0.000000e+00 : f32
      %broadcast_in_dim3A_119 = vector.broadcast %broadcast_in_dim3A : f32 to vector<16xf32>
      %jit3A_120 = arith.constant 8 : i32
      %div3A = arith.divsi %scan3A_117, %jit3A_120 : i32
      %sign3A = arith.constant 0 : i32
      %sign3A_121 = arith.cmpi sgt, %scan3A_117, %sign3A : i32
      %sign3A_122 = arith.extui %sign3A_121 : i1 to i32
      %sign3A_123 = arith.constant 0 : i32
      %sign3A_124 = arith.cmpi slt, %scan3A_117, %sign3A_123 : i32
      %sign3A_125 = arith.extui %sign3A_124 : i1 to i32
      %sign3A_126 = arith.subi %sign3A_122, %sign3A_125 : i32
      %sign3A_127 = arith.constant 0 : i32
      %sign3A_128 = arith.cmpi sgt, %jit3A_120, %sign3A_127 : i32
      %sign3A_129 = arith.extui %sign3A_128 : i1 to i32
      %sign3A_130 = arith.constant 0 : i32
      %sign3A_131 = arith.cmpi slt, %jit3A_120, %sign3A_130 : i32
      %sign3A_132 = arith.extui %sign3A_131 : i1 to i32
      %sign3A_133 = arith.subi %sign3A_129, %sign3A_132 : i32
      %ne3A = arith.cmpi ne, %sign3A_126, %sign3A_133 : i32
      %rem3A = arith.remsi %scan3A_117, %jit3A_120 : i32
      %ne3A_134 = arith.constant 0 : i32
      %ne3A_135 = arith.cmpi ne, %rem3A, %ne3A_134 : i32
      %and3A = arith.andi %ne3A, %ne3A_135 : i1
      %sub3A_136 = arith.constant 1 : i32
      %sub3A_137 = arith.subi %div3A, %sub3A_136 : i32
      %select_n3A_138 = arith.select %and3A, %sub3A_137, %div3A : i32
      %jit3A_139 = arith.constant 8 : i32
      %eq3A_140 = arith.constant 0 : i32
      %eq3A_141 = arith.cmpi eq, %jit3A_139, %eq3A_140 : i32
      %jit3A_142 = arith.constant 1 : i32
      %select_n3A_143 = arith.select %eq3A_141, %jit3A_142, %jit3A_139 : i32
      %rem3A_144 = arith.remsi %scan3A_117, %select_n3A_143 : i32
      %ne3A_145 = arith.constant 0 : i32
      %ne3A_146 = arith.cmpi ne, %rem3A_144, %ne3A_145 : i32
      %lt3A = arith.constant 0 : i32
      %lt3A_147 = arith.cmpi slt, %rem3A_144, %lt3A : i32
      %lt3A_148 = arith.constant 0 : i32
      %lt3A_149 = arith.cmpi slt, %select_n3A_143, %lt3A_148 : i32
      %ne3A_150 = arith.xori %lt3A_147, %lt3A_149 : i1
      %and3A_151 = arith.andi %ne3A_150, %ne3A_146 : i1
      %add3A_152 = arith.addi %rem3A_144, %select_n3A_143 : i32
      %select_n3A_153 = arith.select %and3A_151, %add3A_152, %rem3A_144 : i32
      %mul3A_154 = arith.constant 16 : i32
      %mul3A_155 = arith.muli %select_n3A_153, %mul3A_154 : i32
      %swap3A = arith.index_cast %select_n3A_138 : i32 to index
      %swap3A_156 = arith.index_cast %mul3A_155 : i32 to index
      %swap3A_157 = tpu.vector_load %arg7[%swap3A, %swap3A_156] {strides = array<i32>} : memref<64x128xf32, #tpu.memory_space<vmem>>, vector<1x16xf32>,
      %swap3A_158 = vector.shape_cast %swap3A_157 : vector<1x16xf32> to vector<16xf32>
      %swap3A_159 = vector.shape_cast %broadcast_in_dim3A_119 : vector<16xf32> to vector<1x16xf32>
      tpu.vector_store %arg7[%swap3A, %swap3A_156], %swap3A_159 {strides = array<i32>} : memref<64x128xf32, #tpu.memory_space<vmem>>, vector<1x16xf32>,
      %scan3A_160 = arith.constant 0 : i32
      scf.yield %scan3A_160 : i32
    }
    %scan3A_6 = arith.constant 512 : i32
    %mul3A_7 = arith.constant 640 : i32
    %mul3A_8 = arith.muli %arg1, %mul3A_7 : i32
    %add3A_9 = arith.constant 0 : i32
    %add3A_10 = arith.addi %mul3A_8, %add3A_9 : i32
    "tpu.region"() ({
      %run_scoped3A = tpu.sem_alloc : memref<!tpu.dma_semaphore, #tpu.memory_space<semaphore_mem>>
      %dma_start3A = arith.constant 0 : i32
      %dma_start3A_117 = tpu.memref_slice %arg11[%add3A_10, %dma_start3A] : memref<10240x128xf32, #tpu.memory_space<vmem_shared>> -> memref<64x128xf32, #tpu.memory_space<vmem_shared>>
      %dma_start3A_118 = arith.constant 0 : i32
      %dma_start3A_119 = tpu.memref_slice %arg11[%add3A_10, %dma_start3A_118] : memref<10240x128xf32, #tpu.memory_space<vmem_shared>> -> memref<64x128xf32, #tpu.memory_space<vmem_shared>>
      tpu.enqueue_dma source(%arg7 : memref<64x128xf32, #tpu.memory_space<vmem>>) target(%dma_start3A_119 : memref<64x128xf32, #tpu.memory_space<vmem_shared>>) target_semaphore(%run_scoped3A : memref<!tpu.dma_semaphore, #tpu.memory_space<semaphore_mem>>)
      %dma_wait3A = arith.constant 0 : i32
      %dma_wait3A_120 = tpu.memref_slice %arg11[%add3A_10, %dma_wait3A] : memref<10240x128xf32, #tpu.memory_space<vmem_shared>> -> memref<64x128xf32, #tpu.memory_space<vmem_shared>>
      %dma_wait3A_121 = arith.constant 0 : i32
      %dma_wait3A_122 = tpu.memref_slice %arg11[%add3A_10, %dma_wait3A_121] : memref<10240x128xf32, #tpu.memory_space<vmem_shared>> -> memref<64x128xf32, #tpu.memory_space<vmem_shared>>
      tpu.wait_dma2 semaphore(%run_scoped3A : memref<!tpu.dma_semaphore, #tpu.memory_space<semaphore_mem>>) src(%arg7 : memref<64x128xf32, #tpu.memory_space<vmem>>) dst(%dma_wait3A_122 : memref<64x128xf32, #tpu.memory_space<vmem_shared>>)
      tpu.yield
    }) : () -> ()
    %mul3A_11 = arith.constant 640 : i32
    %mul3A_12 = arith.muli %arg1, %mul3A_11 : i32
    %add3A_13 = arith.constant 64 : i32
    %add3A_14 = arith.addi %mul3A_12, %add3A_13 : i32
    "tpu.region"() ({
      %run_scoped3A = tpu.sem_alloc : memref<!tpu.dma_semaphore, #tpu.memory_space<semaphore_mem>>
      %dma_start3A = arith.constant 0 : i32
      %dma_start3A_117 = tpu.memref_slice %arg11[%add3A_14, %dma_start3A] : memref<10240x128xf32, #tpu.memory_space<vmem_shared>> -> memref<64x128xf32, #tpu.memory_space<vmem_shared>>
      %dma_start3A_118 = arith.constant 0 : i32
      %dma_start3A_119 = tpu.memref_slice %arg11[%add3A_14, %dma_start3A_118] : memref<10240x128xf32, #tpu.memory_space<vmem_shared>> -> memref<64x128xf32, #tpu.memory_space<vmem_shared>>
      tpu.enqueue_dma source(%arg7 : memref<64x128xf32, #tpu.memory_space<vmem>>) target(%dma_start3A_119 : memref<64x128xf32, #tpu.memory_space<vmem_shared>>) target_semaphore(%run_scoped3A : memref<!tpu.dma_semaphore, #tpu.memory_space<semaphore_mem>>)
      %dma_wait3A = arith.constant 0 : i32
      %dma_wait3A_120 = tpu.memref_slice %arg11[%add3A_14, %dma_wait3A] : memref<10240x128xf32, #tpu.memory_space<vmem_shared>> -> memref<64x128xf32, #tpu.memory_space<vmem_shared>>
      %dma_wait3A_121 = arith.constant 0 : i32
      %dma_wait3A_122 = tpu.memref_slice %arg11[%add3A_14, %dma_wait3A_121] : memref<10240x128xf32, #tpu.memory_space<vmem_shared>> -> memref<64x128xf32, #tpu.memory_space<vmem_shared>>
      tpu.wait_dma2 semaphore(%run_scoped3A : memref<!tpu.dma_semaphore, #tpu.memory_space<semaphore_mem>>) src(%arg7 : memref<64x128xf32, #tpu.memory_space<vmem>>) dst(%dma_wait3A_122 : memref<64x128xf32, #tpu.memory_space<vmem_shared>>)
      tpu.yield
    }) : () -> ()
    %mul3A_15 = arith.constant 640 : i32
    %mul3A_16 = arith.muli %arg1, %mul3A_15 : i32
    %add3A_17 = arith.constant 128 : i32
    %add3A_18 = arith.addi %mul3A_16, %add3A_17 : i32
    "tpu.region"() ({
      %run_scoped3A = tpu.sem_alloc : memref<!tpu.dma_semaphore, #tpu.memory_space<semaphore_mem>>
      %dma_start3A = arith.constant 0 : i32
      %dma_start3A_117 = tpu.memref_slice %arg11[%add3A_18, %dma_start3A] : memref<10240x128xf32, #tpu.memory_space<vmem_shared>> -> memref<64x128xf32, #tpu.memory_space<vmem_shared>>
      %dma_start3A_118 = arith.constant 0 : i32
      %dma_start3A_119 = tpu.memref_slice %arg11[%add3A_18, %dma_start3A_118] : memref<10240x128xf32, #tpu.memory_space<vmem_shared>> -> memref<64x128xf32, #tpu.memory_space<vmem_shared>>
      tpu.enqueue_dma source(%arg7 : memref<64x128xf32, #tpu.memory_space<vmem>>) target(%dma_start3A_119 : memref<64x128xf32, #tpu.memory_space<vmem_shared>>) target_semaphore(%run_scoped3A : memref<!tpu.dma_semaphore, #tpu.memory_space<semaphore_mem>>)
      %dma_wait3A = arith.constant 0 : i32
      %dma_wait3A_120 = tpu.memref_slice %arg11[%add3A_18, %dma_wait3A] : memref<10240x128xf32, #tpu.memory_space<vmem_shared>> -> memref<64x128xf32, #tpu.memory_space<vmem_shared>>
      %dma_wait3A_121 = arith.constant 0 : i32
      %dma_wait3A_122 = tpu.memref_slice %arg11[%add3A_18, %dma_wait3A_121] : memref<10240x128xf32, #tpu.memory_space<vmem_shared>> -> memref<64x128xf32, #tpu.memory_space<vmem_shared>>
      tpu.wait_dma2 semaphore(%run_scoped3A : memref<!tpu.dma_semaphore, #tpu.memory_space<semaphore_mem>>) src(%arg7 : memref<64x128xf32, #tpu.memory_space<vmem>>) dst(%dma_wait3A_122 : memref<64x128xf32, #tpu.memory_space<vmem_shared>>)
      tpu.yield
    }) : () -> ()
    %mul3A_19 = arith.constant 640 : i32
    %mul3A_20 = arith.muli %arg1, %mul3A_19 : i32
    %add3A_21 = arith.constant 192 : i32
    %add3A_22 = arith.addi %mul3A_20, %add3A_21 : i32
    "tpu.region"() ({
      %run_scoped3A = tpu.sem_alloc : memref<!tpu.dma_semaphore, #tpu.memory_space<semaphore_mem>>
      %dma_start3A = arith.constant 0 : i32
      %dma_start3A_117 = tpu.memref_slice %arg11[%add3A_22, %dma_start3A] : memref<10240x128xf32, #tpu.memory_space<vmem_shared>> -> memref<64x128xf32, #tpu.memory_space<vmem_shared>>
      %dma_start3A_118 = arith.constant 0 : i32
      %dma_start3A_119 = tpu.memref_slice %arg11[%add3A_22, %dma_start3A_118] : memref<10240x128xf32, #tpu.memory_space<vmem_shared>> -> memref<64x128xf32, #tpu.memory_space<vmem_shared>>
      tpu.enqueue_dma source(%arg7 : memref<64x128xf32, #tpu.memory_space<vmem>>) target(%dma_start3A_119 : memref<64x128xf32, #tpu.memory_space<vmem_shared>>) target_semaphore(%run_scoped3A : memref<!tpu.dma_semaphore, #tpu.memory_space<semaphore_mem>>)
      %dma_wait3A = arith.constant 0 : i32
      %dma_wait3A_120 = tpu.memref_slice %arg11[%add3A_22, %dma_wait3A] : memref<10240x128xf32, #tpu.memory_space<vmem_shared>> -> memref<64x128xf32, #tpu.memory_space<vmem_shared>>
      %dma_wait3A_121 = arith.constant 0 : i32
      %dma_wait3A_122 = tpu.memref_slice %arg11[%add3A_22, %dma_wait3A_121] : memref<10240x128xf32, #tpu.memory_space<vmem_shared>> -> memref<64x128xf32, #tpu.memory_space<vmem_shared>>
      tpu.wait_dma2 semaphore(%run_scoped3A : memref<!tpu.dma_semaphore, #tpu.memory_space<semaphore_mem>>) src(%arg7 : memref<64x128xf32, #tpu.memory_space<vmem>>) dst(%dma_wait3A_122 : memref<64x128xf32, #tpu.memory_space<vmem_shared>>)
      tpu.yield
    }) : () -> ()
    %mul3A_23 = arith.constant 640 : i32
    %mul3A_24 = arith.muli %arg1, %mul3A_23 : i32
    %add3A_25 = arith.constant 256 : i32
    %add3A_26 = arith.addi %mul3A_24, %add3A_25 : i32
    "tpu.region"() ({
      %run_scoped3A = tpu.sem_alloc : memref<!tpu.dma_semaphore, #tpu.memory_space<semaphore_mem>>
      %dma_start3A = arith.constant 0 : i32
      %dma_start3A_117 = tpu.memref_slice %arg11[%add3A_26, %dma_start3A] : memref<10240x128xf32, #tpu.memory_space<vmem_shared>> -> memref<64x128xf32, #tpu.memory_space<vmem_shared>>
      %dma_start3A_118 = arith.constant 0 : i32
      %dma_start3A_119 = tpu.memref_slice %arg11[%add3A_26, %dma_start3A_118] : memref<10240x128xf32, #tpu.memory_space<vmem_shared>> -> memref<64x128xf32, #tpu.memory_space<vmem_shared>>
      tpu.enqueue_dma source(%arg7 : memref<64x128xf32, #tpu.memory_space<vmem>>) target(%dma_start3A_119 : memref<64x128xf32, #tpu.memory_space<vmem_shared>>) target_semaphore(%run_scoped3A : memref<!tpu.dma_semaphore, #tpu.memory_space<semaphore_mem>>)
      %dma_wait3A = arith.constant 0 : i32
      %dma_wait3A_120 = tpu.memref_slice %arg11[%add3A_26, %dma_wait3A] : memref<10240x128xf32, #tpu.memory_space<vmem_shared>> -> memref<64x128xf32, #tpu.memory_space<vmem_shared>>
      %dma_wait3A_121 = arith.constant 0 : i32
      %dma_wait3A_122 = tpu.memref_slice %arg11[%add3A_26, %dma_wait3A_121] : memref<10240x128xf32, #tpu.memory_space<vmem_shared>> -> memref<64x128xf32, #tpu.memory_space<vmem_shared>>
      tpu.wait_dma2 semaphore(%run_scoped3A : memref<!tpu.dma_semaphore, #tpu.memory_space<semaphore_mem>>) src(%arg7 : memref<64x128xf32, #tpu.memory_space<vmem>>) dst(%dma_wait3A_122 : memref<64x128xf32, #tpu.memory_space<vmem_shared>>)
      tpu.yield
    }) : () -> ()
    %mul3A_27 = arith.constant 640 : i32
    %mul3A_28 = arith.muli %arg1, %mul3A_27 : i32
    %add3A_29 = arith.constant 320 : i32
    %add3A_30 = arith.addi %mul3A_28, %add3A_29 : i32
    "tpu.region"() ({
      %run_scoped3A = tpu.sem_alloc : memref<!tpu.dma_semaphore, #tpu.memory_space<semaphore_mem>>
      %dma_start3A = arith.constant 0 : i32
      %dma_start3A_117 = tpu.memref_slice %arg11[%add3A_30, %dma_start3A] : memref<10240x128xf32, #tpu.memory_space<vmem_shared>> -> memref<64x128xf32, #tpu.memory_space<vmem_shared>>
      %dma_start3A_118 = arith.constant 0 : i32
      %dma_start3A_119 = tpu.memref_slice %arg11[%add3A_30, %dma_start3A_118] : memref<10240x128xf32, #tpu.memory_space<vmem_shared>> -> memref<64x128xf32, #tpu.memory_space<vmem_shared>>
      tpu.enqueue_dma source(%arg7 : memref<64x128xf32, #tpu.memory_space<vmem>>) target(%dma_start3A_119 : memref<64x128xf32, #tpu.memory_space<vmem_shared>>) target_semaphore(%run_scoped3A : memref<!tpu.dma_semaphore, #tpu.memory_space<semaphore_mem>>)
      %dma_wait3A = arith.constant 0 : i32
      %dma_wait3A_120 = tpu.memref_slice %arg11[%add3A_30, %dma_wait3A] : memref<10240x128xf32, #tpu.memory_space<vmem_shared>> -> memref<64x128xf32, #tpu.memory_space<vmem_shared>>
      %dma_wait3A_121 = arith.constant 0 : i32
      %dma_wait3A_122 = tpu.memref_slice %arg11[%add3A_30, %dma_wait3A_121] : memref<10240x128xf32, #tpu.memory_space<vmem_shared>> -> memref<64x128xf32, #tpu.memory_space<vmem_shared>>
      tpu.wait_dma2 semaphore(%run_scoped3A : memref<!tpu.dma_semaphore, #tpu.memory_space<semaphore_mem>>) src(%arg7 : memref<64x128xf32, #tpu.memory_space<vmem>>) dst(%dma_wait3A_122 : memref<64x128xf32, #tpu.memory_space<vmem_shared>>)
      tpu.yield
    }) : () -> ()
    %mul3A_31 = arith.constant 640 : i32
    %mul3A_32 = arith.muli %arg1, %mul3A_31 : i32
    %add3A_33 = arith.constant 384 : i32
    %add3A_34 = arith.addi %mul3A_32, %add3A_33 : i32
    "tpu.region"() ({
      %run_scoped3A = tpu.sem_alloc : memref<!tpu.dma_semaphore, #tpu.memory_space<semaphore_mem>>
      %dma_start3A = arith.constant 0 : i32
      %dma_start3A_117 = tpu.memref_slice %arg11[%add3A_34, %dma_start3A] : memref<10240x128xf32, #tpu.memory_space<vmem_shared>> -> memref<64x128xf32, #tpu.memory_space<vmem_shared>>
      %dma_start3A_118 = arith.constant 0 : i32
      %dma_start3A_119 = tpu.memref_slice %arg11[%add3A_34, %dma_start3A_118] : memref<10240x128xf32, #tpu.memory_space<vmem_shared>> -> memref<64x128xf32, #tpu.memory_space<vmem_shared>>
      tpu.enqueue_dma source(%arg7 : memref<64x128xf32, #tpu.memory_space<vmem>>) target(%dma_start3A_119 : memref<64x128xf32, #tpu.memory_space<vmem_shared>>) target_semaphore(%run_scoped3A : memref<!tpu.dma_semaphore, #tpu.memory_space<semaphore_mem>>)
      %dma_wait3A = arith.constant 0 : i32
      %dma_wait3A_120 = tpu.memref_slice %arg11[%add3A_34, %dma_wait3A] : memref<10240x128xf32, #tpu.memory_space<vmem_shared>> -> memref<64x128xf32, #tpu.memory_space<vmem_shared>>
      %dma_wait3A_121 = arith.constant 0 : i32
      %dma_wait3A_122 = tpu.memref_slice %arg11[%add3A_34, %dma_wait3A_121] : memref<10240x128xf32, #tpu.memory_space<vmem_shared>> -> memref<64x128xf32, #tpu.memory_space<vmem_shared>>
      tpu.wait_dma2 semaphore(%run_scoped3A : memref<!tpu.dma_semaphore, #tpu.memory_space<semaphore_mem>>) src(%arg7 : memref<64x128xf32, #tpu.memory_space<vmem>>) dst(%dma_wait3A_122 : memref<64x128xf32, #tpu.memory_space<vmem_shared>>)
      tpu.yield
    }) : () -> ()
    %mul3A_35 = arith.constant 640 : i32
    %mul3A_36 = arith.muli %arg1, %mul3A_35 : i32
    %add3A_37 = arith.constant 448 : i32
    %add3A_38 = arith.addi %mul3A_36, %add3A_37 : i32
    "tpu.region"() ({
      %run_scoped3A = tpu.sem_alloc : memref<!tpu.dma_semaphore, #tpu.memory_space<semaphore_mem>>
      %dma_start3A = arith.constant 0 : i32
      %dma_start3A_117 = tpu.memref_slice %arg11[%add3A_38, %dma_start3A] : memref<10240x128xf32, #tpu.memory_space<vmem_shared>> -> memref<64x128xf32, #tpu.memory_space<vmem_shared>>
      %dma_start3A_118 = arith.constant 0 : i32
      %dma_start3A_119 = tpu.memref_slice %arg11[%add3A_38, %dma_start3A_118] : memref<10240x128xf32, #tpu.memory_space<vmem_shared>> -> memref<64x128xf32, #tpu.memory_space<vmem_shared>>
      tpu.enqueue_dma source(%arg7 : memref<64x128xf32, #tpu.memory_space<vmem>>) target(%dma_start3A_119 : memref<64x128xf32, #tpu.memory_space<vmem_shared>>) target_semaphore(%run_scoped3A : memref<!tpu.dma_semaphore, #tpu.memory_space<semaphore_mem>>)
      %dma_wait3A = arith.constant 0 : i32
      %dma_wait3A_120 = tpu.memref_slice %arg11[%add3A_38, %dma_wait3A] : memref<10240x128xf32, #tpu.memory_space<vmem_shared>> -> memref<64x128xf32, #tpu.memory_space<vmem_shared>>
      %dma_wait3A_121 = arith.constant 0 : i32
      %dma_wait3A_122 = tpu.memref_slice %arg11[%add3A_38, %dma_wait3A_121] : memref<10240x128xf32, #tpu.memory_space<vmem_shared>> -> memref<64x128xf32, #tpu.memory_space<vmem_shared>>
      tpu.wait_dma2 semaphore(%run_scoped3A : memref<!tpu.dma_semaphore, #tpu.memory_space<semaphore_mem>>) src(%arg7 : memref<64x128xf32, #tpu.memory_space<vmem>>) dst(%dma_wait3A_122 : memref<64x128xf32, #tpu.memory_space<vmem_shared>>)
      tpu.yield
    }) : () -> ()
    %mul3A_39 = arith.constant 640 : i32
    %mul3A_40 = arith.muli %arg1, %mul3A_39 : i32
    %add3A_41 = arith.constant 512 : i32
    %add3A_42 = arith.addi %mul3A_40, %add3A_41 : i32
    "tpu.region"() ({
      %run_scoped3A = tpu.sem_alloc : memref<!tpu.dma_semaphore, #tpu.memory_space<semaphore_mem>>
      %dma_start3A = arith.constant 0 : i32
      %dma_start3A_117 = tpu.memref_slice %arg11[%add3A_42, %dma_start3A] : memref<10240x128xf32, #tpu.memory_space<vmem_shared>> -> memref<64x128xf32, #tpu.memory_space<vmem_shared>>
      %dma_start3A_118 = arith.constant 0 : i32
      %dma_start3A_119 = tpu.memref_slice %arg11[%add3A_42, %dma_start3A_118] : memref<10240x128xf32, #tpu.memory_space<vmem_shared>> -> memref<64x128xf32, #tpu.memory_space<vmem_shared>>
      tpu.enqueue_dma source(%arg7 : memref<64x128xf32, #tpu.memory_space<vmem>>) target(%dma_start3A_119 : memref<64x128xf32, #tpu.memory_space<vmem_shared>>) target_semaphore(%run_scoped3A : memref<!tpu.dma_semaphore, #tpu.memory_space<semaphore_mem>>)
      %dma_wait3A = arith.constant 0 : i32
      %dma_wait3A_120 = tpu.memref_slice %arg11[%add3A_42, %dma_wait3A] : memref<10240x128xf32, #tpu.memory_space<vmem_shared>> -> memref<64x128xf32, #tpu.memory_space<vmem_shared>>
      %dma_wait3A_121 = arith.constant 0 : i32
      %dma_wait3A_122 = tpu.memref_slice %arg11[%add3A_42, %dma_wait3A_121] : memref<10240x128xf32, #tpu.memory_space<vmem_shared>> -> memref<64x128xf32, #tpu.memory_space<vmem_shared>>
      tpu.wait_dma2 semaphore(%run_scoped3A : memref<!tpu.dma_semaphore, #tpu.memory_space<semaphore_mem>>) src(%arg7 : memref<64x128xf32, #tpu.memory_space<vmem>>) dst(%dma_wait3A_122 : memref<64x128xf32, #tpu.memory_space<vmem_shared>>)
      tpu.yield
    }) : () -> ()
    %mul3A_43 = arith.constant 640 : i32
    %mul3A_44 = arith.muli %arg1, %mul3A_43 : i32
    %add3A_45 = arith.constant 576 : i32
    %add3A_46 = arith.addi %mul3A_44, %add3A_45 : i32
    "tpu.region"() ({
      %run_scoped3A = tpu.sem_alloc : memref<!tpu.dma_semaphore, #tpu.memory_space<semaphore_mem>>
      %dma_start3A = arith.constant 0 : i32
      %dma_start3A_117 = tpu.memref_slice %arg11[%add3A_46, %dma_start3A] : memref<10240x128xf32, #tpu.memory_space<vmem_shared>> -> memref<64x128xf32, #tpu.memory_space<vmem_shared>>
      %dma_start3A_118 = arith.constant 0 : i32
      %dma_start3A_119 = tpu.memref_slice %arg11[%add3A_46, %dma_start3A_118] : memref<10240x128xf32, #tpu.memory_space<vmem_shared>> -> memref<64x128xf32, #tpu.memory_space<vmem_shared>>
      tpu.enqueue_dma source(%arg7 : memref<64x128xf32, #tpu.memory_space<vmem>>) target(%dma_start3A_119 : memref<64x128xf32, #tpu.memory_space<vmem_shared>>) target_semaphore(%run_scoped3A : memref<!tpu.dma_semaphore, #tpu.memory_space<semaphore_mem>>)
      %dma_wait3A = arith.constant 0 : i32
      %dma_wait3A_120 = tpu.memref_slice %arg11[%add3A_46, %dma_wait3A] : memref<10240x128xf32, #tpu.memory_space<vmem_shared>> -> memref<64x128xf32, #tpu.memory_space<vmem_shared>>
      %dma_wait3A_121 = arith.constant 0 : i32
      %dma_wait3A_122 = tpu.memref_slice %arg11[%add3A_46, %dma_wait3A_121] : memref<10240x128xf32, #tpu.memory_space<vmem_shared>> -> memref<64x128xf32, #tpu.memory_space<vmem_shared>>
      tpu.wait_dma2 semaphore(%run_scoped3A : memref<!tpu.dma_semaphore, #tpu.memory_space<semaphore_mem>>) src(%arg7 : memref<64x128xf32, #tpu.memory_space<vmem>>) dst(%dma_wait3A_122 : memref<64x128xf32, #tpu.memory_space<vmem_shared>>)
      tpu.yield
    }) : () -> ()
    %barrier3A = arith.constant 0 : index
    tpu.barrier barrier_id(%barrier3A)
    %eq3A = arith.constant 0 : i32
    %eq3A_47 = arith.cmpi eq, %arg0, %eq3A : i32
    %jit3A = arith.constant 9 : i32
    %jit3A_48 = arith.constant 1 : i32
    %select_n3A = arith.select %eq3A_47, %jit3A, %jit3A_48 : i32
    %eq3A_49 = arith.constant 0 : i32
    %eq3A_50 = arith.cmpi eq, %arg0, %eq3A_49 : i32
    %mul3A_51 = arith.constant 18 : i32
    %mul3A_52 = arith.muli %arg1, %mul3A_51 : i32
    %mul3A_53 = arith.constant 2 : i32
    %mul3A_54 = arith.muli %arg1, %mul3A_53 : i32
    %add3A_55 = arith.constant 288 : i32
    %add3A_56 = arith.addi %add3A_55, %mul3A_54 : i32
    %select_n3A_57 = arith.select %eq3A_50, %mul3A_52, %add3A_56 : i32
    %mul3A_58 = arith.constant 2 : i32
    %mul3A_59 = arith.muli %mul3A_58, %select_n3A : i32
    %add3A_60 = arith.addi %select_n3A_57, %mul3A_59 : i32
    %sub3A = arith.constant 1 : i32
    %sub3A_61 = arith.subi %add3A_60, %sub3A : i32
    %min3A = arith.constant 319 : i32
    %min3A_62 = arith.minsi %sub3A_61, %min3A : i32
    %min3A_63 = arith.constant 319 : i32
    %min3A_64 = arith.minsi %select_n3A_57, %min3A_63 : i32
    "tpu.region"() ({
      %run_scoped3A = tpu.sem_alloc : memref<!tpu.dma_semaphore, #tpu.memory_space<semaphore_mem>>
      %dma_start3A = arith.constant 0 : i32
      %dma_start3A_117 = arith.constant 0 : i32
      %dma_start3A_118 = arith.constant 0 : i32
      %dma_start3A_119 = tpu.memref_slice %arg2[%min3A_64, %dma_start3A, %dma_start3A_117, %dma_start3A_118] : memref<320x2x16x64xi32, #tpu.memory_space<hbm>> -> memref<1x2x16x64xi32, #tpu.memory_space<hbm>>
      %dma_start3A_120 = tpu.memref_squeeze %dma_start3A_119 : memref<1x2x16x64xi32, #tpu.memory_space<hbm>> -> memref<2x16x64xi32, #tpu.memory_space<hbm>>
      %dma_start3A_121 = arith.constant 0 : i32
      %dma_start3A_122 = arith.constant 0 : i32
      %dma_start3A_123 = arith.constant 0 : i32
      %dma_start3A_124 = tpu.memref_slice %arg2[%min3A_64, %dma_start3A_121, %dma_start3A_122, %dma_start3A_123] : memref<320x2x16x64xi32, #tpu.memory_space<hbm>> -> memref<1x2x16x64xi32, #tpu.memory_space<hbm>>
      %dma_start3A_125 = tpu.memref_squeeze %dma_start3A_124 : memref<1x2x16x64xi32, #tpu.memory_space<hbm>> -> memref<2x16x64xi32, #tpu.memory_space<hbm>>
      tpu.enqueue_dma source(%dma_start3A_125 : memref<2x16x64xi32, #tpu.memory_space<hbm>>) target(%arg5 : memref<2x16x64xi32, #tpu.memory_space<vmem>>) target_semaphore(%run_scoped3A : memref<!tpu.dma_semaphore, #tpu.memory_space<semaphore_mem>>)
      %dma_wait3A = arith.constant 0 : i32
      %dma_wait3A_126 = arith.constant 0 : i32
      %dma_wait3A_127 = arith.constant 0 : i32
      %dma_wait3A_128 = tpu.memref_slice %arg2[%min3A_64, %dma_wait3A, %dma_wait3A_126, %dma_wait3A_127] : memref<320x2x16x64xi32, #tpu.memory_space<hbm>> -> memref<1x2x16x64xi32, #tpu.memory_space<hbm>>
      %dma_wait3A_129 = tpu.memref_squeeze %dma_wait3A_128 : memref<1x2x16x64xi32, #tpu.memory_space<hbm>> -> memref<2x16x64xi32, #tpu.memory_space<hbm>>
      %dma_wait3A_130 = arith.constant 0 : i32
      %dma_wait3A_131 = arith.constant 0 : i32
      %dma_wait3A_132 = arith.constant 0 : i32
      %dma_wait3A_133 = tpu.memref_slice %arg2[%min3A_64, %dma_wait3A_130, %dma_wait3A_131, %dma_wait3A_132] : memref<320x2x16x64xi32, #tpu.memory_space<hbm>> -> memref<1x2x16x64xi32, #tpu.memory_space<hbm>>
      %dma_wait3A_134 = tpu.memref_squeeze %dma_wait3A_133 : memref<1x2x16x64xi32, #tpu.memory_space<hbm>> -> memref<2x16x64xi32, #tpu.memory_space<hbm>>
      tpu.wait_dma2 semaphore(%run_scoped3A : memref<!tpu.dma_semaphore, #tpu.memory_space<semaphore_mem>>) src(%dma_wait3A_134 : memref<2x16x64xi32, #tpu.memory_space<hbm>>) dst(%arg5 : memref<2x16x64xi32, #tpu.memory_space<vmem>>)
      tpu.yield
    }) : () -> ()
    %while3A = arith.constant 0 : i32
    %while3A_65 = arith.constant 0 : i32
    %while3A_66 = arith.subi %select_n3A, %while3A : i32
    %while3A_67 = arith.addi %while3A, %while3A_66 : i32
    %while3A_68 = arith.constant 1 : i32
    %while3A_69 = arith.divsi %while3A_66, %while3A_68 : i32
    %while3A_70 = arith.muli %while3A_69, %while3A_68 : i32
    %while3A_71 = arith.addi %while3A, %while3A_70 : i32
    %while3A_72 = arith.constant 1 : i32
    %while3A_73 = scf.for %while3A_117 = %while3A to %while3A_71 step %while3A_72 iter_args(%while3A_118 = %while3A_65) -> (i32)  : i32 {
      %mul3A_119 = arith.constant 2 : i32
      %mul3A_120 = arith.muli %mul3A_119, %while3A_117 : i32
      %add3A_121 = arith.addi %select_n3A_57, %mul3A_120 : i32
      %add3A_122 = arith.constant 1 : i32
      %add3A_123 = arith.addi %add3A_121, %add3A_122 : i32
      %dma_start3A = arith.constant 0 : i32
      %dma_start3A_124 = arith.constant 0 : i32
      %dma_start3A_125 = arith.constant 0 : i32
      %dma_start3A_126 = tpu.memref_slice %arg2[%add3A_123, %dma_start3A, %dma_start3A_124, %dma_start3A_125] : memref<320x2x16x64xi32, #tpu.memory_space<hbm>> -> memref<1x2x16x64xi32, #tpu.memory_space<hbm>>
      %dma_start3A_127 = tpu.memref_squeeze %dma_start3A_126 : memref<1x2x16x64xi32, #tpu.memory_space<hbm>> -> memref<2x16x64xi32, #tpu.memory_space<hbm>>
      %dma_start3A_128 = arith.constant 0 : i32
      %dma_start3A_129 = arith.constant 0 : i32
      %dma_start3A_130 = arith.constant 0 : i32
      %dma_start3A_131 = tpu.memref_slice %arg2[%add3A_123, %dma_start3A_128, %dma_start3A_129, %dma_start3A_130] : memref<320x2x16x64xi32, #tpu.memory_space<hbm>> -> memref<1x2x16x64xi32, #tpu.memory_space<hbm>>
      %dma_start3A_132 = tpu.memref_squeeze %dma_start3A_131 : memref<1x2x16x64xi32, #tpu.memory_space<hbm>> -> memref<2x16x64xi32, #tpu.memory_space<hbm>>
      tpu.enqueue_dma source(%dma_start3A_132 : memref<2x16x64xi32, #tpu.memory_space<hbm>>) target(%arg6 : memref<2x16x64xi32, #tpu.memory_space<vmem>>) target_semaphore(%arg12 : memref<!tpu.dma_semaphore, #tpu.memory_space<semaphore_mem>>)
      %dma_start3A_133 = arith.constant 0 : i32
      %dma_start3A_134 = arith.constant 0 : i32
      %dma_start3A_135 = arith.constant 0 : i32
      %dma_start3A_136 = tpu.memref_slice %arg5[%dma_start3A_133, %dma_start3A_134, %dma_start3A_135] : memref<2x16x64xi32, #tpu.memory_space<vmem>> -> memref<1x1x64xi32, #tpu.memory_space<vmem>>
      %dma_start3A_137 = tpu.memref_squeeze %dma_start3A_136 : memref<1x1x64xi32, #tpu.memory_space<vmem>> -> memref<64xi32, #tpu.memory_space<vmem>>
      %dma_start3A_138 = arith.constant 0 : i32
      %dma_start3A_139 = arith.constant 0 : i32
      %dma_start3A_140 = tpu.memref_slice %arg3[%dma_start3A_138, %dma_start3A_139] : memref<10000x128xf32, #tpu.memory_space<hbm>> -> memref<10000x128xf32, #tpu.memory_space<hbm>>
      tpu.enqueue_indirect_dma source(%dma_start3A_140 : memref<10000x128xf32, #tpu.memory_space<hbm>>) target(%arg7 : memref<64x128xf32, #tpu.memory_space<vmem>>) offsets(%dma_start3A_137 : memref<64xi32, #tpu.memory_space<vmem>>) semaphore(%arg13 : memref<!tpu.dma_semaphore, #tpu.memory_space<semaphore_mem>>)
      %dma_start3A_141 = arith.constant 0 : i32
      %dma_start3A_142 = arith.constant 1 : i32
      %dma_start3A_143 = arith.constant 0 : i32
      %dma_start3A_144 = tpu.memref_slice %arg5[%dma_start3A_141, %dma_start3A_142, %dma_start3A_143] : memref<2x16x64xi32, #tpu.memory_space<vmem>> -> memref<1x1x64xi32, #tpu.memory_space<vmem>>
      %dma_start3A_145 = tpu.memref_squeeze %dma_start3A_144 : memref<1x1x64xi32, #tpu.memory_space<vmem>> -> memref<64xi32, #tpu.memory_space<vmem>>
      %dma_start3A_146 = arith.constant 0 : i32
      %dma_start3A_147 = arith.constant 0 : i32
      %dma_start3A_148 = tpu.memref_slice %arg3[%dma_start3A_146, %dma_start3A_147] : memref<10000x128xf32, #tpu.memory_space<hbm>> -> memref<10000x128xf32, #tpu.memory_space<hbm>>
      tpu.enqueue_indirect_dma source(%dma_start3A_148 : memref<10000x128xf32, #tpu.memory_space<hbm>>) target(%arg8 : memref<64x128xf32, #tpu.memory_space<vmem>>) offsets(%dma_start3A_145 : memref<64xi32, #tpu.memory_space<vmem>>) semaphore(%arg14 : memref<!tpu.dma_semaphore, #tpu.memory_space<semaphore_mem>>)
      %dma_start3A_149 = arith.constant 0 : i32
      %dma_start3A_150 = arith.constant 2 : i32
      %dma_start3A_151 = arith.constant 0 : i32
      %dma_start3A_152 = tpu.memref_slice %arg5[%dma_start3A_149, %dma_start3A_150, %dma_start3A_151] : memref<2x16x64xi32, #tpu.memory_space<vmem>> -> memref<1x1x64xi32, #tpu.memory_space<vmem>>
      %dma_start3A_153 = tpu.memref_squeeze %dma_start3A_152 : memref<1x1x64xi32, #tpu.memory_space<vmem>> -> memref<64xi32, #tpu.memory_space<vmem>>
      %dma_start3A_154 = arith.constant 0 : i32
      %dma_start3A_155 = arith.constant 0 : i32
      %dma_start3A_156 = tpu.memref_slice %arg3[%dma_start3A_154, %dma_start3A_155] : memref<10000x128xf32, #tpu.memory_space<hbm>> -> memref<10000x128xf32, #tpu.memory_space<hbm>>
      tpu.enqueue_indirect_dma source(%dma_start3A_156 : memref<10000x128xf32, #tpu.memory_space<hbm>>) target(%arg9 : memref<64x128xf32, #tpu.memory_space<vmem>>) offsets(%dma_start3A_153 : memref<64xi32, #tpu.memory_space<vmem>>) semaphore(%arg15 : memref<!tpu.dma_semaphore, #tpu.memory_space<semaphore_mem>>)
      %dma_start3A_157 = arith.constant 0 : i32
      %dma_start3A_158 = arith.constant 3 : i32
      %dma_start3A_159 = arith.constant 0 : i32
      %dma_start3A_160 = tpu.memref_slice %arg5[%dma_start3A_157, %dma_start3A_158, %dma_start3A_159] : memref<2x16x64xi32, #tpu.memory_space<vmem>> -> memref<1x1x64xi32, #tpu.memory_space<vmem>>
      %dma_start3A_161 = tpu.memref_squeeze %dma_start3A_160 : memref<1x1x64xi32, #tpu.memory_space<vmem>> -> memref<64xi32, #tpu.memory_space<vmem>>
      %dma_start3A_162 = arith.constant 0 : i32
      %dma_start3A_163 = arith.constant 0 : i32
      %dma_start3A_164 = tpu.memref_slice %arg3[%dma_start3A_162, %dma_start3A_163] : memref<10000x128xf32, #tpu.memory_space<hbm>> -> memref<10000x128xf32, #tpu.memory_space<hbm>>
      tpu.enqueue_indirect_dma source(%dma_start3A_164 : memref<10000x128xf32, #tpu.memory_space<hbm>>) target(%arg10 : memref<64x128xf32, #tpu.memory_space<vmem>>) offsets(%dma_start3A_161 : memref<64xi32, #tpu.memory_space<vmem>>) semaphore(%arg16 : memref<!tpu.dma_semaphore, #tpu.memory_space<semaphore_mem>>)
      %dma_wait3A = arith.constant 0 : i32
      %dma_wait3A_165 = arith.constant 0 : i32
      %dma_wait3A_166 = arith.constant 0 : i32
      %dma_wait3A_167 = tpu.memref_slice %arg5[%dma_wait3A, %dma_wait3A_165, %dma_wait3A_166] : memref<2x16x64xi32, #tpu.memory_space<vmem>> -> memref<1x1x64xi32, #tpu.memory_space<vmem>>
      %dma_wait3A_168 = tpu.memref_squeeze %dma_wait3A_167 : memref<1x1x64xi32, #tpu.memory_space<vmem>> -> memref<64xi32, #tpu.memory_space<vmem>>
      %dma_wait3A_169 = arith.constant 0 : i32
      %dma_wait3A_170 = arith.constant 0 : i32
      %dma_wait3A_171 = tpu.memref_slice %arg3[%dma_wait3A_169, %dma_wait3A_170] : memref<10000x128xf32, #tpu.memory_space<hbm>> -> memref<10000x128xf32, #tpu.memory_space<hbm>>
      tpu.wait_indirect_dma semaphore(%arg13 : memref<!tpu.dma_semaphore, #tpu.memory_space<semaphore_mem>>) src(%dma_wait3A_171 : memref<10000x128xf32, #tpu.memory_space<hbm>>) dst(%arg7 : memref<64x128xf32, #tpu.memory_space<vmem>>)
      %run_scoped3A = arith.constant 1 : i32
      %run_scoped3A_172 = arith.constant 0 : i32
      "tpu.region"() ({
        %run_scoped3A_742 = tpu.sem_alloc : memref<!tpu.dma_semaphore, #tpu.memory_space<semaphore_mem>>
        %dma_start3A_743 = arith.constant 0 : i32
        %dma_start3A_744 = tpu.memref_slice %arg5[%run_scoped3A, %run_scoped3A_172, %dma_start3A_743] : memref<2x16x64xi32, #tpu.memory_space<vmem>> -> memref<1x1x64xi32, #tpu.memory_space<vmem>>
        %dma_start3A_745 = tpu.memref_squeeze %dma_start3A_744 : memref<1x1x64xi32, #tpu.memory_space<vmem>> -> memref<64xi32, #tpu.memory_space<vmem>>
        %dma_start3A_746 = arith.constant 0 : i32
        %dma_start3A_747 = arith.constant 0 : i32
        %dma_start3A_748 = tpu.memref_slice %arg11[%dma_start3A_746, %dma_start3A_747] : memref<10240x128xf32, #tpu.memory_space<vmem_shared>> -> memref<10240x128xf32, #tpu.memory_space<vmem_shared>>
        tpu.enqueue_indirect_dma source(%arg7 : memref<64x128xf32, #tpu.memory_space<vmem>>) target(%dma_start3A_748 : memref<10240x128xf32, #tpu.memory_space<vmem_shared>>) offsets(%dma_start3A_745 : memref<64xi32, #tpu.memory_space<vmem>>) semaphore(%run_scoped3A_742 : memref<!tpu.dma_semaphore, #tpu.memory_space<semaphore_mem>>) {add = true}
        %dma_wait3A_749 = arith.constant 0 : i32
        %dma_wait3A_750 = tpu.memref_slice %arg5[%run_scoped3A, %run_scoped3A_172, %dma_wait3A_749] : memref<2x16x64xi32, #tpu.memory_space<vmem>> -> memref<1x1x64xi32, #tpu.memory_space<vmem>>
        %dma_wait3A_751 = tpu.memref_squeeze %dma_wait3A_750 : memref<1x1x64xi32, #tpu.memory_space<vmem>> -> memref<64xi32, #tpu.memory_space<vmem>>
        %dma_wait3A_752 = arith.constant 0 : i32
        %dma_wait3A_753 = arith.constant 0 : i32
        %dma_wait3A_754 = tpu.memref_slice %arg11[%dma_wait3A_752, %dma_wait3A_753] : memref<10240x128xf32, #tpu.memory_space<vmem_shared>> -> memref<10240x128xf32, #tpu.memory_space<vmem_shared>>
        tpu.wait_indirect_dma semaphore(%run_scoped3A_742 : memref<!tpu.dma_semaphore, #tpu.memory_space<semaphore_mem>>) src(%arg7 : memref<64x128xf32, #tpu.memory_space<vmem>>) dst(%dma_wait3A_754 : memref<10240x128xf32, #tpu.memory_space<vmem_shared>>)
        tpu.yield
      }) : () -> ()
      %dma_start3A_173 = arith.constant 0 : i32
      %dma_start3A_174 = arith.constant 4 : i32
      %dma_start3A_175 = arith.constant 0 : i32
      %dma_start3A_176 = tpu.memref_slice %arg5[%dma_start3A_173, %dma_start3A_174, %dma_start3A_175] : memref<2x16x64xi32, #tpu.memory_space<vmem>> -> memref<1x1x64xi32, #tpu.memory_space<vmem>>
      %dma_start3A_177 = tpu.memref_squeeze %dma_start3A_176 : memref<1x1x64xi32, #tpu.memory_space<vmem>> -> memref<64xi32, #tpu.memory_space<vmem>>
      %dma_start3A_178 = arith.constant 0 : i32
      %dma_start3A_179 = arith.constant 0 : i32
      %dma_start3A_180 = tpu.memref_slice %arg3[%dma_start3A_178, %dma_start3A_179] : memref<10000x128xf32, #tpu.memory_space<hbm>> -> memref<10000x128xf32, #tpu.memory_space<hbm>>
      tpu.enqueue_indirect_dma source(%dma_start3A_180 : memref<10000x128xf32, #tpu.memory_space<hbm>>) target(%arg7 : memref<64x128xf32, #tpu.memory_space<vmem>>) offsets(%dma_start3A_177 : memref<64xi32, #tpu.memory_space<vmem>>) semaphore(%arg13 : memref<!tpu.dma_semaphore, #tpu.memory_space<semaphore_mem>>)
      %dma_wait3A_181 = arith.constant 0 : i32
      %dma_wait3A_182 = arith.constant 1 : i32
      %dma_wait3A_183 = arith.constant 0 : i32
      %dma_wait3A_184 = tpu.memref_slice %arg5[%dma_wait3A_181, %dma_wait3A_182, %dma_wait3A_183] : memref<2x16x64xi32, #tpu.memory_space<vmem>> -> memref<1x1x64xi32, #tpu.memory_space<vmem>>
      %dma_wait3A_185 = tpu.memref_squeeze %dma_wait3A_184 : memref<1x1x64xi32, #tpu.memory_space<vmem>> -> memref<64xi32, #tpu.memory_space<vmem>>
      %dma_wait3A_186 = arith.constant 0 : i32
      %dma_wait3A_187 = arith.constant 0 : i32
      %dma_wait3A_188 = tpu.memref_slice %arg3[%dma_wait3A_186, %dma_wait3A_187] : memref<10000x128xf32, #tpu.memory_space<hbm>> -> memref<10000x128xf32, #tpu.memory_space<hbm>>
      tpu.wait_indirect_dma semaphore(%arg14 : memref<!tpu.dma_semaphore, #tpu.memory_space<semaphore_mem>>) src(%dma_wait3A_188 : memref<10000x128xf32, #tpu.memory_space<hbm>>) dst(%arg8 : memref<64x128xf32, #tpu.memory_space<vmem>>)
      %run_scoped3A_189 = arith.constant 1 : i32
      %run_scoped3A_190 = arith.constant 1 : i32
      "tpu.region"() ({
        %run_scoped3A_742 = tpu.sem_alloc : memref<!tpu.dma_semaphore, #tpu.memory_space<semaphore_mem>>
        %dma_start3A_743 = arith.constant 0 : i32
        %dma_start3A_744 = tpu.memref_slice %arg5[%run_scoped3A_189, %run_scoped3A_190, %dma_start3A_743] : memref<2x16x64xi32, #tpu.memory_space<vmem>> -> memref<1x1x64xi32, #tpu.memory_space<vmem>>
        %dma_start3A_745 = tpu.memref_squeeze %dma_start3A_744 : memref<1x1x64xi32, #tpu.memory_space<vmem>> -> memref<64xi32, #tpu.memory_space<vmem>>
        %dma_start3A_746 = arith.constant 0 : i32
        %dma_start3A_747 = arith.constant 0 : i32
        %dma_start3A_748 = tpu.memref_slice %arg11[%dma_start3A_746, %dma_start3A_747] : memref<10240x128xf32, #tpu.memory_space<vmem_shared>> -> memref<10240x128xf32, #tpu.memory_space<vmem_shared>>
        tpu.enqueue_indirect_dma source(%arg8 : memref<64x128xf32, #tpu.memory_space<vmem>>) target(%dma_start3A_748 : memref<10240x128xf32, #tpu.memory_space<vmem_shared>>) offsets(%dma_start3A_745 : memref<64xi32, #tpu.memory_space<vmem>>) semaphore(%run_scoped3A_742 : memref<!tpu.dma_semaphore, #tpu.memory_space<semaphore_mem>>) {add = true}
        %dma_wait3A_749 = arith.constant 0 : i32
        %dma_wait3A_750 = tpu.memref_slice %arg5[%run_scoped3A_189, %run_scoped3A_190, %dma_wait3A_749] : memref<2x16x64xi32, #tpu.memory_space<vmem>> -> memref<1x1x64xi32, #tpu.memory_space<vmem>>
        %dma_wait3A_751 = tpu.memref_squeeze %dma_wait3A_750 : memref<1x1x64xi32, #tpu.memory_space<vmem>> -> memref<64xi32, #tpu.memory_space<vmem>>
        %dma_wait3A_752 = arith.constant 0 : i32
        %dma_wait3A_753 = arith.constant 0 : i32
        %dma_wait3A_754 = tpu.memref_slice %arg11[%dma_wait3A_752, %dma_wait3A_753] : memref<10240x128xf32, #tpu.memory_space<vmem_shared>> -> memref<10240x128xf32, #tpu.memory_space<vmem_shared>>
        tpu.wait_indirect_dma semaphore(%run_scoped3A_742 : memref<!tpu.dma_semaphore, #tpu.memory_space<semaphore_mem>>) src(%arg8 : memref<64x128xf32, #tpu.memory_space<vmem>>) dst(%dma_wait3A_754 : memref<10240x128xf32, #tpu.memory_space<vmem_shared>>)
        tpu.yield
      }) : () -> ()
      %dma_start3A_191 = arith.constant 0 : i32
      %dma_start3A_192 = arith.constant 5 : i32
      %dma_start3A_193 = arith.constant 0 : i32
      %dma_start3A_194 = tpu.memref_slice %arg5[%dma_start3A_191, %dma_start3A_192, %dma_start3A_193] : memref<2x16x64xi32, #tpu.memory_space<vmem>> -> memref<1x1x64xi32, #tpu.memory_space<vmem>>
      %dma_start3A_195 = tpu.memref_squeeze %dma_start3A_194 : memref<1x1x64xi32, #tpu.memory_space<vmem>> -> memref<64xi32, #tpu.memory_space<vmem>>
      %dma_start3A_196 = arith.constant 0 : i32
      %dma_start3A_197 = arith.constant 0 : i32
      %dma_start3A_198 = tpu.memref_slice %arg3[%dma_start3A_196, %dma_start3A_197] : memref<10000x128xf32, #tpu.memory_space<hbm>> -> memref<10000x128xf32, #tpu.memory_space<hbm>>
      tpu.enqueue_indirect_dma source(%dma_start3A_198 : memref<10000x128xf32, #tpu.memory_space<hbm>>) target(%arg8 : memref<64x128xf32, #tpu.memory_space<vmem>>) offsets(%dma_start3A_195 : memref<64xi32, #tpu.memory_space<vmem>>) semaphore(%arg14 : memref<!tpu.dma_semaphore, #tpu.memory_space<semaphore_mem>>)
      %dma_wait3A_199 = arith.constant 0 : i32
      %dma_wait3A_200 = arith.constant 2 : i32
      %dma_wait3A_201 = arith.constant 0 : i32
      %dma_wait3A_202 = tpu.memref_slice %arg5[%dma_wait3A_199, %dma_wait3A_200, %dma_wait3A_201] : memref<2x16x64xi32, #tpu.memory_space<vmem>> -> memref<1x1x64xi32, #tpu.memory_space<vmem>>
      %dma_wait3A_203 = tpu.memref_squeeze %dma_wait3A_202 : memref<1x1x64xi32, #tpu.memory_space<vmem>> -> memref<64xi32, #tpu.memory_space<vmem>>
      %dma_wait3A_204 = arith.constant 0 : i32
      %dma_wait3A_205 = arith.constant 0 : i32
      %dma_wait3A_206 = tpu.memref_slice %arg3[%dma_wait3A_204, %dma_wait3A_205] : memref<10000x128xf32, #tpu.memory_space<hbm>> -> memref<10000x128xf32, #tpu.memory_space<hbm>>
      tpu.wait_indirect_dma semaphore(%arg15 : memref<!tpu.dma_semaphore, #tpu.memory_space<semaphore_mem>>) src(%dma_wait3A_206 : memref<10000x128xf32, #tpu.memory_space<hbm>>) dst(%arg9 : memref<64x128xf32, #tpu.memory_space<vmem>>)
      %run_scoped3A_207 = arith.constant 1 : i32
      %run_scoped3A_208 = arith.constant 2 : i32
      "tpu.region"() ({
        %run_scoped3A_742 = tpu.sem_alloc : memref<!tpu.dma_semaphore, #tpu.memory_space<semaphore_mem>>
        %dma_start3A_743 = arith.constant 0 : i32
        %dma_start3A_744 = tpu.memref_slice %arg5[%run_scoped3A_207, %run_scoped3A_208, %dma_start3A_743] : memref<2x16x64xi32, #tpu.memory_space<vmem>> -> memref<1x1x64xi32, #tpu.memory_space<vmem>>
        %dma_start3A_745 = tpu.memref_squeeze %dma_start3A_744 : memref<1x1x64xi32, #tpu.memory_space<vmem>> -> memref<64xi32, #tpu.memory_space<vmem>>
        %dma_start3A_746 = arith.constant 0 : i32
        %dma_start3A_747 = arith.constant 0 : i32
        %dma_start3A_748 = tpu.memref_slice %arg11[%dma_start3A_746, %dma_start3A_747] : memref<10240x128xf32, #tpu.memory_space<vmem_shared>> -> memref<10240x128xf32, #tpu.memory_space<vmem_shared>>
        tpu.enqueue_indirect_dma source(%arg9 : memref<64x128xf32, #tpu.memory_space<vmem>>) target(%dma_start3A_748 : memref<10240x128xf32, #tpu.memory_space<vmem_shared>>) offsets(%dma_start3A_745 : memref<64xi32, #tpu.memory_space<vmem>>) semaphore(%run_scoped3A_742 : memref<!tpu.dma_semaphore, #tpu.memory_space<semaphore_mem>>) {add = true}
        %dma_wait3A_749 = arith.constant 0 : i32
        %dma_wait3A_750 = tpu.memref_slice %arg5[%run_scoped3A_207, %run_scoped3A_208, %dma_wait3A_749] : memref<2x16x64xi32, #tpu.memory_space<vmem>> -> memref<1x1x64xi32, #tpu.memory_space<vmem>>
        %dma_wait3A_751 = tpu.memref_squeeze %dma_wait3A_750 : memref<1x1x64xi32, #tpu.memory_space<vmem>> -> memref<64xi32, #tpu.memory_space<vmem>>
        %dma_wait3A_752 = arith.constant 0 : i32
        %dma_wait3A_753 = arith.constant 0 : i32
        %dma_wait3A_754 = tpu.memref_slice %arg11[%dma_wait3A_752, %dma_wait3A_753] : memref<10240x128xf32, #tpu.memory_space<vmem_shared>> -> memref<10240x128xf32, #tpu.memory_space<vmem_shared>>
        tpu.wait_indirect_dma semaphore(%run_scoped3A_742 : memref<!tpu.dma_semaphore, #tpu.memory_space<semaphore_mem>>) src(%arg9 : memref<64x128xf32, #tpu.memory_space<vmem>>) dst(%dma_wait3A_754 : memref<10240x128xf32, #tpu.memory_space<vmem_shared>>)
        tpu.yield
      }) : () -> ()
      %dma_start3A_209 = arith.constant 0 : i32
      %dma_start3A_210 = arith.constant 6 : i32
      %dma_start3A_211 = arith.constant 0 : i32
      %dma_start3A_212 = tpu.memref_slice %arg5[%dma_start3A_209, %dma_start3A_210, %dma_start3A_211] : memref<2x16x64xi32, #tpu.memory_space<vmem>> -> memref<1x1x64xi32, #tpu.memory_space<vmem>>
      %dma_start3A_213 = tpu.memref_squeeze %dma_start3A_212 : memref<1x1x64xi32, #tpu.memory_space<vmem>> -> memref<64xi32, #tpu.memory_space<vmem>>
      %dma_start3A_214 = arith.constant 0 : i32
      %dma_start3A_215 = arith.constant 0 : i32
      %dma_start3A_216 = tpu.memref_slice %arg3[%dma_start3A_214, %dma_start3A_215] : memref<10000x128xf32, #tpu.memory_space<hbm>> -> memref<10000x128xf32, #tpu.memory_space<hbm>>
      tpu.enqueue_indirect_dma source(%dma_start3A_216 : memref<10000x128xf32, #tpu.memory_space<hbm>>) target(%arg9 : memref<64x128xf32, #tpu.memory_space<vmem>>) offsets(%dma_start3A_213 : memref<64xi32, #tpu.memory_space<vmem>>) semaphore(%arg15 : memref<!tpu.dma_semaphore, #tpu.memory_space<semaphore_mem>>)
      %dma_wait3A_217 = arith.constant 0 : i32
      %dma_wait3A_218 = arith.constant 3 : i32
      %dma_wait3A_219 = arith.constant 0 : i32
      %dma_wait3A_220 = tpu.memref_slice %arg5[%dma_wait3A_217, %dma_wait3A_218, %dma_wait3A_219] : memref<2x16x64xi32, #tpu.memory_space<vmem>> -> memref<1x1x64xi32, #tpu.memory_space<vmem>>
      %dma_wait3A_221 = tpu.memref_squeeze %dma_wait3A_220 : memref<1x1x64xi32, #tpu.memory_space<vmem>> -> memref<64xi32, #tpu.memory_space<vmem>>
      %dma_wait3A_222 = arith.constant 0 : i32
      %dma_wait3A_223 = arith.constant 0 : i32
      %dma_wait3A_224 = tpu.memref_slice %arg3[%dma_wait3A_222, %dma_wait3A_223] : memref<10000x128xf32, #tpu.memory_space<hbm>> -> memref<10000x128xf32, #tpu.memory_space<hbm>>
      tpu.wait_indirect_dma semaphore(%arg16 : memref<!tpu.dma_semaphore, #tpu.memory_space<semaphore_mem>>) src(%dma_wait3A_224 : memref<10000x128xf32, #tpu.memory_space<hbm>>) dst(%arg10 : memref<64x128xf32, #tpu.memory_space<vmem>>)
      %run_scoped3A_225 = arith.constant 1 : i32
      %run_scoped3A_226 = arith.constant 3 : i32
      "tpu.region"() ({
        %run_scoped3A_742 = tpu.sem_alloc : memref<!tpu.dma_semaphore, #tpu.memory_space<semaphore_mem>>
        %dma_start3A_743 = arith.constant 0 : i32
        %dma_start3A_744 = tpu.memref_slice %arg5[%run_scoped3A_225, %run_scoped3A_226, %dma_start3A_743] : memref<2x16x64xi32, #tpu.memory_space<vmem>> -> memref<1x1x64xi32, #tpu.memory_space<vmem>>
        %dma_start3A_745 = tpu.memref_squeeze %dma_start3A_744 : memref<1x1x64xi32, #tpu.memory_space<vmem>> -> memref<64xi32, #tpu.memory_space<vmem>>
        %dma_start3A_746 = arith.constant 0 : i32
        %dma_start3A_747 = arith.constant 0 : i32
        %dma_start3A_748 = tpu.memref_slice %arg11[%dma_start3A_746, %dma_start3A_747] : memref<10240x128xf32, #tpu.memory_space<vmem_shared>> -> memref<10240x128xf32, #tpu.memory_space<vmem_shared>>
        tpu.enqueue_indirect_dma source(%arg10 : memref<64x128xf32, #tpu.memory_space<vmem>>) target(%dma_start3A_748 : memref<10240x128xf32, #tpu.memory_space<vmem_shared>>) offsets(%dma_start3A_745 : memref<64xi32, #tpu.memory_space<vmem>>) semaphore(%run_scoped3A_742 : memref<!tpu.dma_semaphore, #tpu.memory_space<semaphore_mem>>) {add = true}
        %dma_wait3A_749 = arith.constant 0 : i32
        %dma_wait3A_750 = tpu.memref_slice %arg5[%run_scoped3A_225, %run_scoped3A_226, %dma_wait3A_749] : memref<2x16x64xi32, #tpu.memory_space<vmem>> -> memref<1x1x64xi32, #tpu.memory_space<vmem>>
        %dma_wait3A_751 = tpu.memref_squeeze %dma_wait3A_750 : memref<1x1x64xi32, #tpu.memory_space<vmem>> -> memref<64xi32, #tpu.memory_space<vmem>>
        %dma_wait3A_752 = arith.constant 0 : i32
        %dma_wait3A_753 = arith.constant 0 : i32
        %dma_wait3A_754 = tpu.memref_slice %arg11[%dma_wait3A_752, %dma_wait3A_753] : memref<10240x128xf32, #tpu.memory_space<vmem_shared>> -> memref<10240x128xf32, #tpu.memory_space<vmem_shared>>
        tpu.wait_indirect_dma semaphore(%run_scoped3A_742 : memref<!tpu.dma_semaphore, #tpu.memory_space<semaphore_mem>>) src(%arg10 : memref<64x128xf32, #tpu.memory_space<vmem>>) dst(%dma_wait3A_754 : memref<10240x128xf32, #tpu.memory_space<vmem_shared>>)
        tpu.yield
      }) : () -> ()
      %dma_start3A_227 = arith.constant 0 : i32
      %dma_start3A_228 = arith.constant 7 : i32
      %dma_start3A_229 = arith.constant 0 : i32
      %dma_start3A_230 = tpu.memref_slice %arg5[%dma_start3A_227, %dma_start3A_228, %dma_start3A_229] : memref<2x16x64xi32, #tpu.memory_space<vmem>> -> memref<1x1x64xi32, #tpu.memory_space<vmem>>
      %dma_start3A_231 = tpu.memref_squeeze %dma_start3A_230 : memref<1x1x64xi32, #tpu.memory_space<vmem>> -> memref<64xi32, #tpu.memory_space<vmem>>
      %dma_start3A_232 = arith.constant 0 : i32
      %dma_start3A_233 = arith.constant 0 : i32
      %dma_start3A_234 = tpu.memref_slice %arg3[%dma_start3A_232, %dma_start3A_233] : memref<10000x128xf32, #tpu.memory_space<hbm>> -> memref<10000x128xf32, #tpu.memory_space<hbm>>
      tpu.enqueue_indirect_dma source(%dma_start3A_234 : memref<10000x128xf32, #tpu.memory_space<hbm>>) target(%arg10 : memref<64x128xf32, #tpu.memory_space<vmem>>) offsets(%dma_start3A_231 : memref<64xi32, #tpu.memory_space<vmem>>) semaphore(%arg16 : memref<!tpu.dma_semaphore, #tpu.memory_space<semaphore_mem>>)
      %dma_wait3A_235 = arith.constant 0 : i32
      %dma_wait3A_236 = arith.constant 4 : i32
      %dma_wait3A_237 = arith.constant 0 : i32
      %dma_wait3A_238 = tpu.memref_slice %arg5[%dma_wait3A_235, %dma_wait3A_236, %dma_wait3A_237] : memref<2x16x64xi32, #tpu.memory_space<vmem>> -> memref<1x1x64xi32, #tpu.memory_space<vmem>>
      %dma_wait3A_239 = tpu.memref_squeeze %dma_wait3A_238 : memref<1x1x64xi32, #tpu.memory_space<vmem>> -> memref<64xi32, #tpu.memory_space<vmem>>
      %dma_wait3A_240 = arith.constant 0 : i32
      %dma_wait3A_241 = arith.constant 0 : i32
      %dma_wait3A_242 = tpu.memref_slice %arg3[%dma_wait3A_240, %dma_wait3A_241] : memref<10000x128xf32, #tpu.memory_space<hbm>> -> memref<10000x128xf32, #tpu.memory_space<hbm>>
      tpu.wait_indirect_dma semaphore(%arg13 : memref<!tpu.dma_semaphore, #tpu.memory_space<semaphore_mem>>) src(%dma_wait3A_242 : memref<10000x128xf32, #tpu.memory_space<hbm>>) dst(%arg7 : memref<64x128xf32, #tpu.memory_space<vmem>>)
      %run_scoped3A_243 = arith.constant 1 : i32
      %run_scoped3A_244 = arith.constant 4 : i32
      "tpu.region"() ({
        %run_scoped3A_742 = tpu.sem_alloc : memref<!tpu.dma_semaphore, #tpu.memory_space<semaphore_mem>>
        %dma_start3A_743 = arith.constant 0 : i32
        %dma_start3A_744 = tpu.memref_slice %arg5[%run_scoped3A_243, %run_scoped3A_244, %dma_start3A_743] : memref<2x16x64xi32, #tpu.memory_space<vmem>> -> memref<1x1x64xi32, #tpu.memory_space<vmem>>
        %dma_start3A_745 = tpu.memref_squeeze %dma_start3A_744 : memref<1x1x64xi32, #tpu.memory_space<vmem>> -> memref<64xi32, #tpu.memory_space<vmem>>
        %dma_start3A_746 = arith.constant 0 : i32
        %dma_start3A_747 = arith.constant 0 : i32
        %dma_start3A_748 = tpu.memref_slice %arg11[%dma_start3A_746, %dma_start3A_747] : memref<10240x128xf32, #tpu.memory_space<vmem_shared>> -> memref<10240x128xf32, #tpu.memory_space<vmem_shared>>
        tpu.enqueue_indirect_dma source(%arg7 : memref<64x128xf32, #tpu.memory_space<vmem>>) target(%dma_start3A_748 : memref<10240x128xf32, #tpu.memory_space<vmem_shared>>) offsets(%dma_start3A_745 : memref<64xi32, #tpu.memory_space<vmem>>) semaphore(%run_scoped3A_742 : memref<!tpu.dma_semaphore, #tpu.memory_space<semaphore_mem>>) {add = true}
        %dma_wait3A_749 = arith.constant 0 : i32
        %dma_wait3A_750 = tpu.memref_slice %arg5[%run_scoped3A_243, %run_scoped3A_244, %dma_wait3A_749] : memref<2x16x64xi32, #tpu.memory_space<vmem>> -> memref<1x1x64xi32, #tpu.memory_space<vmem>>
        %dma_wait3A_751 = tpu.memref_squeeze %dma_wait3A_750 : memref<1x1x64xi32, #tpu.memory_space<vmem>> -> memref<64xi32, #tpu.memory_space<vmem>>
        %dma_wait3A_752 = arith.constant 0 : i32
        %dma_wait3A_753 = arith.constant 0 : i32
        %dma_wait3A_754 = tpu.memref_slice %arg11[%dma_wait3A_752, %dma_wait3A_753] : memref<10240x128xf32, #tpu.memory_space<vmem_shared>> -> memref<10240x128xf32, #tpu.memory_space<vmem_shared>>
        tpu.wait_indirect_dma semaphore(%run_scoped3A_742 : memref<!tpu.dma_semaphore, #tpu.memory_space<semaphore_mem>>) src(%arg7 : memref<64x128xf32, #tpu.memory_space<vmem>>) dst(%dma_wait3A_754 : memref<10240x128xf32, #tpu.memory_space<vmem_shared>>)
        tpu.yield
      }) : () -> ()
      %dma_start3A_245 = arith.constant 0 : i32
      %dma_start3A_246 = arith.constant 8 : i32
      %dma_start3A_247 = arith.constant 0 : i32
      %dma_start3A_248 = tpu.memref_slice %arg5[%dma_start3A_245, %dma_start3A_246, %dma_start3A_247] : memref<2x16x64xi32, #tpu.memory_space<vmem>> -> memref<1x1x64xi32, #tpu.memory_space<vmem>>
      %dma_start3A_249 = tpu.memref_squeeze %dma_start3A_248 : memref<1x1x64xi32, #tpu.memory_space<vmem>> -> memref<64xi32, #tpu.memory_space<vmem>>
      %dma_start3A_250 = arith.constant 0 : i32
      %dma_start3A_251 = arith.constant 0 : i32
      %dma_start3A_252 = tpu.memref_slice %arg3[%dma_start3A_250, %dma_start3A_251] : memref<10000x128xf32, #tpu.memory_space<hbm>> -> memref<10000x128xf32, #tpu.memory_space<hbm>>
      tpu.enqueue_indirect_dma source(%dma_start3A_252 : memref<10000x128xf32, #tpu.memory_space<hbm>>) target(%arg7 : memref<64x128xf32, #tpu.memory_space<vmem>>) offsets(%dma_start3A_249 : memref<64xi32, #tpu.memory_space<vmem>>) semaphore(%arg13 : memref<!tpu.dma_semaphore, #tpu.memory_space<semaphore_mem>>)
      %dma_wait3A_253 = arith.constant 0 : i32
      %dma_wait3A_254 = arith.constant 5 : i32
      %dma_wait3A_255 = arith.constant 0 : i32
      %dma_wait3A_256 = tpu.memref_slice %arg5[%dma_wait3A_253, %dma_wait3A_254, %dma_wait3A_255] : memref<2x16x64xi32, #tpu.memory_space<vmem>> -> memref<1x1x64xi32, #tpu.memory_space<vmem>>
      %dma_wait3A_257 = tpu.memref_squeeze %dma_wait3A_256 : memref<1x1x64xi32, #tpu.memory_space<vmem>> -> memref<64xi32, #tpu.memory_space<vmem>>
      %dma_wait3A_258 = arith.constant 0 : i32
      %dma_wait3A_259 = arith.constant 0 : i32
      %dma_wait3A_260 = tpu.memref_slice %arg3[%dma_wait3A_258, %dma_wait3A_259] : memref<10000x128xf32, #tpu.memory_space<hbm>> -> memref<10000x128xf32, #tpu.memory_space<hbm>>
      tpu.wait_indirect_dma semaphore(%arg14 : memref<!tpu.dma_semaphore, #tpu.memory_space<semaphore_mem>>) src(%dma_wait3A_260 : memref<10000x128xf32, #tpu.memory_space<hbm>>) dst(%arg8 : memref<64x128xf32, #tpu.memory_space<vmem>>)
      %run_scoped3A_261 = arith.constant 1 : i32
      %run_scoped3A_262 = arith.constant 5 : i32
      "tpu.region"() ({
        %run_scoped3A_742 = tpu.sem_alloc : memref<!tpu.dma_semaphore, #tpu.memory_space<semaphore_mem>>
        %dma_start3A_743 = arith.constant 0 : i32
        %dma_start3A_744 = tpu.memref_slice %arg5[%run_scoped3A_261, %run_scoped3A_262, %dma_start3A_743] : memref<2x16x64xi32, #tpu.memory_space<vmem>> -> memref<1x1x64xi32, #tpu.memory_space<vmem>>
        %dma_start3A_745 = tpu.memref_squeeze %dma_start3A_744 : memref<1x1x64xi32, #tpu.memory_space<vmem>> -> memref<64xi32, #tpu.memory_space<vmem>>
        %dma_start3A_746 = arith.constant 0 : i32
        %dma_start3A_747 = arith.constant 0 : i32
        %dma_start3A_748 = tpu.memref_slice %arg11[%dma_start3A_746, %dma_start3A_747] : memref<10240x128xf32, #tpu.memory_space<vmem_shared>> -> memref<10240x128xf32, #tpu.memory_space<vmem_shared>>
        tpu.enqueue_indirect_dma source(%arg8 : memref<64x128xf32, #tpu.memory_space<vmem>>) target(%dma_start3A_748 : memref<10240x128xf32, #tpu.memory_space<vmem_shared>>) offsets(%dma_start3A_745 : memref<64xi32, #tpu.memory_space<vmem>>) semaphore(%run_scoped3A_742 : memref<!tpu.dma_semaphore, #tpu.memory_space<semaphore_mem>>) {add = true}
        %dma_wait3A_749 = arith.constant 0 : i32
        %dma_wait3A_750 = tpu.memref_slice %arg5[%run_scoped3A_261, %run_scoped3A_262, %dma_wait3A_749] : memref<2x16x64xi32, #tpu.memory_space<vmem>> -> memref<1x1x64xi32, #tpu.memory_space<vmem>>
        %dma_wait3A_751 = tpu.memref_squeeze %dma_wait3A_750 : memref<1x1x64xi32, #tpu.memory_space<vmem>> -> memref<64xi32, #tpu.memory_space<vmem>>
        %dma_wait3A_752 = arith.constant 0 : i32
        %dma_wait3A_753 = arith.constant 0 : i32
        %dma_wait3A_754 = tpu.memref_slice %arg11[%dma_wait3A_752, %dma_wait3A_753] : memref<10240x128xf32, #tpu.memory_space<vmem_shared>> -> memref<10240x128xf32, #tpu.memory_space<vmem_shared>>
        tpu.wait_indirect_dma semaphore(%run_scoped3A_742 : memref<!tpu.dma_semaphore, #tpu.memory_space<semaphore_mem>>) src(%arg8 : memref<64x128xf32, #tpu.memory_space<vmem>>) dst(%dma_wait3A_754 : memref<10240x128xf32, #tpu.memory_space<vmem_shared>>)
        tpu.yield
      }) : () -> ()
      %dma_start3A_263 = arith.constant 0 : i32
      %dma_start3A_264 = arith.constant 9 : i32
      %dma_start3A_265 = arith.constant 0 : i32
      %dma_start3A_266 = tpu.memref_slice %arg5[%dma_start3A_263, %dma_start3A_264, %dma_start3A_265] : memref<2x16x64xi32, #tpu.memory_space<vmem>> -> memref<1x1x64xi32, #tpu.memory_space<vmem>>
      %dma_start3A_267 = tpu.memref_squeeze %dma_start3A_266 : memref<1x1x64xi32, #tpu.memory_space<vmem>> -> memref<64xi32, #tpu.memory_space<vmem>>
      %dma_start3A_268 = arith.constant 0 : i32
      %dma_start3A_269 = arith.constant 0 : i32
      %dma_start3A_270 = tpu.memref_slice %arg3[%dma_start3A_268, %dma_start3A_269] : memref<10000x128xf32, #tpu.memory_space<hbm>> -> memref<10000x128xf32, #tpu.memory_space<hbm>>
      tpu.enqueue_indirect_dma source(%dma_start3A_270 : memref<10000x128xf32, #tpu.memory_space<hbm>>) target(%arg8 : memref<64x128xf32, #tpu.memory_space<vmem>>) offsets(%dma_start3A_267 : memref<64xi32, #tpu.memory_space<vmem>>) semaphore(%arg14 : memref<!tpu.dma_semaphore, #tpu.memory_space<semaphore_mem>>)
      %dma_wait3A_271 = arith.constant 0 : i32
      %dma_wait3A_272 = arith.constant 6 : i32
      %dma_wait3A_273 = arith.constant 0 : i32
      %dma_wait3A_274 = tpu.memref_slice %arg5[%dma_wait3A_271, %dma_wait3A_272, %dma_wait3A_273] : memref<2x16x64xi32, #tpu.memory_space<vmem>> -> memref<1x1x64xi32, #tpu.memory_space<vmem>>
      %dma_wait3A_275 = tpu.memref_squeeze %dma_wait3A_274 : memref<1x1x64xi32, #tpu.memory_space<vmem>> -> memref<64xi32, #tpu.memory_space<vmem>>
      %dma_wait3A_276 = arith.constant 0 : i32
      %dma_wait3A_277 = arith.constant 0 : i32
      %dma_wait3A_278 = tpu.memref_slice %arg3[%dma_wait3A_276, %dma_wait3A_277] : memref<10000x128xf32, #tpu.memory_space<hbm>> -> memref<10000x128xf32, #tpu.memory_space<hbm>>
      tpu.wait_indirect_dma semaphore(%arg15 : memref<!tpu.dma_semaphore, #tpu.memory_space<semaphore_mem>>) src(%dma_wait3A_278 : memref<10000x128xf32, #tpu.memory_space<hbm>>) dst(%arg9 : memref<64x128xf32, #tpu.memory_space<vmem>>)
      %run_scoped3A_279 = arith.constant 1 : i32
      %run_scoped3A_280 = arith.constant 6 : i32
      "tpu.region"() ({
        %run_scoped3A_742 = tpu.sem_alloc : memref<!tpu.dma_semaphore, #tpu.memory_space<semaphore_mem>>
        %dma_start3A_743 = arith.constant 0 : i32
        %dma_start3A_744 = tpu.memref_slice %arg5[%run_scoped3A_279, %run_scoped3A_280, %dma_start3A_743] : memref<2x16x64xi32, #tpu.memory_space<vmem>> -> memref<1x1x64xi32, #tpu.memory_space<vmem>>
        %dma_start3A_745 = tpu.memref_squeeze %dma_start3A_744 : memref<1x1x64xi32, #tpu.memory_space<vmem>> -> memref<64xi32, #tpu.memory_space<vmem>>
        %dma_start3A_746 = arith.constant 0 : i32
        %dma_start3A_747 = arith.constant 0 : i32
        %dma_start3A_748 = tpu.memref_slice %arg11[%dma_start3A_746, %dma_start3A_747] : memref<10240x128xf32, #tpu.memory_space<vmem_shared>> -> memref<10240x128xf32, #tpu.memory_space<vmem_shared>>
        tpu.enqueue_indirect_dma source(%arg9 : memref<64x128xf32, #tpu.memory_space<vmem>>) target(%dma_start3A_748 : memref<10240x128xf32, #tpu.memory_space<vmem_shared>>) offsets(%dma_start3A_745 : memref<64xi32, #tpu.memory_space<vmem>>) semaphore(%run_scoped3A_742 : memref<!tpu.dma_semaphore, #tpu.memory_space<semaphore_mem>>) {add = true}
        %dma_wait3A_749 = arith.constant 0 : i32
        %dma_wait3A_750 = tpu.memref_slice %arg5[%run_scoped3A_279, %run_scoped3A_280, %dma_wait3A_749] : memref<2x16x64xi32, #tpu.memory_space<vmem>> -> memref<1x1x64xi32, #tpu.memory_space<vmem>>
        %dma_wait3A_751 = tpu.memref_squeeze %dma_wait3A_750 : memref<1x1x64xi32, #tpu.memory_space<vmem>> -> memref<64xi32, #tpu.memory_space<vmem>>
        %dma_wait3A_752 = arith.constant 0 : i32
        %dma_wait3A_753 = arith.constant 0 : i32
        %dma_wait3A_754 = tpu.memref_slice %arg11[%dma_wait3A_752, %dma_wait3A_753] : memref<10240x128xf32, #tpu.memory_space<vmem_shared>> -> memref<10240x128xf32, #tpu.memory_space<vmem_shared>>
        tpu.wait_indirect_dma semaphore(%run_scoped3A_742 : memref<!tpu.dma_semaphore, #tpu.memory_space<semaphore_mem>>) src(%arg9 : memref<64x128xf32, #tpu.memory_space<vmem>>) dst(%dma_wait3A_754 : memref<10240x128xf32, #tpu.memory_space<vmem_shared>>)
        tpu.yield
      }) : () -> ()
      %dma_start3A_281 = arith.constant 0 : i32
      %dma_start3A_282 = arith.constant 10 : i32
      %dma_start3A_283 = arith.constant 0 : i32
      %dma_start3A_284 = tpu.memref_slice %arg5[%dma_start3A_281, %dma_start3A_282, %dma_start3A_283] : memref<2x16x64xi32, #tpu.memory_space<vmem>> -> memref<1x1x64xi32, #tpu.memory_space<vmem>>
      %dma_start3A_285 = tpu.memref_squeeze %dma_start3A_284 : memref<1x1x64xi32, #tpu.memory_space<vmem>> -> memref<64xi32, #tpu.memory_space<vmem>>
      %dma_start3A_286 = arith.constant 0 : i32
      %dma_start3A_287 = arith.constant 0 : i32
      %dma_start3A_288 = tpu.memref_slice %arg3[%dma_start3A_286, %dma_start3A_287] : memref<10000x128xf32, #tpu.memory_space<hbm>> -> memref<10000x128xf32, #tpu.memory_space<hbm>>
      tpu.enqueue_indirect_dma source(%dma_start3A_288 : memref<10000x128xf32, #tpu.memory_space<hbm>>) target(%arg9 : memref<64x128xf32, #tpu.memory_space<vmem>>) offsets(%dma_start3A_285 : memref<64xi32, #tpu.memory_space<vmem>>) semaphore(%arg15 : memref<!tpu.dma_semaphore, #tpu.memory_space<semaphore_mem>>)
      %dma_wait3A_289 = arith.constant 0 : i32
      %dma_wait3A_290 = arith.constant 7 : i32
      %dma_wait3A_291 = arith.constant 0 : i32
      %dma_wait3A_292 = tpu.memref_slice %arg5[%dma_wait3A_289, %dma_wait3A_290, %dma_wait3A_291] : memref<2x16x64xi32, #tpu.memory_space<vmem>> -> memref<1x1x64xi32, #tpu.memory_space<vmem>>
      %dma_wait3A_293 = tpu.memref_squeeze %dma_wait3A_292 : memref<1x1x64xi32, #tpu.memory_space<vmem>> -> memref<64xi32, #tpu.memory_space<vmem>>
      %dma_wait3A_294 = arith.constant 0 : i32
      %dma_wait3A_295 = arith.constant 0 : i32
      %dma_wait3A_296 = tpu.memref_slice %arg3[%dma_wait3A_294, %dma_wait3A_295] : memref<10000x128xf32, #tpu.memory_space<hbm>> -> memref<10000x128xf32, #tpu.memory_space<hbm>>
      tpu.wait_indirect_dma semaphore(%arg16 : memref<!tpu.dma_semaphore, #tpu.memory_space<semaphore_mem>>) src(%dma_wait3A_296 : memref<10000x128xf32, #tpu.memory_space<hbm>>) dst(%arg10 : memref<64x128xf32, #tpu.memory_space<vmem>>)
      %run_scoped3A_297 = arith.constant 1 : i32
      %run_scoped3A_298 = arith.constant 7 : i32
      "tpu.region"() ({
        %run_scoped3A_742 = tpu.sem_alloc : memref<!tpu.dma_semaphore, #tpu.memory_space<semaphore_mem>>
        %dma_start3A_743 = arith.constant 0 : i32
        %dma_start3A_744 = tpu.memref_slice %arg5[%run_scoped3A_297, %run_scoped3A_298, %dma_start3A_743] : memref<2x16x64xi32, #tpu.memory_space<vmem>> -> memref<1x1x64xi32, #tpu.memory_space<vmem>>
        %dma_start3A_745 = tpu.memref_squeeze %dma_start3A_744 : memref<1x1x64xi32, #tpu.memory_space<vmem>> -> memref<64xi32, #tpu.memory_space<vmem>>
        %dma_start3A_746 = arith.constant 0 : i32
        %dma_start3A_747 = arith.constant 0 : i32
        %dma_start3A_748 = tpu.memref_slice %arg11[%dma_start3A_746, %dma_start3A_747] : memref<10240x128xf32, #tpu.memory_space<vmem_shared>> -> memref<10240x128xf32, #tpu.memory_space<vmem_shared>>
        tpu.enqueue_indirect_dma source(%arg10 : memref<64x128xf32, #tpu.memory_space<vmem>>) target(%dma_start3A_748 : memref<10240x128xf32, #tpu.memory_space<vmem_shared>>) offsets(%dma_start3A_745 : memref<64xi32, #tpu.memory_space<vmem>>) semaphore(%run_scoped3A_742 : memref<!tpu.dma_semaphore, #tpu.memory_space<semaphore_mem>>) {add = true}
        %dma_wait3A_749 = arith.constant 0 : i32
        %dma_wait3A_750 = tpu.memref_slice %arg5[%run_scoped3A_297, %run_scoped3A_298, %dma_wait3A_749] : memref<2x16x64xi32, #tpu.memory_space<vmem>> -> memref<1x1x64xi32, #tpu.memory_space<vmem>>
        %dma_wait3A_751 = tpu.memref_squeeze %dma_wait3A_750 : memref<1x1x64xi32, #tpu.memory_space<vmem>> -> memref<64xi32, #tpu.memory_space<vmem>>
        %dma_wait3A_752 = arith.constant 0 : i32
        %dma_wait3A_753 = arith.constant 0 : i32
        %dma_wait3A_754 = tpu.memref_slice %arg11[%dma_wait3A_752, %dma_wait3A_753] : memref<10240x128xf32, #tpu.memory_space<vmem_shared>> -> memref<10240x128xf32, #tpu.memory_space<vmem_shared>>
        tpu.wait_indirect_dma semaphore(%run_scoped3A_742 : memref<!tpu.dma_semaphore, #tpu.memory_space<semaphore_mem>>) src(%arg10 : memref<64x128xf32, #tpu.memory_space<vmem>>) dst(%dma_wait3A_754 : memref<10240x128xf32, #tpu.memory_space<vmem_shared>>)
        tpu.yield
      }) : () -> ()
      %dma_start3A_299 = arith.constant 0 : i32
      %dma_start3A_300 = arith.constant 11 : i32
      %dma_start3A_301 = arith.constant 0 : i32
      %dma_start3A_302 = tpu.memref_slice %arg5[%dma_start3A_299, %dma_start3A_300, %dma_start3A_301] : memref<2x16x64xi32, #tpu.memory_space<vmem>> -> memref<1x1x64xi32, #tpu.memory_space<vmem>>
      %dma_start3A_303 = tpu.memref_squeeze %dma_start3A_302 : memref<1x1x64xi32, #tpu.memory_space<vmem>> -> memref<64xi32, #tpu.memory_space<vmem>>
      %dma_start3A_304 = arith.constant 0 : i32
      %dma_start3A_305 = arith.constant 0 : i32
      %dma_start3A_306 = tpu.memref_slice %arg3[%dma_start3A_304, %dma_start3A_305] : memref<10000x128xf32, #tpu.memory_space<hbm>> -> memref<10000x128xf32, #tpu.memory_space<hbm>>
      tpu.enqueue_indirect_dma source(%dma_start3A_306 : memref<10000x128xf32, #tpu.memory_space<hbm>>) target(%arg10 : memref<64x128xf32, #tpu.memory_space<vmem>>) offsets(%dma_start3A_303 : memref<64xi32, #tpu.memory_space<vmem>>) semaphore(%arg16 : memref<!tpu.dma_semaphore, #tpu.memory_space<semaphore_mem>>)
      %dma_wait3A_307 = arith.constant 0 : i32
      %dma_wait3A_308 = arith.constant 8 : i32
      %dma_wait3A_309 = arith.constant 0 : i32
      %dma_wait3A_310 = tpu.memref_slice %arg5[%dma_wait3A_307, %dma_wait3A_308, %dma_wait3A_309] : memref<2x16x64xi32, #tpu.memory_space<vmem>> -> memref<1x1x64xi32, #tpu.memory_space<vmem>>
      %dma_wait3A_311 = tpu.memref_squeeze %dma_wait3A_310 : memref<1x1x64xi32, #tpu.memory_space<vmem>> -> memref<64xi32, #tpu.memory_space<vmem>>
      %dma_wait3A_312 = arith.constant 0 : i32
      %dma_wait3A_313 = arith.constant 0 : i32
      %dma_wait3A_314 = tpu.memref_slice %arg3[%dma_wait3A_312, %dma_wait3A_313] : memref<10000x128xf32, #tpu.memory_space<hbm>> -> memref<10000x128xf32, #tpu.memory_space<hbm>>
      tpu.wait_indirect_dma semaphore(%arg13 : memref<!tpu.dma_semaphore, #tpu.memory_space<semaphore_mem>>) src(%dma_wait3A_314 : memref<10000x128xf32, #tpu.memory_space<hbm>>) dst(%arg7 : memref<64x128xf32, #tpu.memory_space<vmem>>)
      %run_scoped3A_315 = arith.constant 1 : i32
      %run_scoped3A_316 = arith.constant 8 : i32
      "tpu.region"() ({
        %run_scoped3A_742 = tpu.sem_alloc : memref<!tpu.dma_semaphore, #tpu.memory_space<semaphore_mem>>
        %dma_start3A_743 = arith.constant 0 : i32
        %dma_start3A_744 = tpu.memref_slice %arg5[%run_scoped3A_315, %run_scoped3A_316, %dma_start3A_743] : memref<2x16x64xi32, #tpu.memory_space<vmem>> -> memref<1x1x64xi32, #tpu.memory_space<vmem>>
        %dma_start3A_745 = tpu.memref_squeeze %dma_start3A_744 : memref<1x1x64xi32, #tpu.memory_space<vmem>> -> memref<64xi32, #tpu.memory_space<vmem>>
        %dma_start3A_746 = arith.constant 0 : i32
        %dma_start3A_747 = arith.constant 0 : i32
        %dma_start3A_748 = tpu.memref_slice %arg11[%dma_start3A_746, %dma_start3A_747] : memref<10240x128xf32, #tpu.memory_space<vmem_shared>> -> memref<10240x128xf32, #tpu.memory_space<vmem_shared>>
        tpu.enqueue_indirect_dma source(%arg7 : memref<64x128xf32, #tpu.memory_space<vmem>>) target(%dma_start3A_748 : memref<10240x128xf32, #tpu.memory_space<vmem_shared>>) offsets(%dma_start3A_745 : memref<64xi32, #tpu.memory_space<vmem>>) semaphore(%run_scoped3A_742 : memref<!tpu.dma_semaphore, #tpu.memory_space<semaphore_mem>>) {add = true}
        %dma_wait3A_749 = arith.constant 0 : i32
        %dma_wait3A_750 = tpu.memref_slice %arg5[%run_scoped3A_315, %run_scoped3A_316, %dma_wait3A_749] : memref<2x16x64xi32, #tpu.memory_space<vmem>> -> memref<1x1x64xi32, #tpu.memory_space<vmem>>
        %dma_wait3A_751 = tpu.memref_squeeze %dma_wait3A_750 : memref<1x1x64xi32, #tpu.memory_space<vmem>> -> memref<64xi32, #tpu.memory_space<vmem>>
        %dma_wait3A_752 = arith.constant 0 : i32
        %dma_wait3A_753 = arith.constant 0 : i32
        %dma_wait3A_754 = tpu.memref_slice %arg11[%dma_wait3A_752, %dma_wait3A_753] : memref<10240x128xf32, #tpu.memory_space<vmem_shared>> -> memref<10240x128xf32, #tpu.memory_space<vmem_shared>>
        tpu.wait_indirect_dma semaphore(%run_scoped3A_742 : memref<!tpu.dma_semaphore, #tpu.memory_space<semaphore_mem>>) src(%arg7 : memref<64x128xf32, #tpu.memory_space<vmem>>) dst(%dma_wait3A_754 : memref<10240x128xf32, #tpu.memory_space<vmem_shared>>)
        tpu.yield
      }) : () -> ()
      %dma_start3A_317 = arith.constant 0 : i32
      %dma_start3A_318 = arith.constant 12 : i32
      %dma_start3A_319 = arith.constant 0 : i32
      %dma_start3A_320 = tpu.memref_slice %arg5[%dma_start3A_317, %dma_start3A_318, %dma_start3A_319] : memref<2x16x64xi32, #tpu.memory_space<vmem>> -> memref<1x1x64xi32, #tpu.memory_space<vmem>>
      %dma_start3A_321 = tpu.memref_squeeze %dma_start3A_320 : memref<1x1x64xi32, #tpu.memory_space<vmem>> -> memref<64xi32, #tpu.memory_space<vmem>>
      %dma_start3A_322 = arith.constant 0 : i32
      %dma_start3A_323 = arith.constant 0 : i32
      %dma_start3A_324 = tpu.memref_slice %arg3[%dma_start3A_322, %dma_start3A_323] : memref<10000x128xf32, #tpu.memory_space<hbm>> -> memref<10000x128xf32, #tpu.memory_space<hbm>>
      tpu.enqueue_indirect_dma source(%dma_start3A_324 : memref<10000x128xf32, #tpu.memory_space<hbm>>) target(%arg7 : memref<64x128xf32, #tpu.memory_space<vmem>>) offsets(%dma_start3A_321 : memref<64xi32, #tpu.memory_space<vmem>>) semaphore(%arg13 : memref<!tpu.dma_semaphore, #tpu.memory_space<semaphore_mem>>)
      %dma_wait3A_325 = arith.constant 0 : i32
      %dma_wait3A_326 = arith.constant 9 : i32
      %dma_wait3A_327 = arith.constant 0 : i32
      %dma_wait3A_328 = tpu.memref_slice %arg5[%dma_wait3A_325, %dma_wait3A_326, %dma_wait3A_327] : memref<2x16x64xi32, #tpu.memory_space<vmem>> -> memref<1x1x64xi32, #tpu.memory_space<vmem>>
      %dma_wait3A_329 = tpu.memref_squeeze %dma_wait3A_328 : memref<1x1x64xi32, #tpu.memory_space<vmem>> -> memref<64xi32, #tpu.memory_space<vmem>>
      %dma_wait3A_330 = arith.constant 0 : i32
      %dma_wait3A_331 = arith.constant 0 : i32
      %dma_wait3A_332 = tpu.memref_slice %arg3[%dma_wait3A_330, %dma_wait3A_331] : memref<10000x128xf32, #tpu.memory_space<hbm>> -> memref<10000x128xf32, #tpu.memory_space<hbm>>
      tpu.wait_indirect_dma semaphore(%arg14 : memref<!tpu.dma_semaphore, #tpu.memory_space<semaphore_mem>>) src(%dma_wait3A_332 : memref<10000x128xf32, #tpu.memory_space<hbm>>) dst(%arg8 : memref<64x128xf32, #tpu.memory_space<vmem>>)
      %run_scoped3A_333 = arith.constant 1 : i32
      %run_scoped3A_334 = arith.constant 9 : i32
      "tpu.region"() ({
        %run_scoped3A_742 = tpu.sem_alloc : memref<!tpu.dma_semaphore, #tpu.memory_space<semaphore_mem>>
        %dma_start3A_743 = arith.constant 0 : i32
        %dma_start3A_744 = tpu.memref_slice %arg5[%run_scoped3A_333, %run_scoped3A_334, %dma_start3A_743] : memref<2x16x64xi32, #tpu.memory_space<vmem>> -> memref<1x1x64xi32, #tpu.memory_space<vmem>>
        %dma_start3A_745 = tpu.memref_squeeze %dma_start3A_744 : memref<1x1x64xi32, #tpu.memory_space<vmem>> -> memref<64xi32, #tpu.memory_space<vmem>>
        %dma_start3A_746 = arith.constant 0 : i32
        %dma_start3A_747 = arith.constant 0 : i32
        %dma_start3A_748 = tpu.memref_slice %arg11[%dma_start3A_746, %dma_start3A_747] : memref<10240x128xf32, #tpu.memory_space<vmem_shared>> -> memref<10240x128xf32, #tpu.memory_space<vmem_shared>>
        tpu.enqueue_indirect_dma source(%arg8 : memref<64x128xf32, #tpu.memory_space<vmem>>) target(%dma_start3A_748 : memref<10240x128xf32, #tpu.memory_space<vmem_shared>>) offsets(%dma_start3A_745 : memref<64xi32, #tpu.memory_space<vmem>>) semaphore(%run_scoped3A_742 : memref<!tpu.dma_semaphore, #tpu.memory_space<semaphore_mem>>) {add = true}
        %dma_wait3A_749 = arith.constant 0 : i32
        %dma_wait3A_750 = tpu.memref_slice %arg5[%run_scoped3A_333, %run_scoped3A_334, %dma_wait3A_749] : memref<2x16x64xi32, #tpu.memory_space<vmem>> -> memref<1x1x64xi32, #tpu.memory_space<vmem>>
        %dma_wait3A_751 = tpu.memref_squeeze %dma_wait3A_750 : memref<1x1x64xi32, #tpu.memory_space<vmem>> -> memref<64xi32, #tpu.memory_space<vmem>>
        %dma_wait3A_752 = arith.constant 0 : i32
        %dma_wait3A_753 = arith.constant 0 : i32
        %dma_wait3A_754 = tpu.memref_slice %arg11[%dma_wait3A_752, %dma_wait3A_753] : memref<10240x128xf32, #tpu.memory_space<vmem_shared>> -> memref<10240x128xf32, #tpu.memory_space<vmem_shared>>
        tpu.wait_indirect_dma semaphore(%run_scoped3A_742 : memref<!tpu.dma_semaphore, #tpu.memory_space<semaphore_mem>>) src(%arg8 : memref<64x128xf32, #tpu.memory_space<vmem>>) dst(%dma_wait3A_754 : memref<10240x128xf32, #tpu.memory_space<vmem_shared>>)
        tpu.yield
      }) : () -> ()
      %dma_start3A_335 = arith.constant 0 : i32
      %dma_start3A_336 = arith.constant 13 : i32
      %dma_start3A_337 = arith.constant 0 : i32
      %dma_start3A_338 = tpu.memref_slice %arg5[%dma_start3A_335, %dma_start3A_336, %dma_start3A_337] : memref<2x16x64xi32, #tpu.memory_space<vmem>> -> memref<1x1x64xi32, #tpu.memory_space<vmem>>
      %dma_start3A_339 = tpu.memref_squeeze %dma_start3A_338 : memref<1x1x64xi32, #tpu.memory_space<vmem>> -> memref<64xi32, #tpu.memory_space<vmem>>
      %dma_start3A_340 = arith.constant 0 : i32
      %dma_start3A_341 = arith.constant 0 : i32
      %dma_start3A_342 = tpu.memref_slice %arg3[%dma_start3A_340, %dma_start3A_341] : memref<10000x128xf32, #tpu.memory_space<hbm>> -> memref<10000x128xf32, #tpu.memory_space<hbm>>
      tpu.enqueue_indirect_dma source(%dma_start3A_342 : memref<10000x128xf32, #tpu.memory_space<hbm>>) target(%arg8 : memref<64x128xf32, #tpu.memory_space<vmem>>) offsets(%dma_start3A_339 : memref<64xi32, #tpu.memory_space<vmem>>) semaphore(%arg14 : memref<!tpu.dma_semaphore, #tpu.memory_space<semaphore_mem>>)
      %dma_wait3A_343 = arith.constant 0 : i32
      %dma_wait3A_344 = arith.constant 10 : i32
      %dma_wait3A_345 = arith.constant 0 : i32
      %dma_wait3A_346 = tpu.memref_slice %arg5[%dma_wait3A_343, %dma_wait3A_344, %dma_wait3A_345] : memref<2x16x64xi32, #tpu.memory_space<vmem>> -> memref<1x1x64xi32, #tpu.memory_space<vmem>>
      %dma_wait3A_347 = tpu.memref_squeeze %dma_wait3A_346 : memref<1x1x64xi32, #tpu.memory_space<vmem>> -> memref<64xi32, #tpu.memory_space<vmem>>
      %dma_wait3A_348 = arith.constant 0 : i32
      %dma_wait3A_349 = arith.constant 0 : i32
      %dma_wait3A_350 = tpu.memref_slice %arg3[%dma_wait3A_348, %dma_wait3A_349] : memref<10000x128xf32, #tpu.memory_space<hbm>> -> memref<10000x128xf32, #tpu.memory_space<hbm>>
      tpu.wait_indirect_dma semaphore(%arg15 : memref<!tpu.dma_semaphore, #tpu.memory_space<semaphore_mem>>) src(%dma_wait3A_350 : memref<10000x128xf32, #tpu.memory_space<hbm>>) dst(%arg9 : memref<64x128xf32, #tpu.memory_space<vmem>>)
      %run_scoped3A_351 = arith.constant 1 : i32
      %run_scoped3A_352 = arith.constant 10 : i32
      "tpu.region"() ({
        %run_scoped3A_742 = tpu.sem_alloc : memref<!tpu.dma_semaphore, #tpu.memory_space<semaphore_mem>>
        %dma_start3A_743 = arith.constant 0 : i32
        %dma_start3A_744 = tpu.memref_slice %arg5[%run_scoped3A_351, %run_scoped3A_352, %dma_start3A_743] : memref<2x16x64xi32, #tpu.memory_space<vmem>> -> memref<1x1x64xi32, #tpu.memory_space<vmem>>
        %dma_start3A_745 = tpu.memref_squeeze %dma_start3A_744 : memref<1x1x64xi32, #tpu.memory_space<vmem>> -> memref<64xi32, #tpu.memory_space<vmem>>
        %dma_start3A_746 = arith.constant 0 : i32
        %dma_start3A_747 = arith.constant 0 : i32
        %dma_start3A_748 = tpu.memref_slice %arg11[%dma_start3A_746, %dma_start3A_747] : memref<10240x128xf32, #tpu.memory_space<vmem_shared>> -> memref<10240x128xf32, #tpu.memory_space<vmem_shared>>
        tpu.enqueue_indirect_dma source(%arg9 : memref<64x128xf32, #tpu.memory_space<vmem>>) target(%dma_start3A_748 : memref<10240x128xf32, #tpu.memory_space<vmem_shared>>) offsets(%dma_start3A_745 : memref<64xi32, #tpu.memory_space<vmem>>) semaphore(%run_scoped3A_742 : memref<!tpu.dma_semaphore, #tpu.memory_space<semaphore_mem>>) {add = true}
        %dma_wait3A_749 = arith.constant 0 : i32
        %dma_wait3A_750 = tpu.memref_slice %arg5[%run_scoped3A_351, %run_scoped3A_352, %dma_wait3A_749] : memref<2x16x64xi32, #tpu.memory_space<vmem>> -> memref<1x1x64xi32, #tpu.memory_space<vmem>>
        %dma_wait3A_751 = tpu.memref_squeeze %dma_wait3A_750 : memref<1x1x64xi32, #tpu.memory_space<vmem>> -> memref<64xi32, #tpu.memory_space<vmem>>
        %dma_wait3A_752 = arith.constant 0 : i32
        %dma_wait3A_753 = arith.constant 0 : i32
        %dma_wait3A_754 = tpu.memref_slice %arg11[%dma_wait3A_752, %dma_wait3A_753] : memref<10240x128xf32, #tpu.memory_space<vmem_shared>> -> memref<10240x128xf32, #tpu.memory_space<vmem_shared>>
        tpu.wait_indirect_dma semaphore(%run_scoped3A_742 : memref<!tpu.dma_semaphore, #tpu.memory_space<semaphore_mem>>) src(%arg9 : memref<64x128xf32, #tpu.memory_space<vmem>>) dst(%dma_wait3A_754 : memref<10240x128xf32, #tpu.memory_space<vmem_shared>>)
        tpu.yield
      }) : () -> ()
      %dma_start3A_353 = arith.constant 0 : i32
      %dma_start3A_354 = arith.constant 14 : i32
      %dma_start3A_355 = arith.constant 0 : i32
      %dma_start3A_356 = tpu.memref_slice %arg5[%dma_start3A_353, %dma_start3A_354, %dma_start3A_355] : memref<2x16x64xi32, #tpu.memory_space<vmem>> -> memref<1x1x64xi32, #tpu.memory_space<vmem>>
      %dma_start3A_357 = tpu.memref_squeeze %dma_start3A_356 : memref<1x1x64xi32, #tpu.memory_space<vmem>> -> memref<64xi32, #tpu.memory_space<vmem>>
      %dma_start3A_358 = arith.constant 0 : i32
      %dma_start3A_359 = arith.constant 0 : i32
      %dma_start3A_360 = tpu.memref_slice %arg3[%dma_start3A_358, %dma_start3A_359] : memref<10000x128xf32, #tpu.memory_space<hbm>> -> memref<10000x128xf32, #tpu.memory_space<hbm>>
      tpu.enqueue_indirect_dma source(%dma_start3A_360 : memref<10000x128xf32, #tpu.memory_space<hbm>>) target(%arg9 : memref<64x128xf32, #tpu.memory_space<vmem>>) offsets(%dma_start3A_357 : memref<64xi32, #tpu.memory_space<vmem>>) semaphore(%arg15 : memref<!tpu.dma_semaphore, #tpu.memory_space<semaphore_mem>>)
      %dma_wait3A_361 = arith.constant 0 : i32
      %dma_wait3A_362 = arith.constant 11 : i32
      %dma_wait3A_363 = arith.constant 0 : i32
      %dma_wait3A_364 = tpu.memref_slice %arg5[%dma_wait3A_361, %dma_wait3A_362, %dma_wait3A_363] : memref<2x16x64xi32, #tpu.memory_space<vmem>> -> memref<1x1x64xi32, #tpu.memory_space<vmem>>
      %dma_wait3A_365 = tpu.memref_squeeze %dma_wait3A_364 : memref<1x1x64xi32, #tpu.memory_space<vmem>> -> memref<64xi32, #tpu.memory_space<vmem>>
      %dma_wait3A_366 = arith.constant 0 : i32
      %dma_wait3A_367 = arith.constant 0 : i32
      %dma_wait3A_368 = tpu.memref_slice %arg3[%dma_wait3A_366, %dma_wait3A_367] : memref<10000x128xf32, #tpu.memory_space<hbm>> -> memref<10000x128xf32, #tpu.memory_space<hbm>>
      tpu.wait_indirect_dma semaphore(%arg16 : memref<!tpu.dma_semaphore, #tpu.memory_space<semaphore_mem>>) src(%dma_wait3A_368 : memref<10000x128xf32, #tpu.memory_space<hbm>>) dst(%arg10 : memref<64x128xf32, #tpu.memory_space<vmem>>)
      %run_scoped3A_369 = arith.constant 1 : i32
      %run_scoped3A_370 = arith.constant 11 : i32
      "tpu.region"() ({
        %run_scoped3A_742 = tpu.sem_alloc : memref<!tpu.dma_semaphore, #tpu.memory_space<semaphore_mem>>
        %dma_start3A_743 = arith.constant 0 : i32
        %dma_start3A_744 = tpu.memref_slice %arg5[%run_scoped3A_369, %run_scoped3A_370, %dma_start3A_743] : memref<2x16x64xi32, #tpu.memory_space<vmem>> -> memref<1x1x64xi32, #tpu.memory_space<vmem>>
        %dma_start3A_745 = tpu.memref_squeeze %dma_start3A_744 : memref<1x1x64xi32, #tpu.memory_space<vmem>> -> memref<64xi32, #tpu.memory_space<vmem>>
        %dma_start3A_746 = arith.constant 0 : i32
        %dma_start3A_747 = arith.constant 0 : i32
        %dma_start3A_748 = tpu.memref_slice %arg11[%dma_start3A_746, %dma_start3A_747] : memref<10240x128xf32, #tpu.memory_space<vmem_shared>> -> memref<10240x128xf32, #tpu.memory_space<vmem_shared>>
        tpu.enqueue_indirect_dma source(%arg10 : memref<64x128xf32, #tpu.memory_space<vmem>>) target(%dma_start3A_748 : memref<10240x128xf32, #tpu.memory_space<vmem_shared>>) offsets(%dma_start3A_745 : memref<64xi32, #tpu.memory_space<vmem>>) semaphore(%run_scoped3A_742 : memref<!tpu.dma_semaphore, #tpu.memory_space<semaphore_mem>>) {add = true}
        %dma_wait3A_749 = arith.constant 0 : i32
        %dma_wait3A_750 = tpu.memref_slice %arg5[%run_scoped3A_369, %run_scoped3A_370, %dma_wait3A_749] : memref<2x16x64xi32, #tpu.memory_space<vmem>> -> memref<1x1x64xi32, #tpu.memory_space<vmem>>
        %dma_wait3A_751 = tpu.memref_squeeze %dma_wait3A_750 : memref<1x1x64xi32, #tpu.memory_space<vmem>> -> memref<64xi32, #tpu.memory_space<vmem>>
        %dma_wait3A_752 = arith.constant 0 : i32
        %dma_wait3A_753 = arith.constant 0 : i32
        %dma_wait3A_754 = tpu.memref_slice %arg11[%dma_wait3A_752, %dma_wait3A_753] : memref<10240x128xf32, #tpu.memory_space<vmem_shared>> -> memref<10240x128xf32, #tpu.memory_space<vmem_shared>>
        tpu.wait_indirect_dma semaphore(%run_scoped3A_742 : memref<!tpu.dma_semaphore, #tpu.memory_space<semaphore_mem>>) src(%arg10 : memref<64x128xf32, #tpu.memory_space<vmem>>) dst(%dma_wait3A_754 : memref<10240x128xf32, #tpu.memory_space<vmem_shared>>)
        tpu.yield
      }) : () -> ()
      %dma_start3A_371 = arith.constant 0 : i32
      %dma_start3A_372 = arith.constant 15 : i32
      %dma_start3A_373 = arith.constant 0 : i32
      %dma_start3A_374 = tpu.memref_slice %arg5[%dma_start3A_371, %dma_start3A_372, %dma_start3A_373] : memref<2x16x64xi32, #tpu.memory_space<vmem>> -> memref<1x1x64xi32, #tpu.memory_space<vmem>>
      %dma_start3A_375 = tpu.memref_squeeze %dma_start3A_374 : memref<1x1x64xi32, #tpu.memory_space<vmem>> -> memref<64xi32, #tpu.memory_space<vmem>>
      %dma_start3A_376 = arith.constant 0 : i32
      %dma_start3A_377 = arith.constant 0 : i32
      %dma_start3A_378 = tpu.memref_slice %arg3[%dma_start3A_376, %dma_start3A_377] : memref<10000x128xf32, #tpu.memory_space<hbm>> -> memref<10000x128xf32, #tpu.memory_space<hbm>>
      tpu.enqueue_indirect_dma source(%dma_start3A_378 : memref<10000x128xf32, #tpu.memory_space<hbm>>) target(%arg10 : memref<64x128xf32, #tpu.memory_space<vmem>>) offsets(%dma_start3A_375 : memref<64xi32, #tpu.memory_space<vmem>>) semaphore(%arg16 : memref<!tpu.dma_semaphore, #tpu.memory_space<semaphore_mem>>)
      %dma_wait3A_379 = arith.constant 0 : i32
      %dma_wait3A_380 = arith.constant 12 : i32
      %dma_wait3A_381 = arith.constant 0 : i32
      %dma_wait3A_382 = tpu.memref_slice %arg5[%dma_wait3A_379, %dma_wait3A_380, %dma_wait3A_381] : memref<2x16x64xi32, #tpu.memory_space<vmem>> -> memref<1x1x64xi32, #tpu.memory_space<vmem>>
      %dma_wait3A_383 = tpu.memref_squeeze %dma_wait3A_382 : memref<1x1x64xi32, #tpu.memory_space<vmem>> -> memref<64xi32, #tpu.memory_space<vmem>>
      %dma_wait3A_384 = arith.constant 0 : i32
      %dma_wait3A_385 = arith.constant 0 : i32
      %dma_wait3A_386 = tpu.memref_slice %arg3[%dma_wait3A_384, %dma_wait3A_385] : memref<10000x128xf32, #tpu.memory_space<hbm>> -> memref<10000x128xf32, #tpu.memory_space<hbm>>
      tpu.wait_indirect_dma semaphore(%arg13 : memref<!tpu.dma_semaphore, #tpu.memory_space<semaphore_mem>>) src(%dma_wait3A_386 : memref<10000x128xf32, #tpu.memory_space<hbm>>) dst(%arg7 : memref<64x128xf32, #tpu.memory_space<vmem>>)
      %run_scoped3A_387 = arith.constant 1 : i32
      %run_scoped3A_388 = arith.constant 12 : i32
      "tpu.region"() ({
        %run_scoped3A_742 = tpu.sem_alloc : memref<!tpu.dma_semaphore, #tpu.memory_space<semaphore_mem>>
        %dma_start3A_743 = arith.constant 0 : i32
        %dma_start3A_744 = tpu.memref_slice %arg5[%run_scoped3A_387, %run_scoped3A_388, %dma_start3A_743] : memref<2x16x64xi32, #tpu.memory_space<vmem>> -> memref<1x1x64xi32, #tpu.memory_space<vmem>>
        %dma_start3A_745 = tpu.memref_squeeze %dma_start3A_744 : memref<1x1x64xi32, #tpu.memory_space<vmem>> -> memref<64xi32, #tpu.memory_space<vmem>>
        %dma_start3A_746 = arith.constant 0 : i32
        %dma_start3A_747 = arith.constant 0 : i32
        %dma_start3A_748 = tpu.memref_slice %arg11[%dma_start3A_746, %dma_start3A_747] : memref<10240x128xf32, #tpu.memory_space<vmem_shared>> -> memref<10240x128xf32, #tpu.memory_space<vmem_shared>>
        tpu.enqueue_indirect_dma source(%arg7 : memref<64x128xf32, #tpu.memory_space<vmem>>) target(%dma_start3A_748 : memref<10240x128xf32, #tpu.memory_space<vmem_shared>>) offsets(%dma_start3A_745 : memref<64xi32, #tpu.memory_space<vmem>>) semaphore(%run_scoped3A_742 : memref<!tpu.dma_semaphore, #tpu.memory_space<semaphore_mem>>) {add = true}
        %dma_wait3A_749 = arith.constant 0 : i32
        %dma_wait3A_750 = tpu.memref_slice %arg5[%run_scoped3A_387, %run_scoped3A_388, %dma_wait3A_749] : memref<2x16x64xi32, #tpu.memory_space<vmem>> -> memref<1x1x64xi32, #tpu.memory_space<vmem>>
        %dma_wait3A_751 = tpu.memref_squeeze %dma_wait3A_750 : memref<1x1x64xi32, #tpu.memory_space<vmem>> -> memref<64xi32, #tpu.memory_space<vmem>>
        %dma_wait3A_752 = arith.constant 0 : i32
        %dma_wait3A_753 = arith.constant 0 : i32
        %dma_wait3A_754 = tpu.memref_slice %arg11[%dma_wait3A_752, %dma_wait3A_753] : memref<10240x128xf32, #tpu.memory_space<vmem_shared>> -> memref<10240x128xf32, #tpu.memory_space<vmem_shared>>
        tpu.wait_indirect_dma semaphore(%run_scoped3A_742 : memref<!tpu.dma_semaphore, #tpu.memory_space<semaphore_mem>>) src(%arg7 : memref<64x128xf32, #tpu.memory_space<vmem>>) dst(%dma_wait3A_754 : memref<10240x128xf32, #tpu.memory_space<vmem_shared>>)
        tpu.yield
      }) : () -> ()
      %dma_wait3A_389 = arith.constant 0 : i32
      %dma_wait3A_390 = arith.constant 13 : i32
      %dma_wait3A_391 = arith.constant 0 : i32
      %dma_wait3A_392 = tpu.memref_slice %arg5[%dma_wait3A_389, %dma_wait3A_390, %dma_wait3A_391] : memref<2x16x64xi32, #tpu.memory_space<vmem>> -> memref<1x1x64xi32, #tpu.memory_space<vmem>>
      %dma_wait3A_393 = tpu.memref_squeeze %dma_wait3A_392 : memref<1x1x64xi32, #tpu.memory_space<vmem>> -> memref<64xi32, #tpu.memory_space<vmem>>
      %dma_wait3A_394 = arith.constant 0 : i32
      %dma_wait3A_395 = arith.constant 0 : i32
      %dma_wait3A_396 = tpu.memref_slice %arg3[%dma_wait3A_394, %dma_wait3A_395] : memref<10000x128xf32, #tpu.memory_space<hbm>> -> memref<10000x128xf32, #tpu.memory_space<hbm>>
      tpu.wait_indirect_dma semaphore(%arg14 : memref<!tpu.dma_semaphore, #tpu.memory_space<semaphore_mem>>) src(%dma_wait3A_396 : memref<10000x128xf32, #tpu.memory_space<hbm>>) dst(%arg8 : memref<64x128xf32, #tpu.memory_space<vmem>>)
      %run_scoped3A_397 = arith.constant 1 : i32
      %run_scoped3A_398 = arith.constant 13 : i32
      "tpu.region"() ({
        %run_scoped3A_742 = tpu.sem_alloc : memref<!tpu.dma_semaphore, #tpu.memory_space<semaphore_mem>>
        %dma_start3A_743 = arith.constant 0 : i32
        %dma_start3A_744 = tpu.memref_slice %arg5[%run_scoped3A_397, %run_scoped3A_398, %dma_start3A_743] : memref<2x16x64xi32, #tpu.memory_space<vmem>> -> memref<1x1x64xi32, #tpu.memory_space<vmem>>
        %dma_start3A_745 = tpu.memref_squeeze %dma_start3A_744 : memref<1x1x64xi32, #tpu.memory_space<vmem>> -> memref<64xi32, #tpu.memory_space<vmem>>
        %dma_start3A_746 = arith.constant 0 : i32
        %dma_start3A_747 = arith.constant 0 : i32
        %dma_start3A_748 = tpu.memref_slice %arg11[%dma_start3A_746, %dma_start3A_747] : memref<10240x128xf32, #tpu.memory_space<vmem_shared>> -> memref<10240x128xf32, #tpu.memory_space<vmem_shared>>
        tpu.enqueue_indirect_dma source(%arg8 : memref<64x128xf32, #tpu.memory_space<vmem>>) target(%dma_start3A_748 : memref<10240x128xf32, #tpu.memory_space<vmem_shared>>) offsets(%dma_start3A_745 : memref<64xi32, #tpu.memory_space<vmem>>) semaphore(%run_scoped3A_742 : memref<!tpu.dma_semaphore, #tpu.memory_space<semaphore_mem>>) {add = true}
        %dma_wait3A_749 = arith.constant 0 : i32
        %dma_wait3A_750 = tpu.memref_slice %arg5[%run_scoped3A_397, %run_scoped3A_398, %dma_wait3A_749] : memref<2x16x64xi32, #tpu.memory_space<vmem>> -> memref<1x1x64xi32, #tpu.memory_space<vmem>>
        %dma_wait3A_751 = tpu.memref_squeeze %dma_wait3A_750 : memref<1x1x64xi32, #tpu.memory_space<vmem>> -> memref<64xi32, #tpu.memory_space<vmem>>
        %dma_wait3A_752 = arith.constant 0 : i32
        %dma_wait3A_753 = arith.constant 0 : i32
        %dma_wait3A_754 = tpu.memref_slice %arg11[%dma_wait3A_752, %dma_wait3A_753] : memref<10240x128xf32, #tpu.memory_space<vmem_shared>> -> memref<10240x128xf32, #tpu.memory_space<vmem_shared>>
        tpu.wait_indirect_dma semaphore(%run_scoped3A_742 : memref<!tpu.dma_semaphore, #tpu.memory_space<semaphore_mem>>) src(%arg8 : memref<64x128xf32, #tpu.memory_space<vmem>>) dst(%dma_wait3A_754 : memref<10240x128xf32, #tpu.memory_space<vmem_shared>>)
        tpu.yield
      }) : () -> ()
      %dma_wait3A_399 = arith.constant 0 : i32
      %dma_wait3A_400 = arith.constant 14 : i32
      %dma_wait3A_401 = arith.constant 0 : i32
      %dma_wait3A_402 = tpu.memref_slice %arg5[%dma_wait3A_399, %dma_wait3A_400, %dma_wait3A_401] : memref<2x16x64xi32, #tpu.memory_space<vmem>> -> memref<1x1x64xi32, #tpu.memory_space<vmem>>
      %dma_wait3A_403 = tpu.memref_squeeze %dma_wait3A_402 : memref<1x1x64xi32, #tpu.memory_space<vmem>> -> memref<64xi32, #tpu.memory_space<vmem>>
      %dma_wait3A_404 = arith.constant 0 : i32
      %dma_wait3A_405 = arith.constant 0 : i32
      %dma_wait3A_406 = tpu.memref_slice %arg3[%dma_wait3A_404, %dma_wait3A_405] : memref<10000x128xf32, #tpu.memory_space<hbm>> -> memref<10000x128xf32, #tpu.memory_space<hbm>>
      tpu.wait_indirect_dma semaphore(%arg15 : memref<!tpu.dma_semaphore, #tpu.memory_space<semaphore_mem>>) src(%dma_wait3A_406 : memref<10000x128xf32, #tpu.memory_space<hbm>>) dst(%arg9 : memref<64x128xf32, #tpu.memory_space<vmem>>)
      %run_scoped3A_407 = arith.constant 1 : i32
      %run_scoped3A_408 = arith.constant 14 : i32
      "tpu.region"() ({
        %run_scoped3A_742 = tpu.sem_alloc : memref<!tpu.dma_semaphore, #tpu.memory_space<semaphore_mem>>
        %dma_start3A_743 = arith.constant 0 : i32
        %dma_start3A_744 = tpu.memref_slice %arg5[%run_scoped3A_407, %run_scoped3A_408, %dma_start3A_743] : memref<2x16x64xi32, #tpu.memory_space<vmem>> -> memref<1x1x64xi32, #tpu.memory_space<vmem>>
        %dma_start3A_745 = tpu.memref_squeeze %dma_start3A_744 : memref<1x1x64xi32, #tpu.memory_space<vmem>> -> memref<64xi32, #tpu.memory_space<vmem>>
        %dma_start3A_746 = arith.constant 0 : i32
        %dma_start3A_747 = arith.constant 0 : i32
        %dma_start3A_748 = tpu.memref_slice %arg11[%dma_start3A_746, %dma_start3A_747] : memref<10240x128xf32, #tpu.memory_space<vmem_shared>> -> memref<10240x128xf32, #tpu.memory_space<vmem_shared>>
        tpu.enqueue_indirect_dma source(%arg9 : memref<64x128xf32, #tpu.memory_space<vmem>>) target(%dma_start3A_748 : memref<10240x128xf32, #tpu.memory_space<vmem_shared>>) offsets(%dma_start3A_745 : memref<64xi32, #tpu.memory_space<vmem>>) semaphore(%run_scoped3A_742 : memref<!tpu.dma_semaphore, #tpu.memory_space<semaphore_mem>>) {add = true}
        %dma_wait3A_749 = arith.constant 0 : i32
        %dma_wait3A_750 = tpu.memref_slice %arg5[%run_scoped3A_407, %run_scoped3A_408, %dma_wait3A_749] : memref<2x16x64xi32, #tpu.memory_space<vmem>> -> memref<1x1x64xi32, #tpu.memory_space<vmem>>
        %dma_wait3A_751 = tpu.memref_squeeze %dma_wait3A_750 : memref<1x1x64xi32, #tpu.memory_space<vmem>> -> memref<64xi32, #tpu.memory_space<vmem>>
        %dma_wait3A_752 = arith.constant 0 : i32
        %dma_wait3A_753 = arith.constant 0 : i32
        %dma_wait3A_754 = tpu.memref_slice %arg11[%dma_wait3A_752, %dma_wait3A_753] : memref<10240x128xf32, #tpu.memory_space<vmem_shared>> -> memref<10240x128xf32, #tpu.memory_space<vmem_shared>>
        tpu.wait_indirect_dma semaphore(%run_scoped3A_742 : memref<!tpu.dma_semaphore, #tpu.memory_space<semaphore_mem>>) src(%arg9 : memref<64x128xf32, #tpu.memory_space<vmem>>) dst(%dma_wait3A_754 : memref<10240x128xf32, #tpu.memory_space<vmem_shared>>)
        tpu.yield
      }) : () -> ()
      %dma_wait3A_409 = arith.constant 0 : i32
      %dma_wait3A_410 = arith.constant 15 : i32
      %dma_wait3A_411 = arith.constant 0 : i32
      %dma_wait3A_412 = tpu.memref_slice %arg5[%dma_wait3A_409, %dma_wait3A_410, %dma_wait3A_411] : memref<2x16x64xi32, #tpu.memory_space<vmem>> -> memref<1x1x64xi32, #tpu.memory_space<vmem>>
      %dma_wait3A_413 = tpu.memref_squeeze %dma_wait3A_412 : memref<1x1x64xi32, #tpu.memory_space<vmem>> -> memref<64xi32, #tpu.memory_space<vmem>>
      %dma_wait3A_414 = arith.constant 0 : i32
      %dma_wait3A_415 = arith.constant 0 : i32
      %dma_wait3A_416 = tpu.memref_slice %arg3[%dma_wait3A_414, %dma_wait3A_415] : memref<10000x128xf32, #tpu.memory_space<hbm>> -> memref<10000x128xf32, #tpu.memory_space<hbm>>
      tpu.wait_indirect_dma semaphore(%arg16 : memref<!tpu.dma_semaphore, #tpu.memory_space<semaphore_mem>>) src(%dma_wait3A_416 : memref<10000x128xf32, #tpu.memory_space<hbm>>) dst(%arg10 : memref<64x128xf32, #tpu.memory_space<vmem>>)
      %run_scoped3A_417 = arith.constant 1 : i32
      %run_scoped3A_418 = arith.constant 15 : i32
      "tpu.region"() ({
        %run_scoped3A_742 = tpu.sem_alloc : memref<!tpu.dma_semaphore, #tpu.memory_space<semaphore_mem>>
        %dma_start3A_743 = arith.constant 0 : i32
        %dma_start3A_744 = tpu.memref_slice %arg5[%run_scoped3A_417, %run_scoped3A_418, %dma_start3A_743] : memref<2x16x64xi32, #tpu.memory_space<vmem>> -> memref<1x1x64xi32, #tpu.memory_space<vmem>>
        %dma_start3A_745 = tpu.memref_squeeze %dma_start3A_744 : memref<1x1x64xi32, #tpu.memory_space<vmem>> -> memref<64xi32, #tpu.memory_space<vmem>>
        %dma_start3A_746 = arith.constant 0 : i32
        %dma_start3A_747 = arith.constant 0 : i32
        %dma_start3A_748 = tpu.memref_slice %arg11[%dma_start3A_746, %dma_start3A_747] : memref<10240x128xf32, #tpu.memory_space<vmem_shared>> -> memref<10240x128xf32, #tpu.memory_space<vmem_shared>>
        tpu.enqueue_indirect_dma source(%arg10 : memref<64x128xf32, #tpu.memory_space<vmem>>) target(%dma_start3A_748 : memref<10240x128xf32, #tpu.memory_space<vmem_shared>>) offsets(%dma_start3A_745 : memref<64xi32, #tpu.memory_space<vmem>>) semaphore(%run_scoped3A_742 : memref<!tpu.dma_semaphore, #tpu.memory_space<semaphore_mem>>) {add = true}
        %dma_wait3A_749 = arith.constant 0 : i32
        %dma_wait3A_750 = tpu.memref_slice %arg5[%run_scoped3A_417, %run_scoped3A_418, %dma_wait3A_749] : memref<2x16x64xi32, #tpu.memory_space<vmem>> -> memref<1x1x64xi32, #tpu.memory_space<vmem>>
        %dma_wait3A_751 = tpu.memref_squeeze %dma_wait3A_750 : memref<1x1x64xi32, #tpu.memory_space<vmem>> -> memref<64xi32, #tpu.memory_space<vmem>>
        %dma_wait3A_752 = arith.constant 0 : i32
        %dma_wait3A_753 = arith.constant 0 : i32
        %dma_wait3A_754 = tpu.memref_slice %arg11[%dma_wait3A_752, %dma_wait3A_753] : memref<10240x128xf32, #tpu.memory_space<vmem_shared>> -> memref<10240x128xf32, #tpu.memory_space<vmem_shared>>
        tpu.wait_indirect_dma semaphore(%run_scoped3A_742 : memref<!tpu.dma_semaphore, #tpu.memory_space<semaphore_mem>>) src(%arg10 : memref<64x128xf32, #tpu.memory_space<vmem>>) dst(%dma_wait3A_754 : memref<10240x128xf32, #tpu.memory_space<vmem_shared>>)
        tpu.yield
      }) : () -> ()
      %dma_wait3A_419 = arith.constant 0 : i32
      %dma_wait3A_420 = arith.constant 0 : i32
      %dma_wait3A_421 = arith.constant 0 : i32
      %dma_wait3A_422 = tpu.memref_slice %arg2[%add3A_123, %dma_wait3A_419, %dma_wait3A_420, %dma_wait3A_421] : memref<320x2x16x64xi32, #tpu.memory_space<hbm>> -> memref<1x2x16x64xi32, #tpu.memory_space<hbm>>
      %dma_wait3A_423 = tpu.memref_squeeze %dma_wait3A_422 : memref<1x2x16x64xi32, #tpu.memory_space<hbm>> -> memref<2x16x64xi32, #tpu.memory_space<hbm>>
      %dma_wait3A_424 = arith.constant 0 : i32
      %dma_wait3A_425 = arith.constant 0 : i32
      %dma_wait3A_426 = arith.constant 0 : i32
      %dma_wait3A_427 = tpu.memref_slice %arg2[%add3A_123, %dma_wait3A_424, %dma_wait3A_425, %dma_wait3A_426] : memref<320x2x16x64xi32, #tpu.memory_space<hbm>> -> memref<1x2x16x64xi32, #tpu.memory_space<hbm>>
      %dma_wait3A_428 = tpu.memref_squeeze %dma_wait3A_427 : memref<1x2x16x64xi32, #tpu.memory_space<hbm>> -> memref<2x16x64xi32, #tpu.memory_space<hbm>>
      tpu.wait_dma2 semaphore(%arg12 : memref<!tpu.dma_semaphore, #tpu.memory_space<semaphore_mem>>) src(%dma_wait3A_428 : memref<2x16x64xi32, #tpu.memory_space<hbm>>) dst(%arg6 : memref<2x16x64xi32, #tpu.memory_space<vmem>>)
      %add3A_429 = arith.addi %select_n3A_57, %mul3A_120 : i32
      %add3A_430 = arith.constant 2 : i32
      %add3A_431 = arith.addi %add3A_429, %add3A_430 : i32
      %min3A_432 = arith.minsi %add3A_431, %min3A_62 : i32
      %dma_start3A_433 = arith.constant 0 : i32
      %dma_start3A_434 = arith.constant 0 : i32
      %dma_start3A_435 = arith.constant 0 : i32
      %dma_start3A_436 = tpu.memref_slice %arg2[%min3A_432, %dma_start3A_433, %dma_start3A_434, %dma_start3A_435] : memref<320x2x16x64xi32, #tpu.memory_space<hbm>> -> memref<1x2x16x64xi32, #tpu.memory_space<hbm>>
      %dma_start3A_437 = tpu.memref_squeeze %dma_start3A_436 : memref<1x2x16x64xi32, #tpu.memory_space<hbm>> -> memref<2x16x64xi32, #tpu.memory_space<hbm>>
      %dma_start3A_438 = arith.constant 0 : i32
      %dma_start3A_439 = arith.constant 0 : i32
      %dma_start3A_440 = arith.constant 0 : i32
      %dma_start3A_441 = tpu.memref_slice %arg2[%min3A_432, %dma_start3A_438, %dma_start3A_439, %dma_start3A_440] : memref<320x2x16x64xi32, #tpu.memory_space<hbm>> -> memref<1x2x16x64xi32, #tpu.memory_space<hbm>>
      %dma_start3A_442 = tpu.memref_squeeze %dma_start3A_441 : memref<1x2x16x64xi32, #tpu.memory_space<hbm>> -> memref<2x16x64xi32, #tpu.memory_space<hbm>>
      tpu.enqueue_dma source(%dma_start3A_442 : memref<2x16x64xi32, #tpu.memory_space<hbm>>) target(%arg5 : memref<2x16x64xi32, #tpu.memory_space<vmem>>) target_semaphore(%arg12 : memref<!tpu.dma_semaphore, #tpu.memory_space<semaphore_mem>>)
      %dma_start3A_443 = arith.constant 0 : i32
      %dma_start3A_444 = arith.constant 0 : i32
      %dma_start3A_445 = arith.constant 0 : i32
      %dma_start3A_446 = tpu.memref_slice %arg6[%dma_start3A_443, %dma_start3A_444, %dma_start3A_445] : memref<2x16x64xi32, #tpu.memory_space<vmem>> -> memref<1x1x64xi32, #tpu.memory_space<vmem>>
      %dma_start3A_447 = tpu.memref_squeeze %dma_start3A_446 : memref<1x1x64xi32, #tpu.memory_space<vmem>> -> memref<64xi32, #tpu.memory_space<vmem>>
      %dma_start3A_448 = arith.constant 0 : i32
      %dma_start3A_449 = arith.constant 0 : i32
      %dma_start3A_450 = tpu.memref_slice %arg3[%dma_start3A_448, %dma_start3A_449] : memref<10000x128xf32, #tpu.memory_space<hbm>> -> memref<10000x128xf32, #tpu.memory_space<hbm>>
      tpu.enqueue_indirect_dma source(%dma_start3A_450 : memref<10000x128xf32, #tpu.memory_space<hbm>>) target(%arg7 : memref<64x128xf32, #tpu.memory_space<vmem>>) offsets(%dma_start3A_447 : memref<64xi32, #tpu.memory_space<vmem>>) semaphore(%arg13 : memref<!tpu.dma_semaphore, #tpu.memory_space<semaphore_mem>>)
      %dma_start3A_451 = arith.constant 0 : i32
      %dma_start3A_452 = arith.constant 1 : i32
      %dma_start3A_453 = arith.constant 0 : i32
      %dma_start3A_454 = tpu.memref_slice %arg6[%dma_start3A_451, %dma_start3A_452, %dma_start3A_453] : memref<2x16x64xi32, #tpu.memory_space<vmem>> -> memref<1x1x64xi32, #tpu.memory_space<vmem>>
      %dma_start3A_455 = tpu.memref_squeeze %dma_start3A_454 : memref<1x1x64xi32, #tpu.memory_space<vmem>> -> memref<64xi32, #tpu.memory_space<vmem>>
      %dma_start3A_456 = arith.constant 0 : i32
      %dma_start3A_457 = arith.constant 0 : i32
      %dma_start3A_458 = tpu.memref_slice %arg3[%dma_start3A_456, %dma_start3A_457] : memref<10000x128xf32, #tpu.memory_space<hbm>> -> memref<10000x128xf32, #tpu.memory_space<hbm>>
      tpu.enqueue_indirect_dma source(%dma_start3A_458 : memref<10000x128xf32, #tpu.memory_space<hbm>>) target(%arg8 : memref<64x128xf32, #tpu.memory_space<vmem>>) offsets(%dma_start3A_455 : memref<64xi32, #tpu.memory_space<vmem>>) semaphore(%arg14 : memref<!tpu.dma_semaphore, #tpu.memory_space<semaphore_mem>>)
      %dma_start3A_459 = arith.constant 0 : i32
      %dma_start3A_460 = arith.constant 2 : i32
      %dma_start3A_461 = arith.constant 0 : i32
      %dma_start3A_462 = tpu.memref_slice %arg6[%dma_start3A_459, %dma_start3A_460, %dma_start3A_461] : memref<2x16x64xi32, #tpu.memory_space<vmem>> -> memref<1x1x64xi32, #tpu.memory_space<vmem>>
      %dma_start3A_463 = tpu.memref_squeeze %dma_start3A_462 : memref<1x1x64xi32, #tpu.memory_space<vmem>> -> memref<64xi32, #tpu.memory_space<vmem>>
      %dma_start3A_464 = arith.constant 0 : i32
      %dma_start3A_465 = arith.constant 0 : i32
      %dma_start3A_466 = tpu.memref_slice %arg3[%dma_start3A_464, %dma_start3A_465] : memref<10000x128xf32, #tpu.memory_space<hbm>> -> memref<10000x128xf32, #tpu.memory_space<hbm>>
      tpu.enqueue_indirect_dma source(%dma_start3A_466 : memref<10000x128xf32, #tpu.memory_space<hbm>>) target(%arg9 : memref<64x128xf32, #tpu.memory_space<vmem>>) offsets(%dma_start3A_463 : memref<64xi32, #tpu.memory_space<vmem>>) semaphore(%arg15 : memref<!tpu.dma_semaphore, #tpu.memory_space<semaphore_mem>>)
      %dma_start3A_467 = arith.constant 0 : i32
      %dma_start3A_468 = arith.constant 3 : i32
      %dma_start3A_469 = arith.constant 0 : i32
      %dma_start3A_470 = tpu.memref_slice %arg6[%dma_start3A_467, %dma_start3A_468, %dma_start3A_469] : memref<2x16x64xi32, #tpu.memory_space<vmem>> -> memref<1x1x64xi32, #tpu.memory_space<vmem>>
      %dma_start3A_471 = tpu.memref_squeeze %dma_start3A_470 : memref<1x1x64xi32, #tpu.memory_space<vmem>> -> memref<64xi32, #tpu.memory_space<vmem>>
      %dma_start3A_472 = arith.constant 0 : i32
      %dma_start3A_473 = arith.constant 0 : i32
      %dma_start3A_474 = tpu.memref_slice %arg3[%dma_start3A_472, %dma_start3A_473] : memref<10000x128xf32, #tpu.memory_space<hbm>> -> memref<10000x128xf32, #tpu.memory_space<hbm>>
      tpu.enqueue_indirect_dma source(%dma_start3A_474 : memref<10000x128xf32, #tpu.memory_space<hbm>>) target(%arg10 : memref<64x128xf32, #tpu.memory_space<vmem>>) offsets(%dma_start3A_471 : memref<64xi32, #tpu.memory_space<vmem>>) semaphore(%arg16 : memref<!tpu.dma_semaphore, #tpu.memory_space<semaphore_mem>>)
      %dma_wait3A_475 = arith.constant 0 : i32
      %dma_wait3A_476 = arith.constant 0 : i32
      %dma_wait3A_477 = arith.constant 0 : i32
      %dma_wait3A_478 = tpu.memref_slice %arg6[%dma_wait3A_475, %dma_wait3A_476, %dma_wait3A_477] : memref<2x16x64xi32, #tpu.memory_space<vmem>> -> memref<1x1x64xi32, #tpu.memory_space<vmem>>
      %dma_wait3A_479 = tpu.memref_squeeze %dma_wait3A_478 : memref<1x1x64xi32, #tpu.memory_space<vmem>> -> memref<64xi32, #tpu.memory_space<vmem>>
      %dma_wait3A_480 = arith.constant 0 : i32
      %dma_wait3A_481 = arith.constant 0 : i32
      %dma_wait3A_482 = tpu.memref_slice %arg3[%dma_wait3A_480, %dma_wait3A_481] : memref<10000x128xf32, #tpu.memory_space<hbm>> -> memref<10000x128xf32, #tpu.memory_space<hbm>>
      tpu.wait_indirect_dma semaphore(%arg13 : memref<!tpu.dma_semaphore, #tpu.memory_space<semaphore_mem>>) src(%dma_wait3A_482 : memref<10000x128xf32, #tpu.memory_space<hbm>>) dst(%arg7 : memref<64x128xf32, #tpu.memory_space<vmem>>)
      %run_scoped3A_483 = arith.constant 1 : i32
      %run_scoped3A_484 = arith.constant 0 : i32
      "tpu.region"() ({
        %run_scoped3A_742 = tpu.sem_alloc : memref<!tpu.dma_semaphore, #tpu.memory_space<semaphore_mem>>
        %dma_start3A_743 = arith.constant 0 : i32
        %dma_start3A_744 = tpu.memref_slice %arg6[%run_scoped3A_483, %run_scoped3A_484, %dma_start3A_743] : memref<2x16x64xi32, #tpu.memory_space<vmem>> -> memref<1x1x64xi32, #tpu.memory_space<vmem>>
        %dma_start3A_745 = tpu.memref_squeeze %dma_start3A_744 : memref<1x1x64xi32, #tpu.memory_space<vmem>> -> memref<64xi32, #tpu.memory_space<vmem>>
        %dma_start3A_746 = arith.constant 0 : i32
        %dma_start3A_747 = arith.constant 0 : i32
        %dma_start3A_748 = tpu.memref_slice %arg11[%dma_start3A_746, %dma_start3A_747] : memref<10240x128xf32, #tpu.memory_space<vmem_shared>> -> memref<10240x128xf32, #tpu.memory_space<vmem_shared>>
        tpu.enqueue_indirect_dma source(%arg7 : memref<64x128xf32, #tpu.memory_space<vmem>>) target(%dma_start3A_748 : memref<10240x128xf32, #tpu.memory_space<vmem_shared>>) offsets(%dma_start3A_745 : memref<64xi32, #tpu.memory_space<vmem>>) semaphore(%run_scoped3A_742 : memref<!tpu.dma_semaphore, #tpu.memory_space<semaphore_mem>>) {add = true}
        %dma_wait3A_749 = arith.constant 0 : i32
        %dma_wait3A_750 = tpu.memref_slice %arg6[%run_scoped3A_483, %run_scoped3A_484, %dma_wait3A_749] : memref<2x16x64xi32, #tpu.memory_space<vmem>> -> memref<1x1x64xi32, #tpu.memory_space<vmem>>
        %dma_wait3A_751 = tpu.memref_squeeze %dma_wait3A_750 : memref<1x1x64xi32, #tpu.memory_space<vmem>> -> memref<64xi32, #tpu.memory_space<vmem>>
        %dma_wait3A_752 = arith.constant 0 : i32
        %dma_wait3A_753 = arith.constant 0 : i32
        %dma_wait3A_754 = tpu.memref_slice %arg11[%dma_wait3A_752, %dma_wait3A_753] : memref<10240x128xf32, #tpu.memory_space<vmem_shared>> -> memref<10240x128xf32, #tpu.memory_space<vmem_shared>>
        tpu.wait_indirect_dma semaphore(%run_scoped3A_742 : memref<!tpu.dma_semaphore, #tpu.memory_space<semaphore_mem>>) src(%arg7 : memref<64x128xf32, #tpu.memory_space<vmem>>) dst(%dma_wait3A_754 : memref<10240x128xf32, #tpu.memory_space<vmem_shared>>)
        tpu.yield
      }) : () -> ()
      %dma_start3A_485 = arith.constant 0 : i32
      %dma_start3A_486 = arith.constant 4 : i32
      %dma_start3A_487 = arith.constant 0 : i32
      %dma_start3A_488 = tpu.memref_slice %arg6[%dma_start3A_485, %dma_start3A_486, %dma_start3A_487] : memref<2x16x64xi32, #tpu.memory_space<vmem>> -> memref<1x1x64xi32, #tpu.memory_space<vmem>>
      %dma_start3A_489 = tpu.memref_squeeze %dma_start3A_488 : memref<1x1x64xi32, #tpu.memory_space<vmem>> -> memref<64xi32, #tpu.memory_space<vmem>>
      %dma_start3A_490 = arith.constant 0 : i32
      %dma_start3A_491 = arith.constant 0 : i32
      %dma_start3A_492 = tpu.memref_slice %arg3[%dma_start3A_490, %dma_start3A_491] : memref<10000x128xf32, #tpu.memory_space<hbm>> -> memref<10000x128xf32, #tpu.memory_space<hbm>>
      tpu.enqueue_indirect_dma source(%dma_start3A_492 : memref<10000x128xf32, #tpu.memory_space<hbm>>) target(%arg7 : memref<64x128xf32, #tpu.memory_space<vmem>>) offsets(%dma_start3A_489 : memref<64xi32, #tpu.memory_space<vmem>>) semaphore(%arg13 : memref<!tpu.dma_semaphore, #tpu.memory_space<semaphore_mem>>)
      %dma_wait3A_493 = arith.constant 0 : i32
      %dma_wait3A_494 = arith.constant 1 : i32
      %dma_wait3A_495 = arith.constant 0 : i32
      %dma_wait3A_496 = tpu.memref_slice %arg6[%dma_wait3A_493, %dma_wait3A_494, %dma_wait3A_495] : memref<2x16x64xi32, #tpu.memory_space<vmem>> -> memref<1x1x64xi32, #tpu.memory_space<vmem>>
      %dma_wait3A_497 = tpu.memref_squeeze %dma_wait3A_496 : memref<1x1x64xi32, #tpu.memory_space<vmem>> -> memref<64xi32, #tpu.memory_space<vmem>>
      %dma_wait3A_498 = arith.constant 0 : i32
      %dma_wait3A_499 = arith.constant 0 : i32
      %dma_wait3A_500 = tpu.memref_slice %arg3[%dma_wait3A_498, %dma_wait3A_499] : memref<10000x128xf32, #tpu.memory_space<hbm>> -> memref<10000x128xf32, #tpu.memory_space<hbm>>
      tpu.wait_indirect_dma semaphore(%arg14 : memref<!tpu.dma_semaphore, #tpu.memory_space<semaphore_mem>>) src(%dma_wait3A_500 : memref<10000x128xf32, #tpu.memory_space<hbm>>) dst(%arg8 : memref<64x128xf32, #tpu.memory_space<vmem>>)
      %run_scoped3A_501 = arith.constant 1 : i32
      %run_scoped3A_502 = arith.constant 1 : i32
      "tpu.region"() ({
        %run_scoped3A_742 = tpu.sem_alloc : memref<!tpu.dma_semaphore, #tpu.memory_space<semaphore_mem>>
        %dma_start3A_743 = arith.constant 0 : i32
        %dma_start3A_744 = tpu.memref_slice %arg6[%run_scoped3A_501, %run_scoped3A_502, %dma_start3A_743] : memref<2x16x64xi32, #tpu.memory_space<vmem>> -> memref<1x1x64xi32, #tpu.memory_space<vmem>>
        %dma_start3A_745 = tpu.memref_squeeze %dma_start3A_744 : memref<1x1x64xi32, #tpu.memory_space<vmem>> -> memref<64xi32, #tpu.memory_space<vmem>>
        %dma_start3A_746 = arith.constant 0 : i32
        %dma_start3A_747 = arith.constant 0 : i32
        %dma_start3A_748 = tpu.memref_slice %arg11[%dma_start3A_746, %dma_start3A_747] : memref<10240x128xf32, #tpu.memory_space<vmem_shared>> -> memref<10240x128xf32, #tpu.memory_space<vmem_shared>>
        tpu.enqueue_indirect_dma source(%arg8 : memref<64x128xf32, #tpu.memory_space<vmem>>) target(%dma_start3A_748 : memref<10240x128xf32, #tpu.memory_space<vmem_shared>>) offsets(%dma_start3A_745 : memref<64xi32, #tpu.memory_space<vmem>>) semaphore(%run_scoped3A_742 : memref<!tpu.dma_semaphore, #tpu.memory_space<semaphore_mem>>) {add = true}
        %dma_wait3A_749 = arith.constant 0 : i32
        %dma_wait3A_750 = tpu.memref_slice %arg6[%run_scoped3A_501, %run_scoped3A_502, %dma_wait3A_749] : memref<2x16x64xi32, #tpu.memory_space<vmem>> -> memref<1x1x64xi32, #tpu.memory_space<vmem>>
        %dma_wait3A_751 = tpu.memref_squeeze %dma_wait3A_750 : memref<1x1x64xi32, #tpu.memory_space<vmem>> -> memref<64xi32, #tpu.memory_space<vmem>>
        %dma_wait3A_752 = arith.constant 0 : i32
        %dma_wait3A_753 = arith.constant 0 : i32
        %dma_wait3A_754 = tpu.memref_slice %arg11[%dma_wait3A_752, %dma_wait3A_753] : memref<10240x128xf32, #tpu.memory_space<vmem_shared>> -> memref<10240x128xf32, #tpu.memory_space<vmem_shared>>
        tpu.wait_indirect_dma semaphore(%run_scoped3A_742 : memref<!tpu.dma_semaphore, #tpu.memory_space<semaphore_mem>>) src(%arg8 : memref<64x128xf32, #tpu.memory_space<vmem>>) dst(%dma_wait3A_754 : memref<10240x128xf32, #tpu.memory_space<vmem_shared>>)
        tpu.yield
      }) : () -> ()
      %dma_start3A_503 = arith.constant 0 : i32
      %dma_start3A_504 = arith.constant 5 : i32
      %dma_start3A_505 = arith.constant 0 : i32
      %dma_start3A_506 = tpu.memref_slice %arg6[%dma_start3A_503, %dma_start3A_504, %dma_start3A_505] : memref<2x16x64xi32, #tpu.memory_space<vmem>> -> memref<1x1x64xi32, #tpu.memory_space<vmem>>
      %dma_start3A_507 = tpu.memref_squeeze %dma_start3A_506 : memref<1x1x64xi32, #tpu.memory_space<vmem>> -> memref<64xi32, #tpu.memory_space<vmem>>
      %dma_start3A_508 = arith.constant 0 : i32
      %dma_start3A_509 = arith.constant 0 : i32
      %dma_start3A_510 = tpu.memref_slice %arg3[%dma_start3A_508, %dma_start3A_509] : memref<10000x128xf32, #tpu.memory_space<hbm>> -> memref<10000x128xf32, #tpu.memory_space<hbm>>
      tpu.enqueue_indirect_dma source(%dma_start3A_510 : memref<10000x128xf32, #tpu.memory_space<hbm>>) target(%arg8 : memref<64x128xf32, #tpu.memory_space<vmem>>) offsets(%dma_start3A_507 : memref<64xi32, #tpu.memory_space<vmem>>) semaphore(%arg14 : memref<!tpu.dma_semaphore, #tpu.memory_space<semaphore_mem>>)
      %dma_wait3A_511 = arith.constant 0 : i32
      %dma_wait3A_512 = arith.constant 2 : i32
      %dma_wait3A_513 = arith.constant 0 : i32
      %dma_wait3A_514 = tpu.memref_slice %arg6[%dma_wait3A_511, %dma_wait3A_512, %dma_wait3A_513] : memref<2x16x64xi32, #tpu.memory_space<vmem>> -> memref<1x1x64xi32, #tpu.memory_space<vmem>>
      %dma_wait3A_515 = tpu.memref_squeeze %dma_wait3A_514 : memref<1x1x64xi32, #tpu.memory_space<vmem>> -> memref<64xi32, #tpu.memory_space<vmem>>
      %dma_wait3A_516 = arith.constant 0 : i32
      %dma_wait3A_517 = arith.constant 0 : i32
      %dma_wait3A_518 = tpu.memref_slice %arg3[%dma_wait3A_516, %dma_wait3A_517] : memref<10000x128xf32, #tpu.memory_space<hbm>> -> memref<10000x128xf32, #tpu.memory_space<hbm>>
      tpu.wait_indirect_dma semaphore(%arg15 : memref<!tpu.dma_semaphore, #tpu.memory_space<semaphore_mem>>) src(%dma_wait3A_518 : memref<10000x128xf32, #tpu.memory_space<hbm>>) dst(%arg9 : memref<64x128xf32, #tpu.memory_space<vmem>>)
      %run_scoped3A_519 = arith.constant 1 : i32
      %run_scoped3A_520 = arith.constant 2 : i32
      "tpu.region"() ({
        %run_scoped3A_742 = tpu.sem_alloc : memref<!tpu.dma_semaphore, #tpu.memory_space<semaphore_mem>>
        %dma_start3A_743 = arith.constant 0 : i32
        %dma_start3A_744 = tpu.memref_slice %arg6[%run_scoped3A_519, %run_scoped3A_520, %dma_start3A_743] : memref<2x16x64xi32, #tpu.memory_space<vmem>> -> memref<1x1x64xi32, #tpu.memory_space<vmem>>
        %dma_start3A_745 = tpu.memref_squeeze %dma_start3A_744 : memref<1x1x64xi32, #tpu.memory_space<vmem>> -> memref<64xi32, #tpu.memory_space<vmem>>
        %dma_start3A_746 = arith.constant 0 : i32
        %dma_start3A_747 = arith.constant 0 : i32
        %dma_start3A_748 = tpu.memref_slice %arg11[%dma_start3A_746, %dma_start3A_747] : memref<10240x128xf32, #tpu.memory_space<vmem_shared>> -> memref<10240x128xf32, #tpu.memory_space<vmem_shared>>
        tpu.enqueue_indirect_dma source(%arg9 : memref<64x128xf32, #tpu.memory_space<vmem>>) target(%dma_start3A_748 : memref<10240x128xf32, #tpu.memory_space<vmem_shared>>) offsets(%dma_start3A_745 : memref<64xi32, #tpu.memory_space<vmem>>) semaphore(%run_scoped3A_742 : memref<!tpu.dma_semaphore, #tpu.memory_space<semaphore_mem>>) {add = true}
        %dma_wait3A_749 = arith.constant 0 : i32
        %dma_wait3A_750 = tpu.memref_slice %arg6[%run_scoped3A_519, %run_scoped3A_520, %dma_wait3A_749] : memref<2x16x64xi32, #tpu.memory_space<vmem>> -> memref<1x1x64xi32, #tpu.memory_space<vmem>>
        %dma_wait3A_751 = tpu.memref_squeeze %dma_wait3A_750 : memref<1x1x64xi32, #tpu.memory_space<vmem>> -> memref<64xi32, #tpu.memory_space<vmem>>
        %dma_wait3A_752 = arith.constant 0 : i32
        %dma_wait3A_753 = arith.constant 0 : i32
        %dma_wait3A_754 = tpu.memref_slice %arg11[%dma_wait3A_752, %dma_wait3A_753] : memref<10240x128xf32, #tpu.memory_space<vmem_shared>> -> memref<10240x128xf32, #tpu.memory_space<vmem_shared>>
        tpu.wait_indirect_dma semaphore(%run_scoped3A_742 : memref<!tpu.dma_semaphore, #tpu.memory_space<semaphore_mem>>) src(%arg9 : memref<64x128xf32, #tpu.memory_space<vmem>>) dst(%dma_wait3A_754 : memref<10240x128xf32, #tpu.memory_space<vmem_shared>>)
        tpu.yield
      }) : () -> ()
      %dma_start3A_521 = arith.constant 0 : i32
      %dma_start3A_522 = arith.constant 6 : i32
      %dma_start3A_523 = arith.constant 0 : i32
      %dma_start3A_524 = tpu.memref_slice %arg6[%dma_start3A_521, %dma_start3A_522, %dma_start3A_523] : memref<2x16x64xi32, #tpu.memory_space<vmem>> -> memref<1x1x64xi32, #tpu.memory_space<vmem>>
      %dma_start3A_525 = tpu.memref_squeeze %dma_start3A_524 : memref<1x1x64xi32, #tpu.memory_space<vmem>> -> memref<64xi32, #tpu.memory_space<vmem>>
      %dma_start3A_526 = arith.constant 0 : i32
      %dma_start3A_527 = arith.constant 0 : i32
      %dma_start3A_528 = tpu.memref_slice %arg3[%dma_start3A_526, %dma_start3A_527] : memref<10000x128xf32, #tpu.memory_space<hbm>> -> memref<10000x128xf32, #tpu.memory_space<hbm>>
      tpu.enqueue_indirect_dma source(%dma_start3A_528 : memref<10000x128xf32, #tpu.memory_space<hbm>>) target(%arg9 : memref<64x128xf32, #tpu.memory_space<vmem>>) offsets(%dma_start3A_525 : memref<64xi32, #tpu.memory_space<vmem>>) semaphore(%arg15 : memref<!tpu.dma_semaphore, #tpu.memory_space<semaphore_mem>>)
      %dma_wait3A_529 = arith.constant 0 : i32
      %dma_wait3A_530 = arith.constant 3 : i32
      %dma_wait3A_531 = arith.constant 0 : i32
      %dma_wait3A_532 = tpu.memref_slice %arg6[%dma_wait3A_529, %dma_wait3A_530, %dma_wait3A_531] : memref<2x16x64xi32, #tpu.memory_space<vmem>> -> memref<1x1x64xi32, #tpu.memory_space<vmem>>
      %dma_wait3A_533 = tpu.memref_squeeze %dma_wait3A_532 : memref<1x1x64xi32, #tpu.memory_space<vmem>> -> memref<64xi32, #tpu.memory_space<vmem>>
      %dma_wait3A_534 = arith.constant 0 : i32
      %dma_wait3A_535 = arith.constant 0 : i32
      %dma_wait3A_536 = tpu.memref_slice %arg3[%dma_wait3A_534, %dma_wait3A_535] : memref<10000x128xf32, #tpu.memory_space<hbm>> -> memref<10000x128xf32, #tpu.memory_space<hbm>>
      tpu.wait_indirect_dma semaphore(%arg16 : memref<!tpu.dma_semaphore, #tpu.memory_space<semaphore_mem>>) src(%dma_wait3A_536 : memref<10000x128xf32, #tpu.memory_space<hbm>>) dst(%arg10 : memref<64x128xf32, #tpu.memory_space<vmem>>)
      %run_scoped3A_537 = arith.constant 1 : i32
      %run_scoped3A_538 = arith.constant 3 : i32
      "tpu.region"() ({
        %run_scoped3A_742 = tpu.sem_alloc : memref<!tpu.dma_semaphore, #tpu.memory_space<semaphore_mem>>
        %dma_start3A_743 = arith.constant 0 : i32
        %dma_start3A_744 = tpu.memref_slice %arg6[%run_scoped3A_537, %run_scoped3A_538, %dma_start3A_743] : memref<2x16x64xi32, #tpu.memory_space<vmem>> -> memref<1x1x64xi32, #tpu.memory_space<vmem>>
        %dma_start3A_745 = tpu.memref_squeeze %dma_start3A_744 : memref<1x1x64xi32, #tpu.memory_space<vmem>> -> memref<64xi32, #tpu.memory_space<vmem>>
        %dma_start3A_746 = arith.constant 0 : i32
        %dma_start3A_747 = arith.constant 0 : i32
        %dma_start3A_748 = tpu.memref_slice %arg11[%dma_start3A_746, %dma_start3A_747] : memref<10240x128xf32, #tpu.memory_space<vmem_shared>> -> memref<10240x128xf32, #tpu.memory_space<vmem_shared>>
        tpu.enqueue_indirect_dma source(%arg10 : memref<64x128xf32, #tpu.memory_space<vmem>>) target(%dma_start3A_748 : memref<10240x128xf32, #tpu.memory_space<vmem_shared>>) offsets(%dma_start3A_745 : memref<64xi32, #tpu.memory_space<vmem>>) semaphore(%run_scoped3A_742 : memref<!tpu.dma_semaphore, #tpu.memory_space<semaphore_mem>>) {add = true}
        %dma_wait3A_749 = arith.constant 0 : i32
        %dma_wait3A_750 = tpu.memref_slice %arg6[%run_scoped3A_537, %run_scoped3A_538, %dma_wait3A_749] : memref<2x16x64xi32, #tpu.memory_space<vmem>> -> memref<1x1x64xi32, #tpu.memory_space<vmem>>
        %dma_wait3A_751 = tpu.memref_squeeze %dma_wait3A_750 : memref<1x1x64xi32, #tpu.memory_space<vmem>> -> memref<64xi32, #tpu.memory_space<vmem>>
        %dma_wait3A_752 = arith.constant 0 : i32
        %dma_wait3A_753 = arith.constant 0 : i32
        %dma_wait3A_754 = tpu.memref_slice %arg11[%dma_wait3A_752, %dma_wait3A_753] : memref<10240x128xf32, #tpu.memory_space<vmem_shared>> -> memref<10240x128xf32, #tpu.memory_space<vmem_shared>>
        tpu.wait_indirect_dma semaphore(%run_scoped3A_742 : memref<!tpu.dma_semaphore, #tpu.memory_space<semaphore_mem>>) src(%arg10 : memref<64x128xf32, #tpu.memory_space<vmem>>) dst(%dma_wait3A_754 : memref<10240x128xf32, #tpu.memory_space<vmem_shared>>)
        tpu.yield
      }) : () -> ()
      %dma_start3A_539 = arith.constant 0 : i32
      %dma_start3A_540 = arith.constant 7 : i32
      %dma_start3A_541 = arith.constant 0 : i32
      %dma_start3A_542 = tpu.memref_slice %arg6[%dma_start3A_539, %dma_start3A_540, %dma_start3A_541] : memref<2x16x64xi32, #tpu.memory_space<vmem>> -> memref<1x1x64xi32, #tpu.memory_space<vmem>>
      %dma_start3A_543 = tpu.memref_squeeze %dma_start3A_542 : memref<1x1x64xi32, #tpu.memory_space<vmem>> -> memref<64xi32, #tpu.memory_space<vmem>>
      %dma_start3A_544 = arith.constant 0 : i32
      %dma_start3A_545 = arith.constant 0 : i32
      %dma_start3A_546 = tpu.memref_slice %arg3[%dma_start3A_544, %dma_start3A_545] : memref<10000x128xf32, #tpu.memory_space<hbm>> -> memref<10000x128xf32, #tpu.memory_space<hbm>>
      tpu.enqueue_indirect_dma source(%dma_start3A_546 : memref<10000x128xf32, #tpu.memory_space<hbm>>) target(%arg10 : memref<64x128xf32, #tpu.memory_space<vmem>>) offsets(%dma_start3A_543 : memref<64xi32, #tpu.memory_space<vmem>>) semaphore(%arg16 : memref<!tpu.dma_semaphore, #tpu.memory_space<semaphore_mem>>)
      %dma_wait3A_547 = arith.constant 0 : i32
      %dma_wait3A_548 = arith.constant 4 : i32
      %dma_wait3A_549 = arith.constant 0 : i32
      %dma_wait3A_550 = tpu.memref_slice %arg6[%dma_wait3A_547, %dma_wait3A_548, %dma_wait3A_549] : memref<2x16x64xi32, #tpu.memory_space<vmem>> -> memref<1x1x64xi32, #tpu.memory_space<vmem>>
      %dma_wait3A_551 = tpu.memref_squeeze %dma_wait3A_550 : memref<1x1x64xi32, #tpu.memory_space<vmem>> -> memref<64xi32, #tpu.memory_space<vmem>>
      %dma_wait3A_552 = arith.constant 0 : i32
      %dma_wait3A_553 = arith.constant 0 : i32
      %dma_wait3A_554 = tpu.memref_slice %arg3[%dma_wait3A_552, %dma_wait3A_553] : memref<10000x128xf32, #tpu.memory_space<hbm>> -> memref<10000x128xf32, #tpu.memory_space<hbm>>
      tpu.wait_indirect_dma semaphore(%arg13 : memref<!tpu.dma_semaphore, #tpu.memory_space<semaphore_mem>>) src(%dma_wait3A_554 : memref<10000x128xf32, #tpu.memory_space<hbm>>) dst(%arg7 : memref<64x128xf32, #tpu.memory_space<vmem>>)
      %run_scoped3A_555 = arith.constant 1 : i32
      %run_scoped3A_556 = arith.constant 4 : i32
      "tpu.region"() ({
        %run_scoped3A_742 = tpu.sem_alloc : memref<!tpu.dma_semaphore, #tpu.memory_space<semaphore_mem>>
        %dma_start3A_743 = arith.constant 0 : i32
        %dma_start3A_744 = tpu.memref_slice %arg6[%run_scoped3A_555, %run_scoped3A_556, %dma_start3A_743] : memref<2x16x64xi32, #tpu.memory_space<vmem>> -> memref<1x1x64xi32, #tpu.memory_space<vmem>>
        %dma_start3A_745 = tpu.memref_squeeze %dma_start3A_744 : memref<1x1x64xi32, #tpu.memory_space<vmem>> -> memref<64xi32, #tpu.memory_space<vmem>>
        %dma_start3A_746 = arith.constant 0 : i32
        %dma_start3A_747 = arith.constant 0 : i32
        %dma_start3A_748 = tpu.memref_slice %arg11[%dma_start3A_746, %dma_start3A_747] : memref<10240x128xf32, #tpu.memory_space<vmem_shared>> -> memref<10240x128xf32, #tpu.memory_space<vmem_shared>>
        tpu.enqueue_indirect_dma source(%arg7 : memref<64x128xf32, #tpu.memory_space<vmem>>) target(%dma_start3A_748 : memref<10240x128xf32, #tpu.memory_space<vmem_shared>>) offsets(%dma_start3A_745 : memref<64xi32, #tpu.memory_space<vmem>>) semaphore(%run_scoped3A_742 : memref<!tpu.dma_semaphore, #tpu.memory_space<semaphore_mem>>) {add = true}
        %dma_wait3A_749 = arith.constant 0 : i32
        %dma_wait3A_750 = tpu.memref_slice %arg6[%run_scoped3A_555, %run_scoped3A_556, %dma_wait3A_749] : memref<2x16x64xi32, #tpu.memory_space<vmem>> -> memref<1x1x64xi32, #tpu.memory_space<vmem>>
        %dma_wait3A_751 = tpu.memref_squeeze %dma_wait3A_750 : memref<1x1x64xi32, #tpu.memory_space<vmem>> -> memref<64xi32, #tpu.memory_space<vmem>>
        %dma_wait3A_752 = arith.constant 0 : i32
        %dma_wait3A_753 = arith.constant 0 : i32
        %dma_wait3A_754 = tpu.memref_slice %arg11[%dma_wait3A_752, %dma_wait3A_753] : memref<10240x128xf32, #tpu.memory_space<vmem_shared>> -> memref<10240x128xf32, #tpu.memory_space<vmem_shared>>
        tpu.wait_indirect_dma semaphore(%run_scoped3A_742 : memref<!tpu.dma_semaphore, #tpu.memory_space<semaphore_mem>>) src(%arg7 : memref<64x128xf32, #tpu.memory_space<vmem>>) dst(%dma_wait3A_754 : memref<10240x128xf32, #tpu.memory_space<vmem_shared>>)
        tpu.yield
      }) : () -> ()
      %dma_start3A_557 = arith.constant 0 : i32
      %dma_start3A_558 = arith.constant 8 : i32
      %dma_start3A_559 = arith.constant 0 : i32
      %dma_start3A_560 = tpu.memref_slice %arg6[%dma_start3A_557, %dma_start3A_558, %dma_start3A_559] : memref<2x16x64xi32, #tpu.memory_space<vmem>> -> memref<1x1x64xi32, #tpu.memory_space<vmem>>
      %dma_start3A_561 = tpu.memref_squeeze %dma_start3A_560 : memref<1x1x64xi32, #tpu.memory_space<vmem>> -> memref<64xi32, #tpu.memory_space<vmem>>
      %dma_start3A_562 = arith.constant 0 : i32
      %dma_start3A_563 = arith.constant 0 : i32
      %dma_start3A_564 = tpu.memref_slice %arg3[%dma_start3A_562, %dma_start3A_563] : memref<10000x128xf32, #tpu.memory_space<hbm>> -> memref<10000x128xf32, #tpu.memory_space<hbm>>
      tpu.enqueue_indirect_dma source(%dma_start3A_564 : memref<10000x128xf32, #tpu.memory_space<hbm>>) target(%arg7 : memref<64x128xf32, #tpu.memory_space<vmem>>) offsets(%dma_start3A_561 : memref<64xi32, #tpu.memory_space<vmem>>) semaphore(%arg13 : memref<!tpu.dma_semaphore, #tpu.memory_space<semaphore_mem>>)
      %dma_wait3A_565 = arith.constant 0 : i32
      %dma_wait3A_566 = arith.constant 5 : i32
      %dma_wait3A_567 = arith.constant 0 : i32
      %dma_wait3A_568 = tpu.memref_slice %arg6[%dma_wait3A_565, %dma_wait3A_566, %dma_wait3A_567] : memref<2x16x64xi32, #tpu.memory_space<vmem>> -> memref<1x1x64xi32, #tpu.memory_space<vmem>>
      %dma_wait3A_569 = tpu.memref_squeeze %dma_wait3A_568 : memref<1x1x64xi32, #tpu.memory_space<vmem>> -> memref<64xi32, #tpu.memory_space<vmem>>
      %dma_wait3A_570 = arith.constant 0 : i32
      %dma_wait3A_571 = arith.constant 0 : i32
      %dma_wait3A_572 = tpu.memref_slice %arg3[%dma_wait3A_570, %dma_wait3A_571] : memref<10000x128xf32, #tpu.memory_space<hbm>> -> memref<10000x128xf32, #tpu.memory_space<hbm>>
      tpu.wait_indirect_dma semaphore(%arg14 : memref<!tpu.dma_semaphore, #tpu.memory_space<semaphore_mem>>) src(%dma_wait3A_572 : memref<10000x128xf32, #tpu.memory_space<hbm>>) dst(%arg8 : memref<64x128xf32, #tpu.memory_space<vmem>>)
      %run_scoped3A_573 = arith.constant 1 : i32
      %run_scoped3A_574 = arith.constant 5 : i32
      "tpu.region"() ({
        %run_scoped3A_742 = tpu.sem_alloc : memref<!tpu.dma_semaphore, #tpu.memory_space<semaphore_mem>>
        %dma_start3A_743 = arith.constant 0 : i32
        %dma_start3A_744 = tpu.memref_slice %arg6[%run_scoped3A_573, %run_scoped3A_574, %dma_start3A_743] : memref<2x16x64xi32, #tpu.memory_space<vmem>> -> memref<1x1x64xi32, #tpu.memory_space<vmem>>
        %dma_start3A_745 = tpu.memref_squeeze %dma_start3A_744 : memref<1x1x64xi32, #tpu.memory_space<vmem>> -> memref<64xi32, #tpu.memory_space<vmem>>
        %dma_start3A_746 = arith.constant 0 : i32
        %dma_start3A_747 = arith.constant 0 : i32
        %dma_start3A_748 = tpu.memref_slice %arg11[%dma_start3A_746, %dma_start3A_747] : memref<10240x128xf32, #tpu.memory_space<vmem_shared>> -> memref<10240x128xf32, #tpu.memory_space<vmem_shared>>
        tpu.enqueue_indirect_dma source(%arg8 : memref<64x128xf32, #tpu.memory_space<vmem>>) target(%dma_start3A_748 : memref<10240x128xf32, #tpu.memory_space<vmem_shared>>) offsets(%dma_start3A_745 : memref<64xi32, #tpu.memory_space<vmem>>) semaphore(%run_scoped3A_742 : memref<!tpu.dma_semaphore, #tpu.memory_space<semaphore_mem>>) {add = true}
        %dma_wait3A_749 = arith.constant 0 : i32
        %dma_wait3A_750 = tpu.memref_slice %arg6[%run_scoped3A_573, %run_scoped3A_574, %dma_wait3A_749] : memref<2x16x64xi32, #tpu.memory_space<vmem>> -> memref<1x1x64xi32, #tpu.memory_space<vmem>>
        %dma_wait3A_751 = tpu.memref_squeeze %dma_wait3A_750 : memref<1x1x64xi32, #tpu.memory_space<vmem>> -> memref<64xi32, #tpu.memory_space<vmem>>
        %dma_wait3A_752 = arith.constant 0 : i32
        %dma_wait3A_753 = arith.constant 0 : i32
        %dma_wait3A_754 = tpu.memref_slice %arg11[%dma_wait3A_752, %dma_wait3A_753] : memref<10240x128xf32, #tpu.memory_space<vmem_shared>> -> memref<10240x128xf32, #tpu.memory_space<vmem_shared>>
        tpu.wait_indirect_dma semaphore(%run_scoped3A_742 : memref<!tpu.dma_semaphore, #tpu.memory_space<semaphore_mem>>) src(%arg8 : memref<64x128xf32, #tpu.memory_space<vmem>>) dst(%dma_wait3A_754 : memref<10240x128xf32, #tpu.memory_space<vmem_shared>>)
        tpu.yield
      }) : () -> ()
      %dma_start3A_575 = arith.constant 0 : i32
      %dma_start3A_576 = arith.constant 9 : i32
      %dma_start3A_577 = arith.constant 0 : i32
      %dma_start3A_578 = tpu.memref_slice %arg6[%dma_start3A_575, %dma_start3A_576, %dma_start3A_577] : memref<2x16x64xi32, #tpu.memory_space<vmem>> -> memref<1x1x64xi32, #tpu.memory_space<vmem>>
      %dma_start3A_579 = tpu.memref_squeeze %dma_start3A_578 : memref<1x1x64xi32, #tpu.memory_space<vmem>> -> memref<64xi32, #tpu.memory_space<vmem>>
      %dma_start3A_580 = arith.constant 0 : i32
      %dma_start3A_581 = arith.constant 0 : i32
      %dma_start3A_582 = tpu.memref_slice %arg3[%dma_start3A_580, %dma_start3A_581] : memref<10000x128xf32, #tpu.memory_space<hbm>> -> memref<10000x128xf32, #tpu.memory_space<hbm>>
      tpu.enqueue_indirect_dma source(%dma_start3A_582 : memref<10000x128xf32, #tpu.memory_space<hbm>>) target(%arg8 : memref<64x128xf32, #tpu.memory_space<vmem>>) offsets(%dma_start3A_579 : memref<64xi32, #tpu.memory_space<vmem>>) semaphore(%arg14 : memref<!tpu.dma_semaphore, #tpu.memory_space<semaphore_mem>>)
      %dma_wait3A_583 = arith.constant 0 : i32
      %dma_wait3A_584 = arith.constant 6 : i32
      %dma_wait3A_585 = arith.constant 0 : i32
      %dma_wait3A_586 = tpu.memref_slice %arg6[%dma_wait3A_583, %dma_wait3A_584, %dma_wait3A_585] : memref<2x16x64xi32, #tpu.memory_space<vmem>> -> memref<1x1x64xi32, #tpu.memory_space<vmem>>
      %dma_wait3A_587 = tpu.memref_squeeze %dma_wait3A_586 : memref<1x1x64xi32, #tpu.memory_space<vmem>> -> memref<64xi32, #tpu.memory_space<vmem>>
      %dma_wait3A_588 = arith.constant 0 : i32
      %dma_wait3A_589 = arith.constant 0 : i32
      %dma_wait3A_590 = tpu.memref_slice %arg3[%dma_wait3A_588, %dma_wait3A_589] : memref<10000x128xf32, #tpu.memory_space<hbm>> -> memref<10000x128xf32, #tpu.memory_space<hbm>>
      tpu.wait_indirect_dma semaphore(%arg15 : memref<!tpu.dma_semaphore, #tpu.memory_space<semaphore_mem>>) src(%dma_wait3A_590 : memref<10000x128xf32, #tpu.memory_space<hbm>>) dst(%arg9 : memref<64x128xf32, #tpu.memory_space<vmem>>)
      %run_scoped3A_591 = arith.constant 1 : i32
      %run_scoped3A_592 = arith.constant 6 : i32
      "tpu.region"() ({
        %run_scoped3A_742 = tpu.sem_alloc : memref<!tpu.dma_semaphore, #tpu.memory_space<semaphore_mem>>
        %dma_start3A_743 = arith.constant 0 : i32
        %dma_start3A_744 = tpu.memref_slice %arg6[%run_scoped3A_591, %run_scoped3A_592, %dma_start3A_743] : memref<2x16x64xi32, #tpu.memory_space<vmem>> -> memref<1x1x64xi32, #tpu.memory_space<vmem>>
        %dma_start3A_745 = tpu.memref_squeeze %dma_start3A_744 : memref<1x1x64xi32, #tpu.memory_space<vmem>> -> memref<64xi32, #tpu.memory_space<vmem>>
        %dma_start3A_746 = arith.constant 0 : i32
        %dma_start3A_747 = arith.constant 0 : i32
        %dma_start3A_748 = tpu.memref_slice %arg11[%dma_start3A_746, %dma_start3A_747] : memref<10240x128xf32, #tpu.memory_space<vmem_shared>> -> memref<10240x128xf32, #tpu.memory_space<vmem_shared>>
        tpu.enqueue_indirect_dma source(%arg9 : memref<64x128xf32, #tpu.memory_space<vmem>>) target(%dma_start3A_748 : memref<10240x128xf32, #tpu.memory_space<vmem_shared>>) offsets(%dma_start3A_745 : memref<64xi32, #tpu.memory_space<vmem>>) semaphore(%run_scoped3A_742 : memref<!tpu.dma_semaphore, #tpu.memory_space<semaphore_mem>>) {add = true}
        %dma_wait3A_749 = arith.constant 0 : i32
        %dma_wait3A_750 = tpu.memref_slice %arg6[%run_scoped3A_591, %run_scoped3A_592, %dma_wait3A_749] : memref<2x16x64xi32, #tpu.memory_space<vmem>> -> memref<1x1x64xi32, #tpu.memory_space<vmem>>
        %dma_wait3A_751 = tpu.memref_squeeze %dma_wait3A_750 : memref<1x1x64xi32, #tpu.memory_space<vmem>> -> memref<64xi32, #tpu.memory_space<vmem>>
        %dma_wait3A_752 = arith.constant 0 : i32
        %dma_wait3A_753 = arith.constant 0 : i32
        %dma_wait3A_754 = tpu.memref_slice %arg11[%dma_wait3A_752, %dma_wait3A_753] : memref<10240x128xf32, #tpu.memory_space<vmem_shared>> -> memref<10240x128xf32, #tpu.memory_space<vmem_shared>>
        tpu.wait_indirect_dma semaphore(%run_scoped3A_742 : memref<!tpu.dma_semaphore, #tpu.memory_space<semaphore_mem>>) src(%arg9 : memref<64x128xf32, #tpu.memory_space<vmem>>) dst(%dma_wait3A_754 : memref<10240x128xf32, #tpu.memory_space<vmem_shared>>)
        tpu.yield
      }) : () -> ()
      %dma_start3A_593 = arith.constant 0 : i32
      %dma_start3A_594 = arith.constant 10 : i32
      %dma_start3A_595 = arith.constant 0 : i32
      %dma_start3A_596 = tpu.memref_slice %arg6[%dma_start3A_593, %dma_start3A_594, %dma_start3A_595] : memref<2x16x64xi32, #tpu.memory_space<vmem>> -> memref<1x1x64xi32, #tpu.memory_space<vmem>>
      %dma_start3A_597 = tpu.memref_squeeze %dma_start3A_596 : memref<1x1x64xi32, #tpu.memory_space<vmem>> -> memref<64xi32, #tpu.memory_space<vmem>>
      %dma_start3A_598 = arith.constant 0 : i32
      %dma_start3A_599 = arith.constant 0 : i32
      %dma_start3A_600 = tpu.memref_slice %arg3[%dma_start3A_598, %dma_start3A_599] : memref<10000x128xf32, #tpu.memory_space<hbm>> -> memref<10000x128xf32, #tpu.memory_space<hbm>>
      tpu.enqueue_indirect_dma source(%dma_start3A_600 : memref<10000x128xf32, #tpu.memory_space<hbm>>) target(%arg9 : memref<64x128xf32, #tpu.memory_space<vmem>>) offsets(%dma_start3A_597 : memref<64xi32, #tpu.memory_space<vmem>>) semaphore(%arg15 : memref<!tpu.dma_semaphore, #tpu.memory_space<semaphore_mem>>)
      %dma_wait3A_601 = arith.constant 0 : i32
      %dma_wait3A_602 = arith.constant 7 : i32
      %dma_wait3A_603 = arith.constant 0 : i32
      %dma_wait3A_604 = tpu.memref_slice %arg6[%dma_wait3A_601, %dma_wait3A_602, %dma_wait3A_603] : memref<2x16x64xi32, #tpu.memory_space<vmem>> -> memref<1x1x64xi32, #tpu.memory_space<vmem>>
      %dma_wait3A_605 = tpu.memref_squeeze %dma_wait3A_604 : memref<1x1x64xi32, #tpu.memory_space<vmem>> -> memref<64xi32, #tpu.memory_space<vmem>>
      %dma_wait3A_606 = arith.constant 0 : i32
      %dma_wait3A_607 = arith.constant 0 : i32
      %dma_wait3A_608 = tpu.memref_slice %arg3[%dma_wait3A_606, %dma_wait3A_607] : memref<10000x128xf32, #tpu.memory_space<hbm>> -> memref<10000x128xf32, #tpu.memory_space<hbm>>
      tpu.wait_indirect_dma semaphore(%arg16 : memref<!tpu.dma_semaphore, #tpu.memory_space<semaphore_mem>>) src(%dma_wait3A_608 : memref<10000x128xf32, #tpu.memory_space<hbm>>) dst(%arg10 : memref<64x128xf32, #tpu.memory_space<vmem>>)
      %run_scoped3A_609 = arith.constant 1 : i32
      %run_scoped3A_610 = arith.constant 7 : i32
      "tpu.region"() ({
        %run_scoped3A_742 = tpu.sem_alloc : memref<!tpu.dma_semaphore, #tpu.memory_space<semaphore_mem>>
        %dma_start3A_743 = arith.constant 0 : i32
        %dma_start3A_744 = tpu.memref_slice %arg6[%run_scoped3A_609, %run_scoped3A_610, %dma_start3A_743] : memref<2x16x64xi32, #tpu.memory_space<vmem>> -> memref<1x1x64xi32, #tpu.memory_space<vmem>>
        %dma_start3A_745 = tpu.memref_squeeze %dma_start3A_744 : memref<1x1x64xi32, #tpu.memory_space<vmem>> -> memref<64xi32, #tpu.memory_space<vmem>>
        %dma_start3A_746 = arith.constant 0 : i32
        %dma_start3A_747 = arith.constant 0 : i32
        %dma_start3A_748 = tpu.memref_slice %arg11[%dma_start3A_746, %dma_start3A_747] : memref<10240x128xf32, #tpu.memory_space<vmem_shared>> -> memref<10240x128xf32, #tpu.memory_space<vmem_shared>>
        tpu.enqueue_indirect_dma source(%arg10 : memref<64x128xf32, #tpu.memory_space<vmem>>) target(%dma_start3A_748 : memref<10240x128xf32, #tpu.memory_space<vmem_shared>>) offsets(%dma_start3A_745 : memref<64xi32, #tpu.memory_space<vmem>>) semaphore(%run_scoped3A_742 : memref<!tpu.dma_semaphore, #tpu.memory_space<semaphore_mem>>) {add = true}
        %dma_wait3A_749 = arith.constant 0 : i32
        %dma_wait3A_750 = tpu.memref_slice %arg6[%run_scoped3A_609, %run_scoped3A_610, %dma_wait3A_749] : memref<2x16x64xi32, #tpu.memory_space<vmem>> -> memref<1x1x64xi32, #tpu.memory_space<vmem>>
        %dma_wait3A_751 = tpu.memref_squeeze %dma_wait3A_750 : memref<1x1x64xi32, #tpu.memory_space<vmem>> -> memref<64xi32, #tpu.memory_space<vmem>>
        %dma_wait3A_752 = arith.constant 0 : i32
        %dma_wait3A_753 = arith.constant 0 : i32
        %dma_wait3A_754 = tpu.memref_slice %arg11[%dma_wait3A_752, %dma_wait3A_753] : memref<10240x128xf32, #tpu.memory_space<vmem_shared>> -> memref<10240x128xf32, #tpu.memory_space<vmem_shared>>
        tpu.wait_indirect_dma semaphore(%run_scoped3A_742 : memref<!tpu.dma_semaphore, #tpu.memory_space<semaphore_mem>>) src(%arg10 : memref<64x128xf32, #tpu.memory_space<vmem>>) dst(%dma_wait3A_754 : memref<10240x128xf32, #tpu.memory_space<vmem_shared>>)
        tpu.yield
      }) : () -> ()
      %dma_start3A_611 = arith.constant 0 : i32
      %dma_start3A_612 = arith.constant 11 : i32
      %dma_start3A_613 = arith.constant 0 : i32
      %dma_start3A_614 = tpu.memref_slice %arg6[%dma_start3A_611, %dma_start3A_612, %dma_start3A_613] : memref<2x16x64xi32, #tpu.memory_space<vmem>> -> memref<1x1x64xi32, #tpu.memory_space<vmem>>
      %dma_start3A_615 = tpu.memref_squeeze %dma_start3A_614 : memref<1x1x64xi32, #tpu.memory_space<vmem>> -> memref<64xi32, #tpu.memory_space<vmem>>
      %dma_start3A_616 = arith.constant 0 : i32
      %dma_start3A_617 = arith.constant 0 : i32
      %dma_start3A_618 = tpu.memref_slice %arg3[%dma_start3A_616, %dma_start3A_617] : memref<10000x128xf32, #tpu.memory_space<hbm>> -> memref<10000x128xf32, #tpu.memory_space<hbm>>
      tpu.enqueue_indirect_dma source(%dma_start3A_618 : memref<10000x128xf32, #tpu.memory_space<hbm>>) target(%arg10 : memref<64x128xf32, #tpu.memory_space<vmem>>) offsets(%dma_start3A_615 : memref<64xi32, #tpu.memory_space<vmem>>) semaphore(%arg16 : memref<!tpu.dma_semaphore, #tpu.memory_space<semaphore_mem>>)
      %dma_wait3A_619 = arith.constant 0 : i32
      %dma_wait3A_620 = arith.constant 8 : i32
      %dma_wait3A_621 = arith.constant 0 : i32
      %dma_wait3A_622 = tpu.memref_slice %arg6[%dma_wait3A_619, %dma_wait3A_620, %dma_wait3A_621] : memref<2x16x64xi32, #tpu.memory_space<vmem>> -> memref<1x1x64xi32, #tpu.memory_space<vmem>>
      %dma_wait3A_623 = tpu.memref_squeeze %dma_wait3A_622 : memref<1x1x64xi32, #tpu.memory_space<vmem>> -> memref<64xi32, #tpu.memory_space<vmem>>
      %dma_wait3A_624 = arith.constant 0 : i32
      %dma_wait3A_625 = arith.constant 0 : i32
      %dma_wait3A_626 = tpu.memref_slice %arg3[%dma_wait3A_624, %dma_wait3A_625] : memref<10000x128xf32, #tpu.memory_space<hbm>> -> memref<10000x128xf32, #tpu.memory_space<hbm>>
      tpu.wait_indirect_dma semaphore(%arg13 : memref<!tpu.dma_semaphore, #tpu.memory_space<semaphore_mem>>) src(%dma_wait3A_626 : memref<10000x128xf32, #tpu.memory_space<hbm>>) dst(%arg7 : memref<64x128xf32, #tpu.memory_space<vmem>>)
      %run_scoped3A_627 = arith.constant 1 : i32
      %run_scoped3A_628 = arith.constant 8 : i32
      "tpu.region"() ({
        %run_scoped3A_742 = tpu.sem_alloc : memref<!tpu.dma_semaphore, #tpu.memory_space<semaphore_mem>>
        %dma_start3A_743 = arith.constant 0 : i32
        %dma_start3A_744 = tpu.memref_slice %arg6[%run_scoped3A_627, %run_scoped3A_628, %dma_start3A_743] : memref<2x16x64xi32, #tpu.memory_space<vmem>> -> memref<1x1x64xi32, #tpu.memory_space<vmem>>
        %dma_start3A_745 = tpu.memref_squeeze %dma_start3A_744 : memref<1x1x64xi32, #tpu.memory_space<vmem>> -> memref<64xi32, #tpu.memory_space<vmem>>
        %dma_start3A_746 = arith.constant 0 : i32
        %dma_start3A_747 = arith.constant 0 : i32
        %dma_start3A_748 = tpu.memref_slice %arg11[%dma_start3A_746, %dma_start3A_747] : memref<10240x128xf32, #tpu.memory_space<vmem_shared>> -> memref<10240x128xf32, #tpu.memory_space<vmem_shared>>
        tpu.enqueue_indirect_dma source(%arg7 : memref<64x128xf32, #tpu.memory_space<vmem>>) target(%dma_start3A_748 : memref<10240x128xf32, #tpu.memory_space<vmem_shared>>) offsets(%dma_start3A_745 : memref<64xi32, #tpu.memory_space<vmem>>) semaphore(%run_scoped3A_742 : memref<!tpu.dma_semaphore, #tpu.memory_space<semaphore_mem>>) {add = true}
        %dma_wait3A_749 = arith.constant 0 : i32
        %dma_wait3A_750 = tpu.memref_slice %arg6[%run_scoped3A_627, %run_scoped3A_628, %dma_wait3A_749] : memref<2x16x64xi32, #tpu.memory_space<vmem>> -> memref<1x1x64xi32, #tpu.memory_space<vmem>>
        %dma_wait3A_751 = tpu.memref_squeeze %dma_wait3A_750 : memref<1x1x64xi32, #tpu.memory_space<vmem>> -> memref<64xi32, #tpu.memory_space<vmem>>
        %dma_wait3A_752 = arith.constant 0 : i32
        %dma_wait3A_753 = arith.constant 0 : i32
        %dma_wait3A_754 = tpu.memref_slice %arg11[%dma_wait3A_752, %dma_wait3A_753] : memref<10240x128xf32, #tpu.memory_space<vmem_shared>> -> memref<10240x128xf32, #tpu.memory_space<vmem_shared>>
        tpu.wait_indirect_dma semaphore(%run_scoped3A_742 : memref<!tpu.dma_semaphore, #tpu.memory_space<semaphore_mem>>) src(%arg7 : memref<64x128xf32, #tpu.memory_space<vmem>>) dst(%dma_wait3A_754 : memref<10240x128xf32, #tpu.memory_space<vmem_shared>>)
        tpu.yield
      }) : () -> ()
      %dma_start3A_629 = arith.constant 0 : i32
      %dma_start3A_630 = arith.constant 12 : i32
      %dma_start3A_631 = arith.constant 0 : i32
      %dma_start3A_632 = tpu.memref_slice %arg6[%dma_start3A_629, %dma_start3A_630, %dma_start3A_631] : memref<2x16x64xi32, #tpu.memory_space<vmem>> -> memref<1x1x64xi32, #tpu.memory_space<vmem>>
      %dma_start3A_633 = tpu.memref_squeeze %dma_start3A_632 : memref<1x1x64xi32, #tpu.memory_space<vmem>> -> memref<64xi32, #tpu.memory_space<vmem>>
      %dma_start3A_634 = arith.constant 0 : i32
      %dma_start3A_635 = arith.constant 0 : i32
      %dma_start3A_636 = tpu.memref_slice %arg3[%dma_start3A_634, %dma_start3A_635] : memref<10000x128xf32, #tpu.memory_space<hbm>> -> memref<10000x128xf32, #tpu.memory_space<hbm>>
      tpu.enqueue_indirect_dma source(%dma_start3A_636 : memref<10000x128xf32, #tpu.memory_space<hbm>>) target(%arg7 : memref<64x128xf32, #tpu.memory_space<vmem>>) offsets(%dma_start3A_633 : memref<64xi32, #tpu.memory_space<vmem>>) semaphore(%arg13 : memref<!tpu.dma_semaphore, #tpu.memory_space<semaphore_mem>>)
      %dma_wait3A_637 = arith.constant 0 : i32
      %dma_wait3A_638 = arith.constant 9 : i32
      %dma_wait3A_639 = arith.constant 0 : i32
      %dma_wait3A_640 = tpu.memref_slice %arg6[%dma_wait3A_637, %dma_wait3A_638, %dma_wait3A_639] : memref<2x16x64xi32, #tpu.memory_space<vmem>> -> memref<1x1x64xi32, #tpu.memory_space<vmem>>
      %dma_wait3A_641 = tpu.memref_squeeze %dma_wait3A_640 : memref<1x1x64xi32, #tpu.memory_space<vmem>> -> memref<64xi32, #tpu.memory_space<vmem>>
      %dma_wait3A_642 = arith.constant 0 : i32
      %dma_wait3A_643 = arith.constant 0 : i32
      %dma_wait3A_644 = tpu.memref_slice %arg3[%dma_wait3A_642, %dma_wait3A_643] : memref<10000x128xf32, #tpu.memory_space<hbm>> -> memref<10000x128xf32, #tpu.memory_space<hbm>>
      tpu.wait_indirect_dma semaphore(%arg14 : memref<!tpu.dma_semaphore, #tpu.memory_space<semaphore_mem>>) src(%dma_wait3A_644 : memref<10000x128xf32, #tpu.memory_space<hbm>>) dst(%arg8 : memref<64x128xf32, #tpu.memory_space<vmem>>)
      %run_scoped3A_645 = arith.constant 1 : i32
      %run_scoped3A_646 = arith.constant 9 : i32
      "tpu.region"() ({
        %run_scoped3A_742 = tpu.sem_alloc : memref<!tpu.dma_semaphore, #tpu.memory_space<semaphore_mem>>
        %dma_start3A_743 = arith.constant 0 : i32
        %dma_start3A_744 = tpu.memref_slice %arg6[%run_scoped3A_645, %run_scoped3A_646, %dma_start3A_743] : memref<2x16x64xi32, #tpu.memory_space<vmem>> -> memref<1x1x64xi32, #tpu.memory_space<vmem>>
        %dma_start3A_745 = tpu.memref_squeeze %dma_start3A_744 : memref<1x1x64xi32, #tpu.memory_space<vmem>> -> memref<64xi32, #tpu.memory_space<vmem>>
        %dma_start3A_746 = arith.constant 0 : i32
        %dma_start3A_747 = arith.constant 0 : i32
        %dma_start3A_748 = tpu.memref_slice %arg11[%dma_start3A_746, %dma_start3A_747] : memref<10240x128xf32, #tpu.memory_space<vmem_shared>> -> memref<10240x128xf32, #tpu.memory_space<vmem_shared>>
        tpu.enqueue_indirect_dma source(%arg8 : memref<64x128xf32, #tpu.memory_space<vmem>>) target(%dma_start3A_748 : memref<10240x128xf32, #tpu.memory_space<vmem_shared>>) offsets(%dma_start3A_745 : memref<64xi32, #tpu.memory_space<vmem>>) semaphore(%run_scoped3A_742 : memref<!tpu.dma_semaphore, #tpu.memory_space<semaphore_mem>>) {add = true}
        %dma_wait3A_749 = arith.constant 0 : i32
        %dma_wait3A_750 = tpu.memref_slice %arg6[%run_scoped3A_645, %run_scoped3A_646, %dma_wait3A_749] : memref<2x16x64xi32, #tpu.memory_space<vmem>> -> memref<1x1x64xi32, #tpu.memory_space<vmem>>
        %dma_wait3A_751 = tpu.memref_squeeze %dma_wait3A_750 : memref<1x1x64xi32, #tpu.memory_space<vmem>> -> memref<64xi32, #tpu.memory_space<vmem>>
        %dma_wait3A_752 = arith.constant 0 : i32
        %dma_wait3A_753 = arith.constant 0 : i32
        %dma_wait3A_754 = tpu.memref_slice %arg11[%dma_wait3A_752, %dma_wait3A_753] : memref<10240x128xf32, #tpu.memory_space<vmem_shared>> -> memref<10240x128xf32, #tpu.memory_space<vmem_shared>>
        tpu.wait_indirect_dma semaphore(%run_scoped3A_742 : memref<!tpu.dma_semaphore, #tpu.memory_space<semaphore_mem>>) src(%arg8 : memref<64x128xf32, #tpu.memory_space<vmem>>) dst(%dma_wait3A_754 : memref<10240x128xf32, #tpu.memory_space<vmem_shared>>)
        tpu.yield
      }) : () -> ()
      %dma_start3A_647 = arith.constant 0 : i32
      %dma_start3A_648 = arith.constant 13 : i32
      %dma_start3A_649 = arith.constant 0 : i32
      %dma_start3A_650 = tpu.memref_slice %arg6[%dma_start3A_647, %dma_start3A_648, %dma_start3A_649] : memref<2x16x64xi32, #tpu.memory_space<vmem>> -> memref<1x1x64xi32, #tpu.memory_space<vmem>>
      %dma_start3A_651 = tpu.memref_squeeze %dma_start3A_650 : memref<1x1x64xi32, #tpu.memory_space<vmem>> -> memref<64xi32, #tpu.memory_space<vmem>>
      %dma_start3A_652 = arith.constant 0 : i32
      %dma_start3A_653 = arith.constant 0 : i32
      %dma_start3A_654 = tpu.memref_slice %arg3[%dma_start3A_652, %dma_start3A_653] : memref<10000x128xf32, #tpu.memory_space<hbm>> -> memref<10000x128xf32, #tpu.memory_space<hbm>>
      tpu.enqueue_indirect_dma source(%dma_start3A_654 : memref<10000x128xf32, #tpu.memory_space<hbm>>) target(%arg8 : memref<64x128xf32, #tpu.memory_space<vmem>>) offsets(%dma_start3A_651 : memref<64xi32, #tpu.memory_space<vmem>>) semaphore(%arg14 : memref<!tpu.dma_semaphore, #tpu.memory_space<semaphore_mem>>)
      %dma_wait3A_655 = arith.constant 0 : i32
      %dma_wait3A_656 = arith.constant 10 : i32
      %dma_wait3A_657 = arith.constant 0 : i32
      %dma_wait3A_658 = tpu.memref_slice %arg6[%dma_wait3A_655, %dma_wait3A_656, %dma_wait3A_657] : memref<2x16x64xi32, #tpu.memory_space<vmem>> -> memref<1x1x64xi32, #tpu.memory_space<vmem>>
      %dma_wait3A_659 = tpu.memref_squeeze %dma_wait3A_658 : memref<1x1x64xi32, #tpu.memory_space<vmem>> -> memref<64xi32, #tpu.memory_space<vmem>>
      %dma_wait3A_660 = arith.constant 0 : i32
      %dma_wait3A_661 = arith.constant 0 : i32
      %dma_wait3A_662 = tpu.memref_slice %arg3[%dma_wait3A_660, %dma_wait3A_661] : memref<10000x128xf32, #tpu.memory_space<hbm>> -> memref<10000x128xf32, #tpu.memory_space<hbm>>
      tpu.wait_indirect_dma semaphore(%arg15 : memref<!tpu.dma_semaphore, #tpu.memory_space<semaphore_mem>>) src(%dma_wait3A_662 : memref<10000x128xf32, #tpu.memory_space<hbm>>) dst(%arg9 : memref<64x128xf32, #tpu.memory_space<vmem>>)
      %run_scoped3A_663 = arith.constant 1 : i32
      %run_scoped3A_664 = arith.constant 10 : i32
      "tpu.region"() ({
        %run_scoped3A_742 = tpu.sem_alloc : memref<!tpu.dma_semaphore, #tpu.memory_space<semaphore_mem>>
        %dma_start3A_743 = arith.constant 0 : i32
        %dma_start3A_744 = tpu.memref_slice %arg6[%run_scoped3A_663, %run_scoped3A_664, %dma_start3A_743] : memref<2x16x64xi32, #tpu.memory_space<vmem>> -> memref<1x1x64xi32, #tpu.memory_space<vmem>>
        %dma_start3A_745 = tpu.memref_squeeze %dma_start3A_744 : memref<1x1x64xi32, #tpu.memory_space<vmem>> -> memref<64xi32, #tpu.memory_space<vmem>>
        %dma_start3A_746 = arith.constant 0 : i32
        %dma_start3A_747 = arith.constant 0 : i32
        %dma_start3A_748 = tpu.memref_slice %arg11[%dma_start3A_746, %dma_start3A_747] : memref<10240x128xf32, #tpu.memory_space<vmem_shared>> -> memref<10240x128xf32, #tpu.memory_space<vmem_shared>>
        tpu.enqueue_indirect_dma source(%arg9 : memref<64x128xf32, #tpu.memory_space<vmem>>) target(%dma_start3A_748 : memref<10240x128xf32, #tpu.memory_space<vmem_shared>>) offsets(%dma_start3A_745 : memref<64xi32, #tpu.memory_space<vmem>>) semaphore(%run_scoped3A_742 : memref<!tpu.dma_semaphore, #tpu.memory_space<semaphore_mem>>) {add = true}
        %dma_wait3A_749 = arith.constant 0 : i32
        %dma_wait3A_750 = tpu.memref_slice %arg6[%run_scoped3A_663, %run_scoped3A_664, %dma_wait3A_749] : memref<2x16x64xi32, #tpu.memory_space<vmem>> -> memref<1x1x64xi32, #tpu.memory_space<vmem>>
        %dma_wait3A_751 = tpu.memref_squeeze %dma_wait3A_750 : memref<1x1x64xi32, #tpu.memory_space<vmem>> -> memref<64xi32, #tpu.memory_space<vmem>>
        %dma_wait3A_752 = arith.constant 0 : i32
        %dma_wait3A_753 = arith.constant 0 : i32
        %dma_wait3A_754 = tpu.memref_slice %arg11[%dma_wait3A_752, %dma_wait3A_753] : memref<10240x128xf32, #tpu.memory_space<vmem_shared>> -> memref<10240x128xf32, #tpu.memory_space<vmem_shared>>
        tpu.wait_indirect_dma semaphore(%run_scoped3A_742 : memref<!tpu.dma_semaphore, #tpu.memory_space<semaphore_mem>>) src(%arg9 : memref<64x128xf32, #tpu.memory_space<vmem>>) dst(%dma_wait3A_754 : memref<10240x128xf32, #tpu.memory_space<vmem_shared>>)
        tpu.yield
      }) : () -> ()
      %dma_start3A_665 = arith.constant 0 : i32
      %dma_start3A_666 = arith.constant 14 : i32
      %dma_start3A_667 = arith.constant 0 : i32
      %dma_start3A_668 = tpu.memref_slice %arg6[%dma_start3A_665, %dma_start3A_666, %dma_start3A_667] : memref<2x16x64xi32, #tpu.memory_space<vmem>> -> memref<1x1x64xi32, #tpu.memory_space<vmem>>
      %dma_start3A_669 = tpu.memref_squeeze %dma_start3A_668 : memref<1x1x64xi32, #tpu.memory_space<vmem>> -> memref<64xi32, #tpu.memory_space<vmem>>
      %dma_start3A_670 = arith.constant 0 : i32
      %dma_start3A_671 = arith.constant 0 : i32
      %dma_start3A_672 = tpu.memref_slice %arg3[%dma_start3A_670, %dma_start3A_671] : memref<10000x128xf32, #tpu.memory_space<hbm>> -> memref<10000x128xf32, #tpu.memory_space<hbm>>
      tpu.enqueue_indirect_dma source(%dma_start3A_672 : memref<10000x128xf32, #tpu.memory_space<hbm>>) target(%arg9 : memref<64x128xf32, #tpu.memory_space<vmem>>) offsets(%dma_start3A_669 : memref<64xi32, #tpu.memory_space<vmem>>) semaphore(%arg15 : memref<!tpu.dma_semaphore, #tpu.memory_space<semaphore_mem>>)
      %dma_wait3A_673 = arith.constant 0 : i32
      %dma_wait3A_674 = arith.constant 11 : i32
      %dma_wait3A_675 = arith.constant 0 : i32
      %dma_wait3A_676 = tpu.memref_slice %arg6[%dma_wait3A_673, %dma_wait3A_674, %dma_wait3A_675] : memref<2x16x64xi32, #tpu.memory_space<vmem>> -> memref<1x1x64xi32, #tpu.memory_space<vmem>>
      %dma_wait3A_677 = tpu.memref_squeeze %dma_wait3A_676 : memref<1x1x64xi32, #tpu.memory_space<vmem>> -> memref<64xi32, #tpu.memory_space<vmem>>
      %dma_wait3A_678 = arith.constant 0 : i32
      %dma_wait3A_679 = arith.constant 0 : i32
      %dma_wait3A_680 = tpu.memref_slice %arg3[%dma_wait3A_678, %dma_wait3A_679] : memref<10000x128xf32, #tpu.memory_space<hbm>> -> memref<10000x128xf32, #tpu.memory_space<hbm>>
      tpu.wait_indirect_dma semaphore(%arg16 : memref<!tpu.dma_semaphore, #tpu.memory_space<semaphore_mem>>) src(%dma_wait3A_680 : memref<10000x128xf32, #tpu.memory_space<hbm>>) dst(%arg10 : memref<64x128xf32, #tpu.memory_space<vmem>>)
      %run_scoped3A_681 = arith.constant 1 : i32
      %run_scoped3A_682 = arith.constant 11 : i32
      "tpu.region"() ({
        %run_scoped3A_742 = tpu.sem_alloc : memref<!tpu.dma_semaphore, #tpu.memory_space<semaphore_mem>>
        %dma_start3A_743 = arith.constant 0 : i32
        %dma_start3A_744 = tpu.memref_slice %arg6[%run_scoped3A_681, %run_scoped3A_682, %dma_start3A_743] : memref<2x16x64xi32, #tpu.memory_space<vmem>> -> memref<1x1x64xi32, #tpu.memory_space<vmem>>
        %dma_start3A_745 = tpu.memref_squeeze %dma_start3A_744 : memref<1x1x64xi32, #tpu.memory_space<vmem>> -> memref<64xi32, #tpu.memory_space<vmem>>
        %dma_start3A_746 = arith.constant 0 : i32
        %dma_start3A_747 = arith.constant 0 : i32
        %dma_start3A_748 = tpu.memref_slice %arg11[%dma_start3A_746, %dma_start3A_747] : memref<10240x128xf32, #tpu.memory_space<vmem_shared>> -> memref<10240x128xf32, #tpu.memory_space<vmem_shared>>
        tpu.enqueue_indirect_dma source(%arg10 : memref<64x128xf32, #tpu.memory_space<vmem>>) target(%dma_start3A_748 : memref<10240x128xf32, #tpu.memory_space<vmem_shared>>) offsets(%dma_start3A_745 : memref<64xi32, #tpu.memory_space<vmem>>) semaphore(%run_scoped3A_742 : memref<!tpu.dma_semaphore, #tpu.memory_space<semaphore_mem>>) {add = true}
        %dma_wait3A_749 = arith.constant 0 : i32
        %dma_wait3A_750 = tpu.memref_slice %arg6[%run_scoped3A_681, %run_scoped3A_682, %dma_wait3A_749] : memref<2x16x64xi32, #tpu.memory_space<vmem>> -> memref<1x1x64xi32, #tpu.memory_space<vmem>>
        %dma_wait3A_751 = tpu.memref_squeeze %dma_wait3A_750 : memref<1x1x64xi32, #tpu.memory_space<vmem>> -> memref<64xi32, #tpu.memory_space<vmem>>
        %dma_wait3A_752 = arith.constant 0 : i32
        %dma_wait3A_753 = arith.constant 0 : i32
        %dma_wait3A_754 = tpu.memref_slice %arg11[%dma_wait3A_752, %dma_wait3A_753] : memref<10240x128xf32, #tpu.memory_space<vmem_shared>> -> memref<10240x128xf32, #tpu.memory_space<vmem_shared>>
        tpu.wait_indirect_dma semaphore(%run_scoped3A_742 : memref<!tpu.dma_semaphore, #tpu.memory_space<semaphore_mem>>) src(%arg10 : memref<64x128xf32, #tpu.memory_space<vmem>>) dst(%dma_wait3A_754 : memref<10240x128xf32, #tpu.memory_space<vmem_shared>>)
        tpu.yield
      }) : () -> ()
      %dma_start3A_683 = arith.constant 0 : i32
      %dma_start3A_684 = arith.constant 15 : i32
      %dma_start3A_685 = arith.constant 0 : i32
      %dma_start3A_686 = tpu.memref_slice %arg6[%dma_start3A_683, %dma_start3A_684, %dma_start3A_685] : memref<2x16x64xi32, #tpu.memory_space<vmem>> -> memref<1x1x64xi32, #tpu.memory_space<vmem>>
      %dma_start3A_687 = tpu.memref_squeeze %dma_start3A_686 : memref<1x1x64xi32, #tpu.memory_space<vmem>> -> memref<64xi32, #tpu.memory_space<vmem>>
      %dma_start3A_688 = arith.constant 0 : i32
      %dma_start3A_689 = arith.constant 0 : i32
      %dma_start3A_690 = tpu.memref_slice %arg3[%dma_start3A_688, %dma_start3A_689] : memref<10000x128xf32, #tpu.memory_space<hbm>> -> memref<10000x128xf32, #tpu.memory_space<hbm>>
      tpu.enqueue_indirect_dma source(%dma_start3A_690 : memref<10000x128xf32, #tpu.memory_space<hbm>>) target(%arg10 : memref<64x128xf32, #tpu.memory_space<vmem>>) offsets(%dma_start3A_687 : memref<64xi32, #tpu.memory_space<vmem>>) semaphore(%arg16 : memref<!tpu.dma_semaphore, #tpu.memory_space<semaphore_mem>>)
      %dma_wait3A_691 = arith.constant 0 : i32
      %dma_wait3A_692 = arith.constant 12 : i32
      %dma_wait3A_693 = arith.constant 0 : i32
      %dma_wait3A_694 = tpu.memref_slice %arg6[%dma_wait3A_691, %dma_wait3A_692, %dma_wait3A_693] : memref<2x16x64xi32, #tpu.memory_space<vmem>> -> memref<1x1x64xi32, #tpu.memory_space<vmem>>
      %dma_wait3A_695 = tpu.memref_squeeze %dma_wait3A_694 : memref<1x1x64xi32, #tpu.memory_space<vmem>> -> memref<64xi32, #tpu.memory_space<vmem>>
      %dma_wait3A_696 = arith.constant 0 : i32
      %dma_wait3A_697 = arith.constant 0 : i32
      %dma_wait3A_698 = tpu.memref_slice %arg3[%dma_wait3A_696, %dma_wait3A_697] : memref<10000x128xf32, #tpu.memory_space<hbm>> -> memref<10000x128xf32, #tpu.memory_space<hbm>>
      tpu.wait_indirect_dma semaphore(%arg13 : memref<!tpu.dma_semaphore, #tpu.memory_space<semaphore_mem>>) src(%dma_wait3A_698 : memref<10000x128xf32, #tpu.memory_space<hbm>>) dst(%arg7 : memref<64x128xf32, #tpu.memory_space<vmem>>)
      %run_scoped3A_699 = arith.constant 1 : i32
      %run_scoped3A_700 = arith.constant 12 : i32
      "tpu.region"() ({
        %run_scoped3A_742 = tpu.sem_alloc : memref<!tpu.dma_semaphore, #tpu.memory_space<semaphore_mem>>
        %dma_start3A_743 = arith.constant 0 : i32
        %dma_start3A_744 = tpu.memref_slice %arg6[%run_scoped3A_699, %run_scoped3A_700, %dma_start3A_743] : memref<2x16x64xi32, #tpu.memory_space<vmem>> -> memref<1x1x64xi32, #tpu.memory_space<vmem>>
        %dma_start3A_745 = tpu.memref_squeeze %dma_start3A_744 : memref<1x1x64xi32, #tpu.memory_space<vmem>> -> memref<64xi32, #tpu.memory_space<vmem>>
        %dma_start3A_746 = arith.constant 0 : i32
        %dma_start3A_747 = arith.constant 0 : i32
        %dma_start3A_748 = tpu.memref_slice %arg11[%dma_start3A_746, %dma_start3A_747] : memref<10240x128xf32, #tpu.memory_space<vmem_shared>> -> memref<10240x128xf32, #tpu.memory_space<vmem_shared>>
        tpu.enqueue_indirect_dma source(%arg7 : memref<64x128xf32, #tpu.memory_space<vmem>>) target(%dma_start3A_748 : memref<10240x128xf32, #tpu.memory_space<vmem_shared>>) offsets(%dma_start3A_745 : memref<64xi32, #tpu.memory_space<vmem>>) semaphore(%run_scoped3A_742 : memref<!tpu.dma_semaphore, #tpu.memory_space<semaphore_mem>>) {add = true}
        %dma_wait3A_749 = arith.constant 0 : i32
        %dma_wait3A_750 = tpu.memref_slice %arg6[%run_scoped3A_699, %run_scoped3A_700, %dma_wait3A_749] : memref<2x16x64xi32, #tpu.memory_space<vmem>> -> memref<1x1x64xi32, #tpu.memory_space<vmem>>
        %dma_wait3A_751 = tpu.memref_squeeze %dma_wait3A_750 : memref<1x1x64xi32, #tpu.memory_space<vmem>> -> memref<64xi32, #tpu.memory_space<vmem>>
        %dma_wait3A_752 = arith.constant 0 : i32
        %dma_wait3A_753 = arith.constant 0 : i32
        %dma_wait3A_754 = tpu.memref_slice %arg11[%dma_wait3A_752, %dma_wait3A_753] : memref<10240x128xf32, #tpu.memory_space<vmem_shared>> -> memref<10240x128xf32, #tpu.memory_space<vmem_shared>>
        tpu.wait_indirect_dma semaphore(%run_scoped3A_742 : memref<!tpu.dma_semaphore, #tpu.memory_space<semaphore_mem>>) src(%arg7 : memref<64x128xf32, #tpu.memory_space<vmem>>) dst(%dma_wait3A_754 : memref<10240x128xf32, #tpu.memory_space<vmem_shared>>)
        tpu.yield
      }) : () -> ()
      %dma_wait3A_701 = arith.constant 0 : i32
      %dma_wait3A_702 = arith.constant 13 : i32
      %dma_wait3A_703 = arith.constant 0 : i32
      %dma_wait3A_704 = tpu.memref_slice %arg6[%dma_wait3A_701, %dma_wait3A_702, %dma_wait3A_703] : memref<2x16x64xi32, #tpu.memory_space<vmem>> -> memref<1x1x64xi32, #tpu.memory_space<vmem>>
      %dma_wait3A_705 = tpu.memref_squeeze %dma_wait3A_704 : memref<1x1x64xi32, #tpu.memory_space<vmem>> -> memref<64xi32, #tpu.memory_space<vmem>>
      %dma_wait3A_706 = arith.constant 0 : i32
      %dma_wait3A_707 = arith.constant 0 : i32
      %dma_wait3A_708 = tpu.memref_slice %arg3[%dma_wait3A_706, %dma_wait3A_707] : memref<10000x128xf32, #tpu.memory_space<hbm>> -> memref<10000x128xf32, #tpu.memory_space<hbm>>
      tpu.wait_indirect_dma semaphore(%arg14 : memref<!tpu.dma_semaphore, #tpu.memory_space<semaphore_mem>>) src(%dma_wait3A_708 : memref<10000x128xf32, #tpu.memory_space<hbm>>) dst(%arg8 : memref<64x128xf32, #tpu.memory_space<vmem>>)
      %run_scoped3A_709 = arith.constant 1 : i32
      %run_scoped3A_710 = arith.constant 13 : i32
      "tpu.region"() ({
        %run_scoped3A_742 = tpu.sem_alloc : memref<!tpu.dma_semaphore, #tpu.memory_space<semaphore_mem>>
        %dma_start3A_743 = arith.constant 0 : i32
        %dma_start3A_744 = tpu.memref_slice %arg6[%run_scoped3A_709, %run_scoped3A_710, %dma_start3A_743] : memref<2x16x64xi32, #tpu.memory_space<vmem>> -> memref<1x1x64xi32, #tpu.memory_space<vmem>>
        %dma_start3A_745 = tpu.memref_squeeze %dma_start3A_744 : memref<1x1x64xi32, #tpu.memory_space<vmem>> -> memref<64xi32, #tpu.memory_space<vmem>>
        %dma_start3A_746 = arith.constant 0 : i32
        %dma_start3A_747 = arith.constant 0 : i32
        %dma_start3A_748 = tpu.memref_slice %arg11[%dma_start3A_746, %dma_start3A_747] : memref<10240x128xf32, #tpu.memory_space<vmem_shared>> -> memref<10240x128xf32, #tpu.memory_space<vmem_shared>>
        tpu.enqueue_indirect_dma source(%arg8 : memref<64x128xf32, #tpu.memory_space<vmem>>) target(%dma_start3A_748 : memref<10240x128xf32, #tpu.memory_space<vmem_shared>>) offsets(%dma_start3A_745 : memref<64xi32, #tpu.memory_space<vmem>>) semaphore(%run_scoped3A_742 : memref<!tpu.dma_semaphore, #tpu.memory_space<semaphore_mem>>) {add = true}
        %dma_wait3A_749 = arith.constant 0 : i32
        %dma_wait3A_750 = tpu.memref_slice %arg6[%run_scoped3A_709, %run_scoped3A_710, %dma_wait3A_749] : memref<2x16x64xi32, #tpu.memory_space<vmem>> -> memref<1x1x64xi32, #tpu.memory_space<vmem>>
        %dma_wait3A_751 = tpu.memref_squeeze %dma_wait3A_750 : memref<1x1x64xi32, #tpu.memory_space<vmem>> -> memref<64xi32, #tpu.memory_space<vmem>>
        %dma_wait3A_752 = arith.constant 0 : i32
        %dma_wait3A_753 = arith.constant 0 : i32
        %dma_wait3A_754 = tpu.memref_slice %arg11[%dma_wait3A_752, %dma_wait3A_753] : memref<10240x128xf32, #tpu.memory_space<vmem_shared>> -> memref<10240x128xf32, #tpu.memory_space<vmem_shared>>
        tpu.wait_indirect_dma semaphore(%run_scoped3A_742 : memref<!tpu.dma_semaphore, #tpu.memory_space<semaphore_mem>>) src(%arg8 : memref<64x128xf32, #tpu.memory_space<vmem>>) dst(%dma_wait3A_754 : memref<10240x128xf32, #tpu.memory_space<vmem_shared>>)
        tpu.yield
      }) : () -> ()
      %dma_wait3A_711 = arith.constant 0 : i32
      %dma_wait3A_712 = arith.constant 14 : i32
      %dma_wait3A_713 = arith.constant 0 : i32
      %dma_wait3A_714 = tpu.memref_slice %arg6[%dma_wait3A_711, %dma_wait3A_712, %dma_wait3A_713] : memref<2x16x64xi32, #tpu.memory_space<vmem>> -> memref<1x1x64xi32, #tpu.memory_space<vmem>>
      %dma_wait3A_715 = tpu.memref_squeeze %dma_wait3A_714 : memref<1x1x64xi32, #tpu.memory_space<vmem>> -> memref<64xi32, #tpu.memory_space<vmem>>
      %dma_wait3A_716 = arith.constant 0 : i32
      %dma_wait3A_717 = arith.constant 0 : i32
      %dma_wait3A_718 = tpu.memref_slice %arg3[%dma_wait3A_716, %dma_wait3A_717] : memref<10000x128xf32, #tpu.memory_space<hbm>> -> memref<10000x128xf32, #tpu.memory_space<hbm>>
      tpu.wait_indirect_dma semaphore(%arg15 : memref<!tpu.dma_semaphore, #tpu.memory_space<semaphore_mem>>) src(%dma_wait3A_718 : memref<10000x128xf32, #tpu.memory_space<hbm>>) dst(%arg9 : memref<64x128xf32, #tpu.memory_space<vmem>>)
      %run_scoped3A_719 = arith.constant 1 : i32
      %run_scoped3A_720 = arith.constant 14 : i32
      "tpu.region"() ({
        %run_scoped3A_742 = tpu.sem_alloc : memref<!tpu.dma_semaphore, #tpu.memory_space<semaphore_mem>>
        %dma_start3A_743 = arith.constant 0 : i32
        %dma_start3A_744 = tpu.memref_slice %arg6[%run_scoped3A_719, %run_scoped3A_720, %dma_start3A_743] : memref<2x16x64xi32, #tpu.memory_space<vmem>> -> memref<1x1x64xi32, #tpu.memory_space<vmem>>
        %dma_start3A_745 = tpu.memref_squeeze %dma_start3A_744 : memref<1x1x64xi32, #tpu.memory_space<vmem>> -> memref<64xi32, #tpu.memory_space<vmem>>
        %dma_start3A_746 = arith.constant 0 : i32
        %dma_start3A_747 = arith.constant 0 : i32
        %dma_start3A_748 = tpu.memref_slice %arg11[%dma_start3A_746, %dma_start3A_747] : memref<10240x128xf32, #tpu.memory_space<vmem_shared>> -> memref<10240x128xf32, #tpu.memory_space<vmem_shared>>
        tpu.enqueue_indirect_dma source(%arg9 : memref<64x128xf32, #tpu.memory_space<vmem>>) target(%dma_start3A_748 : memref<10240x128xf32, #tpu.memory_space<vmem_shared>>) offsets(%dma_start3A_745 : memref<64xi32, #tpu.memory_space<vmem>>) semaphore(%run_scoped3A_742 : memref<!tpu.dma_semaphore, #tpu.memory_space<semaphore_mem>>) {add = true}
        %dma_wait3A_749 = arith.constant 0 : i32
        %dma_wait3A_750 = tpu.memref_slice %arg6[%run_scoped3A_719, %run_scoped3A_720, %dma_wait3A_749] : memref<2x16x64xi32, #tpu.memory_space<vmem>> -> memref<1x1x64xi32, #tpu.memory_space<vmem>>
        %dma_wait3A_751 = tpu.memref_squeeze %dma_wait3A_750 : memref<1x1x64xi32, #tpu.memory_space<vmem>> -> memref<64xi32, #tpu.memory_space<vmem>>
        %dma_wait3A_752 = arith.constant 0 : i32
        %dma_wait3A_753 = arith.constant 0 : i32
        %dma_wait3A_754 = tpu.memref_slice %arg11[%dma_wait3A_752, %dma_wait3A_753] : memref<10240x128xf32, #tpu.memory_space<vmem_shared>> -> memref<10240x128xf32, #tpu.memory_space<vmem_shared>>
        tpu.wait_indirect_dma semaphore(%run_scoped3A_742 : memref<!tpu.dma_semaphore, #tpu.memory_space<semaphore_mem>>) src(%arg9 : memref<64x128xf32, #tpu.memory_space<vmem>>) dst(%dma_wait3A_754 : memref<10240x128xf32, #tpu.memory_space<vmem_shared>>)
        tpu.yield
      }) : () -> ()
      %dma_wait3A_721 = arith.constant 0 : i32
      %dma_wait3A_722 = arith.constant 15 : i32
      %dma_wait3A_723 = arith.constant 0 : i32
      %dma_wait3A_724 = tpu.memref_slice %arg6[%dma_wait3A_721, %dma_wait3A_722, %dma_wait3A_723] : memref<2x16x64xi32, #tpu.memory_space<vmem>> -> memref<1x1x64xi32, #tpu.memory_space<vmem>>
      %dma_wait3A_725 = tpu.memref_squeeze %dma_wait3A_724 : memref<1x1x64xi32, #tpu.memory_space<vmem>> -> memref<64xi32, #tpu.memory_space<vmem>>
      %dma_wait3A_726 = arith.constant 0 : i32
      %dma_wait3A_727 = arith.constant 0 : i32
      %dma_wait3A_728 = tpu.memref_slice %arg3[%dma_wait3A_726, %dma_wait3A_727] : memref<10000x128xf32, #tpu.memory_space<hbm>> -> memref<10000x128xf32, #tpu.memory_space<hbm>>
      tpu.wait_indirect_dma semaphore(%arg16 : memref<!tpu.dma_semaphore, #tpu.memory_space<semaphore_mem>>) src(%dma_wait3A_728 : memref<10000x128xf32, #tpu.memory_space<hbm>>) dst(%arg10 : memref<64x128xf32, #tpu.memory_space<vmem>>)
      %run_scoped3A_729 = arith.constant 1 : i32
      %run_scoped3A_730 = arith.constant 15 : i32
      "tpu.region"() ({
        %run_scoped3A_742 = tpu.sem_alloc : memref<!tpu.dma_semaphore, #tpu.memory_space<semaphore_mem>>
        %dma_start3A_743 = arith.constant 0 : i32
        %dma_start3A_744 = tpu.memref_slice %arg6[%run_scoped3A_729, %run_scoped3A_730, %dma_start3A_743] : memref<2x16x64xi32, #tpu.memory_space<vmem>> -> memref<1x1x64xi32, #tpu.memory_space<vmem>>
        %dma_start3A_745 = tpu.memref_squeeze %dma_start3A_744 : memref<1x1x64xi32, #tpu.memory_space<vmem>> -> memref<64xi32, #tpu.memory_space<vmem>>
        %dma_start3A_746 = arith.constant 0 : i32
        %dma_start3A_747 = arith.constant 0 : i32
        %dma_start3A_748 = tpu.memref_slice %arg11[%dma_start3A_746, %dma_start3A_747] : memref<10240x128xf32, #tpu.memory_space<vmem_shared>> -> memref<10240x128xf32, #tpu.memory_space<vmem_shared>>
        tpu.enqueue_indirect_dma source(%arg10 : memref<64x128xf32, #tpu.memory_space<vmem>>) target(%dma_start3A_748 : memref<10240x128xf32, #tpu.memory_space<vmem_shared>>) offsets(%dma_start3A_745 : memref<64xi32, #tpu.memory_space<vmem>>) semaphore(%run_scoped3A_742 : memref<!tpu.dma_semaphore, #tpu.memory_space<semaphore_mem>>) {add = true}
        %dma_wait3A_749 = arith.constant 0 : i32
        %dma_wait3A_750 = tpu.memref_slice %arg6[%run_scoped3A_729, %run_scoped3A_730, %dma_wait3A_749] : memref<2x16x64xi32, #tpu.memory_space<vmem>> -> memref<1x1x64xi32, #tpu.memory_space<vmem>>
        %dma_wait3A_751 = tpu.memref_squeeze %dma_wait3A_750 : memref<1x1x64xi32, #tpu.memory_space<vmem>> -> memref<64xi32, #tpu.memory_space<vmem>>
        %dma_wait3A_752 = arith.constant 0 : i32
        %dma_wait3A_753 = arith.constant 0 : i32
        %dma_wait3A_754 = tpu.memref_slice %arg11[%dma_wait3A_752, %dma_wait3A_753] : memref<10240x128xf32, #tpu.memory_space<vmem_shared>> -> memref<10240x128xf32, #tpu.memory_space<vmem_shared>>
        tpu.wait_indirect_dma semaphore(%run_scoped3A_742 : memref<!tpu.dma_semaphore, #tpu.memory_space<semaphore_mem>>) src(%arg10 : memref<64x128xf32, #tpu.memory_space<vmem>>) dst(%dma_wait3A_754 : memref<10240x128xf32, #tpu.memory_space<vmem_shared>>)
        tpu.yield
      }) : () -> ()
      %dma_wait3A_731 = arith.constant 0 : i32
      %dma_wait3A_732 = arith.constant 0 : i32
      %dma_wait3A_733 = arith.constant 0 : i32
      %dma_wait3A_734 = tpu.memref_slice %arg2[%min3A_432, %dma_wait3A_731, %dma_wait3A_732, %dma_wait3A_733] : memref<320x2x16x64xi32, #tpu.memory_space<hbm>> -> memref<1x2x16x64xi32, #tpu.memory_space<hbm>>
      %dma_wait3A_735 = tpu.memref_squeeze %dma_wait3A_734 : memref<1x2x16x64xi32, #tpu.memory_space<hbm>> -> memref<2x16x64xi32, #tpu.memory_space<hbm>>
      %dma_wait3A_736 = arith.constant 0 : i32
      %dma_wait3A_737 = arith.constant 0 : i32
      %dma_wait3A_738 = arith.constant 0 : i32
      %dma_wait3A_739 = tpu.memref_slice %arg2[%min3A_432, %dma_wait3A_736, %dma_wait3A_737, %dma_wait3A_738] : memref<320x2x16x64xi32, #tpu.memory_space<hbm>> -> memref<1x2x16x64xi32, #tpu.memory_space<hbm>>
      %dma_wait3A_740 = tpu.memref_squeeze %dma_wait3A_739 : memref<1x2x16x64xi32, #tpu.memory_space<hbm>> -> memref<2x16x64xi32, #tpu.memory_space<hbm>>
      tpu.wait_dma2 semaphore(%arg12 : memref<!tpu.dma_semaphore, #tpu.memory_space<semaphore_mem>>) src(%dma_wait3A_740 : memref<2x16x64xi32, #tpu.memory_space<hbm>>) dst(%arg5 : memref<2x16x64xi32, #tpu.memory_space<vmem>>)
      %while3A_741 = arith.constant 0 : i32
      scf.yield %while3A_741 : i32
    }
    %while3A_74 = arith.constant 1 : i32
    %while3A_75 = scf.for %while3A_117 = %while3A_71 to %while3A_67 step %while3A_74 iter_args(%while3A_118 = %while3A_73) -> (i32)  : i32 {
      %mul3A_119 = arith.constant 2 : i32
      %mul3A_120 = arith.muli %mul3A_119, %while3A_117 : i32
      %add3A_121 = arith.addi %select_n3A_57, %mul3A_120 : i32
      %add3A_122 = arith.constant 1 : i32
      %add3A_123 = arith.addi %add3A_121, %add3A_122 : i32
      %dma_start3A = arith.constant 0 : i32
      %dma_start3A_124 = arith.constant 0 : i32
      %dma_start3A_125 = arith.constant 0 : i32
      %dma_start3A_126 = tpu.memref_slice %arg2[%add3A_123, %dma_start3A, %dma_start3A_124, %dma_start3A_125] : memref<320x2x16x64xi32, #tpu.memory_space<hbm>> -> memref<1x2x16x64xi32, #tpu.memory_space<hbm>>
      %dma_start3A_127 = tpu.memref_squeeze %dma_start3A_126 : memref<1x2x16x64xi32, #tpu.memory_space<hbm>> -> memref<2x16x64xi32, #tpu.memory_space<hbm>>
      %dma_start3A_128 = arith.constant 0 : i32
      %dma_start3A_129 = arith.constant 0 : i32
      %dma_start3A_130 = arith.constant 0 : i32
      %dma_start3A_131 = tpu.memref_slice %arg2[%add3A_123, %dma_start3A_128, %dma_start3A_129, %dma_start3A_130] : memref<320x2x16x64xi32, #tpu.memory_space<hbm>> -> memref<1x2x16x64xi32, #tpu.memory_space<hbm>>
      %dma_start3A_132 = tpu.memref_squeeze %dma_start3A_131 : memref<1x2x16x64xi32, #tpu.memory_space<hbm>> -> memref<2x16x64xi32, #tpu.memory_space<hbm>>
      tpu.enqueue_dma source(%dma_start3A_132 : memref<2x16x64xi32, #tpu.memory_space<hbm>>) target(%arg6 : memref<2x16x64xi32, #tpu.memory_space<vmem>>) target_semaphore(%arg12 : memref<!tpu.dma_semaphore, #tpu.memory_space<semaphore_mem>>)
      %dma_start3A_133 = arith.constant 0 : i32
      %dma_start3A_134 = arith.constant 0 : i32
      %dma_start3A_135 = arith.constant 0 : i32
      %dma_start3A_136 = tpu.memref_slice %arg5[%dma_start3A_133, %dma_start3A_134, %dma_start3A_135] : memref<2x16x64xi32, #tpu.memory_space<vmem>> -> memref<1x1x64xi32, #tpu.memory_space<vmem>>
      %dma_start3A_137 = tpu.memref_squeeze %dma_start3A_136 : memref<1x1x64xi32, #tpu.memory_space<vmem>> -> memref<64xi32, #tpu.memory_space<vmem>>
      %dma_start3A_138 = arith.constant 0 : i32
      %dma_start3A_139 = arith.constant 0 : i32
      %dma_start3A_140 = tpu.memref_slice %arg3[%dma_start3A_138, %dma_start3A_139] : memref<10000x128xf32, #tpu.memory_space<hbm>> -> memref<10000x128xf32, #tpu.memory_space<hbm>>
      tpu.enqueue_indirect_dma source(%dma_start3A_140 : memref<10000x128xf32, #tpu.memory_space<hbm>>) target(%arg7 : memref<64x128xf32, #tpu.memory_space<vmem>>) offsets(%dma_start3A_137 : memref<64xi32, #tpu.memory_space<vmem>>) semaphore(%arg13 : memref<!tpu.dma_semaphore, #tpu.memory_space<semaphore_mem>>)
      %dma_start3A_141 = arith.constant 0 : i32
      %dma_start3A_142 = arith.constant 1 : i32
      %dma_start3A_143 = arith.constant 0 : i32
      %dma_start3A_144 = tpu.memref_slice %arg5[%dma_start3A_141, %dma_start3A_142, %dma_start3A_143] : memref<2x16x64xi32, #tpu.memory_space<vmem>> -> memref<1x1x64xi32, #tpu.memory_space<vmem>>
      %dma_start3A_145 = tpu.memref_squeeze %dma_start3A_144 : memref<1x1x64xi32, #tpu.memory_space<vmem>> -> memref<64xi32, #tpu.memory_space<vmem>>
      %dma_start3A_146 = arith.constant 0 : i32
      %dma_start3A_147 = arith.constant 0 : i32
      %dma_start3A_148 = tpu.memref_slice %arg3[%dma_start3A_146, %dma_start3A_147] : memref<10000x128xf32, #tpu.memory_space<hbm>> -> memref<10000x128xf32, #tpu.memory_space<hbm>>
      tpu.enqueue_indirect_dma source(%dma_start3A_148 : memref<10000x128xf32, #tpu.memory_space<hbm>>) target(%arg8 : memref<64x128xf32, #tpu.memory_space<vmem>>) offsets(%dma_start3A_145 : memref<64xi32, #tpu.memory_space<vmem>>) semaphore(%arg14 : memref<!tpu.dma_semaphore, #tpu.memory_space<semaphore_mem>>)
      %dma_start3A_149 = arith.constant 0 : i32
      %dma_start3A_150 = arith.constant 2 : i32
      %dma_start3A_151 = arith.constant 0 : i32
      %dma_start3A_152 = tpu.memref_slice %arg5[%dma_start3A_149, %dma_start3A_150, %dma_start3A_151] : memref<2x16x64xi32, #tpu.memory_space<vmem>> -> memref<1x1x64xi32, #tpu.memory_space<vmem>>
      %dma_start3A_153 = tpu.memref_squeeze %dma_start3A_152 : memref<1x1x64xi32, #tpu.memory_space<vmem>> -> memref<64xi32, #tpu.memory_space<vmem>>
      %dma_start3A_154 = arith.constant 0 : i32
      %dma_start3A_155 = arith.constant 0 : i32
      %dma_start3A_156 = tpu.memref_slice %arg3[%dma_start3A_154, %dma_start3A_155] : memref<10000x128xf32, #tpu.memory_space<hbm>> -> memref<10000x128xf32, #tpu.memory_space<hbm>>
      tpu.enqueue_indirect_dma source(%dma_start3A_156 : memref<10000x128xf32, #tpu.memory_space<hbm>>) target(%arg9 : memref<64x128xf32, #tpu.memory_space<vmem>>) offsets(%dma_start3A_153 : memref<64xi32, #tpu.memory_space<vmem>>) semaphore(%arg15 : memref<!tpu.dma_semaphore, #tpu.memory_space<semaphore_mem>>)
      %dma_start3A_157 = arith.constant 0 : i32
      %dma_start3A_158 = arith.constant 3 : i32
      %dma_start3A_159 = arith.constant 0 : i32
      %dma_start3A_160 = tpu.memref_slice %arg5[%dma_start3A_157, %dma_start3A_158, %dma_start3A_159] : memref<2x16x64xi32, #tpu.memory_space<vmem>> -> memref<1x1x64xi32, #tpu.memory_space<vmem>>
      %dma_start3A_161 = tpu.memref_squeeze %dma_start3A_160 : memref<1x1x64xi32, #tpu.memory_space<vmem>> -> memref<64xi32, #tpu.memory_space<vmem>>
      %dma_start3A_162 = arith.constant 0 : i32
      %dma_start3A_163 = arith.constant 0 : i32
      %dma_start3A_164 = tpu.memref_slice %arg3[%dma_start3A_162, %dma_start3A_163] : memref<10000x128xf32, #tpu.memory_space<hbm>> -> memref<10000x128xf32, #tpu.memory_space<hbm>>
      tpu.enqueue_indirect_dma source(%dma_start3A_164 : memref<10000x128xf32, #tpu.memory_space<hbm>>) target(%arg10 : memref<64x128xf32, #tpu.memory_space<vmem>>) offsets(%dma_start3A_161 : memref<64xi32, #tpu.memory_space<vmem>>) semaphore(%arg16 : memref<!tpu.dma_semaphore, #tpu.memory_space<semaphore_mem>>)
      %dma_wait3A = arith.constant 0 : i32
      %dma_wait3A_165 = arith.constant 0 : i32
      %dma_wait3A_166 = arith.constant 0 : i32
      %dma_wait3A_167 = tpu.memref_slice %arg5[%dma_wait3A, %dma_wait3A_165, %dma_wait3A_166] : memref<2x16x64xi32, #tpu.memory_space<vmem>> -> memref<1x1x64xi32, #tpu.memory_space<vmem>>
      %dma_wait3A_168 = tpu.memref_squeeze %dma_wait3A_167 : memref<1x1x64xi32, #tpu.memory_space<vmem>> -> memref<64xi32, #tpu.memory_space<vmem>>
      %dma_wait3A_169 = arith.constant 0 : i32
      %dma_wait3A_170 = arith.constant 0 : i32
      %dma_wait3A_171 = tpu.memref_slice %arg3[%dma_wait3A_169, %dma_wait3A_170] : memref<10000x128xf32, #tpu.memory_space<hbm>> -> memref<10000x128xf32, #tpu.memory_space<hbm>>
      tpu.wait_indirect_dma semaphore(%arg13 : memref<!tpu.dma_semaphore, #tpu.memory_space<semaphore_mem>>) src(%dma_wait3A_171 : memref<10000x128xf32, #tpu.memory_space<hbm>>) dst(%arg7 : memref<64x128xf32, #tpu.memory_space<vmem>>)
      %run_scoped3A = arith.constant 1 : i32
      %run_scoped3A_172 = arith.constant 0 : i32
      "tpu.region"() ({
        %run_scoped3A_742 = tpu.sem_alloc : memref<!tpu.dma_semaphore, #tpu.memory_space<semaphore_mem>>
        %dma_start3A_743 = arith.constant 0 : i32
        %dma_start3A_744 = tpu.memref_slice %arg5[%run_scoped3A, %run_scoped3A_172, %dma_start3A_743] : memref<2x16x64xi32, #tpu.memory_space<vmem>> -> memref<1x1x64xi32, #tpu.memory_space<vmem>>
        %dma_start3A_745 = tpu.memref_squeeze %dma_start3A_744 : memref<1x1x64xi32, #tpu.memory_space<vmem>> -> memref<64xi32, #tpu.memory_space<vmem>>
        %dma_start3A_746 = arith.constant 0 : i32
        %dma_start3A_747 = arith.constant 0 : i32
        %dma_start3A_748 = tpu.memref_slice %arg11[%dma_start3A_746, %dma_start3A_747] : memref<10240x128xf32, #tpu.memory_space<vmem_shared>> -> memref<10240x128xf32, #tpu.memory_space<vmem_shared>>
        tpu.enqueue_indirect_dma source(%arg7 : memref<64x128xf32, #tpu.memory_space<vmem>>) target(%dma_start3A_748 : memref<10240x128xf32, #tpu.memory_space<vmem_shared>>) offsets(%dma_start3A_745 : memref<64xi32, #tpu.memory_space<vmem>>) semaphore(%run_scoped3A_742 : memref<!tpu.dma_semaphore, #tpu.memory_space<semaphore_mem>>) {add = true}
        %dma_wait3A_749 = arith.constant 0 : i32
        %dma_wait3A_750 = tpu.memref_slice %arg5[%run_scoped3A, %run_scoped3A_172, %dma_wait3A_749] : memref<2x16x64xi32, #tpu.memory_space<vmem>> -> memref<1x1x64xi32, #tpu.memory_space<vmem>>
        %dma_wait3A_751 = tpu.memref_squeeze %dma_wait3A_750 : memref<1x1x64xi32, #tpu.memory_space<vmem>> -> memref<64xi32, #tpu.memory_space<vmem>>
        %dma_wait3A_752 = arith.constant 0 : i32
        %dma_wait3A_753 = arith.constant 0 : i32
        %dma_wait3A_754 = tpu.memref_slice %arg11[%dma_wait3A_752, %dma_wait3A_753] : memref<10240x128xf32, #tpu.memory_space<vmem_shared>> -> memref<10240x128xf32, #tpu.memory_space<vmem_shared>>
        tpu.wait_indirect_dma semaphore(%run_scoped3A_742 : memref<!tpu.dma_semaphore, #tpu.memory_space<semaphore_mem>>) src(%arg7 : memref<64x128xf32, #tpu.memory_space<vmem>>) dst(%dma_wait3A_754 : memref<10240x128xf32, #tpu.memory_space<vmem_shared>>)
        tpu.yield
      }) : () -> ()
      %dma_start3A_173 = arith.constant 0 : i32
      %dma_start3A_174 = arith.constant 4 : i32
      %dma_start3A_175 = arith.constant 0 : i32
      %dma_start3A_176 = tpu.memref_slice %arg5[%dma_start3A_173, %dma_start3A_174, %dma_start3A_175] : memref<2x16x64xi32, #tpu.memory_space<vmem>> -> memref<1x1x64xi32, #tpu.memory_space<vmem>>
      %dma_start3A_177 = tpu.memref_squeeze %dma_start3A_176 : memref<1x1x64xi32, #tpu.memory_space<vmem>> -> memref<64xi32, #tpu.memory_space<vmem>>
      %dma_start3A_178 = arith.constant 0 : i32
      %dma_start3A_179 = arith.constant 0 : i32
      %dma_start3A_180 = tpu.memref_slice %arg3[%dma_start3A_178, %dma_start3A_179] : memref<10000x128xf32, #tpu.memory_space<hbm>> -> memref<10000x128xf32, #tpu.memory_space<hbm>>
      tpu.enqueue_indirect_dma source(%dma_start3A_180 : memref<10000x128xf32, #tpu.memory_space<hbm>>) target(%arg7 : memref<64x128xf32, #tpu.memory_space<vmem>>) offsets(%dma_start3A_177 : memref<64xi32, #tpu.memory_space<vmem>>) semaphore(%arg13 : memref<!tpu.dma_semaphore, #tpu.memory_space<semaphore_mem>>)
      %dma_wait3A_181 = arith.constant 0 : i32
      %dma_wait3A_182 = arith.constant 1 : i32
      %dma_wait3A_183 = arith.constant 0 : i32
      %dma_wait3A_184 = tpu.memref_slice %arg5[%dma_wait3A_181, %dma_wait3A_182, %dma_wait3A_183] : memref<2x16x64xi32, #tpu.memory_space<vmem>> -> memref<1x1x64xi32, #tpu.memory_space<vmem>>
      %dma_wait3A_185 = tpu.memref_squeeze %dma_wait3A_184 : memref<1x1x64xi32, #tpu.memory_space<vmem>> -> memref<64xi32, #tpu.memory_space<vmem>>
      %dma_wait3A_186 = arith.constant 0 : i32
      %dma_wait3A_187 = arith.constant 0 : i32
      %dma_wait3A_188 = tpu.memref_slice %arg3[%dma_wait3A_186, %dma_wait3A_187] : memref<10000x128xf32, #tpu.memory_space<hbm>> -> memref<10000x128xf32, #tpu.memory_space<hbm>>
      tpu.wait_indirect_dma semaphore(%arg14 : memref<!tpu.dma_semaphore, #tpu.memory_space<semaphore_mem>>) src(%dma_wait3A_188 : memref<10000x128xf32, #tpu.memory_space<hbm>>) dst(%arg8 : memref<64x128xf32, #tpu.memory_space<vmem>>)
      %run_scoped3A_189 = arith.constant 1 : i32
      %run_scoped3A_190 = arith.constant 1 : i32
      "tpu.region"() ({
        %run_scoped3A_742 = tpu.sem_alloc : memref<!tpu.dma_semaphore, #tpu.memory_space<semaphore_mem>>
        %dma_start3A_743 = arith.constant 0 : i32
        %dma_start3A_744 = tpu.memref_slice %arg5[%run_scoped3A_189, %run_scoped3A_190, %dma_start3A_743] : memref<2x16x64xi32, #tpu.memory_space<vmem>> -> memref<1x1x64xi32, #tpu.memory_space<vmem>>
        %dma_start3A_745 = tpu.memref_squeeze %dma_start3A_744 : memref<1x1x64xi32, #tpu.memory_space<vmem>> -> memref<64xi32, #tpu.memory_space<vmem>>
        %dma_start3A_746 = arith.constant 0 : i32
        %dma_start3A_747 = arith.constant 0 : i32
        %dma_start3A_748 = tpu.memref_slice %arg11[%dma_start3A_746, %dma_start3A_747] : memref<10240x128xf32, #tpu.memory_space<vmem_shared>> -> memref<10240x128xf32, #tpu.memory_space<vmem_shared>>
        tpu.enqueue_indirect_dma source(%arg8 : memref<64x128xf32, #tpu.memory_space<vmem>>) target(%dma_start3A_748 : memref<10240x128xf32, #tpu.memory_space<vmem_shared>>) offsets(%dma_start3A_745 : memref<64xi32, #tpu.memory_space<vmem>>) semaphore(%run_scoped3A_742 : memref<!tpu.dma_semaphore, #tpu.memory_space<semaphore_mem>>) {add = true}
        %dma_wait3A_749 = arith.constant 0 : i32
        %dma_wait3A_750 = tpu.memref_slice %arg5[%run_scoped3A_189, %run_scoped3A_190, %dma_wait3A_749] : memref<2x16x64xi32, #tpu.memory_space<vmem>> -> memref<1x1x64xi32, #tpu.memory_space<vmem>>
        %dma_wait3A_751 = tpu.memref_squeeze %dma_wait3A_750 : memref<1x1x64xi32, #tpu.memory_space<vmem>> -> memref<64xi32, #tpu.memory_space<vmem>>
        %dma_wait3A_752 = arith.constant 0 : i32
        %dma_wait3A_753 = arith.constant 0 : i32
        %dma_wait3A_754 = tpu.memref_slice %arg11[%dma_wait3A_752, %dma_wait3A_753] : memref<10240x128xf32, #tpu.memory_space<vmem_shared>> -> memref<10240x128xf32, #tpu.memory_space<vmem_shared>>
        tpu.wait_indirect_dma semaphore(%run_scoped3A_742 : memref<!tpu.dma_semaphore, #tpu.memory_space<semaphore_mem>>) src(%arg8 : memref<64x128xf32, #tpu.memory_space<vmem>>) dst(%dma_wait3A_754 : memref<10240x128xf32, #tpu.memory_space<vmem_shared>>)
        tpu.yield
      }) : () -> ()
      %dma_start3A_191 = arith.constant 0 : i32
      %dma_start3A_192 = arith.constant 5 : i32
      %dma_start3A_193 = arith.constant 0 : i32
      %dma_start3A_194 = tpu.memref_slice %arg5[%dma_start3A_191, %dma_start3A_192, %dma_start3A_193] : memref<2x16x64xi32, #tpu.memory_space<vmem>> -> memref<1x1x64xi32, #tpu.memory_space<vmem>>
      %dma_start3A_195 = tpu.memref_squeeze %dma_start3A_194 : memref<1x1x64xi32, #tpu.memory_space<vmem>> -> memref<64xi32, #tpu.memory_space<vmem>>
      %dma_start3A_196 = arith.constant 0 : i32
      %dma_start3A_197 = arith.constant 0 : i32
      %dma_start3A_198 = tpu.memref_slice %arg3[%dma_start3A_196, %dma_start3A_197] : memref<10000x128xf32, #tpu.memory_space<hbm>> -> memref<10000x128xf32, #tpu.memory_space<hbm>>
      tpu.enqueue_indirect_dma source(%dma_start3A_198 : memref<10000x128xf32, #tpu.memory_space<hbm>>) target(%arg8 : memref<64x128xf32, #tpu.memory_space<vmem>>) offsets(%dma_start3A_195 : memref<64xi32, #tpu.memory_space<vmem>>) semaphore(%arg14 : memref<!tpu.dma_semaphore, #tpu.memory_space<semaphore_mem>>)
      %dma_wait3A_199 = arith.constant 0 : i32
      %dma_wait3A_200 = arith.constant 2 : i32
      %dma_wait3A_201 = arith.constant 0 : i32
      %dma_wait3A_202 = tpu.memref_slice %arg5[%dma_wait3A_199, %dma_wait3A_200, %dma_wait3A_201] : memref<2x16x64xi32, #tpu.memory_space<vmem>> -> memref<1x1x64xi32, #tpu.memory_space<vmem>>
      %dma_wait3A_203 = tpu.memref_squeeze %dma_wait3A_202 : memref<1x1x64xi32, #tpu.memory_space<vmem>> -> memref<64xi32, #tpu.memory_space<vmem>>
      %dma_wait3A_204 = arith.constant 0 : i32
      %dma_wait3A_205 = arith.constant 0 : i32
      %dma_wait3A_206 = tpu.memref_slice %arg3[%dma_wait3A_204, %dma_wait3A_205] : memref<10000x128xf32, #tpu.memory_space<hbm>> -> memref<10000x128xf32, #tpu.memory_space<hbm>>
      tpu.wait_indirect_dma semaphore(%arg15 : memref<!tpu.dma_semaphore, #tpu.memory_space<semaphore_mem>>) src(%dma_wait3A_206 : memref<10000x128xf32, #tpu.memory_space<hbm>>) dst(%arg9 : memref<64x128xf32, #tpu.memory_space<vmem>>)
      %run_scoped3A_207 = arith.constant 1 : i32
      %run_scoped3A_208 = arith.constant 2 : i32
      "tpu.region"() ({
        %run_scoped3A_742 = tpu.sem_alloc : memref<!tpu.dma_semaphore, #tpu.memory_space<semaphore_mem>>
        %dma_start3A_743 = arith.constant 0 : i32
        %dma_start3A_744 = tpu.memref_slice %arg5[%run_scoped3A_207, %run_scoped3A_208, %dma_start3A_743] : memref<2x16x64xi32, #tpu.memory_space<vmem>> -> memref<1x1x64xi32, #tpu.memory_space<vmem>>
        %dma_start3A_745 = tpu.memref_squeeze %dma_start3A_744 : memref<1x1x64xi32, #tpu.memory_space<vmem>> -> memref<64xi32, #tpu.memory_space<vmem>>
        %dma_start3A_746 = arith.constant 0 : i32
        %dma_start3A_747 = arith.constant 0 : i32
        %dma_start3A_748 = tpu.memref_slice %arg11[%dma_start3A_746, %dma_start3A_747] : memref<10240x128xf32, #tpu.memory_space<vmem_shared>> -> memref<10240x128xf32, #tpu.memory_space<vmem_shared>>
        tpu.enqueue_indirect_dma source(%arg9 : memref<64x128xf32, #tpu.memory_space<vmem>>) target(%dma_start3A_748 : memref<10240x128xf32, #tpu.memory_space<vmem_shared>>) offsets(%dma_start3A_745 : memref<64xi32, #tpu.memory_space<vmem>>) semaphore(%run_scoped3A_742 : memref<!tpu.dma_semaphore, #tpu.memory_space<semaphore_mem>>) {add = true}
        %dma_wait3A_749 = arith.constant 0 : i32
        %dma_wait3A_750 = tpu.memref_slice %arg5[%run_scoped3A_207, %run_scoped3A_208, %dma_wait3A_749] : memref<2x16x64xi32, #tpu.memory_space<vmem>> -> memref<1x1x64xi32, #tpu.memory_space<vmem>>
        %dma_wait3A_751 = tpu.memref_squeeze %dma_wait3A_750 : memref<1x1x64xi32, #tpu.memory_space<vmem>> -> memref<64xi32, #tpu.memory_space<vmem>>
        %dma_wait3A_752 = arith.constant 0 : i32
        %dma_wait3A_753 = arith.constant 0 : i32
        %dma_wait3A_754 = tpu.memref_slice %arg11[%dma_wait3A_752, %dma_wait3A_753] : memref<10240x128xf32, #tpu.memory_space<vmem_shared>> -> memref<10240x128xf32, #tpu.memory_space<vmem_shared>>
        tpu.wait_indirect_dma semaphore(%run_scoped3A_742 : memref<!tpu.dma_semaphore, #tpu.memory_space<semaphore_mem>>) src(%arg9 : memref<64x128xf32, #tpu.memory_space<vmem>>) dst(%dma_wait3A_754 : memref<10240x128xf32, #tpu.memory_space<vmem_shared>>)
        tpu.yield
      }) : () -> ()
      %dma_start3A_209 = arith.constant 0 : i32
      %dma_start3A_210 = arith.constant 6 : i32
      %dma_start3A_211 = arith.constant 0 : i32
      %dma_start3A_212 = tpu.memref_slice %arg5[%dma_start3A_209, %dma_start3A_210, %dma_start3A_211] : memref<2x16x64xi32, #tpu.memory_space<vmem>> -> memref<1x1x64xi32, #tpu.memory_space<vmem>>
      %dma_start3A_213 = tpu.memref_squeeze %dma_start3A_212 : memref<1x1x64xi32, #tpu.memory_space<vmem>> -> memref<64xi32, #tpu.memory_space<vmem>>
      %dma_start3A_214 = arith.constant 0 : i32
      %dma_start3A_215 = arith.constant 0 : i32
      %dma_start3A_216 = tpu.memref_slice %arg3[%dma_start3A_214, %dma_start3A_215] : memref<10000x128xf32, #tpu.memory_space<hbm>> -> memref<10000x128xf32, #tpu.memory_space<hbm>>
      tpu.enqueue_indirect_dma source(%dma_start3A_216 : memref<10000x128xf32, #tpu.memory_space<hbm>>) target(%arg9 : memref<64x128xf32, #tpu.memory_space<vmem>>) offsets(%dma_start3A_213 : memref<64xi32, #tpu.memory_space<vmem>>) semaphore(%arg15 : memref<!tpu.dma_semaphore, #tpu.memory_space<semaphore_mem>>)
      %dma_wait3A_217 = arith.constant 0 : i32
      %dma_wait3A_218 = arith.constant 3 : i32
      %dma_wait3A_219 = arith.constant 0 : i32
      %dma_wait3A_220 = tpu.memref_slice %arg5[%dma_wait3A_217, %dma_wait3A_218, %dma_wait3A_219] : memref<2x16x64xi32, #tpu.memory_space<vmem>> -> memref<1x1x64xi32, #tpu.memory_space<vmem>>
      %dma_wait3A_221 = tpu.memref_squeeze %dma_wait3A_220 : memref<1x1x64xi32, #tpu.memory_space<vmem>> -> memref<64xi32, #tpu.memory_space<vmem>>
      %dma_wait3A_222 = arith.constant 0 : i32
      %dma_wait3A_223 = arith.constant 0 : i32
      %dma_wait3A_224 = tpu.memref_slice %arg3[%dma_wait3A_222, %dma_wait3A_223] : memref<10000x128xf32, #tpu.memory_space<hbm>> -> memref<10000x128xf32, #tpu.memory_space<hbm>>
      tpu.wait_indirect_dma semaphore(%arg16 : memref<!tpu.dma_semaphore, #tpu.memory_space<semaphore_mem>>) src(%dma_wait3A_224 : memref<10000x128xf32, #tpu.memory_space<hbm>>) dst(%arg10 : memref<64x128xf32, #tpu.memory_space<vmem>>)
      %run_scoped3A_225 = arith.constant 1 : i32
      %run_scoped3A_226 = arith.constant 3 : i32
      "tpu.region"() ({
        %run_scoped3A_742 = tpu.sem_alloc : memref<!tpu.dma_semaphore, #tpu.memory_space<semaphore_mem>>
        %dma_start3A_743 = arith.constant 0 : i32
        %dma_start3A_744 = tpu.memref_slice %arg5[%run_scoped3A_225, %run_scoped3A_226, %dma_start3A_743] : memref<2x16x64xi32, #tpu.memory_space<vmem>> -> memref<1x1x64xi32, #tpu.memory_space<vmem>>
        %dma_start3A_745 = tpu.memref_squeeze %dma_start3A_744 : memref<1x1x64xi32, #tpu.memory_space<vmem>> -> memref<64xi32, #tpu.memory_space<vmem>>
        %dma_start3A_746 = arith.constant 0 : i32
        %dma_start3A_747 = arith.constant 0 : i32
        %dma_start3A_748 = tpu.memref_slice %arg11[%dma_start3A_746, %dma_start3A_747] : memref<10240x128xf32, #tpu.memory_space<vmem_shared>> -> memref<10240x128xf32, #tpu.memory_space<vmem_shared>>
        tpu.enqueue_indirect_dma source(%arg10 : memref<64x128xf32, #tpu.memory_space<vmem>>) target(%dma_start3A_748 : memref<10240x128xf32, #tpu.memory_space<vmem_shared>>) offsets(%dma_start3A_745 : memref<64xi32, #tpu.memory_space<vmem>>) semaphore(%run_scoped3A_742 : memref<!tpu.dma_semaphore, #tpu.memory_space<semaphore_mem>>) {add = true}
        %dma_wait3A_749 = arith.constant 0 : i32
        %dma_wait3A_750 = tpu.memref_slice %arg5[%run_scoped3A_225, %run_scoped3A_226, %dma_wait3A_749] : memref<2x16x64xi32, #tpu.memory_space<vmem>> -> memref<1x1x64xi32, #tpu.memory_space<vmem>>
        %dma_wait3A_751 = tpu.memref_squeeze %dma_wait3A_750 : memref<1x1x64xi32, #tpu.memory_space<vmem>> -> memref<64xi32, #tpu.memory_space<vmem>>
        %dma_wait3A_752 = arith.constant 0 : i32
        %dma_wait3A_753 = arith.constant 0 : i32
        %dma_wait3A_754 = tpu.memref_slice %arg11[%dma_wait3A_752, %dma_wait3A_753] : memref<10240x128xf32, #tpu.memory_space<vmem_shared>> -> memref<10240x128xf32, #tpu.memory_space<vmem_shared>>
        tpu.wait_indirect_dma semaphore(%run_scoped3A_742 : memref<!tpu.dma_semaphore, #tpu.memory_space<semaphore_mem>>) src(%arg10 : memref<64x128xf32, #tpu.memory_space<vmem>>) dst(%dma_wait3A_754 : memref<10240x128xf32, #tpu.memory_space<vmem_shared>>)
        tpu.yield
      }) : () -> ()
      %dma_start3A_227 = arith.constant 0 : i32
      %dma_start3A_228 = arith.constant 7 : i32
      %dma_start3A_229 = arith.constant 0 : i32
      %dma_start3A_230 = tpu.memref_slice %arg5[%dma_start3A_227, %dma_start3A_228, %dma_start3A_229] : memref<2x16x64xi32, #tpu.memory_space<vmem>> -> memref<1x1x64xi32, #tpu.memory_space<vmem>>
      %dma_start3A_231 = tpu.memref_squeeze %dma_start3A_230 : memref<1x1x64xi32, #tpu.memory_space<vmem>> -> memref<64xi32, #tpu.memory_space<vmem>>
      %dma_start3A_232 = arith.constant 0 : i32
      %dma_start3A_233 = arith.constant 0 : i32
      %dma_start3A_234 = tpu.memref_slice %arg3[%dma_start3A_232, %dma_start3A_233] : memref<10000x128xf32, #tpu.memory_space<hbm>> -> memref<10000x128xf32, #tpu.memory_space<hbm>>
      tpu.enqueue_indirect_dma source(%dma_start3A_234 : memref<10000x128xf32, #tpu.memory_space<hbm>>) target(%arg10 : memref<64x128xf32, #tpu.memory_space<vmem>>) offsets(%dma_start3A_231 : memref<64xi32, #tpu.memory_space<vmem>>) semaphore(%arg16 : memref<!tpu.dma_semaphore, #tpu.memory_space<semaphore_mem>>)
      %dma_wait3A_235 = arith.constant 0 : i32
      %dma_wait3A_236 = arith.constant 4 : i32
      %dma_wait3A_237 = arith.constant 0 : i32
      %dma_wait3A_238 = tpu.memref_slice %arg5[%dma_wait3A_235, %dma_wait3A_236, %dma_wait3A_237] : memref<2x16x64xi32, #tpu.memory_space<vmem>> -> memref<1x1x64xi32, #tpu.memory_space<vmem>>
      %dma_wait3A_239 = tpu.memref_squeeze %dma_wait3A_238 : memref<1x1x64xi32, #tpu.memory_space<vmem>> -> memref<64xi32, #tpu.memory_space<vmem>>
      %dma_wait3A_240 = arith.constant 0 : i32
      %dma_wait3A_241 = arith.constant 0 : i32
      %dma_wait3A_242 = tpu.memref_slice %arg3[%dma_wait3A_240, %dma_wait3A_241] : memref<10000x128xf32, #tpu.memory_space<hbm>> -> memref<10000x128xf32, #tpu.memory_space<hbm>>
      tpu.wait_indirect_dma semaphore(%arg13 : memref<!tpu.dma_semaphore, #tpu.memory_space<semaphore_mem>>) src(%dma_wait3A_242 : memref<10000x128xf32, #tpu.memory_space<hbm>>) dst(%arg7 : memref<64x128xf32, #tpu.memory_space<vmem>>)
      %run_scoped3A_243 = arith.constant 1 : i32
      %run_scoped3A_244 = arith.constant 4 : i32
      "tpu.region"() ({
        %run_scoped3A_742 = tpu.sem_alloc : memref<!tpu.dma_semaphore, #tpu.memory_space<semaphore_mem>>
        %dma_start3A_743 = arith.constant 0 : i32
        %dma_start3A_744 = tpu.memref_slice %arg5[%run_scoped3A_243, %run_scoped3A_244, %dma_start3A_743] : memref<2x16x64xi32, #tpu.memory_space<vmem>> -> memref<1x1x64xi32, #tpu.memory_space<vmem>>
        %dma_start3A_745 = tpu.memref_squeeze %dma_start3A_744 : memref<1x1x64xi32, #tpu.memory_space<vmem>> -> memref<64xi32, #tpu.memory_space<vmem>>
        %dma_start3A_746 = arith.constant 0 : i32
        %dma_start3A_747 = arith.constant 0 : i32
        %dma_start3A_748 = tpu.memref_slice %arg11[%dma_start3A_746, %dma_start3A_747] : memref<10240x128xf32, #tpu.memory_space<vmem_shared>> -> memref<10240x128xf32, #tpu.memory_space<vmem_shared>>
        tpu.enqueue_indirect_dma source(%arg7 : memref<64x128xf32, #tpu.memory_space<vmem>>) target(%dma_start3A_748 : memref<10240x128xf32, #tpu.memory_space<vmem_shared>>) offsets(%dma_start3A_745 : memref<64xi32, #tpu.memory_space<vmem>>) semaphore(%run_scoped3A_742 : memref<!tpu.dma_semaphore, #tpu.memory_space<semaphore_mem>>) {add = true}
        %dma_wait3A_749 = arith.constant 0 : i32
        %dma_wait3A_750 = tpu.memref_slice %arg5[%run_scoped3A_243, %run_scoped3A_244, %dma_wait3A_749] : memref<2x16x64xi32, #tpu.memory_space<vmem>> -> memref<1x1x64xi32, #tpu.memory_space<vmem>>
        %dma_wait3A_751 = tpu.memref_squeeze %dma_wait3A_750 : memref<1x1x64xi32, #tpu.memory_space<vmem>> -> memref<64xi32, #tpu.memory_space<vmem>>
        %dma_wait3A_752 = arith.constant 0 : i32
        %dma_wait3A_753 = arith.constant 0 : i32
        %dma_wait3A_754 = tpu.memref_slice %arg11[%dma_wait3A_752, %dma_wait3A_753] : memref<10240x128xf32, #tpu.memory_space<vmem_shared>> -> memref<10240x128xf32, #tpu.memory_space<vmem_shared>>
        tpu.wait_indirect_dma semaphore(%run_scoped3A_742 : memref<!tpu.dma_semaphore, #tpu.memory_space<semaphore_mem>>) src(%arg7 : memref<64x128xf32, #tpu.memory_space<vmem>>) dst(%dma_wait3A_754 : memref<10240x128xf32, #tpu.memory_space<vmem_shared>>)
        tpu.yield
      }) : () -> ()
      %dma_start3A_245 = arith.constant 0 : i32
      %dma_start3A_246 = arith.constant 8 : i32
      %dma_start3A_247 = arith.constant 0 : i32
      %dma_start3A_248 = tpu.memref_slice %arg5[%dma_start3A_245, %dma_start3A_246, %dma_start3A_247] : memref<2x16x64xi32, #tpu.memory_space<vmem>> -> memref<1x1x64xi32, #tpu.memory_space<vmem>>
      %dma_start3A_249 = tpu.memref_squeeze %dma_start3A_248 : memref<1x1x64xi32, #tpu.memory_space<vmem>> -> memref<64xi32, #tpu.memory_space<vmem>>
      %dma_start3A_250 = arith.constant 0 : i32
      %dma_start3A_251 = arith.constant 0 : i32
      %dma_start3A_252 = tpu.memref_slice %arg3[%dma_start3A_250, %dma_start3A_251] : memref<10000x128xf32, #tpu.memory_space<hbm>> -> memref<10000x128xf32, #tpu.memory_space<hbm>>
      tpu.enqueue_indirect_dma source(%dma_start3A_252 : memref<10000x128xf32, #tpu.memory_space<hbm>>) target(%arg7 : memref<64x128xf32, #tpu.memory_space<vmem>>) offsets(%dma_start3A_249 : memref<64xi32, #tpu.memory_space<vmem>>) semaphore(%arg13 : memref<!tpu.dma_semaphore, #tpu.memory_space<semaphore_mem>>)
      %dma_wait3A_253 = arith.constant 0 : i32
      %dma_wait3A_254 = arith.constant 5 : i32
      %dma_wait3A_255 = arith.constant 0 : i32
      %dma_wait3A_256 = tpu.memref_slice %arg5[%dma_wait3A_253, %dma_wait3A_254, %dma_wait3A_255] : memref<2x16x64xi32, #tpu.memory_space<vmem>> -> memref<1x1x64xi32, #tpu.memory_space<vmem>>
      %dma_wait3A_257 = tpu.memref_squeeze %dma_wait3A_256 : memref<1x1x64xi32, #tpu.memory_space<vmem>> -> memref<64xi32, #tpu.memory_space<vmem>>
      %dma_wait3A_258 = arith.constant 0 : i32
      %dma_wait3A_259 = arith.constant 0 : i32
      %dma_wait3A_260 = tpu.memref_slice %arg3[%dma_wait3A_258, %dma_wait3A_259] : memref<10000x128xf32, #tpu.memory_space<hbm>> -> memref<10000x128xf32, #tpu.memory_space<hbm>>
      tpu.wait_indirect_dma semaphore(%arg14 : memref<!tpu.dma_semaphore, #tpu.memory_space<semaphore_mem>>) src(%dma_wait3A_260 : memref<10000x128xf32, #tpu.memory_space<hbm>>) dst(%arg8 : memref<64x128xf32, #tpu.memory_space<vmem>>)
      %run_scoped3A_261 = arith.constant 1 : i32
      %run_scoped3A_262 = arith.constant 5 : i32
      "tpu.region"() ({
        %run_scoped3A_742 = tpu.sem_alloc : memref<!tpu.dma_semaphore, #tpu.memory_space<semaphore_mem>>
        %dma_start3A_743 = arith.constant 0 : i32
        %dma_start3A_744 = tpu.memref_slice %arg5[%run_scoped3A_261, %run_scoped3A_262, %dma_start3A_743] : memref<2x16x64xi32, #tpu.memory_space<vmem>> -> memref<1x1x64xi32, #tpu.memory_space<vmem>>
        %dma_start3A_745 = tpu.memref_squeeze %dma_start3A_744 : memref<1x1x64xi32, #tpu.memory_space<vmem>> -> memref<64xi32, #tpu.memory_space<vmem>>
        %dma_start3A_746 = arith.constant 0 : i32
        %dma_start3A_747 = arith.constant 0 : i32
        %dma_start3A_748 = tpu.memref_slice %arg11[%dma_start3A_746, %dma_start3A_747] : memref<10240x128xf32, #tpu.memory_space<vmem_shared>> -> memref<10240x128xf32, #tpu.memory_space<vmem_shared>>
        tpu.enqueue_indirect_dma source(%arg8 : memref<64x128xf32, #tpu.memory_space<vmem>>) target(%dma_start3A_748 : memref<10240x128xf32, #tpu.memory_space<vmem_shared>>) offsets(%dma_start3A_745 : memref<64xi32, #tpu.memory_space<vmem>>) semaphore(%run_scoped3A_742 : memref<!tpu.dma_semaphore, #tpu.memory_space<semaphore_mem>>) {add = true}
        %dma_wait3A_749 = arith.constant 0 : i32
        %dma_wait3A_750 = tpu.memref_slice %arg5[%run_scoped3A_261, %run_scoped3A_262, %dma_wait3A_749] : memref<2x16x64xi32, #tpu.memory_space<vmem>> -> memref<1x1x64xi32, #tpu.memory_space<vmem>>
        %dma_wait3A_751 = tpu.memref_squeeze %dma_wait3A_750 : memref<1x1x64xi32, #tpu.memory_space<vmem>> -> memref<64xi32, #tpu.memory_space<vmem>>
        %dma_wait3A_752 = arith.constant 0 : i32
        %dma_wait3A_753 = arith.constant 0 : i32
        %dma_wait3A_754 = tpu.memref_slice %arg11[%dma_wait3A_752, %dma_wait3A_753] : memref<10240x128xf32, #tpu.memory_space<vmem_shared>> -> memref<10240x128xf32, #tpu.memory_space<vmem_shared>>
        tpu.wait_indirect_dma semaphore(%run_scoped3A_742 : memref<!tpu.dma_semaphore, #tpu.memory_space<semaphore_mem>>) src(%arg8 : memref<64x128xf32, #tpu.memory_space<vmem>>) dst(%dma_wait3A_754 : memref<10240x128xf32, #tpu.memory_space<vmem_shared>>)
        tpu.yield
      }) : () -> ()
      %dma_start3A_263 = arith.constant 0 : i32
      %dma_start3A_264 = arith.constant 9 : i32
      %dma_start3A_265 = arith.constant 0 : i32
      %dma_start3A_266 = tpu.memref_slice %arg5[%dma_start3A_263, %dma_start3A_264, %dma_start3A_265] : memref<2x16x64xi32, #tpu.memory_space<vmem>> -> memref<1x1x64xi32, #tpu.memory_space<vmem>>
      %dma_start3A_267 = tpu.memref_squeeze %dma_start3A_266 : memref<1x1x64xi32, #tpu.memory_space<vmem>> -> memref<64xi32, #tpu.memory_space<vmem>>
      %dma_start3A_268 = arith.constant 0 : i32
      %dma_start3A_269 = arith.constant 0 : i32
      %dma_start3A_270 = tpu.memref_slice %arg3[%dma_start3A_268, %dma_start3A_269] : memref<10000x128xf32, #tpu.memory_space<hbm>> -> memref<10000x128xf32, #tpu.memory_space<hbm>>
      tpu.enqueue_indirect_dma source(%dma_start3A_270 : memref<10000x128xf32, #tpu.memory_space<hbm>>) target(%arg8 : memref<64x128xf32, #tpu.memory_space<vmem>>) offsets(%dma_start3A_267 : memref<64xi32, #tpu.memory_space<vmem>>) semaphore(%arg14 : memref<!tpu.dma_semaphore, #tpu.memory_space<semaphore_mem>>)
      %dma_wait3A_271 = arith.constant 0 : i32
      %dma_wait3A_272 = arith.constant 6 : i32
      %dma_wait3A_273 = arith.constant 0 : i32
      %dma_wait3A_274 = tpu.memref_slice %arg5[%dma_wait3A_271, %dma_wait3A_272, %dma_wait3A_273] : memref<2x16x64xi32, #tpu.memory_space<vmem>> -> memref<1x1x64xi32, #tpu.memory_space<vmem>>
      %dma_wait3A_275 = tpu.memref_squeeze %dma_wait3A_274 : memref<1x1x64xi32, #tpu.memory_space<vmem>> -> memref<64xi32, #tpu.memory_space<vmem>>
      %dma_wait3A_276 = arith.constant 0 : i32
      %dma_wait3A_277 = arith.constant 0 : i32
      %dma_wait3A_278 = tpu.memref_slice %arg3[%dma_wait3A_276, %dma_wait3A_277] : memref<10000x128xf32, #tpu.memory_space<hbm>> -> memref<10000x128xf32, #tpu.memory_space<hbm>>
      tpu.wait_indirect_dma semaphore(%arg15 : memref<!tpu.dma_semaphore, #tpu.memory_space<semaphore_mem>>) src(%dma_wait3A_278 : memref<10000x128xf32, #tpu.memory_space<hbm>>) dst(%arg9 : memref<64x128xf32, #tpu.memory_space<vmem>>)
      %run_scoped3A_279 = arith.constant 1 : i32
      %run_scoped3A_280 = arith.constant 6 : i32
      "tpu.region"() ({
        %run_scoped3A_742 = tpu.sem_alloc : memref<!tpu.dma_semaphore, #tpu.memory_space<semaphore_mem>>
        %dma_start3A_743 = arith.constant 0 : i32
        %dma_start3A_744 = tpu.memref_slice %arg5[%run_scoped3A_279, %run_scoped3A_280, %dma_start3A_743] : memref<2x16x64xi32, #tpu.memory_space<vmem>> -> memref<1x1x64xi32, #tpu.memory_space<vmem>>
        %dma_start3A_745 = tpu.memref_squeeze %dma_start3A_744 : memref<1x1x64xi32, #tpu.memory_space<vmem>> -> memref<64xi32, #tpu.memory_space<vmem>>
        %dma_start3A_746 = arith.constant 0 : i32
        %dma_start3A_747 = arith.constant 0 : i32
        %dma_start3A_748 = tpu.memref_slice %arg11[%dma_start3A_746, %dma_start3A_747] : memref<10240x128xf32, #tpu.memory_space<vmem_shared>> -> memref<10240x128xf32, #tpu.memory_space<vmem_shared>>
        tpu.enqueue_indirect_dma source(%arg9 : memref<64x128xf32, #tpu.memory_space<vmem>>) target(%dma_start3A_748 : memref<10240x128xf32, #tpu.memory_space<vmem_shared>>) offsets(%dma_start3A_745 : memref<64xi32, #tpu.memory_space<vmem>>) semaphore(%run_scoped3A_742 : memref<!tpu.dma_semaphore, #tpu.memory_space<semaphore_mem>>) {add = true}
        %dma_wait3A_749 = arith.constant 0 : i32
        %dma_wait3A_750 = tpu.memref_slice %arg5[%run_scoped3A_279, %run_scoped3A_280, %dma_wait3A_749] : memref<2x16x64xi32, #tpu.memory_space<vmem>> -> memref<1x1x64xi32, #tpu.memory_space<vmem>>
        %dma_wait3A_751 = tpu.memref_squeeze %dma_wait3A_750 : memref<1x1x64xi32, #tpu.memory_space<vmem>> -> memref<64xi32, #tpu.memory_space<vmem>>
        %dma_wait3A_752 = arith.constant 0 : i32
        %dma_wait3A_753 = arith.constant 0 : i32
        %dma_wait3A_754 = tpu.memref_slice %arg11[%dma_wait3A_752, %dma_wait3A_753] : memref<10240x128xf32, #tpu.memory_space<vmem_shared>> -> memref<10240x128xf32, #tpu.memory_space<vmem_shared>>
        tpu.wait_indirect_dma semaphore(%run_scoped3A_742 : memref<!tpu.dma_semaphore, #tpu.memory_space<semaphore_mem>>) src(%arg9 : memref<64x128xf32, #tpu.memory_space<vmem>>) dst(%dma_wait3A_754 : memref<10240x128xf32, #tpu.memory_space<vmem_shared>>)
        tpu.yield
      }) : () -> ()
      %dma_start3A_281 = arith.constant 0 : i32
      %dma_start3A_282 = arith.constant 10 : i32
      %dma_start3A_283 = arith.constant 0 : i32
      %dma_start3A_284 = tpu.memref_slice %arg5[%dma_start3A_281, %dma_start3A_282, %dma_start3A_283] : memref<2x16x64xi32, #tpu.memory_space<vmem>> -> memref<1x1x64xi32, #tpu.memory_space<vmem>>
      %dma_start3A_285 = tpu.memref_squeeze %dma_start3A_284 : memref<1x1x64xi32, #tpu.memory_space<vmem>> -> memref<64xi32, #tpu.memory_space<vmem>>
      %dma_start3A_286 = arith.constant 0 : i32
      %dma_start3A_287 = arith.constant 0 : i32
      %dma_start3A_288 = tpu.memref_slice %arg3[%dma_start3A_286, %dma_start3A_287] : memref<10000x128xf32, #tpu.memory_space<hbm>> -> memref<10000x128xf32, #tpu.memory_space<hbm>>
      tpu.enqueue_indirect_dma source(%dma_start3A_288 : memref<10000x128xf32, #tpu.memory_space<hbm>>) target(%arg9 : memref<64x128xf32, #tpu.memory_space<vmem>>) offsets(%dma_start3A_285 : memref<64xi32, #tpu.memory_space<vmem>>) semaphore(%arg15 : memref<!tpu.dma_semaphore, #tpu.memory_space<semaphore_mem>>)
      %dma_wait3A_289 = arith.constant 0 : i32
      %dma_wait3A_290 = arith.constant 7 : i32
      %dma_wait3A_291 = arith.constant 0 : i32
      %dma_wait3A_292 = tpu.memref_slice %arg5[%dma_wait3A_289, %dma_wait3A_290, %dma_wait3A_291] : memref<2x16x64xi32, #tpu.memory_space<vmem>> -> memref<1x1x64xi32, #tpu.memory_space<vmem>>
      %dma_wait3A_293 = tpu.memref_squeeze %dma_wait3A_292 : memref<1x1x64xi32, #tpu.memory_space<vmem>> -> memref<64xi32, #tpu.memory_space<vmem>>
      %dma_wait3A_294 = arith.constant 0 : i32
      %dma_wait3A_295 = arith.constant 0 : i32
      %dma_wait3A_296 = tpu.memref_slice %arg3[%dma_wait3A_294, %dma_wait3A_295] : memref<10000x128xf32, #tpu.memory_space<hbm>> -> memref<10000x128xf32, #tpu.memory_space<hbm>>
      tpu.wait_indirect_dma semaphore(%arg16 : memref<!tpu.dma_semaphore, #tpu.memory_space<semaphore_mem>>) src(%dma_wait3A_296 : memref<10000x128xf32, #tpu.memory_space<hbm>>) dst(%arg10 : memref<64x128xf32, #tpu.memory_space<vmem>>)
      %run_scoped3A_297 = arith.constant 1 : i32
      %run_scoped3A_298 = arith.constant 7 : i32
      "tpu.region"() ({
        %run_scoped3A_742 = tpu.sem_alloc : memref<!tpu.dma_semaphore, #tpu.memory_space<semaphore_mem>>
        %dma_start3A_743 = arith.constant 0 : i32
        %dma_start3A_744 = tpu.memref_slice %arg5[%run_scoped3A_297, %run_scoped3A_298, %dma_start3A_743] : memref<2x16x64xi32, #tpu.memory_space<vmem>> -> memref<1x1x64xi32, #tpu.memory_space<vmem>>
        %dma_start3A_745 = tpu.memref_squeeze %dma_start3A_744 : memref<1x1x64xi32, #tpu.memory_space<vmem>> -> memref<64xi32, #tpu.memory_space<vmem>>
        %dma_start3A_746 = arith.constant 0 : i32
        %dma_start3A_747 = arith.constant 0 : i32
        %dma_start3A_748 = tpu.memref_slice %arg11[%dma_start3A_746, %dma_start3A_747] : memref<10240x128xf32, #tpu.memory_space<vmem_shared>> -> memref<10240x128xf32, #tpu.memory_space<vmem_shared>>
        tpu.enqueue_indirect_dma source(%arg10 : memref<64x128xf32, #tpu.memory_space<vmem>>) target(%dma_start3A_748 : memref<10240x128xf32, #tpu.memory_space<vmem_shared>>) offsets(%dma_start3A_745 : memref<64xi32, #tpu.memory_space<vmem>>) semaphore(%run_scoped3A_742 : memref<!tpu.dma_semaphore, #tpu.memory_space<semaphore_mem>>) {add = true}
        %dma_wait3A_749 = arith.constant 0 : i32
        %dma_wait3A_750 = tpu.memref_slice %arg5[%run_scoped3A_297, %run_scoped3A_298, %dma_wait3A_749] : memref<2x16x64xi32, #tpu.memory_space<vmem>> -> memref<1x1x64xi32, #tpu.memory_space<vmem>>
        %dma_wait3A_751 = tpu.memref_squeeze %dma_wait3A_750 : memref<1x1x64xi32, #tpu.memory_space<vmem>> -> memref<64xi32, #tpu.memory_space<vmem>>
        %dma_wait3A_752 = arith.constant 0 : i32
        %dma_wait3A_753 = arith.constant 0 : i32
        %dma_wait3A_754 = tpu.memref_slice %arg11[%dma_wait3A_752, %dma_wait3A_753] : memref<10240x128xf32, #tpu.memory_space<vmem_shared>> -> memref<10240x128xf32, #tpu.memory_space<vmem_shared>>
        tpu.wait_indirect_dma semaphore(%run_scoped3A_742 : memref<!tpu.dma_semaphore, #tpu.memory_space<semaphore_mem>>) src(%arg10 : memref<64x128xf32, #tpu.memory_space<vmem>>) dst(%dma_wait3A_754 : memref<10240x128xf32, #tpu.memory_space<vmem_shared>>)
        tpu.yield
      }) : () -> ()
      %dma_start3A_299 = arith.constant 0 : i32
      %dma_start3A_300 = arith.constant 11 : i32
      %dma_start3A_301 = arith.constant 0 : i32
      %dma_start3A_302 = tpu.memref_slice %arg5[%dma_start3A_299, %dma_start3A_300, %dma_start3A_301] : memref<2x16x64xi32, #tpu.memory_space<vmem>> -> memref<1x1x64xi32, #tpu.memory_space<vmem>>
      %dma_start3A_303 = tpu.memref_squeeze %dma_start3A_302 : memref<1x1x64xi32, #tpu.memory_space<vmem>> -> memref<64xi32, #tpu.memory_space<vmem>>
      %dma_start3A_304 = arith.constant 0 : i32
      %dma_start3A_305 = arith.constant 0 : i32
      %dma_start3A_306 = tpu.memref_slice %arg3[%dma_start3A_304, %dma_start3A_305] : memref<10000x128xf32, #tpu.memory_space<hbm>> -> memref<10000x128xf32, #tpu.memory_space<hbm>>
      tpu.enqueue_indirect_dma source(%dma_start3A_306 : memref<10000x128xf32, #tpu.memory_space<hbm>>) target(%arg10 : memref<64x128xf32, #tpu.memory_space<vmem>>) offsets(%dma_start3A_303 : memref<64xi32, #tpu.memory_space<vmem>>) semaphore(%arg16 : memref<!tpu.dma_semaphore, #tpu.memory_space<semaphore_mem>>)
      %dma_wait3A_307 = arith.constant 0 : i32
      %dma_wait3A_308 = arith.constant 8 : i32
      %dma_wait3A_309 = arith.constant 0 : i32
      %dma_wait3A_310 = tpu.memref_slice %arg5[%dma_wait3A_307, %dma_wait3A_308, %dma_wait3A_309] : memref<2x16x64xi32, #tpu.memory_space<vmem>> -> memref<1x1x64xi32, #tpu.memory_space<vmem>>
      %dma_wait3A_311 = tpu.memref_squeeze %dma_wait3A_310 : memref<1x1x64xi32, #tpu.memory_space<vmem>> -> memref<64xi32, #tpu.memory_space<vmem>>
      %dma_wait3A_312 = arith.constant 0 : i32
      %dma_wait3A_313 = arith.constant 0 : i32
      %dma_wait3A_314 = tpu.memref_slice %arg3[%dma_wait3A_312, %dma_wait3A_313] : memref<10000x128xf32, #tpu.memory_space<hbm>> -> memref<10000x128xf32, #tpu.memory_space<hbm>>
      tpu.wait_indirect_dma semaphore(%arg13 : memref<!tpu.dma_semaphore, #tpu.memory_space<semaphore_mem>>) src(%dma_wait3A_314 : memref<10000x128xf32, #tpu.memory_space<hbm>>) dst(%arg7 : memref<64x128xf32, #tpu.memory_space<vmem>>)
      %run_scoped3A_315 = arith.constant 1 : i32
      %run_scoped3A_316 = arith.constant 8 : i32
      "tpu.region"() ({
        %run_scoped3A_742 = tpu.sem_alloc : memref<!tpu.dma_semaphore, #tpu.memory_space<semaphore_mem>>
        %dma_start3A_743 = arith.constant 0 : i32
        %dma_start3A_744 = tpu.memref_slice %arg5[%run_scoped3A_315, %run_scoped3A_316, %dma_start3A_743] : memref<2x16x64xi32, #tpu.memory_space<vmem>> -> memref<1x1x64xi32, #tpu.memory_space<vmem>>
        %dma_start3A_745 = tpu.memref_squeeze %dma_start3A_744 : memref<1x1x64xi32, #tpu.memory_space<vmem>> -> memref<64xi32, #tpu.memory_space<vmem>>
        %dma_start3A_746 = arith.constant 0 : i32
        %dma_start3A_747 = arith.constant 0 : i32
        %dma_start3A_748 = tpu.memref_slice %arg11[%dma_start3A_746, %dma_start3A_747] : memref<10240x128xf32, #tpu.memory_space<vmem_shared>> -> memref<10240x128xf32, #tpu.memory_space<vmem_shared>>
        tpu.enqueue_indirect_dma source(%arg7 : memref<64x128xf32, #tpu.memory_space<vmem>>) target(%dma_start3A_748 : memref<10240x128xf32, #tpu.memory_space<vmem_shared>>) offsets(%dma_start3A_745 : memref<64xi32, #tpu.memory_space<vmem>>) semaphore(%run_scoped3A_742 : memref<!tpu.dma_semaphore, #tpu.memory_space<semaphore_mem>>) {add = true}
        %dma_wait3A_749 = arith.constant 0 : i32
        %dma_wait3A_750 = tpu.memref_slice %arg5[%run_scoped3A_315, %run_scoped3A_316, %dma_wait3A_749] : memref<2x16x64xi32, #tpu.memory_space<vmem>> -> memref<1x1x64xi32, #tpu.memory_space<vmem>>
        %dma_wait3A_751 = tpu.memref_squeeze %dma_wait3A_750 : memref<1x1x64xi32, #tpu.memory_space<vmem>> -> memref<64xi32, #tpu.memory_space<vmem>>
        %dma_wait3A_752 = arith.constant 0 : i32
        %dma_wait3A_753 = arith.constant 0 : i32
        %dma_wait3A_754 = tpu.memref_slice %arg11[%dma_wait3A_752, %dma_wait3A_753] : memref<10240x128xf32, #tpu.memory_space<vmem_shared>> -> memref<10240x128xf32, #tpu.memory_space<vmem_shared>>
        tpu.wait_indirect_dma semaphore(%run_scoped3A_742 : memref<!tpu.dma_semaphore, #tpu.memory_space<semaphore_mem>>) src(%arg7 : memref<64x128xf32, #tpu.memory_space<vmem>>) dst(%dma_wait3A_754 : memref<10240x128xf32, #tpu.memory_space<vmem_shared>>)
        tpu.yield
      }) : () -> ()
      %dma_start3A_317 = arith.constant 0 : i32
      %dma_start3A_318 = arith.constant 12 : i32
      %dma_start3A_319 = arith.constant 0 : i32
      %dma_start3A_320 = tpu.memref_slice %arg5[%dma_start3A_317, %dma_start3A_318, %dma_start3A_319] : memref<2x16x64xi32, #tpu.memory_space<vmem>> -> memref<1x1x64xi32, #tpu.memory_space<vmem>>
      %dma_start3A_321 = tpu.memref_squeeze %dma_start3A_320 : memref<1x1x64xi32, #tpu.memory_space<vmem>> -> memref<64xi32, #tpu.memory_space<vmem>>
      %dma_start3A_322 = arith.constant 0 : i32
      %dma_start3A_323 = arith.constant 0 : i32
      %dma_start3A_324 = tpu.memref_slice %arg3[%dma_start3A_322, %dma_start3A_323] : memref<10000x128xf32, #tpu.memory_space<hbm>> -> memref<10000x128xf32, #tpu.memory_space<hbm>>
      tpu.enqueue_indirect_dma source(%dma_start3A_324 : memref<10000x128xf32, #tpu.memory_space<hbm>>) target(%arg7 : memref<64x128xf32, #tpu.memory_space<vmem>>) offsets(%dma_start3A_321 : memref<64xi32, #tpu.memory_space<vmem>>) semaphore(%arg13 : memref<!tpu.dma_semaphore, #tpu.memory_space<semaphore_mem>>)
      %dma_wait3A_325 = arith.constant 0 : i32
      %dma_wait3A_326 = arith.constant 9 : i32
      %dma_wait3A_327 = arith.constant 0 : i32
      %dma_wait3A_328 = tpu.memref_slice %arg5[%dma_wait3A_325, %dma_wait3A_326, %dma_wait3A_327] : memref<2x16x64xi32, #tpu.memory_space<vmem>> -> memref<1x1x64xi32, #tpu.memory_space<vmem>>
      %dma_wait3A_329 = tpu.memref_squeeze %dma_wait3A_328 : memref<1x1x64xi32, #tpu.memory_space<vmem>> -> memref<64xi32, #tpu.memory_space<vmem>>
      %dma_wait3A_330 = arith.constant 0 : i32
      %dma_wait3A_331 = arith.constant 0 : i32
      %dma_wait3A_332 = tpu.memref_slice %arg3[%dma_wait3A_330, %dma_wait3A_331] : memref<10000x128xf32, #tpu.memory_space<hbm>> -> memref<10000x128xf32, #tpu.memory_space<hbm>>
      tpu.wait_indirect_dma semaphore(%arg14 : memref<!tpu.dma_semaphore, #tpu.memory_space<semaphore_mem>>) src(%dma_wait3A_332 : memref<10000x128xf32, #tpu.memory_space<hbm>>) dst(%arg8 : memref<64x128xf32, #tpu.memory_space<vmem>>)
      %run_scoped3A_333 = arith.constant 1 : i32
      %run_scoped3A_334 = arith.constant 9 : i32
      "tpu.region"() ({
        %run_scoped3A_742 = tpu.sem_alloc : memref<!tpu.dma_semaphore, #tpu.memory_space<semaphore_mem>>
        %dma_start3A_743 = arith.constant 0 : i32
        %dma_start3A_744 = tpu.memref_slice %arg5[%run_scoped3A_333, %run_scoped3A_334, %dma_start3A_743] : memref<2x16x64xi32, #tpu.memory_space<vmem>> -> memref<1x1x64xi32, #tpu.memory_space<vmem>>
        %dma_start3A_745 = tpu.memref_squeeze %dma_start3A_744 : memref<1x1x64xi32, #tpu.memory_space<vmem>> -> memref<64xi32, #tpu.memory_space<vmem>>
        %dma_start3A_746 = arith.constant 0 : i32
        %dma_start3A_747 = arith.constant 0 : i32
        %dma_start3A_748 = tpu.memref_slice %arg11[%dma_start3A_746, %dma_start3A_747] : memref<10240x128xf32, #tpu.memory_space<vmem_shared>> -> memref<10240x128xf32, #tpu.memory_space<vmem_shared>>
        tpu.enqueue_indirect_dma source(%arg8 : memref<64x128xf32, #tpu.memory_space<vmem>>) target(%dma_start3A_748 : memref<10240x128xf32, #tpu.memory_space<vmem_shared>>) offsets(%dma_start3A_745 : memref<64xi32, #tpu.memory_space<vmem>>) semaphore(%run_scoped3A_742 : memref<!tpu.dma_semaphore, #tpu.memory_space<semaphore_mem>>) {add = true}
        %dma_wait3A_749 = arith.constant 0 : i32
        %dma_wait3A_750 = tpu.memref_slice %arg5[%run_scoped3A_333, %run_scoped3A_334, %dma_wait3A_749] : memref<2x16x64xi32, #tpu.memory_space<vmem>> -> memref<1x1x64xi32, #tpu.memory_space<vmem>>
        %dma_wait3A_751 = tpu.memref_squeeze %dma_wait3A_750 : memref<1x1x64xi32, #tpu.memory_space<vmem>> -> memref<64xi32, #tpu.memory_space<vmem>>
        %dma_wait3A_752 = arith.constant 0 : i32
        %dma_wait3A_753 = arith.constant 0 : i32
        %dma_wait3A_754 = tpu.memref_slice %arg11[%dma_wait3A_752, %dma_wait3A_753] : memref<10240x128xf32, #tpu.memory_space<vmem_shared>> -> memref<10240x128xf32, #tpu.memory_space<vmem_shared>>
        tpu.wait_indirect_dma semaphore(%run_scoped3A_742 : memref<!tpu.dma_semaphore, #tpu.memory_space<semaphore_mem>>) src(%arg8 : memref<64x128xf32, #tpu.memory_space<vmem>>) dst(%dma_wait3A_754 : memref<10240x128xf32, #tpu.memory_space<vmem_shared>>)
        tpu.yield
      }) : () -> ()
      %dma_start3A_335 = arith.constant 0 : i32
      %dma_start3A_336 = arith.constant 13 : i32
      %dma_start3A_337 = arith.constant 0 : i32
      %dma_start3A_338 = tpu.memref_slice %arg5[%dma_start3A_335, %dma_start3A_336, %dma_start3A_337] : memref<2x16x64xi32, #tpu.memory_space<vmem>> -> memref<1x1x64xi32, #tpu.memory_space<vmem>>
      %dma_start3A_339 = tpu.memref_squeeze %dma_start3A_338 : memref<1x1x64xi32, #tpu.memory_space<vmem>> -> memref<64xi32, #tpu.memory_space<vmem>>
      %dma_start3A_340 = arith.constant 0 : i32
      %dma_start3A_341 = arith.constant 0 : i32
      %dma_start3A_342 = tpu.memref_slice %arg3[%dma_start3A_340, %dma_start3A_341] : memref<10000x128xf32, #tpu.memory_space<hbm>> -> memref<10000x128xf32, #tpu.memory_space<hbm>>
      tpu.enqueue_indirect_dma source(%dma_start3A_342 : memref<10000x128xf32, #tpu.memory_space<hbm>>) target(%arg8 : memref<64x128xf32, #tpu.memory_space<vmem>>) offsets(%dma_start3A_339 : memref<64xi32, #tpu.memory_space<vmem>>) semaphore(%arg14 : memref<!tpu.dma_semaphore, #tpu.memory_space<semaphore_mem>>)
      %dma_wait3A_343 = arith.constant 0 : i32
      %dma_wait3A_344 = arith.constant 10 : i32
      %dma_wait3A_345 = arith.constant 0 : i32
      %dma_wait3A_346 = tpu.memref_slice %arg5[%dma_wait3A_343, %dma_wait3A_344, %dma_wait3A_345] : memref<2x16x64xi32, #tpu.memory_space<vmem>> -> memref<1x1x64xi32, #tpu.memory_space<vmem>>
      %dma_wait3A_347 = tpu.memref_squeeze %dma_wait3A_346 : memref<1x1x64xi32, #tpu.memory_space<vmem>> -> memref<64xi32, #tpu.memory_space<vmem>>
      %dma_wait3A_348 = arith.constant 0 : i32
      %dma_wait3A_349 = arith.constant 0 : i32
      %dma_wait3A_350 = tpu.memref_slice %arg3[%dma_wait3A_348, %dma_wait3A_349] : memref<10000x128xf32, #tpu.memory_space<hbm>> -> memref<10000x128xf32, #tpu.memory_space<hbm>>
      tpu.wait_indirect_dma semaphore(%arg15 : memref<!tpu.dma_semaphore, #tpu.memory_space<semaphore_mem>>) src(%dma_wait3A_350 : memref<10000x128xf32, #tpu.memory_space<hbm>>) dst(%arg9 : memref<64x128xf32, #tpu.memory_space<vmem>>)
      %run_scoped3A_351 = arith.constant 1 : i32
      %run_scoped3A_352 = arith.constant 10 : i32
      "tpu.region"() ({
        %run_scoped3A_742 = tpu.sem_alloc : memref<!tpu.dma_semaphore, #tpu.memory_space<semaphore_mem>>
        %dma_start3A_743 = arith.constant 0 : i32
        %dma_start3A_744 = tpu.memref_slice %arg5[%run_scoped3A_351, %run_scoped3A_352, %dma_start3A_743] : memref<2x16x64xi32, #tpu.memory_space<vmem>> -> memref<1x1x64xi32, #tpu.memory_space<vmem>>
        %dma_start3A_745 = tpu.memref_squeeze %dma_start3A_744 : memref<1x1x64xi32, #tpu.memory_space<vmem>> -> memref<64xi32, #tpu.memory_space<vmem>>
        %dma_start3A_746 = arith.constant 0 : i32
        %dma_start3A_747 = arith.constant 0 : i32
        %dma_start3A_748 = tpu.memref_slice %arg11[%dma_start3A_746, %dma_start3A_747] : memref<10240x128xf32, #tpu.memory_space<vmem_shared>> -> memref<10240x128xf32, #tpu.memory_space<vmem_shared>>
        tpu.enqueue_indirect_dma source(%arg9 : memref<64x128xf32, #tpu.memory_space<vmem>>) target(%dma_start3A_748 : memref<10240x128xf32, #tpu.memory_space<vmem_shared>>) offsets(%dma_start3A_745 : memref<64xi32, #tpu.memory_space<vmem>>) semaphore(%run_scoped3A_742 : memref<!tpu.dma_semaphore, #tpu.memory_space<semaphore_mem>>) {add = true}
        %dma_wait3A_749 = arith.constant 0 : i32
        %dma_wait3A_750 = tpu.memref_slice %arg5[%run_scoped3A_351, %run_scoped3A_352, %dma_wait3A_749] : memref<2x16x64xi32, #tpu.memory_space<vmem>> -> memref<1x1x64xi32, #tpu.memory_space<vmem>>
        %dma_wait3A_751 = tpu.memref_squeeze %dma_wait3A_750 : memref<1x1x64xi32, #tpu.memory_space<vmem>> -> memref<64xi32, #tpu.memory_space<vmem>>
        %dma_wait3A_752 = arith.constant 0 : i32
        %dma_wait3A_753 = arith.constant 0 : i32
        %dma_wait3A_754 = tpu.memref_slice %arg11[%dma_wait3A_752, %dma_wait3A_753] : memref<10240x128xf32, #tpu.memory_space<vmem_shared>> -> memref<10240x128xf32, #tpu.memory_space<vmem_shared>>
        tpu.wait_indirect_dma semaphore(%run_scoped3A_742 : memref<!tpu.dma_semaphore, #tpu.memory_space<semaphore_mem>>) src(%arg9 : memref<64x128xf32, #tpu.memory_space<vmem>>) dst(%dma_wait3A_754 : memref<10240x128xf32, #tpu.memory_space<vmem_shared>>)
        tpu.yield
      }) : () -> ()
      %dma_start3A_353 = arith.constant 0 : i32
      %dma_start3A_354 = arith.constant 14 : i32
      %dma_start3A_355 = arith.constant 0 : i32
      %dma_start3A_356 = tpu.memref_slice %arg5[%dma_start3A_353, %dma_start3A_354, %dma_start3A_355] : memref<2x16x64xi32, #tpu.memory_space<vmem>> -> memref<1x1x64xi32, #tpu.memory_space<vmem>>
      %dma_start3A_357 = tpu.memref_squeeze %dma_start3A_356 : memref<1x1x64xi32, #tpu.memory_space<vmem>> -> memref<64xi32, #tpu.memory_space<vmem>>
      %dma_start3A_358 = arith.constant 0 : i32
      %dma_start3A_359 = arith.constant 0 : i32
      %dma_start3A_360 = tpu.memref_slice %arg3[%dma_start3A_358, %dma_start3A_359] : memref<10000x128xf32, #tpu.memory_space<hbm>> -> memref<10000x128xf32, #tpu.memory_space<hbm>>
      tpu.enqueue_indirect_dma source(%dma_start3A_360 : memref<10000x128xf32, #tpu.memory_space<hbm>>) target(%arg9 : memref<64x128xf32, #tpu.memory_space<vmem>>) offsets(%dma_start3A_357 : memref<64xi32, #tpu.memory_space<vmem>>) semaphore(%arg15 : memref<!tpu.dma_semaphore, #tpu.memory_space<semaphore_mem>>)
      %dma_wait3A_361 = arith.constant 0 : i32
      %dma_wait3A_362 = arith.constant 11 : i32
      %dma_wait3A_363 = arith.constant 0 : i32
      %dma_wait3A_364 = tpu.memref_slice %arg5[%dma_wait3A_361, %dma_wait3A_362, %dma_wait3A_363] : memref<2x16x64xi32, #tpu.memory_space<vmem>> -> memref<1x1x64xi32, #tpu.memory_space<vmem>>
      %dma_wait3A_365 = tpu.memref_squeeze %dma_wait3A_364 : memref<1x1x64xi32, #tpu.memory_space<vmem>> -> memref<64xi32, #tpu.memory_space<vmem>>
      %dma_wait3A_366 = arith.constant 0 : i32
      %dma_wait3A_367 = arith.constant 0 : i32
      %dma_wait3A_368 = tpu.memref_slice %arg3[%dma_wait3A_366, %dma_wait3A_367] : memref<10000x128xf32, #tpu.memory_space<hbm>> -> memref<10000x128xf32, #tpu.memory_space<hbm>>
      tpu.wait_indirect_dma semaphore(%arg16 : memref<!tpu.dma_semaphore, #tpu.memory_space<semaphore_mem>>) src(%dma_wait3A_368 : memref<10000x128xf32, #tpu.memory_space<hbm>>) dst(%arg10 : memref<64x128xf32, #tpu.memory_space<vmem>>)
      %run_scoped3A_369 = arith.constant 1 : i32
      %run_scoped3A_370 = arith.constant 11 : i32
      "tpu.region"() ({
        %run_scoped3A_742 = tpu.sem_alloc : memref<!tpu.dma_semaphore, #tpu.memory_space<semaphore_mem>>
        %dma_start3A_743 = arith.constant 0 : i32
        %dma_start3A_744 = tpu.memref_slice %arg5[%run_scoped3A_369, %run_scoped3A_370, %dma_start3A_743] : memref<2x16x64xi32, #tpu.memory_space<vmem>> -> memref<1x1x64xi32, #tpu.memory_space<vmem>>
        %dma_start3A_745 = tpu.memref_squeeze %dma_start3A_744 : memref<1x1x64xi32, #tpu.memory_space<vmem>> -> memref<64xi32, #tpu.memory_space<vmem>>
        %dma_start3A_746 = arith.constant 0 : i32
        %dma_start3A_747 = arith.constant 0 : i32
        %dma_start3A_748 = tpu.memref_slice %arg11[%dma_start3A_746, %dma_start3A_747] : memref<10240x128xf32, #tpu.memory_space<vmem_shared>> -> memref<10240x128xf32, #tpu.memory_space<vmem_shared>>
        tpu.enqueue_indirect_dma source(%arg10 : memref<64x128xf32, #tpu.memory_space<vmem>>) target(%dma_start3A_748 : memref<10240x128xf32, #tpu.memory_space<vmem_shared>>) offsets(%dma_start3A_745 : memref<64xi32, #tpu.memory_space<vmem>>) semaphore(%run_scoped3A_742 : memref<!tpu.dma_semaphore, #tpu.memory_space<semaphore_mem>>) {add = true}
        %dma_wait3A_749 = arith.constant 0 : i32
        %dma_wait3A_750 = tpu.memref_slice %arg5[%run_scoped3A_369, %run_scoped3A_370, %dma_wait3A_749] : memref<2x16x64xi32, #tpu.memory_space<vmem>> -> memref<1x1x64xi32, #tpu.memory_space<vmem>>
        %dma_wait3A_751 = tpu.memref_squeeze %dma_wait3A_750 : memref<1x1x64xi32, #tpu.memory_space<vmem>> -> memref<64xi32, #tpu.memory_space<vmem>>
        %dma_wait3A_752 = arith.constant 0 : i32
        %dma_wait3A_753 = arith.constant 0 : i32
        %dma_wait3A_754 = tpu.memref_slice %arg11[%dma_wait3A_752, %dma_wait3A_753] : memref<10240x128xf32, #tpu.memory_space<vmem_shared>> -> memref<10240x128xf32, #tpu.memory_space<vmem_shared>>
        tpu.wait_indirect_dma semaphore(%run_scoped3A_742 : memref<!tpu.dma_semaphore, #tpu.memory_space<semaphore_mem>>) src(%arg10 : memref<64x128xf32, #tpu.memory_space<vmem>>) dst(%dma_wait3A_754 : memref<10240x128xf32, #tpu.memory_space<vmem_shared>>)
        tpu.yield
      }) : () -> ()
      %dma_start3A_371 = arith.constant 0 : i32
      %dma_start3A_372 = arith.constant 15 : i32
      %dma_start3A_373 = arith.constant 0 : i32
      %dma_start3A_374 = tpu.memref_slice %arg5[%dma_start3A_371, %dma_start3A_372, %dma_start3A_373] : memref<2x16x64xi32, #tpu.memory_space<vmem>> -> memref<1x1x64xi32, #tpu.memory_space<vmem>>
      %dma_start3A_375 = tpu.memref_squeeze %dma_start3A_374 : memref<1x1x64xi32, #tpu.memory_space<vmem>> -> memref<64xi32, #tpu.memory_space<vmem>>
      %dma_start3A_376 = arith.constant 0 : i32
      %dma_start3A_377 = arith.constant 0 : i32
      %dma_start3A_378 = tpu.memref_slice %arg3[%dma_start3A_376, %dma_start3A_377] : memref<10000x128xf32, #tpu.memory_space<hbm>> -> memref<10000x128xf32, #tpu.memory_space<hbm>>
      tpu.enqueue_indirect_dma source(%dma_start3A_378 : memref<10000x128xf32, #tpu.memory_space<hbm>>) target(%arg10 : memref<64x128xf32, #tpu.memory_space<vmem>>) offsets(%dma_start3A_375 : memref<64xi32, #tpu.memory_space<vmem>>) semaphore(%arg16 : memref<!tpu.dma_semaphore, #tpu.memory_space<semaphore_mem>>)
      %dma_wait3A_379 = arith.constant 0 : i32
      %dma_wait3A_380 = arith.constant 12 : i32
      %dma_wait3A_381 = arith.constant 0 : i32
      %dma_wait3A_382 = tpu.memref_slice %arg5[%dma_wait3A_379, %dma_wait3A_380, %dma_wait3A_381] : memref<2x16x64xi32, #tpu.memory_space<vmem>> -> memref<1x1x64xi32, #tpu.memory_space<vmem>>
      %dma_wait3A_383 = tpu.memref_squeeze %dma_wait3A_382 : memref<1x1x64xi32, #tpu.memory_space<vmem>> -> memref<64xi32, #tpu.memory_space<vmem>>
      %dma_wait3A_384 = arith.constant 0 : i32
      %dma_wait3A_385 = arith.constant 0 : i32
      %dma_wait3A_386 = tpu.memref_slice %arg3[%dma_wait3A_384, %dma_wait3A_385] : memref<10000x128xf32, #tpu.memory_space<hbm>> -> memref<10000x128xf32, #tpu.memory_space<hbm>>
      tpu.wait_indirect_dma semaphore(%arg13 : memref<!tpu.dma_semaphore, #tpu.memory_space<semaphore_mem>>) src(%dma_wait3A_386 : memref<10000x128xf32, #tpu.memory_space<hbm>>) dst(%arg7 : memref<64x128xf32, #tpu.memory_space<vmem>>)
      %run_scoped3A_387 = arith.constant 1 : i32
      %run_scoped3A_388 = arith.constant 12 : i32
      "tpu.region"() ({
        %run_scoped3A_742 = tpu.sem_alloc : memref<!tpu.dma_semaphore, #tpu.memory_space<semaphore_mem>>
        %dma_start3A_743 = arith.constant 0 : i32
        %dma_start3A_744 = tpu.memref_slice %arg5[%run_scoped3A_387, %run_scoped3A_388, %dma_start3A_743] : memref<2x16x64xi32, #tpu.memory_space<vmem>> -> memref<1x1x64xi32, #tpu.memory_space<vmem>>
        %dma_start3A_745 = tpu.memref_squeeze %dma_start3A_744 : memref<1x1x64xi32, #tpu.memory_space<vmem>> -> memref<64xi32, #tpu.memory_space<vmem>>
        %dma_start3A_746 = arith.constant 0 : i32
        %dma_start3A_747 = arith.constant 0 : i32
        %dma_start3A_748 = tpu.memref_slice %arg11[%dma_start3A_746, %dma_start3A_747] : memref<10240x128xf32, #tpu.memory_space<vmem_shared>> -> memref<10240x128xf32, #tpu.memory_space<vmem_shared>>
        tpu.enqueue_indirect_dma source(%arg7 : memref<64x128xf32, #tpu.memory_space<vmem>>) target(%dma_start3A_748 : memref<10240x128xf32, #tpu.memory_space<vmem_shared>>) offsets(%dma_start3A_745 : memref<64xi32, #tpu.memory_space<vmem>>) semaphore(%run_scoped3A_742 : memref<!tpu.dma_semaphore, #tpu.memory_space<semaphore_mem>>) {add = true}
        %dma_wait3A_749 = arith.constant 0 : i32
        %dma_wait3A_750 = tpu.memref_slice %arg5[%run_scoped3A_387, %run_scoped3A_388, %dma_wait3A_749] : memref<2x16x64xi32, #tpu.memory_space<vmem>> -> memref<1x1x64xi32, #tpu.memory_space<vmem>>
        %dma_wait3A_751 = tpu.memref_squeeze %dma_wait3A_750 : memref<1x1x64xi32, #tpu.memory_space<vmem>> -> memref<64xi32, #tpu.memory_space<vmem>>
        %dma_wait3A_752 = arith.constant 0 : i32
        %dma_wait3A_753 = arith.constant 0 : i32
        %dma_wait3A_754 = tpu.memref_slice %arg11[%dma_wait3A_752, %dma_wait3A_753] : memref<10240x128xf32, #tpu.memory_space<vmem_shared>> -> memref<10240x128xf32, #tpu.memory_space<vmem_shared>>
        tpu.wait_indirect_dma semaphore(%run_scoped3A_742 : memref<!tpu.dma_semaphore, #tpu.memory_space<semaphore_mem>>) src(%arg7 : memref<64x128xf32, #tpu.memory_space<vmem>>) dst(%dma_wait3A_754 : memref<10240x128xf32, #tpu.memory_space<vmem_shared>>)
        tpu.yield
      }) : () -> ()
      %dma_wait3A_389 = arith.constant 0 : i32
      %dma_wait3A_390 = arith.constant 13 : i32
      %dma_wait3A_391 = arith.constant 0 : i32
      %dma_wait3A_392 = tpu.memref_slice %arg5[%dma_wait3A_389, %dma_wait3A_390, %dma_wait3A_391] : memref<2x16x64xi32, #tpu.memory_space<vmem>> -> memref<1x1x64xi32, #tpu.memory_space<vmem>>
      %dma_wait3A_393 = tpu.memref_squeeze %dma_wait3A_392 : memref<1x1x64xi32, #tpu.memory_space<vmem>> -> memref<64xi32, #tpu.memory_space<vmem>>
      %dma_wait3A_394 = arith.constant 0 : i32
      %dma_wait3A_395 = arith.constant 0 : i32
      %dma_wait3A_396 = tpu.memref_slice %arg3[%dma_wait3A_394, %dma_wait3A_395] : memref<10000x128xf32, #tpu.memory_space<hbm>> -> memref<10000x128xf32, #tpu.memory_space<hbm>>
      tpu.wait_indirect_dma semaphore(%arg14 : memref<!tpu.dma_semaphore, #tpu.memory_space<semaphore_mem>>) src(%dma_wait3A_396 : memref<10000x128xf32, #tpu.memory_space<hbm>>) dst(%arg8 : memref<64x128xf32, #tpu.memory_space<vmem>>)
      %run_scoped3A_397 = arith.constant 1 : i32
      %run_scoped3A_398 = arith.constant 13 : i32
      "tpu.region"() ({
        %run_scoped3A_742 = tpu.sem_alloc : memref<!tpu.dma_semaphore, #tpu.memory_space<semaphore_mem>>
        %dma_start3A_743 = arith.constant 0 : i32
        %dma_start3A_744 = tpu.memref_slice %arg5[%run_scoped3A_397, %run_scoped3A_398, %dma_start3A_743] : memref<2x16x64xi32, #tpu.memory_space<vmem>> -> memref<1x1x64xi32, #tpu.memory_space<vmem>>
        %dma_start3A_745 = tpu.memref_squeeze %dma_start3A_744 : memref<1x1x64xi32, #tpu.memory_space<vmem>> -> memref<64xi32, #tpu.memory_space<vmem>>
        %dma_start3A_746 = arith.constant 0 : i32
        %dma_start3A_747 = arith.constant 0 : i32
        %dma_start3A_748 = tpu.memref_slice %arg11[%dma_start3A_746, %dma_start3A_747] : memref<10240x128xf32, #tpu.memory_space<vmem_shared>> -> memref<10240x128xf32, #tpu.memory_space<vmem_shared>>
        tpu.enqueue_indirect_dma source(%arg8 : memref<64x128xf32, #tpu.memory_space<vmem>>) target(%dma_start3A_748 : memref<10240x128xf32, #tpu.memory_space<vmem_shared>>) offsets(%dma_start3A_745 : memref<64xi32, #tpu.memory_space<vmem>>) semaphore(%run_scoped3A_742 : memref<!tpu.dma_semaphore, #tpu.memory_space<semaphore_mem>>) {add = true}
        %dma_wait3A_749 = arith.constant 0 : i32
        %dma_wait3A_750 = tpu.memref_slice %arg5[%run_scoped3A_397, %run_scoped3A_398, %dma_wait3A_749] : memref<2x16x64xi32, #tpu.memory_space<vmem>> -> memref<1x1x64xi32, #tpu.memory_space<vmem>>
        %dma_wait3A_751 = tpu.memref_squeeze %dma_wait3A_750 : memref<1x1x64xi32, #tpu.memory_space<vmem>> -> memref<64xi32, #tpu.memory_space<vmem>>
        %dma_wait3A_752 = arith.constant 0 : i32
        %dma_wait3A_753 = arith.constant 0 : i32
        %dma_wait3A_754 = tpu.memref_slice %arg11[%dma_wait3A_752, %dma_wait3A_753] : memref<10240x128xf32, #tpu.memory_space<vmem_shared>> -> memref<10240x128xf32, #tpu.memory_space<vmem_shared>>
        tpu.wait_indirect_dma semaphore(%run_scoped3A_742 : memref<!tpu.dma_semaphore, #tpu.memory_space<semaphore_mem>>) src(%arg8 : memref<64x128xf32, #tpu.memory_space<vmem>>) dst(%dma_wait3A_754 : memref<10240x128xf32, #tpu.memory_space<vmem_shared>>)
        tpu.yield
      }) : () -> ()
      %dma_wait3A_399 = arith.constant 0 : i32
      %dma_wait3A_400 = arith.constant 14 : i32
      %dma_wait3A_401 = arith.constant 0 : i32
      %dma_wait3A_402 = tpu.memref_slice %arg5[%dma_wait3A_399, %dma_wait3A_400, %dma_wait3A_401] : memref<2x16x64xi32, #tpu.memory_space<vmem>> -> memref<1x1x64xi32, #tpu.memory_space<vmem>>
      %dma_wait3A_403 = tpu.memref_squeeze %dma_wait3A_402 : memref<1x1x64xi32, #tpu.memory_space<vmem>> -> memref<64xi32, #tpu.memory_space<vmem>>
      %dma_wait3A_404 = arith.constant 0 : i32
      %dma_wait3A_405 = arith.constant 0 : i32
      %dma_wait3A_406 = tpu.memref_slice %arg3[%dma_wait3A_404, %dma_wait3A_405] : memref<10000x128xf32, #tpu.memory_space<hbm>> -> memref<10000x128xf32, #tpu.memory_space<hbm>>
      tpu.wait_indirect_dma semaphore(%arg15 : memref<!tpu.dma_semaphore, #tpu.memory_space<semaphore_mem>>) src(%dma_wait3A_406 : memref<10000x128xf32, #tpu.memory_space<hbm>>) dst(%arg9 : memref<64x128xf32, #tpu.memory_space<vmem>>)
      %run_scoped3A_407 = arith.constant 1 : i32
      %run_scoped3A_408 = arith.constant 14 : i32
      "tpu.region"() ({
        %run_scoped3A_742 = tpu.sem_alloc : memref<!tpu.dma_semaphore, #tpu.memory_space<semaphore_mem>>
        %dma_start3A_743 = arith.constant 0 : i32
        %dma_start3A_744 = tpu.memref_slice %arg5[%run_scoped3A_407, %run_scoped3A_408, %dma_start3A_743] : memref<2x16x64xi32, #tpu.memory_space<vmem>> -> memref<1x1x64xi32, #tpu.memory_space<vmem>>
        %dma_start3A_745 = tpu.memref_squeeze %dma_start3A_744 : memref<1x1x64xi32, #tpu.memory_space<vmem>> -> memref<64xi32, #tpu.memory_space<vmem>>
        %dma_start3A_746 = arith.constant 0 : i32
        %dma_start3A_747 = arith.constant 0 : i32
        %dma_start3A_748 = tpu.memref_slice %arg11[%dma_start3A_746, %dma_start3A_747] : memref<10240x128xf32, #tpu.memory_space<vmem_shared>> -> memref<10240x128xf32, #tpu.memory_space<vmem_shared>>
        tpu.enqueue_indirect_dma source(%arg9 : memref<64x128xf32, #tpu.memory_space<vmem>>) target(%dma_start3A_748 : memref<10240x128xf32, #tpu.memory_space<vmem_shared>>) offsets(%dma_start3A_745 : memref<64xi32, #tpu.memory_space<vmem>>) semaphore(%run_scoped3A_742 : memref<!tpu.dma_semaphore, #tpu.memory_space<semaphore_mem>>) {add = true}
        %dma_wait3A_749 = arith.constant 0 : i32
        %dma_wait3A_750 = tpu.memref_slice %arg5[%run_scoped3A_407, %run_scoped3A_408, %dma_wait3A_749] : memref<2x16x64xi32, #tpu.memory_space<vmem>> -> memref<1x1x64xi32, #tpu.memory_space<vmem>>
        %dma_wait3A_751 = tpu.memref_squeeze %dma_wait3A_750 : memref<1x1x64xi32, #tpu.memory_space<vmem>> -> memref<64xi32, #tpu.memory_space<vmem>>
        %dma_wait3A_752 = arith.constant 0 : i32
        %dma_wait3A_753 = arith.constant 0 : i32
        %dma_wait3A_754 = tpu.memref_slice %arg11[%dma_wait3A_752, %dma_wait3A_753] : memref<10240x128xf32, #tpu.memory_space<vmem_shared>> -> memref<10240x128xf32, #tpu.memory_space<vmem_shared>>
        tpu.wait_indirect_dma semaphore(%run_scoped3A_742 : memref<!tpu.dma_semaphore, #tpu.memory_space<semaphore_mem>>) src(%arg9 : memref<64x128xf32, #tpu.memory_space<vmem>>) dst(%dma_wait3A_754 : memref<10240x128xf32, #tpu.memory_space<vmem_shared>>)
        tpu.yield
      }) : () -> ()
      %dma_wait3A_409 = arith.constant 0 : i32
      %dma_wait3A_410 = arith.constant 15 : i32
      %dma_wait3A_411 = arith.constant 0 : i32
      %dma_wait3A_412 = tpu.memref_slice %arg5[%dma_wait3A_409, %dma_wait3A_410, %dma_wait3A_411] : memref<2x16x64xi32, #tpu.memory_space<vmem>> -> memref<1x1x64xi32, #tpu.memory_space<vmem>>
      %dma_wait3A_413 = tpu.memref_squeeze %dma_wait3A_412 : memref<1x1x64xi32, #tpu.memory_space<vmem>> -> memref<64xi32, #tpu.memory_space<vmem>>
      %dma_wait3A_414 = arith.constant 0 : i32
      %dma_wait3A_415 = arith.constant 0 : i32
      %dma_wait3A_416 = tpu.memref_slice %arg3[%dma_wait3A_414, %dma_wait3A_415] : memref<10000x128xf32, #tpu.memory_space<hbm>> -> memref<10000x128xf32, #tpu.memory_space<hbm>>
      tpu.wait_indirect_dma semaphore(%arg16 : memref<!tpu.dma_semaphore, #tpu.memory_space<semaphore_mem>>) src(%dma_wait3A_416 : memref<10000x128xf32, #tpu.memory_space<hbm>>) dst(%arg10 : memref<64x128xf32, #tpu.memory_space<vmem>>)
      %run_scoped3A_417 = arith.constant 1 : i32
      %run_scoped3A_418 = arith.constant 15 : i32
      "tpu.region"() ({
        %run_scoped3A_742 = tpu.sem_alloc : memref<!tpu.dma_semaphore, #tpu.memory_space<semaphore_mem>>
        %dma_start3A_743 = arith.constant 0 : i32
        %dma_start3A_744 = tpu.memref_slice %arg5[%run_scoped3A_417, %run_scoped3A_418, %dma_start3A_743] : memref<2x16x64xi32, #tpu.memory_space<vmem>> -> memref<1x1x64xi32, #tpu.memory_space<vmem>>
        %dma_start3A_745 = tpu.memref_squeeze %dma_start3A_744 : memref<1x1x64xi32, #tpu.memory_space<vmem>> -> memref<64xi32, #tpu.memory_space<vmem>>
        %dma_start3A_746 = arith.constant 0 : i32
        %dma_start3A_747 = arith.constant 0 : i32
        %dma_start3A_748 = tpu.memref_slice %arg11[%dma_start3A_746, %dma_start3A_747] : memref<10240x128xf32, #tpu.memory_space<vmem_shared>> -> memref<10240x128xf32, #tpu.memory_space<vmem_shared>>
        tpu.enqueue_indirect_dma source(%arg10 : memref<64x128xf32, #tpu.memory_space<vmem>>) target(%dma_start3A_748 : memref<10240x128xf32, #tpu.memory_space<vmem_shared>>) offsets(%dma_start3A_745 : memref<64xi32, #tpu.memory_space<vmem>>) semaphore(%run_scoped3A_742 : memref<!tpu.dma_semaphore, #tpu.memory_space<semaphore_mem>>) {add = true}
        %dma_wait3A_749 = arith.constant 0 : i32
        %dma_wait3A_750 = tpu.memref_slice %arg5[%run_scoped3A_417, %run_scoped3A_418, %dma_wait3A_749] : memref<2x16x64xi32, #tpu.memory_space<vmem>> -> memref<1x1x64xi32, #tpu.memory_space<vmem>>
        %dma_wait3A_751 = tpu.memref_squeeze %dma_wait3A_750 : memref<1x1x64xi32, #tpu.memory_space<vmem>> -> memref<64xi32, #tpu.memory_space<vmem>>
        %dma_wait3A_752 = arith.constant 0 : i32
        %dma_wait3A_753 = arith.constant 0 : i32
        %dma_wait3A_754 = tpu.memref_slice %arg11[%dma_wait3A_752, %dma_wait3A_753] : memref<10240x128xf32, #tpu.memory_space<vmem_shared>> -> memref<10240x128xf32, #tpu.memory_space<vmem_shared>>
        tpu.wait_indirect_dma semaphore(%run_scoped3A_742 : memref<!tpu.dma_semaphore, #tpu.memory_space<semaphore_mem>>) src(%arg10 : memref<64x128xf32, #tpu.memory_space<vmem>>) dst(%dma_wait3A_754 : memref<10240x128xf32, #tpu.memory_space<vmem_shared>>)
        tpu.yield
      }) : () -> ()
      %dma_wait3A_419 = arith.constant 0 : i32
      %dma_wait3A_420 = arith.constant 0 : i32
      %dma_wait3A_421 = arith.constant 0 : i32
      %dma_wait3A_422 = tpu.memref_slice %arg2[%add3A_123, %dma_wait3A_419, %dma_wait3A_420, %dma_wait3A_421] : memref<320x2x16x64xi32, #tpu.memory_space<hbm>> -> memref<1x2x16x64xi32, #tpu.memory_space<hbm>>
      %dma_wait3A_423 = tpu.memref_squeeze %dma_wait3A_422 : memref<1x2x16x64xi32, #tpu.memory_space<hbm>> -> memref<2x16x64xi32, #tpu.memory_space<hbm>>
      %dma_wait3A_424 = arith.constant 0 : i32
      %dma_wait3A_425 = arith.constant 0 : i32
      %dma_wait3A_426 = arith.constant 0 : i32
      %dma_wait3A_427 = tpu.memref_slice %arg2[%add3A_123, %dma_wait3A_424, %dma_wait3A_425, %dma_wait3A_426] : memref<320x2x16x64xi32, #tpu.memory_space<hbm>> -> memref<1x2x16x64xi32, #tpu.memory_space<hbm>>
      %dma_wait3A_428 = tpu.memref_squeeze %dma_wait3A_427 : memref<1x2x16x64xi32, #tpu.memory_space<hbm>> -> memref<2x16x64xi32, #tpu.memory_space<hbm>>
      tpu.wait_dma2 semaphore(%arg12 : memref<!tpu.dma_semaphore, #tpu.memory_space<semaphore_mem>>) src(%dma_wait3A_428 : memref<2x16x64xi32, #tpu.memory_space<hbm>>) dst(%arg6 : memref<2x16x64xi32, #tpu.memory_space<vmem>>)
      %add3A_429 = arith.addi %select_n3A_57, %mul3A_120 : i32
      %add3A_430 = arith.constant 2 : i32
      %add3A_431 = arith.addi %add3A_429, %add3A_430 : i32
      %min3A_432 = arith.minsi %add3A_431, %min3A_62 : i32
      %dma_start3A_433 = arith.constant 0 : i32
      %dma_start3A_434 = arith.constant 0 : i32
      %dma_start3A_435 = arith.constant 0 : i32
      %dma_start3A_436 = tpu.memref_slice %arg2[%min3A_432, %dma_start3A_433, %dma_start3A_434, %dma_start3A_435] : memref<320x2x16x64xi32, #tpu.memory_space<hbm>> -> memref<1x2x16x64xi32, #tpu.memory_space<hbm>>
      %dma_start3A_437 = tpu.memref_squeeze %dma_start3A_436 : memref<1x2x16x64xi32, #tpu.memory_space<hbm>> -> memref<2x16x64xi32, #tpu.memory_space<hbm>>
      %dma_start3A_438 = arith.constant 0 : i32
      %dma_start3A_439 = arith.constant 0 : i32
      %dma_start3A_440 = arith.constant 0 : i32
      %dma_start3A_441 = tpu.memref_slice %arg2[%min3A_432, %dma_start3A_438, %dma_start3A_439, %dma_start3A_440] : memref<320x2x16x64xi32, #tpu.memory_space<hbm>> -> memref<1x2x16x64xi32, #tpu.memory_space<hbm>>
      %dma_start3A_442 = tpu.memref_squeeze %dma_start3A_441 : memref<1x2x16x64xi32, #tpu.memory_space<hbm>> -> memref<2x16x64xi32, #tpu.memory_space<hbm>>
      tpu.enqueue_dma source(%dma_start3A_442 : memref<2x16x64xi32, #tpu.memory_space<hbm>>) target(%arg5 : memref<2x16x64xi32, #tpu.memory_space<vmem>>) target_semaphore(%arg12 : memref<!tpu.dma_semaphore, #tpu.memory_space<semaphore_mem>>)
      %dma_start3A_443 = arith.constant 0 : i32
      %dma_start3A_444 = arith.constant 0 : i32
      %dma_start3A_445 = arith.constant 0 : i32
      %dma_start3A_446 = tpu.memref_slice %arg6[%dma_start3A_443, %dma_start3A_444, %dma_start3A_445] : memref<2x16x64xi32, #tpu.memory_space<vmem>> -> memref<1x1x64xi32, #tpu.memory_space<vmem>>
      %dma_start3A_447 = tpu.memref_squeeze %dma_start3A_446 : memref<1x1x64xi32, #tpu.memory_space<vmem>> -> memref<64xi32, #tpu.memory_space<vmem>>
      %dma_start3A_448 = arith.constant 0 : i32
      %dma_start3A_449 = arith.constant 0 : i32
      %dma_start3A_450 = tpu.memref_slice %arg3[%dma_start3A_448, %dma_start3A_449] : memref<10000x128xf32, #tpu.memory_space<hbm>> -> memref<10000x128xf32, #tpu.memory_space<hbm>>
      tpu.enqueue_indirect_dma source(%dma_start3A_450 : memref<10000x128xf32, #tpu.memory_space<hbm>>) target(%arg7 : memref<64x128xf32, #tpu.memory_space<vmem>>) offsets(%dma_start3A_447 : memref<64xi32, #tpu.memory_space<vmem>>) semaphore(%arg13 : memref<!tpu.dma_semaphore, #tpu.memory_space<semaphore_mem>>)
      %dma_start3A_451 = arith.constant 0 : i32
      %dma_start3A_452 = arith.constant 1 : i32
      %dma_start3A_453 = arith.constant 0 : i32
      %dma_start3A_454 = tpu.memref_slice %arg6[%dma_start3A_451, %dma_start3A_452, %dma_start3A_453] : memref<2x16x64xi32, #tpu.memory_space<vmem>> -> memref<1x1x64xi32, #tpu.memory_space<vmem>>
      %dma_start3A_455 = tpu.memref_squeeze %dma_start3A_454 : memref<1x1x64xi32, #tpu.memory_space<vmem>> -> memref<64xi32, #tpu.memory_space<vmem>>
      %dma_start3A_456 = arith.constant 0 : i32
      %dma_start3A_457 = arith.constant 0 : i32
      %dma_start3A_458 = tpu.memref_slice %arg3[%dma_start3A_456, %dma_start3A_457] : memref<10000x128xf32, #tpu.memory_space<hbm>> -> memref<10000x128xf32, #tpu.memory_space<hbm>>
      tpu.enqueue_indirect_dma source(%dma_start3A_458 : memref<10000x128xf32, #tpu.memory_space<hbm>>) target(%arg8 : memref<64x128xf32, #tpu.memory_space<vmem>>) offsets(%dma_start3A_455 : memref<64xi32, #tpu.memory_space<vmem>>) semaphore(%arg14 : memref<!tpu.dma_semaphore, #tpu.memory_space<semaphore_mem>>)
      %dma_start3A_459 = arith.constant 0 : i32
      %dma_start3A_460 = arith.constant 2 : i32
      %dma_start3A_461 = arith.constant 0 : i32
      %dma_start3A_462 = tpu.memref_slice %arg6[%dma_start3A_459, %dma_start3A_460, %dma_start3A_461] : memref<2x16x64xi32, #tpu.memory_space<vmem>> -> memref<1x1x64xi32, #tpu.memory_space<vmem>>
      %dma_start3A_463 = tpu.memref_squeeze %dma_start3A_462 : memref<1x1x64xi32, #tpu.memory_space<vmem>> -> memref<64xi32, #tpu.memory_space<vmem>>
      %dma_start3A_464 = arith.constant 0 : i32
      %dma_start3A_465 = arith.constant 0 : i32
      %dma_start3A_466 = tpu.memref_slice %arg3[%dma_start3A_464, %dma_start3A_465] : memref<10000x128xf32, #tpu.memory_space<hbm>> -> memref<10000x128xf32, #tpu.memory_space<hbm>>
      tpu.enqueue_indirect_dma source(%dma_start3A_466 : memref<10000x128xf32, #tpu.memory_space<hbm>>) target(%arg9 : memref<64x128xf32, #tpu.memory_space<vmem>>) offsets(%dma_start3A_463 : memref<64xi32, #tpu.memory_space<vmem>>) semaphore(%arg15 : memref<!tpu.dma_semaphore, #tpu.memory_space<semaphore_mem>>)
      %dma_start3A_467 = arith.constant 0 : i32
      %dma_start3A_468 = arith.constant 3 : i32
      %dma_start3A_469 = arith.constant 0 : i32
      %dma_start3A_470 = tpu.memref_slice %arg6[%dma_start3A_467, %dma_start3A_468, %dma_start3A_469] : memref<2x16x64xi32, #tpu.memory_space<vmem>> -> memref<1x1x64xi32, #tpu.memory_space<vmem>>
      %dma_start3A_471 = tpu.memref_squeeze %dma_start3A_470 : memref<1x1x64xi32, #tpu.memory_space<vmem>> -> memref<64xi32, #tpu.memory_space<vmem>>
      %dma_start3A_472 = arith.constant 0 : i32
      %dma_start3A_473 = arith.constant 0 : i32
      %dma_start3A_474 = tpu.memref_slice %arg3[%dma_start3A_472, %dma_start3A_473] : memref<10000x128xf32, #tpu.memory_space<hbm>> -> memref<10000x128xf32, #tpu.memory_space<hbm>>
      tpu.enqueue_indirect_dma source(%dma_start3A_474 : memref<10000x128xf32, #tpu.memory_space<hbm>>) target(%arg10 : memref<64x128xf32, #tpu.memory_space<vmem>>) offsets(%dma_start3A_471 : memref<64xi32, #tpu.memory_space<vmem>>) semaphore(%arg16 : memref<!tpu.dma_semaphore, #tpu.memory_space<semaphore_mem>>)
      %dma_wait3A_475 = arith.constant 0 : i32
      %dma_wait3A_476 = arith.constant 0 : i32
      %dma_wait3A_477 = arith.constant 0 : i32
      %dma_wait3A_478 = tpu.memref_slice %arg6[%dma_wait3A_475, %dma_wait3A_476, %dma_wait3A_477] : memref<2x16x64xi32, #tpu.memory_space<vmem>> -> memref<1x1x64xi32, #tpu.memory_space<vmem>>
      %dma_wait3A_479 = tpu.memref_squeeze %dma_wait3A_478 : memref<1x1x64xi32, #tpu.memory_space<vmem>> -> memref<64xi32, #tpu.memory_space<vmem>>
      %dma_wait3A_480 = arith.constant 0 : i32
      %dma_wait3A_481 = arith.constant 0 : i32
      %dma_wait3A_482 = tpu.memref_slice %arg3[%dma_wait3A_480, %dma_wait3A_481] : memref<10000x128xf32, #tpu.memory_space<hbm>> -> memref<10000x128xf32, #tpu.memory_space<hbm>>
      tpu.wait_indirect_dma semaphore(%arg13 : memref<!tpu.dma_semaphore, #tpu.memory_space<semaphore_mem>>) src(%dma_wait3A_482 : memref<10000x128xf32, #tpu.memory_space<hbm>>) dst(%arg7 : memref<64x128xf32, #tpu.memory_space<vmem>>)
      %run_scoped3A_483 = arith.constant 1 : i32
      %run_scoped3A_484 = arith.constant 0 : i32
      "tpu.region"() ({
        %run_scoped3A_742 = tpu.sem_alloc : memref<!tpu.dma_semaphore, #tpu.memory_space<semaphore_mem>>
        %dma_start3A_743 = arith.constant 0 : i32
        %dma_start3A_744 = tpu.memref_slice %arg6[%run_scoped3A_483, %run_scoped3A_484, %dma_start3A_743] : memref<2x16x64xi32, #tpu.memory_space<vmem>> -> memref<1x1x64xi32, #tpu.memory_space<vmem>>
        %dma_start3A_745 = tpu.memref_squeeze %dma_start3A_744 : memref<1x1x64xi32, #tpu.memory_space<vmem>> -> memref<64xi32, #tpu.memory_space<vmem>>
        %dma_start3A_746 = arith.constant 0 : i32
        %dma_start3A_747 = arith.constant 0 : i32
        %dma_start3A_748 = tpu.memref_slice %arg11[%dma_start3A_746, %dma_start3A_747] : memref<10240x128xf32, #tpu.memory_space<vmem_shared>> -> memref<10240x128xf32, #tpu.memory_space<vmem_shared>>
        tpu.enqueue_indirect_dma source(%arg7 : memref<64x128xf32, #tpu.memory_space<vmem>>) target(%dma_start3A_748 : memref<10240x128xf32, #tpu.memory_space<vmem_shared>>) offsets(%dma_start3A_745 : memref<64xi32, #tpu.memory_space<vmem>>) semaphore(%run_scoped3A_742 : memref<!tpu.dma_semaphore, #tpu.memory_space<semaphore_mem>>) {add = true}
        %dma_wait3A_749 = arith.constant 0 : i32
        %dma_wait3A_750 = tpu.memref_slice %arg6[%run_scoped3A_483, %run_scoped3A_484, %dma_wait3A_749] : memref<2x16x64xi32, #tpu.memory_space<vmem>> -> memref<1x1x64xi32, #tpu.memory_space<vmem>>
        %dma_wait3A_751 = tpu.memref_squeeze %dma_wait3A_750 : memref<1x1x64xi32, #tpu.memory_space<vmem>> -> memref<64xi32, #tpu.memory_space<vmem>>
        %dma_wait3A_752 = arith.constant 0 : i32
        %dma_wait3A_753 = arith.constant 0 : i32
        %dma_wait3A_754 = tpu.memref_slice %arg11[%dma_wait3A_752, %dma_wait3A_753] : memref<10240x128xf32, #tpu.memory_space<vmem_shared>> -> memref<10240x128xf32, #tpu.memory_space<vmem_shared>>
        tpu.wait_indirect_dma semaphore(%run_scoped3A_742 : memref<!tpu.dma_semaphore, #tpu.memory_space<semaphore_mem>>) src(%arg7 : memref<64x128xf32, #tpu.memory_space<vmem>>) dst(%dma_wait3A_754 : memref<10240x128xf32, #tpu.memory_space<vmem_shared>>)
        tpu.yield
      }) : () -> ()
      %dma_start3A_485 = arith.constant 0 : i32
      %dma_start3A_486 = arith.constant 4 : i32
      %dma_start3A_487 = arith.constant 0 : i32
      %dma_start3A_488 = tpu.memref_slice %arg6[%dma_start3A_485, %dma_start3A_486, %dma_start3A_487] : memref<2x16x64xi32, #tpu.memory_space<vmem>> -> memref<1x1x64xi32, #tpu.memory_space<vmem>>
      %dma_start3A_489 = tpu.memref_squeeze %dma_start3A_488 : memref<1x1x64xi32, #tpu.memory_space<vmem>> -> memref<64xi32, #tpu.memory_space<vmem>>
      %dma_start3A_490 = arith.constant 0 : i32
      %dma_start3A_491 = arith.constant 0 : i32
      %dma_start3A_492 = tpu.memref_slice %arg3[%dma_start3A_490, %dma_start3A_491] : memref<10000x128xf32, #tpu.memory_space<hbm>> -> memref<10000x128xf32, #tpu.memory_space<hbm>>
      tpu.enqueue_indirect_dma source(%dma_start3A_492 : memref<10000x128xf32, #tpu.memory_space<hbm>>) target(%arg7 : memref<64x128xf32, #tpu.memory_space<vmem>>) offsets(%dma_start3A_489 : memref<64xi32, #tpu.memory_space<vmem>>) semaphore(%arg13 : memref<!tpu.dma_semaphore, #tpu.memory_space<semaphore_mem>>)
      %dma_wait3A_493 = arith.constant 0 : i32
      %dma_wait3A_494 = arith.constant 1 : i32
      %dma_wait3A_495 = arith.constant 0 : i32
      %dma_wait3A_496 = tpu.memref_slice %arg6[%dma_wait3A_493, %dma_wait3A_494, %dma_wait3A_495] : memref<2x16x64xi32, #tpu.memory_space<vmem>> -> memref<1x1x64xi32, #tpu.memory_space<vmem>>
      %dma_wait3A_497 = tpu.memref_squeeze %dma_wait3A_496 : memref<1x1x64xi32, #tpu.memory_space<vmem>> -> memref<64xi32, #tpu.memory_space<vmem>>
      %dma_wait3A_498 = arith.constant 0 : i32
      %dma_wait3A_499 = arith.constant 0 : i32
      %dma_wait3A_500 = tpu.memref_slice %arg3[%dma_wait3A_498, %dma_wait3A_499] : memref<10000x128xf32, #tpu.memory_space<hbm>> -> memref<10000x128xf32, #tpu.memory_space<hbm>>
      tpu.wait_indirect_dma semaphore(%arg14 : memref<!tpu.dma_semaphore, #tpu.memory_space<semaphore_mem>>) src(%dma_wait3A_500 : memref<10000x128xf32, #tpu.memory_space<hbm>>) dst(%arg8 : memref<64x128xf32, #tpu.memory_space<vmem>>)
      %run_scoped3A_501 = arith.constant 1 : i32
      %run_scoped3A_502 = arith.constant 1 : i32
      "tpu.region"() ({
        %run_scoped3A_742 = tpu.sem_alloc : memref<!tpu.dma_semaphore, #tpu.memory_space<semaphore_mem>>
        %dma_start3A_743 = arith.constant 0 : i32
        %dma_start3A_744 = tpu.memref_slice %arg6[%run_scoped3A_501, %run_scoped3A_502, %dma_start3A_743] : memref<2x16x64xi32, #tpu.memory_space<vmem>> -> memref<1x1x64xi32, #tpu.memory_space<vmem>>
        %dma_start3A_745 = tpu.memref_squeeze %dma_start3A_744 : memref<1x1x64xi32, #tpu.memory_space<vmem>> -> memref<64xi32, #tpu.memory_space<vmem>>
        %dma_start3A_746 = arith.constant 0 : i32
        %dma_start3A_747 = arith.constant 0 : i32
        %dma_start3A_748 = tpu.memref_slice %arg11[%dma_start3A_746, %dma_start3A_747] : memref<10240x128xf32, #tpu.memory_space<vmem_shared>> -> memref<10240x128xf32, #tpu.memory_space<vmem_shared>>
        tpu.enqueue_indirect_dma source(%arg8 : memref<64x128xf32, #tpu.memory_space<vmem>>) target(%dma_start3A_748 : memref<10240x128xf32, #tpu.memory_space<vmem_shared>>) offsets(%dma_start3A_745 : memref<64xi32, #tpu.memory_space<vmem>>) semaphore(%run_scoped3A_742 : memref<!tpu.dma_semaphore, #tpu.memory_space<semaphore_mem>>) {add = true}
        %dma_wait3A_749 = arith.constant 0 : i32
        %dma_wait3A_750 = tpu.memref_slice %arg6[%run_scoped3A_501, %run_scoped3A_502, %dma_wait3A_749] : memref<2x16x64xi32, #tpu.memory_space<vmem>> -> memref<1x1x64xi32, #tpu.memory_space<vmem>>
        %dma_wait3A_751 = tpu.memref_squeeze %dma_wait3A_750 : memref<1x1x64xi32, #tpu.memory_space<vmem>> -> memref<64xi32, #tpu.memory_space<vmem>>
        %dma_wait3A_752 = arith.constant 0 : i32
        %dma_wait3A_753 = arith.constant 0 : i32
        %dma_wait3A_754 = tpu.memref_slice %arg11[%dma_wait3A_752, %dma_wait3A_753] : memref<10240x128xf32, #tpu.memory_space<vmem_shared>> -> memref<10240x128xf32, #tpu.memory_space<vmem_shared>>
        tpu.wait_indirect_dma semaphore(%run_scoped3A_742 : memref<!tpu.dma_semaphore, #tpu.memory_space<semaphore_mem>>) src(%arg8 : memref<64x128xf32, #tpu.memory_space<vmem>>) dst(%dma_wait3A_754 : memref<10240x128xf32, #tpu.memory_space<vmem_shared>>)
        tpu.yield
      }) : () -> ()
      %dma_start3A_503 = arith.constant 0 : i32
      %dma_start3A_504 = arith.constant 5 : i32
      %dma_start3A_505 = arith.constant 0 : i32
      %dma_start3A_506 = tpu.memref_slice %arg6[%dma_start3A_503, %dma_start3A_504, %dma_start3A_505] : memref<2x16x64xi32, #tpu.memory_space<vmem>> -> memref<1x1x64xi32, #tpu.memory_space<vmem>>
      %dma_start3A_507 = tpu.memref_squeeze %dma_start3A_506 : memref<1x1x64xi32, #tpu.memory_space<vmem>> -> memref<64xi32, #tpu.memory_space<vmem>>
      %dma_start3A_508 = arith.constant 0 : i32
      %dma_start3A_509 = arith.constant 0 : i32
      %dma_start3A_510 = tpu.memref_slice %arg3[%dma_start3A_508, %dma_start3A_509] : memref<10000x128xf32, #tpu.memory_space<hbm>> -> memref<10000x128xf32, #tpu.memory_space<hbm>>
      tpu.enqueue_indirect_dma source(%dma_start3A_510 : memref<10000x128xf32, #tpu.memory_space<hbm>>) target(%arg8 : memref<64x128xf32, #tpu.memory_space<vmem>>) offsets(%dma_start3A_507 : memref<64xi32, #tpu.memory_space<vmem>>) semaphore(%arg14 : memref<!tpu.dma_semaphore, #tpu.memory_space<semaphore_mem>>)
      %dma_wait3A_511 = arith.constant 0 : i32
      %dma_wait3A_512 = arith.constant 2 : i32
      %dma_wait3A_513 = arith.constant 0 : i32
      %dma_wait3A_514 = tpu.memref_slice %arg6[%dma_wait3A_511, %dma_wait3A_512, %dma_wait3A_513] : memref<2x16x64xi32, #tpu.memory_space<vmem>> -> memref<1x1x64xi32, #tpu.memory_space<vmem>>
      %dma_wait3A_515 = tpu.memref_squeeze %dma_wait3A_514 : memref<1x1x64xi32, #tpu.memory_space<vmem>> -> memref<64xi32, #tpu.memory_space<vmem>>
      %dma_wait3A_516 = arith.constant 0 : i32
      %dma_wait3A_517 = arith.constant 0 : i32
      %dma_wait3A_518 = tpu.memref_slice %arg3[%dma_wait3A_516, %dma_wait3A_517] : memref<10000x128xf32, #tpu.memory_space<hbm>> -> memref<10000x128xf32, #tpu.memory_space<hbm>>
      tpu.wait_indirect_dma semaphore(%arg15 : memref<!tpu.dma_semaphore, #tpu.memory_space<semaphore_mem>>) src(%dma_wait3A_518 : memref<10000x128xf32, #tpu.memory_space<hbm>>) dst(%arg9 : memref<64x128xf32, #tpu.memory_space<vmem>>)
      %run_scoped3A_519 = arith.constant 1 : i32
      %run_scoped3A_520 = arith.constant 2 : i32
      "tpu.region"() ({
        %run_scoped3A_742 = tpu.sem_alloc : memref<!tpu.dma_semaphore, #tpu.memory_space<semaphore_mem>>
        %dma_start3A_743 = arith.constant 0 : i32
        %dma_start3A_744 = tpu.memref_slice %arg6[%run_scoped3A_519, %run_scoped3A_520, %dma_start3A_743] : memref<2x16x64xi32, #tpu.memory_space<vmem>> -> memref<1x1x64xi32, #tpu.memory_space<vmem>>
        %dma_start3A_745 = tpu.memref_squeeze %dma_start3A_744 : memref<1x1x64xi32, #tpu.memory_space<vmem>> -> memref<64xi32, #tpu.memory_space<vmem>>
        %dma_start3A_746 = arith.constant 0 : i32
        %dma_start3A_747 = arith.constant 0 : i32
        %dma_start3A_748 = tpu.memref_slice %arg11[%dma_start3A_746, %dma_start3A_747] : memref<10240x128xf32, #tpu.memory_space<vmem_shared>> -> memref<10240x128xf32, #tpu.memory_space<vmem_shared>>
        tpu.enqueue_indirect_dma source(%arg9 : memref<64x128xf32, #tpu.memory_space<vmem>>) target(%dma_start3A_748 : memref<10240x128xf32, #tpu.memory_space<vmem_shared>>) offsets(%dma_start3A_745 : memref<64xi32, #tpu.memory_space<vmem>>) semaphore(%run_scoped3A_742 : memref<!tpu.dma_semaphore, #tpu.memory_space<semaphore_mem>>) {add = true}
        %dma_wait3A_749 = arith.constant 0 : i32
        %dma_wait3A_750 = tpu.memref_slice %arg6[%run_scoped3A_519, %run_scoped3A_520, %dma_wait3A_749] : memref<2x16x64xi32, #tpu.memory_space<vmem>> -> memref<1x1x64xi32, #tpu.memory_space<vmem>>
        %dma_wait3A_751 = tpu.memref_squeeze %dma_wait3A_750 : memref<1x1x64xi32, #tpu.memory_space<vmem>> -> memref<64xi32, #tpu.memory_space<vmem>>
        %dma_wait3A_752 = arith.constant 0 : i32
        %dma_wait3A_753 = arith.constant 0 : i32
        %dma_wait3A_754 = tpu.memref_slice %arg11[%dma_wait3A_752, %dma_wait3A_753] : memref<10240x128xf32, #tpu.memory_space<vmem_shared>> -> memref<10240x128xf32, #tpu.memory_space<vmem_shared>>
        tpu.wait_indirect_dma semaphore(%run_scoped3A_742 : memref<!tpu.dma_semaphore, #tpu.memory_space<semaphore_mem>>) src(%arg9 : memref<64x128xf32, #tpu.memory_space<vmem>>) dst(%dma_wait3A_754 : memref<10240x128xf32, #tpu.memory_space<vmem_shared>>)
        tpu.yield
      }) : () -> ()
      %dma_start3A_521 = arith.constant 0 : i32
      %dma_start3A_522 = arith.constant 6 : i32
      %dma_start3A_523 = arith.constant 0 : i32
      %dma_start3A_524 = tpu.memref_slice %arg6[%dma_start3A_521, %dma_start3A_522, %dma_start3A_523] : memref<2x16x64xi32, #tpu.memory_space<vmem>> -> memref<1x1x64xi32, #tpu.memory_space<vmem>>
      %dma_start3A_525 = tpu.memref_squeeze %dma_start3A_524 : memref<1x1x64xi32, #tpu.memory_space<vmem>> -> memref<64xi32, #tpu.memory_space<vmem>>
      %dma_start3A_526 = arith.constant 0 : i32
      %dma_start3A_527 = arith.constant 0 : i32
      %dma_start3A_528 = tpu.memref_slice %arg3[%dma_start3A_526, %dma_start3A_527] : memref<10000x128xf32, #tpu.memory_space<hbm>> -> memref<10000x128xf32, #tpu.memory_space<hbm>>
      tpu.enqueue_indirect_dma source(%dma_start3A_528 : memref<10000x128xf32, #tpu.memory_space<hbm>>) target(%arg9 : memref<64x128xf32, #tpu.memory_space<vmem>>) offsets(%dma_start3A_525 : memref<64xi32, #tpu.memory_space<vmem>>) semaphore(%arg15 : memref<!tpu.dma_semaphore, #tpu.memory_space<semaphore_mem>>)
      %dma_wait3A_529 = arith.constant 0 : i32
      %dma_wait3A_530 = arith.constant 3 : i32
      %dma_wait3A_531 = arith.constant 0 : i32
      %dma_wait3A_532 = tpu.memref_slice %arg6[%dma_wait3A_529, %dma_wait3A_530, %dma_wait3A_531] : memref<2x16x64xi32, #tpu.memory_space<vmem>> -> memref<1x1x64xi32, #tpu.memory_space<vmem>>
      %dma_wait3A_533 = tpu.memref_squeeze %dma_wait3A_532 : memref<1x1x64xi32, #tpu.memory_space<vmem>> -> memref<64xi32, #tpu.memory_space<vmem>>
      %dma_wait3A_534 = arith.constant 0 : i32
      %dma_wait3A_535 = arith.constant 0 : i32
      %dma_wait3A_536 = tpu.memref_slice %arg3[%dma_wait3A_534, %dma_wait3A_535] : memref<10000x128xf32, #tpu.memory_space<hbm>> -> memref<10000x128xf32, #tpu.memory_space<hbm>>
      tpu.wait_indirect_dma semaphore(%arg16 : memref<!tpu.dma_semaphore, #tpu.memory_space<semaphore_mem>>) src(%dma_wait3A_536 : memref<10000x128xf32, #tpu.memory_space<hbm>>) dst(%arg10 : memref<64x128xf32, #tpu.memory_space<vmem>>)
      %run_scoped3A_537 = arith.constant 1 : i32
      %run_scoped3A_538 = arith.constant 3 : i32
      "tpu.region"() ({
        %run_scoped3A_742 = tpu.sem_alloc : memref<!tpu.dma_semaphore, #tpu.memory_space<semaphore_mem>>
        %dma_start3A_743 = arith.constant 0 : i32
        %dma_start3A_744 = tpu.memref_slice %arg6[%run_scoped3A_537, %run_scoped3A_538, %dma_start3A_743] : memref<2x16x64xi32, #tpu.memory_space<vmem>> -> memref<1x1x64xi32, #tpu.memory_space<vmem>>
        %dma_start3A_745 = tpu.memref_squeeze %dma_start3A_744 : memref<1x1x64xi32, #tpu.memory_space<vmem>> -> memref<64xi32, #tpu.memory_space<vmem>>
        %dma_start3A_746 = arith.constant 0 : i32
        %dma_start3A_747 = arith.constant 0 : i32
        %dma_start3A_748 = tpu.memref_slice %arg11[%dma_start3A_746, %dma_start3A_747] : memref<10240x128xf32, #tpu.memory_space<vmem_shared>> -> memref<10240x128xf32, #tpu.memory_space<vmem_shared>>
        tpu.enqueue_indirect_dma source(%arg10 : memref<64x128xf32, #tpu.memory_space<vmem>>) target(%dma_start3A_748 : memref<10240x128xf32, #tpu.memory_space<vmem_shared>>) offsets(%dma_start3A_745 : memref<64xi32, #tpu.memory_space<vmem>>) semaphore(%run_scoped3A_742 : memref<!tpu.dma_semaphore, #tpu.memory_space<semaphore_mem>>) {add = true}
        %dma_wait3A_749 = arith.constant 0 : i32
        %dma_wait3A_750 = tpu.memref_slice %arg6[%run_scoped3A_537, %run_scoped3A_538, %dma_wait3A_749] : memref<2x16x64xi32, #tpu.memory_space<vmem>> -> memref<1x1x64xi32, #tpu.memory_space<vmem>>
        %dma_wait3A_751 = tpu.memref_squeeze %dma_wait3A_750 : memref<1x1x64xi32, #tpu.memory_space<vmem>> -> memref<64xi32, #tpu.memory_space<vmem>>
        %dma_wait3A_752 = arith.constant 0 : i32
        %dma_wait3A_753 = arith.constant 0 : i32
        %dma_wait3A_754 = tpu.memref_slice %arg11[%dma_wait3A_752, %dma_wait3A_753] : memref<10240x128xf32, #tpu.memory_space<vmem_shared>> -> memref<10240x128xf32, #tpu.memory_space<vmem_shared>>
        tpu.wait_indirect_dma semaphore(%run_scoped3A_742 : memref<!tpu.dma_semaphore, #tpu.memory_space<semaphore_mem>>) src(%arg10 : memref<64x128xf32, #tpu.memory_space<vmem>>) dst(%dma_wait3A_754 : memref<10240x128xf32, #tpu.memory_space<vmem_shared>>)
        tpu.yield
      }) : () -> ()
      %dma_start3A_539 = arith.constant 0 : i32
      %dma_start3A_540 = arith.constant 7 : i32
      %dma_start3A_541 = arith.constant 0 : i32
      %dma_start3A_542 = tpu.memref_slice %arg6[%dma_start3A_539, %dma_start3A_540, %dma_start3A_541] : memref<2x16x64xi32, #tpu.memory_space<vmem>> -> memref<1x1x64xi32, #tpu.memory_space<vmem>>
      %dma_start3A_543 = tpu.memref_squeeze %dma_start3A_542 : memref<1x1x64xi32, #tpu.memory_space<vmem>> -> memref<64xi32, #tpu.memory_space<vmem>>
      %dma_start3A_544 = arith.constant 0 : i32
      %dma_start3A_545 = arith.constant 0 : i32
      %dma_start3A_546 = tpu.memref_slice %arg3[%dma_start3A_544, %dma_start3A_545] : memref<10000x128xf32, #tpu.memory_space<hbm>> -> memref<10000x128xf32, #tpu.memory_space<hbm>>
      tpu.enqueue_indirect_dma source(%dma_start3A_546 : memref<10000x128xf32, #tpu.memory_space<hbm>>) target(%arg10 : memref<64x128xf32, #tpu.memory_space<vmem>>) offsets(%dma_start3A_543 : memref<64xi32, #tpu.memory_space<vmem>>) semaphore(%arg16 : memref<!tpu.dma_semaphore, #tpu.memory_space<semaphore_mem>>)
      %dma_wait3A_547 = arith.constant 0 : i32
      %dma_wait3A_548 = arith.constant 4 : i32
      %dma_wait3A_549 = arith.constant 0 : i32
      %dma_wait3A_550 = tpu.memref_slice %arg6[%dma_wait3A_547, %dma_wait3A_548, %dma_wait3A_549] : memref<2x16x64xi32, #tpu.memory_space<vmem>> -> memref<1x1x64xi32, #tpu.memory_space<vmem>>
      %dma_wait3A_551 = tpu.memref_squeeze %dma_wait3A_550 : memref<1x1x64xi32, #tpu.memory_space<vmem>> -> memref<64xi32, #tpu.memory_space<vmem>>
      %dma_wait3A_552 = arith.constant 0 : i32
      %dma_wait3A_553 = arith.constant 0 : i32
      %dma_wait3A_554 = tpu.memref_slice %arg3[%dma_wait3A_552, %dma_wait3A_553] : memref<10000x128xf32, #tpu.memory_space<hbm>> -> memref<10000x128xf32, #tpu.memory_space<hbm>>
      tpu.wait_indirect_dma semaphore(%arg13 : memref<!tpu.dma_semaphore, #tpu.memory_space<semaphore_mem>>) src(%dma_wait3A_554 : memref<10000x128xf32, #tpu.memory_space<hbm>>) dst(%arg7 : memref<64x128xf32, #tpu.memory_space<vmem>>)
      %run_scoped3A_555 = arith.constant 1 : i32
      %run_scoped3A_556 = arith.constant 4 : i32
      "tpu.region"() ({
        %run_scoped3A_742 = tpu.sem_alloc : memref<!tpu.dma_semaphore, #tpu.memory_space<semaphore_mem>>
        %dma_start3A_743 = arith.constant 0 : i32
        %dma_start3A_744 = tpu.memref_slice %arg6[%run_scoped3A_555, %run_scoped3A_556, %dma_start3A_743] : memref<2x16x64xi32, #tpu.memory_space<vmem>> -> memref<1x1x64xi32, #tpu.memory_space<vmem>>
        %dma_start3A_745 = tpu.memref_squeeze %dma_start3A_744 : memref<1x1x64xi32, #tpu.memory_space<vmem>> -> memref<64xi32, #tpu.memory_space<vmem>>
        %dma_start3A_746 = arith.constant 0 : i32
        %dma_start3A_747 = arith.constant 0 : i32
        %dma_start3A_748 = tpu.memref_slice %arg11[%dma_start3A_746, %dma_start3A_747] : memref<10240x128xf32, #tpu.memory_space<vmem_shared>> -> memref<10240x128xf32, #tpu.memory_space<vmem_shared>>
        tpu.enqueue_indirect_dma source(%arg7 : memref<64x128xf32, #tpu.memory_space<vmem>>) target(%dma_start3A_748 : memref<10240x128xf32, #tpu.memory_space<vmem_shared>>) offsets(%dma_start3A_745 : memref<64xi32, #tpu.memory_space<vmem>>) semaphore(%run_scoped3A_742 : memref<!tpu.dma_semaphore, #tpu.memory_space<semaphore_mem>>) {add = true}
        %dma_wait3A_749 = arith.constant 0 : i32
        %dma_wait3A_750 = tpu.memref_slice %arg6[%run_scoped3A_555, %run_scoped3A_556, %dma_wait3A_749] : memref<2x16x64xi32, #tpu.memory_space<vmem>> -> memref<1x1x64xi32, #tpu.memory_space<vmem>>
        %dma_wait3A_751 = tpu.memref_squeeze %dma_wait3A_750 : memref<1x1x64xi32, #tpu.memory_space<vmem>> -> memref<64xi32, #tpu.memory_space<vmem>>
        %dma_wait3A_752 = arith.constant 0 : i32
        %dma_wait3A_753 = arith.constant 0 : i32
        %dma_wait3A_754 = tpu.memref_slice %arg11[%dma_wait3A_752, %dma_wait3A_753] : memref<10240x128xf32, #tpu.memory_space<vmem_shared>> -> memref<10240x128xf32, #tpu.memory_space<vmem_shared>>
        tpu.wait_indirect_dma semaphore(%run_scoped3A_742 : memref<!tpu.dma_semaphore, #tpu.memory_space<semaphore_mem>>) src(%arg7 : memref<64x128xf32, #tpu.memory_space<vmem>>) dst(%dma_wait3A_754 : memref<10240x128xf32, #tpu.memory_space<vmem_shared>>)
        tpu.yield
      }) : () -> ()
      %dma_start3A_557 = arith.constant 0 : i32
      %dma_start3A_558 = arith.constant 8 : i32
      %dma_start3A_559 = arith.constant 0 : i32
      %dma_start3A_560 = tpu.memref_slice %arg6[%dma_start3A_557, %dma_start3A_558, %dma_start3A_559] : memref<2x16x64xi32, #tpu.memory_space<vmem>> -> memref<1x1x64xi32, #tpu.memory_space<vmem>>
      %dma_start3A_561 = tpu.memref_squeeze %dma_start3A_560 : memref<1x1x64xi32, #tpu.memory_space<vmem>> -> memref<64xi32, #tpu.memory_space<vmem>>
      %dma_start3A_562 = arith.constant 0 : i32
      %dma_start3A_563 = arith.constant 0 : i32
      %dma_start3A_564 = tpu.memref_slice %arg3[%dma_start3A_562, %dma_start3A_563] : memref<10000x128xf32, #tpu.memory_space<hbm>> -> memref<10000x128xf32, #tpu.memory_space<hbm>>
      tpu.enqueue_indirect_dma source(%dma_start3A_564 : memref<10000x128xf32, #tpu.memory_space<hbm>>) target(%arg7 : memref<64x128xf32, #tpu.memory_space<vmem>>) offsets(%dma_start3A_561 : memref<64xi32, #tpu.memory_space<vmem>>) semaphore(%arg13 : memref<!tpu.dma_semaphore, #tpu.memory_space<semaphore_mem>>)
      %dma_wait3A_565 = arith.constant 0 : i32
      %dma_wait3A_566 = arith.constant 5 : i32
      %dma_wait3A_567 = arith.constant 0 : i32
      %dma_wait3A_568 = tpu.memref_slice %arg6[%dma_wait3A_565, %dma_wait3A_566, %dma_wait3A_567] : memref<2x16x64xi32, #tpu.memory_space<vmem>> -> memref<1x1x64xi32, #tpu.memory_space<vmem>>
      %dma_wait3A_569 = tpu.memref_squeeze %dma_wait3A_568 : memref<1x1x64xi32, #tpu.memory_space<vmem>> -> memref<64xi32, #tpu.memory_space<vmem>>
      %dma_wait3A_570 = arith.constant 0 : i32
      %dma_wait3A_571 = arith.constant 0 : i32
      %dma_wait3A_572 = tpu.memref_slice %arg3[%dma_wait3A_570, %dma_wait3A_571] : memref<10000x128xf32, #tpu.memory_space<hbm>> -> memref<10000x128xf32, #tpu.memory_space<hbm>>
      tpu.wait_indirect_dma semaphore(%arg14 : memref<!tpu.dma_semaphore, #tpu.memory_space<semaphore_mem>>) src(%dma_wait3A_572 : memref<10000x128xf32, #tpu.memory_space<hbm>>) dst(%arg8 : memref<64x128xf32, #tpu.memory_space<vmem>>)
      %run_scoped3A_573 = arith.constant 1 : i32
      %run_scoped3A_574 = arith.constant 5 : i32
      "tpu.region"() ({
        %run_scoped3A_742 = tpu.sem_alloc : memref<!tpu.dma_semaphore, #tpu.memory_space<semaphore_mem>>
        %dma_start3A_743 = arith.constant 0 : i32
        %dma_start3A_744 = tpu.memref_slice %arg6[%run_scoped3A_573, %run_scoped3A_574, %dma_start3A_743] : memref<2x16x64xi32, #tpu.memory_space<vmem>> -> memref<1x1x64xi32, #tpu.memory_space<vmem>>
        %dma_start3A_745 = tpu.memref_squeeze %dma_start3A_744 : memref<1x1x64xi32, #tpu.memory_space<vmem>> -> memref<64xi32, #tpu.memory_space<vmem>>
        %dma_start3A_746 = arith.constant 0 : i32
        %dma_start3A_747 = arith.constant 0 : i32
        %dma_start3A_748 = tpu.memref_slice %arg11[%dma_start3A_746, %dma_start3A_747] : memref<10240x128xf32, #tpu.memory_space<vmem_shared>> -> memref<10240x128xf32, #tpu.memory_space<vmem_shared>>
        tpu.enqueue_indirect_dma source(%arg8 : memref<64x128xf32, #tpu.memory_space<vmem>>) target(%dma_start3A_748 : memref<10240x128xf32, #tpu.memory_space<vmem_shared>>) offsets(%dma_start3A_745 : memref<64xi32, #tpu.memory_space<vmem>>) semaphore(%run_scoped3A_742 : memref<!tpu.dma_semaphore, #tpu.memory_space<semaphore_mem>>) {add = true}
        %dma_wait3A_749 = arith.constant 0 : i32
        %dma_wait3A_750 = tpu.memref_slice %arg6[%run_scoped3A_573, %run_scoped3A_574, %dma_wait3A_749] : memref<2x16x64xi32, #tpu.memory_space<vmem>> -> memref<1x1x64xi32, #tpu.memory_space<vmem>>
        %dma_wait3A_751 = tpu.memref_squeeze %dma_wait3A_750 : memref<1x1x64xi32, #tpu.memory_space<vmem>> -> memref<64xi32, #tpu.memory_space<vmem>>
        %dma_wait3A_752 = arith.constant 0 : i32
        %dma_wait3A_753 = arith.constant 0 : i32
        %dma_wait3A_754 = tpu.memref_slice %arg11[%dma_wait3A_752, %dma_wait3A_753] : memref<10240x128xf32, #tpu.memory_space<vmem_shared>> -> memref<10240x128xf32, #tpu.memory_space<vmem_shared>>
        tpu.wait_indirect_dma semaphore(%run_scoped3A_742 : memref<!tpu.dma_semaphore, #tpu.memory_space<semaphore_mem>>) src(%arg8 : memref<64x128xf32, #tpu.memory_space<vmem>>) dst(%dma_wait3A_754 : memref<10240x128xf32, #tpu.memory_space<vmem_shared>>)
        tpu.yield
      }) : () -> ()
      %dma_start3A_575 = arith.constant 0 : i32
      %dma_start3A_576 = arith.constant 9 : i32
      %dma_start3A_577 = arith.constant 0 : i32
      %dma_start3A_578 = tpu.memref_slice %arg6[%dma_start3A_575, %dma_start3A_576, %dma_start3A_577] : memref<2x16x64xi32, #tpu.memory_space<vmem>> -> memref<1x1x64xi32, #tpu.memory_space<vmem>>
      %dma_start3A_579 = tpu.memref_squeeze %dma_start3A_578 : memref<1x1x64xi32, #tpu.memory_space<vmem>> -> memref<64xi32, #tpu.memory_space<vmem>>
      %dma_start3A_580 = arith.constant 0 : i32
      %dma_start3A_581 = arith.constant 0 : i32
      %dma_start3A_582 = tpu.memref_slice %arg3[%dma_start3A_580, %dma_start3A_581] : memref<10000x128xf32, #tpu.memory_space<hbm>> -> memref<10000x128xf32, #tpu.memory_space<hbm>>
      tpu.enqueue_indirect_dma source(%dma_start3A_582 : memref<10000x128xf32, #tpu.memory_space<hbm>>) target(%arg8 : memref<64x128xf32, #tpu.memory_space<vmem>>) offsets(%dma_start3A_579 : memref<64xi32, #tpu.memory_space<vmem>>) semaphore(%arg14 : memref<!tpu.dma_semaphore, #tpu.memory_space<semaphore_mem>>)
      %dma_wait3A_583 = arith.constant 0 : i32
      %dma_wait3A_584 = arith.constant 6 : i32
      %dma_wait3A_585 = arith.constant 0 : i32
      %dma_wait3A_586 = tpu.memref_slice %arg6[%dma_wait3A_583, %dma_wait3A_584, %dma_wait3A_585] : memref<2x16x64xi32, #tpu.memory_space<vmem>> -> memref<1x1x64xi32, #tpu.memory_space<vmem>>
      %dma_wait3A_587 = tpu.memref_squeeze %dma_wait3A_586 : memref<1x1x64xi32, #tpu.memory_space<vmem>> -> memref<64xi32, #tpu.memory_space<vmem>>
      %dma_wait3A_588 = arith.constant 0 : i32
      %dma_wait3A_589 = arith.constant 0 : i32
      %dma_wait3A_590 = tpu.memref_slice %arg3[%dma_wait3A_588, %dma_wait3A_589] : memref<10000x128xf32, #tpu.memory_space<hbm>> -> memref<10000x128xf32, #tpu.memory_space<hbm>>
      tpu.wait_indirect_dma semaphore(%arg15 : memref<!tpu.dma_semaphore, #tpu.memory_space<semaphore_mem>>) src(%dma_wait3A_590 : memref<10000x128xf32, #tpu.memory_space<hbm>>) dst(%arg9 : memref<64x128xf32, #tpu.memory_space<vmem>>)
      %run_scoped3A_591 = arith.constant 1 : i32
      %run_scoped3A_592 = arith.constant 6 : i32
      "tpu.region"() ({
        %run_scoped3A_742 = tpu.sem_alloc : memref<!tpu.dma_semaphore, #tpu.memory_space<semaphore_mem>>
        %dma_start3A_743 = arith.constant 0 : i32
        %dma_start3A_744 = tpu.memref_slice %arg6[%run_scoped3A_591, %run_scoped3A_592, %dma_start3A_743] : memref<2x16x64xi32, #tpu.memory_space<vmem>> -> memref<1x1x64xi32, #tpu.memory_space<vmem>>
        %dma_start3A_745 = tpu.memref_squeeze %dma_start3A_744 : memref<1x1x64xi32, #tpu.memory_space<vmem>> -> memref<64xi32, #tpu.memory_space<vmem>>
        %dma_start3A_746 = arith.constant 0 : i32
        %dma_start3A_747 = arith.constant 0 : i32
        %dma_start3A_748 = tpu.memref_slice %arg11[%dma_start3A_746, %dma_start3A_747] : memref<10240x128xf32, #tpu.memory_space<vmem_shared>> -> memref<10240x128xf32, #tpu.memory_space<vmem_shared>>
        tpu.enqueue_indirect_dma source(%arg9 : memref<64x128xf32, #tpu.memory_space<vmem>>) target(%dma_start3A_748 : memref<10240x128xf32, #tpu.memory_space<vmem_shared>>) offsets(%dma_start3A_745 : memref<64xi32, #tpu.memory_space<vmem>>) semaphore(%run_scoped3A_742 : memref<!tpu.dma_semaphore, #tpu.memory_space<semaphore_mem>>) {add = true}
        %dma_wait3A_749 = arith.constant 0 : i32
        %dma_wait3A_750 = tpu.memref_slice %arg6[%run_scoped3A_591, %run_scoped3A_592, %dma_wait3A_749] : memref<2x16x64xi32, #tpu.memory_space<vmem>> -> memref<1x1x64xi32, #tpu.memory_space<vmem>>
        %dma_wait3A_751 = tpu.memref_squeeze %dma_wait3A_750 : memref<1x1x64xi32, #tpu.memory_space<vmem>> -> memref<64xi32, #tpu.memory_space<vmem>>
        %dma_wait3A_752 = arith.constant 0 : i32
        %dma_wait3A_753 = arith.constant 0 : i32
        %dma_wait3A_754 = tpu.memref_slice %arg11[%dma_wait3A_752, %dma_wait3A_753] : memref<10240x128xf32, #tpu.memory_space<vmem_shared>> -> memref<10240x128xf32, #tpu.memory_space<vmem_shared>>
        tpu.wait_indirect_dma semaphore(%run_scoped3A_742 : memref<!tpu.dma_semaphore, #tpu.memory_space<semaphore_mem>>) src(%arg9 : memref<64x128xf32, #tpu.memory_space<vmem>>) dst(%dma_wait3A_754 : memref<10240x128xf32, #tpu.memory_space<vmem_shared>>)
        tpu.yield
      }) : () -> ()
      %dma_start3A_593 = arith.constant 0 : i32
      %dma_start3A_594 = arith.constant 10 : i32
      %dma_start3A_595 = arith.constant 0 : i32
      %dma_start3A_596 = tpu.memref_slice %arg6[%dma_start3A_593, %dma_start3A_594, %dma_start3A_595] : memref<2x16x64xi32, #tpu.memory_space<vmem>> -> memref<1x1x64xi32, #tpu.memory_space<vmem>>
      %dma_start3A_597 = tpu.memref_squeeze %dma_start3A_596 : memref<1x1x64xi32, #tpu.memory_space<vmem>> -> memref<64xi32, #tpu.memory_space<vmem>>
      %dma_start3A_598 = arith.constant 0 : i32
      %dma_start3A_599 = arith.constant 0 : i32
      %dma_start3A_600 = tpu.memref_slice %arg3[%dma_start3A_598, %dma_start3A_599] : memref<10000x128xf32, #tpu.memory_space<hbm>> -> memref<10000x128xf32, #tpu.memory_space<hbm>>
      tpu.enqueue_indirect_dma source(%dma_start3A_600 : memref<10000x128xf32, #tpu.memory_space<hbm>>) target(%arg9 : memref<64x128xf32, #tpu.memory_space<vmem>>) offsets(%dma_start3A_597 : memref<64xi32, #tpu.memory_space<vmem>>) semaphore(%arg15 : memref<!tpu.dma_semaphore, #tpu.memory_space<semaphore_mem>>)
      %dma_wait3A_601 = arith.constant 0 : i32
      %dma_wait3A_602 = arith.constant 7 : i32
      %dma_wait3A_603 = arith.constant 0 : i32
      %dma_wait3A_604 = tpu.memref_slice %arg6[%dma_wait3A_601, %dma_wait3A_602, %dma_wait3A_603] : memref<2x16x64xi32, #tpu.memory_space<vmem>> -> memref<1x1x64xi32, #tpu.memory_space<vmem>>
      %dma_wait3A_605 = tpu.memref_squeeze %dma_wait3A_604 : memref<1x1x64xi32, #tpu.memory_space<vmem>> -> memref<64xi32, #tpu.memory_space<vmem>>
      %dma_wait3A_606 = arith.constant 0 : i32
      %dma_wait3A_607 = arith.constant 0 : i32
      %dma_wait3A_608 = tpu.memref_slice %arg3[%dma_wait3A_606, %dma_wait3A_607] : memref<10000x128xf32, #tpu.memory_space<hbm>> -> memref<10000x128xf32, #tpu.memory_space<hbm>>
      tpu.wait_indirect_dma semaphore(%arg16 : memref<!tpu.dma_semaphore, #tpu.memory_space<semaphore_mem>>) src(%dma_wait3A_608 : memref<10000x128xf32, #tpu.memory_space<hbm>>) dst(%arg10 : memref<64x128xf32, #tpu.memory_space<vmem>>)
      %run_scoped3A_609 = arith.constant 1 : i32
      %run_scoped3A_610 = arith.constant 7 : i32
      "tpu.region"() ({
        %run_scoped3A_742 = tpu.sem_alloc : memref<!tpu.dma_semaphore, #tpu.memory_space<semaphore_mem>>
        %dma_start3A_743 = arith.constant 0 : i32
        %dma_start3A_744 = tpu.memref_slice %arg6[%run_scoped3A_609, %run_scoped3A_610, %dma_start3A_743] : memref<2x16x64xi32, #tpu.memory_space<vmem>> -> memref<1x1x64xi32, #tpu.memory_space<vmem>>
        %dma_start3A_745 = tpu.memref_squeeze %dma_start3A_744 : memref<1x1x64xi32, #tpu.memory_space<vmem>> -> memref<64xi32, #tpu.memory_space<vmem>>
        %dma_start3A_746 = arith.constant 0 : i32
        %dma_start3A_747 = arith.constant 0 : i32
        %dma_start3A_748 = tpu.memref_slice %arg11[%dma_start3A_746, %dma_start3A_747] : memref<10240x128xf32, #tpu.memory_space<vmem_shared>> -> memref<10240x128xf32, #tpu.memory_space<vmem_shared>>
        tpu.enqueue_indirect_dma source(%arg10 : memref<64x128xf32, #tpu.memory_space<vmem>>) target(%dma_start3A_748 : memref<10240x128xf32, #tpu.memory_space<vmem_shared>>) offsets(%dma_start3A_745 : memref<64xi32, #tpu.memory_space<vmem>>) semaphore(%run_scoped3A_742 : memref<!tpu.dma_semaphore, #tpu.memory_space<semaphore_mem>>) {add = true}
        %dma_wait3A_749 = arith.constant 0 : i32
        %dma_wait3A_750 = tpu.memref_slice %arg6[%run_scoped3A_609, %run_scoped3A_610, %dma_wait3A_749] : memref<2x16x64xi32, #tpu.memory_space<vmem>> -> memref<1x1x64xi32, #tpu.memory_space<vmem>>
        %dma_wait3A_751 = tpu.memref_squeeze %dma_wait3A_750 : memref<1x1x64xi32, #tpu.memory_space<vmem>> -> memref<64xi32, #tpu.memory_space<vmem>>
        %dma_wait3A_752 = arith.constant 0 : i32
        %dma_wait3A_753 = arith.constant 0 : i32
        %dma_wait3A_754 = tpu.memref_slice %arg11[%dma_wait3A_752, %dma_wait3A_753] : memref<10240x128xf32, #tpu.memory_space<vmem_shared>> -> memref<10240x128xf32, #tpu.memory_space<vmem_shared>>
        tpu.wait_indirect_dma semaphore(%run_scoped3A_742 : memref<!tpu.dma_semaphore, #tpu.memory_space<semaphore_mem>>) src(%arg10 : memref<64x128xf32, #tpu.memory_space<vmem>>) dst(%dma_wait3A_754 : memref<10240x128xf32, #tpu.memory_space<vmem_shared>>)
        tpu.yield
      }) : () -> ()
      %dma_start3A_611 = arith.constant 0 : i32
      %dma_start3A_612 = arith.constant 11 : i32
      %dma_start3A_613 = arith.constant 0 : i32
      %dma_start3A_614 = tpu.memref_slice %arg6[%dma_start3A_611, %dma_start3A_612, %dma_start3A_613] : memref<2x16x64xi32, #tpu.memory_space<vmem>> -> memref<1x1x64xi32, #tpu.memory_space<vmem>>
      %dma_start3A_615 = tpu.memref_squeeze %dma_start3A_614 : memref<1x1x64xi32, #tpu.memory_space<vmem>> -> memref<64xi32, #tpu.memory_space<vmem>>
      %dma_start3A_616 = arith.constant 0 : i32
      %dma_start3A_617 = arith.constant 0 : i32
      %dma_start3A_618 = tpu.memref_slice %arg3[%dma_start3A_616, %dma_start3A_617] : memref<10000x128xf32, #tpu.memory_space<hbm>> -> memref<10000x128xf32, #tpu.memory_space<hbm>>
      tpu.enqueue_indirect_dma source(%dma_start3A_618 : memref<10000x128xf32, #tpu.memory_space<hbm>>) target(%arg10 : memref<64x128xf32, #tpu.memory_space<vmem>>) offsets(%dma_start3A_615 : memref<64xi32, #tpu.memory_space<vmem>>) semaphore(%arg16 : memref<!tpu.dma_semaphore, #tpu.memory_space<semaphore_mem>>)
      %dma_wait3A_619 = arith.constant 0 : i32
      %dma_wait3A_620 = arith.constant 8 : i32
      %dma_wait3A_621 = arith.constant 0 : i32
      %dma_wait3A_622 = tpu.memref_slice %arg6[%dma_wait3A_619, %dma_wait3A_620, %dma_wait3A_621] : memref<2x16x64xi32, #tpu.memory_space<vmem>> -> memref<1x1x64xi32, #tpu.memory_space<vmem>>
      %dma_wait3A_623 = tpu.memref_squeeze %dma_wait3A_622 : memref<1x1x64xi32, #tpu.memory_space<vmem>> -> memref<64xi32, #tpu.memory_space<vmem>>
      %dma_wait3A_624 = arith.constant 0 : i32
      %dma_wait3A_625 = arith.constant 0 : i32
      %dma_wait3A_626 = tpu.memref_slice %arg3[%dma_wait3A_624, %dma_wait3A_625] : memref<10000x128xf32, #tpu.memory_space<hbm>> -> memref<10000x128xf32, #tpu.memory_space<hbm>>
      tpu.wait_indirect_dma semaphore(%arg13 : memref<!tpu.dma_semaphore, #tpu.memory_space<semaphore_mem>>) src(%dma_wait3A_626 : memref<10000x128xf32, #tpu.memory_space<hbm>>) dst(%arg7 : memref<64x128xf32, #tpu.memory_space<vmem>>)
      %run_scoped3A_627 = arith.constant 1 : i32
      %run_scoped3A_628 = arith.constant 8 : i32
      "tpu.region"() ({
        %run_scoped3A_742 = tpu.sem_alloc : memref<!tpu.dma_semaphore, #tpu.memory_space<semaphore_mem>>
        %dma_start3A_743 = arith.constant 0 : i32
        %dma_start3A_744 = tpu.memref_slice %arg6[%run_scoped3A_627, %run_scoped3A_628, %dma_start3A_743] : memref<2x16x64xi32, #tpu.memory_space<vmem>> -> memref<1x1x64xi32, #tpu.memory_space<vmem>>
        %dma_start3A_745 = tpu.memref_squeeze %dma_start3A_744 : memref<1x1x64xi32, #tpu.memory_space<vmem>> -> memref<64xi32, #tpu.memory_space<vmem>>
        %dma_start3A_746 = arith.constant 0 : i32
        %dma_start3A_747 = arith.constant 0 : i32
        %dma_start3A_748 = tpu.memref_slice %arg11[%dma_start3A_746, %dma_start3A_747] : memref<10240x128xf32, #tpu.memory_space<vmem_shared>> -> memref<10240x128xf32, #tpu.memory_space<vmem_shared>>
        tpu.enqueue_indirect_dma source(%arg7 : memref<64x128xf32, #tpu.memory_space<vmem>>) target(%dma_start3A_748 : memref<10240x128xf32, #tpu.memory_space<vmem_shared>>) offsets(%dma_start3A_745 : memref<64xi32, #tpu.memory_space<vmem>>) semaphore(%run_scoped3A_742 : memref<!tpu.dma_semaphore, #tpu.memory_space<semaphore_mem>>) {add = true}
        %dma_wait3A_749 = arith.constant 0 : i32
        %dma_wait3A_750 = tpu.memref_slice %arg6[%run_scoped3A_627, %run_scoped3A_628, %dma_wait3A_749] : memref<2x16x64xi32, #tpu.memory_space<vmem>> -> memref<1x1x64xi32, #tpu.memory_space<vmem>>
        %dma_wait3A_751 = tpu.memref_squeeze %dma_wait3A_750 : memref<1x1x64xi32, #tpu.memory_space<vmem>> -> memref<64xi32, #tpu.memory_space<vmem>>
        %dma_wait3A_752 = arith.constant 0 : i32
        %dma_wait3A_753 = arith.constant 0 : i32
        %dma_wait3A_754 = tpu.memref_slice %arg11[%dma_wait3A_752, %dma_wait3A_753] : memref<10240x128xf32, #tpu.memory_space<vmem_shared>> -> memref<10240x128xf32, #tpu.memory_space<vmem_shared>>
        tpu.wait_indirect_dma semaphore(%run_scoped3A_742 : memref<!tpu.dma_semaphore, #tpu.memory_space<semaphore_mem>>) src(%arg7 : memref<64x128xf32, #tpu.memory_space<vmem>>) dst(%dma_wait3A_754 : memref<10240x128xf32, #tpu.memory_space<vmem_shared>>)
        tpu.yield
      }) : () -> ()
      %dma_start3A_629 = arith.constant 0 : i32
      %dma_start3A_630 = arith.constant 12 : i32
      %dma_start3A_631 = arith.constant 0 : i32
      %dma_start3A_632 = tpu.memref_slice %arg6[%dma_start3A_629, %dma_start3A_630, %dma_start3A_631] : memref<2x16x64xi32, #tpu.memory_space<vmem>> -> memref<1x1x64xi32, #tpu.memory_space<vmem>>
      %dma_start3A_633 = tpu.memref_squeeze %dma_start3A_632 : memref<1x1x64xi32, #tpu.memory_space<vmem>> -> memref<64xi32, #tpu.memory_space<vmem>>
      %dma_start3A_634 = arith.constant 0 : i32
      %dma_start3A_635 = arith.constant 0 : i32
      %dma_start3A_636 = tpu.memref_slice %arg3[%dma_start3A_634, %dma_start3A_635] : memref<10000x128xf32, #tpu.memory_space<hbm>> -> memref<10000x128xf32, #tpu.memory_space<hbm>>
      tpu.enqueue_indirect_dma source(%dma_start3A_636 : memref<10000x128xf32, #tpu.memory_space<hbm>>) target(%arg7 : memref<64x128xf32, #tpu.memory_space<vmem>>) offsets(%dma_start3A_633 : memref<64xi32, #tpu.memory_space<vmem>>) semaphore(%arg13 : memref<!tpu.dma_semaphore, #tpu.memory_space<semaphore_mem>>)
      %dma_wait3A_637 = arith.constant 0 : i32
      %dma_wait3A_638 = arith.constant 9 : i32
      %dma_wait3A_639 = arith.constant 0 : i32
      %dma_wait3A_640 = tpu.memref_slice %arg6[%dma_wait3A_637, %dma_wait3A_638, %dma_wait3A_639] : memref<2x16x64xi32, #tpu.memory_space<vmem>> -> memref<1x1x64xi32, #tpu.memory_space<vmem>>
      %dma_wait3A_641 = tpu.memref_squeeze %dma_wait3A_640 : memref<1x1x64xi32, #tpu.memory_space<vmem>> -> memref<64xi32, #tpu.memory_space<vmem>>
      %dma_wait3A_642 = arith.constant 0 : i32
      %dma_wait3A_643 = arith.constant 0 : i32
      %dma_wait3A_644 = tpu.memref_slice %arg3[%dma_wait3A_642, %dma_wait3A_643] : memref<10000x128xf32, #tpu.memory_space<hbm>> -> memref<10000x128xf32, #tpu.memory_space<hbm>>
      tpu.wait_indirect_dma semaphore(%arg14 : memref<!tpu.dma_semaphore, #tpu.memory_space<semaphore_mem>>) src(%dma_wait3A_644 : memref<10000x128xf32, #tpu.memory_space<hbm>>) dst(%arg8 : memref<64x128xf32, #tpu.memory_space<vmem>>)
      %run_scoped3A_645 = arith.constant 1 : i32
      %run_scoped3A_646 = arith.constant 9 : i32
      "tpu.region"() ({
        %run_scoped3A_742 = tpu.sem_alloc : memref<!tpu.dma_semaphore, #tpu.memory_space<semaphore_mem>>
        %dma_start3A_743 = arith.constant 0 : i32
        %dma_start3A_744 = tpu.memref_slice %arg6[%run_scoped3A_645, %run_scoped3A_646, %dma_start3A_743] : memref<2x16x64xi32, #tpu.memory_space<vmem>> -> memref<1x1x64xi32, #tpu.memory_space<vmem>>
        %dma_start3A_745 = tpu.memref_squeeze %dma_start3A_744 : memref<1x1x64xi32, #tpu.memory_space<vmem>> -> memref<64xi32, #tpu.memory_space<vmem>>
        %dma_start3A_746 = arith.constant 0 : i32
        %dma_start3A_747 = arith.constant 0 : i32
        %dma_start3A_748 = tpu.memref_slice %arg11[%dma_start3A_746, %dma_start3A_747] : memref<10240x128xf32, #tpu.memory_space<vmem_shared>> -> memref<10240x128xf32, #tpu.memory_space<vmem_shared>>
        tpu.enqueue_indirect_dma source(%arg8 : memref<64x128xf32, #tpu.memory_space<vmem>>) target(%dma_start3A_748 : memref<10240x128xf32, #tpu.memory_space<vmem_shared>>) offsets(%dma_start3A_745 : memref<64xi32, #tpu.memory_space<vmem>>) semaphore(%run_scoped3A_742 : memref<!tpu.dma_semaphore, #tpu.memory_space<semaphore_mem>>) {add = true}
        %dma_wait3A_749 = arith.constant 0 : i32
        %dma_wait3A_750 = tpu.memref_slice %arg6[%run_scoped3A_645, %run_scoped3A_646, %dma_wait3A_749] : memref<2x16x64xi32, #tpu.memory_space<vmem>> -> memref<1x1x64xi32, #tpu.memory_space<vmem>>
        %dma_wait3A_751 = tpu.memref_squeeze %dma_wait3A_750 : memref<1x1x64xi32, #tpu.memory_space<vmem>> -> memref<64xi32, #tpu.memory_space<vmem>>
        %dma_wait3A_752 = arith.constant 0 : i32
        %dma_wait3A_753 = arith.constant 0 : i32
        %dma_wait3A_754 = tpu.memref_slice %arg11[%dma_wait3A_752, %dma_wait3A_753] : memref<10240x128xf32, #tpu.memory_space<vmem_shared>> -> memref<10240x128xf32, #tpu.memory_space<vmem_shared>>
        tpu.wait_indirect_dma semaphore(%run_scoped3A_742 : memref<!tpu.dma_semaphore, #tpu.memory_space<semaphore_mem>>) src(%arg8 : memref<64x128xf32, #tpu.memory_space<vmem>>) dst(%dma_wait3A_754 : memref<10240x128xf32, #tpu.memory_space<vmem_shared>>)
        tpu.yield
      }) : () -> ()
      %dma_start3A_647 = arith.constant 0 : i32
      %dma_start3A_648 = arith.constant 13 : i32
      %dma_start3A_649 = arith.constant 0 : i32
      %dma_start3A_650 = tpu.memref_slice %arg6[%dma_start3A_647, %dma_start3A_648, %dma_start3A_649] : memref<2x16x64xi32, #tpu.memory_space<vmem>> -> memref<1x1x64xi32, #tpu.memory_space<vmem>>
      %dma_start3A_651 = tpu.memref_squeeze %dma_start3A_650 : memref<1x1x64xi32, #tpu.memory_space<vmem>> -> memref<64xi32, #tpu.memory_space<vmem>>
      %dma_start3A_652 = arith.constant 0 : i32
      %dma_start3A_653 = arith.constant 0 : i32
      %dma_start3A_654 = tpu.memref_slice %arg3[%dma_start3A_652, %dma_start3A_653] : memref<10000x128xf32, #tpu.memory_space<hbm>> -> memref<10000x128xf32, #tpu.memory_space<hbm>>
      tpu.enqueue_indirect_dma source(%dma_start3A_654 : memref<10000x128xf32, #tpu.memory_space<hbm>>) target(%arg8 : memref<64x128xf32, #tpu.memory_space<vmem>>) offsets(%dma_start3A_651 : memref<64xi32, #tpu.memory_space<vmem>>) semaphore(%arg14 : memref<!tpu.dma_semaphore, #tpu.memory_space<semaphore_mem>>)
      %dma_wait3A_655 = arith.constant 0 : i32
      %dma_wait3A_656 = arith.constant 10 : i32
      %dma_wait3A_657 = arith.constant 0 : i32
      %dma_wait3A_658 = tpu.memref_slice %arg6[%dma_wait3A_655, %dma_wait3A_656, %dma_wait3A_657] : memref<2x16x64xi32, #tpu.memory_space<vmem>> -> memref<1x1x64xi32, #tpu.memory_space<vmem>>
      %dma_wait3A_659 = tpu.memref_squeeze %dma_wait3A_658 : memref<1x1x64xi32, #tpu.memory_space<vmem>> -> memref<64xi32, #tpu.memory_space<vmem>>
      %dma_wait3A_660 = arith.constant 0 : i32
      %dma_wait3A_661 = arith.constant 0 : i32
      %dma_wait3A_662 = tpu.memref_slice %arg3[%dma_wait3A_660, %dma_wait3A_661] : memref<10000x128xf32, #tpu.memory_space<hbm>> -> memref<10000x128xf32, #tpu.memory_space<hbm>>
      tpu.wait_indirect_dma semaphore(%arg15 : memref<!tpu.dma_semaphore, #tpu.memory_space<semaphore_mem>>) src(%dma_wait3A_662 : memref<10000x128xf32, #tpu.memory_space<hbm>>) dst(%arg9 : memref<64x128xf32, #tpu.memory_space<vmem>>)
      %run_scoped3A_663 = arith.constant 1 : i32
      %run_scoped3A_664 = arith.constant 10 : i32
      "tpu.region"() ({
        %run_scoped3A_742 = tpu.sem_alloc : memref<!tpu.dma_semaphore, #tpu.memory_space<semaphore_mem>>
        %dma_start3A_743 = arith.constant 0 : i32
        %dma_start3A_744 = tpu.memref_slice %arg6[%run_scoped3A_663, %run_scoped3A_664, %dma_start3A_743] : memref<2x16x64xi32, #tpu.memory_space<vmem>> -> memref<1x1x64xi32, #tpu.memory_space<vmem>>
        %dma_start3A_745 = tpu.memref_squeeze %dma_start3A_744 : memref<1x1x64xi32, #tpu.memory_space<vmem>> -> memref<64xi32, #tpu.memory_space<vmem>>
        %dma_start3A_746 = arith.constant 0 : i32
        %dma_start3A_747 = arith.constant 0 : i32
        %dma_start3A_748 = tpu.memref_slice %arg11[%dma_start3A_746, %dma_start3A_747] : memref<10240x128xf32, #tpu.memory_space<vmem_shared>> -> memref<10240x128xf32, #tpu.memory_space<vmem_shared>>
        tpu.enqueue_indirect_dma source(%arg9 : memref<64x128xf32, #tpu.memory_space<vmem>>) target(%dma_start3A_748 : memref<10240x128xf32, #tpu.memory_space<vmem_shared>>) offsets(%dma_start3A_745 : memref<64xi32, #tpu.memory_space<vmem>>) semaphore(%run_scoped3A_742 : memref<!tpu.dma_semaphore, #tpu.memory_space<semaphore_mem>>) {add = true}
        %dma_wait3A_749 = arith.constant 0 : i32
        %dma_wait3A_750 = tpu.memref_slice %arg6[%run_scoped3A_663, %run_scoped3A_664, %dma_wait3A_749] : memref<2x16x64xi32, #tpu.memory_space<vmem>> -> memref<1x1x64xi32, #tpu.memory_space<vmem>>
        %dma_wait3A_751 = tpu.memref_squeeze %dma_wait3A_750 : memref<1x1x64xi32, #tpu.memory_space<vmem>> -> memref<64xi32, #tpu.memory_space<vmem>>
        %dma_wait3A_752 = arith.constant 0 : i32
        %dma_wait3A_753 = arith.constant 0 : i32
        %dma_wait3A_754 = tpu.memref_slice %arg11[%dma_wait3A_752, %dma_wait3A_753] : memref<10240x128xf32, #tpu.memory_space<vmem_shared>> -> memref<10240x128xf32, #tpu.memory_space<vmem_shared>>
        tpu.wait_indirect_dma semaphore(%run_scoped3A_742 : memref<!tpu.dma_semaphore, #tpu.memory_space<semaphore_mem>>) src(%arg9 : memref<64x128xf32, #tpu.memory_space<vmem>>) dst(%dma_wait3A_754 : memref<10240x128xf32, #tpu.memory_space<vmem_shared>>)
        tpu.yield
      }) : () -> ()
      %dma_start3A_665 = arith.constant 0 : i32
      %dma_start3A_666 = arith.constant 14 : i32
      %dma_start3A_667 = arith.constant 0 : i32
      %dma_start3A_668 = tpu.memref_slice %arg6[%dma_start3A_665, %dma_start3A_666, %dma_start3A_667] : memref<2x16x64xi32, #tpu.memory_space<vmem>> -> memref<1x1x64xi32, #tpu.memory_space<vmem>>
      %dma_start3A_669 = tpu.memref_squeeze %dma_start3A_668 : memref<1x1x64xi32, #tpu.memory_space<vmem>> -> memref<64xi32, #tpu.memory_space<vmem>>
      %dma_start3A_670 = arith.constant 0 : i32
      %dma_start3A_671 = arith.constant 0 : i32
      %dma_start3A_672 = tpu.memref_slice %arg3[%dma_start3A_670, %dma_start3A_671] : memref<10000x128xf32, #tpu.memory_space<hbm>> -> memref<10000x128xf32, #tpu.memory_space<hbm>>
      tpu.enqueue_indirect_dma source(%dma_start3A_672 : memref<10000x128xf32, #tpu.memory_space<hbm>>) target(%arg9 : memref<64x128xf32, #tpu.memory_space<vmem>>) offsets(%dma_start3A_669 : memref<64xi32, #tpu.memory_space<vmem>>) semaphore(%arg15 : memref<!tpu.dma_semaphore, #tpu.memory_space<semaphore_mem>>)
      %dma_wait3A_673 = arith.constant 0 : i32
      %dma_wait3A_674 = arith.constant 11 : i32
      %dma_wait3A_675 = arith.constant 0 : i32
      %dma_wait3A_676 = tpu.memref_slice %arg6[%dma_wait3A_673, %dma_wait3A_674, %dma_wait3A_675] : memref<2x16x64xi32, #tpu.memory_space<vmem>> -> memref<1x1x64xi32, #tpu.memory_space<vmem>>
      %dma_wait3A_677 = tpu.memref_squeeze %dma_wait3A_676 : memref<1x1x64xi32, #tpu.memory_space<vmem>> -> memref<64xi32, #tpu.memory_space<vmem>>
      %dma_wait3A_678 = arith.constant 0 : i32
      %dma_wait3A_679 = arith.constant 0 : i32
      %dma_wait3A_680 = tpu.memref_slice %arg3[%dma_wait3A_678, %dma_wait3A_679] : memref<10000x128xf32, #tpu.memory_space<hbm>> -> memref<10000x128xf32, #tpu.memory_space<hbm>>
      tpu.wait_indirect_dma semaphore(%arg16 : memref<!tpu.dma_semaphore, #tpu.memory_space<semaphore_mem>>) src(%dma_wait3A_680 : memref<10000x128xf32, #tpu.memory_space<hbm>>) dst(%arg10 : memref<64x128xf32, #tpu.memory_space<vmem>>)
      %run_scoped3A_681 = arith.constant 1 : i32
      %run_scoped3A_682 = arith.constant 11 : i32
      "tpu.region"() ({
        %run_scoped3A_742 = tpu.sem_alloc : memref<!tpu.dma_semaphore, #tpu.memory_space<semaphore_mem>>
        %dma_start3A_743 = arith.constant 0 : i32
        %dma_start3A_744 = tpu.memref_slice %arg6[%run_scoped3A_681, %run_scoped3A_682, %dma_start3A_743] : memref<2x16x64xi32, #tpu.memory_space<vmem>> -> memref<1x1x64xi32, #tpu.memory_space<vmem>>
        %dma_start3A_745 = tpu.memref_squeeze %dma_start3A_744 : memref<1x1x64xi32, #tpu.memory_space<vmem>> -> memref<64xi32, #tpu.memory_space<vmem>>
        %dma_start3A_746 = arith.constant 0 : i32
        %dma_start3A_747 = arith.constant 0 : i32
        %dma_start3A_748 = tpu.memref_slice %arg11[%dma_start3A_746, %dma_start3A_747] : memref<10240x128xf32, #tpu.memory_space<vmem_shared>> -> memref<10240x128xf32, #tpu.memory_space<vmem_shared>>
        tpu.enqueue_indirect_dma source(%arg10 : memref<64x128xf32, #tpu.memory_space<vmem>>) target(%dma_start3A_748 : memref<10240x128xf32, #tpu.memory_space<vmem_shared>>) offsets(%dma_start3A_745 : memref<64xi32, #tpu.memory_space<vmem>>) semaphore(%run_scoped3A_742 : memref<!tpu.dma_semaphore, #tpu.memory_space<semaphore_mem>>) {add = true}
        %dma_wait3A_749 = arith.constant 0 : i32
        %dma_wait3A_750 = tpu.memref_slice %arg6[%run_scoped3A_681, %run_scoped3A_682, %dma_wait3A_749] : memref<2x16x64xi32, #tpu.memory_space<vmem>> -> memref<1x1x64xi32, #tpu.memory_space<vmem>>
        %dma_wait3A_751 = tpu.memref_squeeze %dma_wait3A_750 : memref<1x1x64xi32, #tpu.memory_space<vmem>> -> memref<64xi32, #tpu.memory_space<vmem>>
        %dma_wait3A_752 = arith.constant 0 : i32
        %dma_wait3A_753 = arith.constant 0 : i32
        %dma_wait3A_754 = tpu.memref_slice %arg11[%dma_wait3A_752, %dma_wait3A_753] : memref<10240x128xf32, #tpu.memory_space<vmem_shared>> -> memref<10240x128xf32, #tpu.memory_space<vmem_shared>>
        tpu.wait_indirect_dma semaphore(%run_scoped3A_742 : memref<!tpu.dma_semaphore, #tpu.memory_space<semaphore_mem>>) src(%arg10 : memref<64x128xf32, #tpu.memory_space<vmem>>) dst(%dma_wait3A_754 : memref<10240x128xf32, #tpu.memory_space<vmem_shared>>)
        tpu.yield
      }) : () -> ()
      %dma_start3A_683 = arith.constant 0 : i32
      %dma_start3A_684 = arith.constant 15 : i32
      %dma_start3A_685 = arith.constant 0 : i32
      %dma_start3A_686 = tpu.memref_slice %arg6[%dma_start3A_683, %dma_start3A_684, %dma_start3A_685] : memref<2x16x64xi32, #tpu.memory_space<vmem>> -> memref<1x1x64xi32, #tpu.memory_space<vmem>>
      %dma_start3A_687 = tpu.memref_squeeze %dma_start3A_686 : memref<1x1x64xi32, #tpu.memory_space<vmem>> -> memref<64xi32, #tpu.memory_space<vmem>>
      %dma_start3A_688 = arith.constant 0 : i32
      %dma_start3A_689 = arith.constant 0 : i32
      %dma_start3A_690 = tpu.memref_slice %arg3[%dma_start3A_688, %dma_start3A_689] : memref<10000x128xf32, #tpu.memory_space<hbm>> -> memref<10000x128xf32, #tpu.memory_space<hbm>>
      tpu.enqueue_indirect_dma source(%dma_start3A_690 : memref<10000x128xf32, #tpu.memory_space<hbm>>) target(%arg10 : memref<64x128xf32, #tpu.memory_space<vmem>>) offsets(%dma_start3A_687 : memref<64xi32, #tpu.memory_space<vmem>>) semaphore(%arg16 : memref<!tpu.dma_semaphore, #tpu.memory_space<semaphore_mem>>)
      %dma_wait3A_691 = arith.constant 0 : i32
      %dma_wait3A_692 = arith.constant 12 : i32
      %dma_wait3A_693 = arith.constant 0 : i32
      %dma_wait3A_694 = tpu.memref_slice %arg6[%dma_wait3A_691, %dma_wait3A_692, %dma_wait3A_693] : memref<2x16x64xi32, #tpu.memory_space<vmem>> -> memref<1x1x64xi32, #tpu.memory_space<vmem>>
      %dma_wait3A_695 = tpu.memref_squeeze %dma_wait3A_694 : memref<1x1x64xi32, #tpu.memory_space<vmem>> -> memref<64xi32, #tpu.memory_space<vmem>>
      %dma_wait3A_696 = arith.constant 0 : i32
      %dma_wait3A_697 = arith.constant 0 : i32
      %dma_wait3A_698 = tpu.memref_slice %arg3[%dma_wait3A_696, %dma_wait3A_697] : memref<10000x128xf32, #tpu.memory_space<hbm>> -> memref<10000x128xf32, #tpu.memory_space<hbm>>
      tpu.wait_indirect_dma semaphore(%arg13 : memref<!tpu.dma_semaphore, #tpu.memory_space<semaphore_mem>>) src(%dma_wait3A_698 : memref<10000x128xf32, #tpu.memory_space<hbm>>) dst(%arg7 : memref<64x128xf32, #tpu.memory_space<vmem>>)
      %run_scoped3A_699 = arith.constant 1 : i32
      %run_scoped3A_700 = arith.constant 12 : i32
      "tpu.region"() ({
        %run_scoped3A_742 = tpu.sem_alloc : memref<!tpu.dma_semaphore, #tpu.memory_space<semaphore_mem>>
        %dma_start3A_743 = arith.constant 0 : i32
        %dma_start3A_744 = tpu.memref_slice %arg6[%run_scoped3A_699, %run_scoped3A_700, %dma_start3A_743] : memref<2x16x64xi32, #tpu.memory_space<vmem>> -> memref<1x1x64xi32, #tpu.memory_space<vmem>>
        %dma_start3A_745 = tpu.memref_squeeze %dma_start3A_744 : memref<1x1x64xi32, #tpu.memory_space<vmem>> -> memref<64xi32, #tpu.memory_space<vmem>>
        %dma_start3A_746 = arith.constant 0 : i32
        %dma_start3A_747 = arith.constant 0 : i32
        %dma_start3A_748 = tpu.memref_slice %arg11[%dma_start3A_746, %dma_start3A_747] : memref<10240x128xf32, #tpu.memory_space<vmem_shared>> -> memref<10240x128xf32, #tpu.memory_space<vmem_shared>>
        tpu.enqueue_indirect_dma source(%arg7 : memref<64x128xf32, #tpu.memory_space<vmem>>) target(%dma_start3A_748 : memref<10240x128xf32, #tpu.memory_space<vmem_shared>>) offsets(%dma_start3A_745 : memref<64xi32, #tpu.memory_space<vmem>>) semaphore(%run_scoped3A_742 : memref<!tpu.dma_semaphore, #tpu.memory_space<semaphore_mem>>) {add = true}
        %dma_wait3A_749 = arith.constant 0 : i32
        %dma_wait3A_750 = tpu.memref_slice %arg6[%run_scoped3A_699, %run_scoped3A_700, %dma_wait3A_749] : memref<2x16x64xi32, #tpu.memory_space<vmem>> -> memref<1x1x64xi32, #tpu.memory_space<vmem>>
        %dma_wait3A_751 = tpu.memref_squeeze %dma_wait3A_750 : memref<1x1x64xi32, #tpu.memory_space<vmem>> -> memref<64xi32, #tpu.memory_space<vmem>>
        %dma_wait3A_752 = arith.constant 0 : i32
        %dma_wait3A_753 = arith.constant 0 : i32
        %dma_wait3A_754 = tpu.memref_slice %arg11[%dma_wait3A_752, %dma_wait3A_753] : memref<10240x128xf32, #tpu.memory_space<vmem_shared>> -> memref<10240x128xf32, #tpu.memory_space<vmem_shared>>
        tpu.wait_indirect_dma semaphore(%run_scoped3A_742 : memref<!tpu.dma_semaphore, #tpu.memory_space<semaphore_mem>>) src(%arg7 : memref<64x128xf32, #tpu.memory_space<vmem>>) dst(%dma_wait3A_754 : memref<10240x128xf32, #tpu.memory_space<vmem_shared>>)
        tpu.yield
      }) : () -> ()
      %dma_wait3A_701 = arith.constant 0 : i32
      %dma_wait3A_702 = arith.constant 13 : i32
      %dma_wait3A_703 = arith.constant 0 : i32
      %dma_wait3A_704 = tpu.memref_slice %arg6[%dma_wait3A_701, %dma_wait3A_702, %dma_wait3A_703] : memref<2x16x64xi32, #tpu.memory_space<vmem>> -> memref<1x1x64xi32, #tpu.memory_space<vmem>>
      %dma_wait3A_705 = tpu.memref_squeeze %dma_wait3A_704 : memref<1x1x64xi32, #tpu.memory_space<vmem>> -> memref<64xi32, #tpu.memory_space<vmem>>
      %dma_wait3A_706 = arith.constant 0 : i32
      %dma_wait3A_707 = arith.constant 0 : i32
      %dma_wait3A_708 = tpu.memref_slice %arg3[%dma_wait3A_706, %dma_wait3A_707] : memref<10000x128xf32, #tpu.memory_space<hbm>> -> memref<10000x128xf32, #tpu.memory_space<hbm>>
      tpu.wait_indirect_dma semaphore(%arg14 : memref<!tpu.dma_semaphore, #tpu.memory_space<semaphore_mem>>) src(%dma_wait3A_708 : memref<10000x128xf32, #tpu.memory_space<hbm>>) dst(%arg8 : memref<64x128xf32, #tpu.memory_space<vmem>>)
      %run_scoped3A_709 = arith.constant 1 : i32
      %run_scoped3A_710 = arith.constant 13 : i32
      "tpu.region"() ({
        %run_scoped3A_742 = tpu.sem_alloc : memref<!tpu.dma_semaphore, #tpu.memory_space<semaphore_mem>>
        %dma_start3A_743 = arith.constant 0 : i32
        %dma_start3A_744 = tpu.memref_slice %arg6[%run_scoped3A_709, %run_scoped3A_710, %dma_start3A_743] : memref<2x16x64xi32, #tpu.memory_space<vmem>> -> memref<1x1x64xi32, #tpu.memory_space<vmem>>
        %dma_start3A_745 = tpu.memref_squeeze %dma_start3A_744 : memref<1x1x64xi32, #tpu.memory_space<vmem>> -> memref<64xi32, #tpu.memory_space<vmem>>
        %dma_start3A_746 = arith.constant 0 : i32
        %dma_start3A_747 = arith.constant 0 : i32
        %dma_start3A_748 = tpu.memref_slice %arg11[%dma_start3A_746, %dma_start3A_747] : memref<10240x128xf32, #tpu.memory_space<vmem_shared>> -> memref<10240x128xf32, #tpu.memory_space<vmem_shared>>
        tpu.enqueue_indirect_dma source(%arg8 : memref<64x128xf32, #tpu.memory_space<vmem>>) target(%dma_start3A_748 : memref<10240x128xf32, #tpu.memory_space<vmem_shared>>) offsets(%dma_start3A_745 : memref<64xi32, #tpu.memory_space<vmem>>) semaphore(%run_scoped3A_742 : memref<!tpu.dma_semaphore, #tpu.memory_space<semaphore_mem>>) {add = true}
        %dma_wait3A_749 = arith.constant 0 : i32
        %dma_wait3A_750 = tpu.memref_slice %arg6[%run_scoped3A_709, %run_scoped3A_710, %dma_wait3A_749] : memref<2x16x64xi32, #tpu.memory_space<vmem>> -> memref<1x1x64xi32, #tpu.memory_space<vmem>>
        %dma_wait3A_751 = tpu.memref_squeeze %dma_wait3A_750 : memref<1x1x64xi32, #tpu.memory_space<vmem>> -> memref<64xi32, #tpu.memory_space<vmem>>
        %dma_wait3A_752 = arith.constant 0 : i32
        %dma_wait3A_753 = arith.constant 0 : i32
        %dma_wait3A_754 = tpu.memref_slice %arg11[%dma_wait3A_752, %dma_wait3A_753] : memref<10240x128xf32, #tpu.memory_space<vmem_shared>> -> memref<10240x128xf32, #tpu.memory_space<vmem_shared>>
        tpu.wait_indirect_dma semaphore(%run_scoped3A_742 : memref<!tpu.dma_semaphore, #tpu.memory_space<semaphore_mem>>) src(%arg8 : memref<64x128xf32, #tpu.memory_space<vmem>>) dst(%dma_wait3A_754 : memref<10240x128xf32, #tpu.memory_space<vmem_shared>>)
        tpu.yield
      }) : () -> ()
      %dma_wait3A_711 = arith.constant 0 : i32
      %dma_wait3A_712 = arith.constant 14 : i32
      %dma_wait3A_713 = arith.constant 0 : i32
      %dma_wait3A_714 = tpu.memref_slice %arg6[%dma_wait3A_711, %dma_wait3A_712, %dma_wait3A_713] : memref<2x16x64xi32, #tpu.memory_space<vmem>> -> memref<1x1x64xi32, #tpu.memory_space<vmem>>
      %dma_wait3A_715 = tpu.memref_squeeze %dma_wait3A_714 : memref<1x1x64xi32, #tpu.memory_space<vmem>> -> memref<64xi32, #tpu.memory_space<vmem>>
      %dma_wait3A_716 = arith.constant 0 : i32
      %dma_wait3A_717 = arith.constant 0 : i32
      %dma_wait3A_718 = tpu.memref_slice %arg3[%dma_wait3A_716, %dma_wait3A_717] : memref<10000x128xf32, #tpu.memory_space<hbm>> -> memref<10000x128xf32, #tpu.memory_space<hbm>>
      tpu.wait_indirect_dma semaphore(%arg15 : memref<!tpu.dma_semaphore, #tpu.memory_space<semaphore_mem>>) src(%dma_wait3A_718 : memref<10000x128xf32, #tpu.memory_space<hbm>>) dst(%arg9 : memref<64x128xf32, #tpu.memory_space<vmem>>)
      %run_scoped3A_719 = arith.constant 1 : i32
      %run_scoped3A_720 = arith.constant 14 : i32
      "tpu.region"() ({
        %run_scoped3A_742 = tpu.sem_alloc : memref<!tpu.dma_semaphore, #tpu.memory_space<semaphore_mem>>
        %dma_start3A_743 = arith.constant 0 : i32
        %dma_start3A_744 = tpu.memref_slice %arg6[%run_scoped3A_719, %run_scoped3A_720, %dma_start3A_743] : memref<2x16x64xi32, #tpu.memory_space<vmem>> -> memref<1x1x64xi32, #tpu.memory_space<vmem>>
        %dma_start3A_745 = tpu.memref_squeeze %dma_start3A_744 : memref<1x1x64xi32, #tpu.memory_space<vmem>> -> memref<64xi32, #tpu.memory_space<vmem>>
        %dma_start3A_746 = arith.constant 0 : i32
        %dma_start3A_747 = arith.constant 0 : i32
        %dma_start3A_748 = tpu.memref_slice %arg11[%dma_start3A_746, %dma_start3A_747] : memref<10240x128xf32, #tpu.memory_space<vmem_shared>> -> memref<10240x128xf32, #tpu.memory_space<vmem_shared>>
        tpu.enqueue_indirect_dma source(%arg9 : memref<64x128xf32, #tpu.memory_space<vmem>>) target(%dma_start3A_748 : memref<10240x128xf32, #tpu.memory_space<vmem_shared>>) offsets(%dma_start3A_745 : memref<64xi32, #tpu.memory_space<vmem>>) semaphore(%run_scoped3A_742 : memref<!tpu.dma_semaphore, #tpu.memory_space<semaphore_mem>>) {add = true}
        %dma_wait3A_749 = arith.constant 0 : i32
        %dma_wait3A_750 = tpu.memref_slice %arg6[%run_scoped3A_719, %run_scoped3A_720, %dma_wait3A_749] : memref<2x16x64xi32, #tpu.memory_space<vmem>> -> memref<1x1x64xi32, #tpu.memory_space<vmem>>
        %dma_wait3A_751 = tpu.memref_squeeze %dma_wait3A_750 : memref<1x1x64xi32, #tpu.memory_space<vmem>> -> memref<64xi32, #tpu.memory_space<vmem>>
        %dma_wait3A_752 = arith.constant 0 : i32
        %dma_wait3A_753 = arith.constant 0 : i32
        %dma_wait3A_754 = tpu.memref_slice %arg11[%dma_wait3A_752, %dma_wait3A_753] : memref<10240x128xf32, #tpu.memory_space<vmem_shared>> -> memref<10240x128xf32, #tpu.memory_space<vmem_shared>>
        tpu.wait_indirect_dma semaphore(%run_scoped3A_742 : memref<!tpu.dma_semaphore, #tpu.memory_space<semaphore_mem>>) src(%arg9 : memref<64x128xf32, #tpu.memory_space<vmem>>) dst(%dma_wait3A_754 : memref<10240x128xf32, #tpu.memory_space<vmem_shared>>)
        tpu.yield
      }) : () -> ()
      %dma_wait3A_721 = arith.constant 0 : i32
      %dma_wait3A_722 = arith.constant 15 : i32
      %dma_wait3A_723 = arith.constant 0 : i32
      %dma_wait3A_724 = tpu.memref_slice %arg6[%dma_wait3A_721, %dma_wait3A_722, %dma_wait3A_723] : memref<2x16x64xi32, #tpu.memory_space<vmem>> -> memref<1x1x64xi32, #tpu.memory_space<vmem>>
      %dma_wait3A_725 = tpu.memref_squeeze %dma_wait3A_724 : memref<1x1x64xi32, #tpu.memory_space<vmem>> -> memref<64xi32, #tpu.memory_space<vmem>>
      %dma_wait3A_726 = arith.constant 0 : i32
      %dma_wait3A_727 = arith.constant 0 : i32
      %dma_wait3A_728 = tpu.memref_slice %arg3[%dma_wait3A_726, %dma_wait3A_727] : memref<10000x128xf32, #tpu.memory_space<hbm>> -> memref<10000x128xf32, #tpu.memory_space<hbm>>
      tpu.wait_indirect_dma semaphore(%arg16 : memref<!tpu.dma_semaphore, #tpu.memory_space<semaphore_mem>>) src(%dma_wait3A_728 : memref<10000x128xf32, #tpu.memory_space<hbm>>) dst(%arg10 : memref<64x128xf32, #tpu.memory_space<vmem>>)
      %run_scoped3A_729 = arith.constant 1 : i32
      %run_scoped3A_730 = arith.constant 15 : i32
      "tpu.region"() ({
        %run_scoped3A_742 = tpu.sem_alloc : memref<!tpu.dma_semaphore, #tpu.memory_space<semaphore_mem>>
        %dma_start3A_743 = arith.constant 0 : i32
        %dma_start3A_744 = tpu.memref_slice %arg6[%run_scoped3A_729, %run_scoped3A_730, %dma_start3A_743] : memref<2x16x64xi32, #tpu.memory_space<vmem>> -> memref<1x1x64xi32, #tpu.memory_space<vmem>>
        %dma_start3A_745 = tpu.memref_squeeze %dma_start3A_744 : memref<1x1x64xi32, #tpu.memory_space<vmem>> -> memref<64xi32, #tpu.memory_space<vmem>>
        %dma_start3A_746 = arith.constant 0 : i32
        %dma_start3A_747 = arith.constant 0 : i32
        %dma_start3A_748 = tpu.memref_slice %arg11[%dma_start3A_746, %dma_start3A_747] : memref<10240x128xf32, #tpu.memory_space<vmem_shared>> -> memref<10240x128xf32, #tpu.memory_space<vmem_shared>>
        tpu.enqueue_indirect_dma source(%arg10 : memref<64x128xf32, #tpu.memory_space<vmem>>) target(%dma_start3A_748 : memref<10240x128xf32, #tpu.memory_space<vmem_shared>>) offsets(%dma_start3A_745 : memref<64xi32, #tpu.memory_space<vmem>>) semaphore(%run_scoped3A_742 : memref<!tpu.dma_semaphore, #tpu.memory_space<semaphore_mem>>) {add = true}
        %dma_wait3A_749 = arith.constant 0 : i32
        %dma_wait3A_750 = tpu.memref_slice %arg6[%run_scoped3A_729, %run_scoped3A_730, %dma_wait3A_749] : memref<2x16x64xi32, #tpu.memory_space<vmem>> -> memref<1x1x64xi32, #tpu.memory_space<vmem>>
        %dma_wait3A_751 = tpu.memref_squeeze %dma_wait3A_750 : memref<1x1x64xi32, #tpu.memory_space<vmem>> -> memref<64xi32, #tpu.memory_space<vmem>>
        %dma_wait3A_752 = arith.constant 0 : i32
        %dma_wait3A_753 = arith.constant 0 : i32
        %dma_wait3A_754 = tpu.memref_slice %arg11[%dma_wait3A_752, %dma_wait3A_753] : memref<10240x128xf32, #tpu.memory_space<vmem_shared>> -> memref<10240x128xf32, #tpu.memory_space<vmem_shared>>
        tpu.wait_indirect_dma semaphore(%run_scoped3A_742 : memref<!tpu.dma_semaphore, #tpu.memory_space<semaphore_mem>>) src(%arg10 : memref<64x128xf32, #tpu.memory_space<vmem>>) dst(%dma_wait3A_754 : memref<10240x128xf32, #tpu.memory_space<vmem_shared>>)
        tpu.yield
      }) : () -> ()
      %dma_wait3A_731 = arith.constant 0 : i32
      %dma_wait3A_732 = arith.constant 0 : i32
      %dma_wait3A_733 = arith.constant 0 : i32
      %dma_wait3A_734 = tpu.memref_slice %arg2[%min3A_432, %dma_wait3A_731, %dma_wait3A_732, %dma_wait3A_733] : memref<320x2x16x64xi32, #tpu.memory_space<hbm>> -> memref<1x2x16x64xi32, #tpu.memory_space<hbm>>
      %dma_wait3A_735 = tpu.memref_squeeze %dma_wait3A_734 : memref<1x2x16x64xi32, #tpu.memory_space<hbm>> -> memref<2x16x64xi32, #tpu.memory_space<hbm>>
      %dma_wait3A_736 = arith.constant 0 : i32
      %dma_wait3A_737 = arith.constant 0 : i32
      %dma_wait3A_738 = arith.constant 0 : i32
      %dma_wait3A_739 = tpu.memref_slice %arg2[%min3A_432, %dma_wait3A_736, %dma_wait3A_737, %dma_wait3A_738] : memref<320x2x16x64xi32, #tpu.memory_space<hbm>> -> memref<1x2x16x64xi32, #tpu.memory_space<hbm>>
      %dma_wait3A_740 = tpu.memref_squeeze %dma_wait3A_739 : memref<1x2x16x64xi32, #tpu.memory_space<hbm>> -> memref<2x16x64xi32, #tpu.memory_space<hbm>>
      tpu.wait_dma2 semaphore(%arg12 : memref<!tpu.dma_semaphore, #tpu.memory_space<semaphore_mem>>) src(%dma_wait3A_740 : memref<2x16x64xi32, #tpu.memory_space<hbm>>) dst(%arg5 : memref<2x16x64xi32, #tpu.memory_space<vmem>>)
      %while3A_741 = arith.constant 0 : i32
      scf.yield %while3A_741 : i32
    }
    %barrier3A_76 = arith.constant 0 : index
    tpu.barrier barrier_id(%barrier3A_76)
    %mul3A_77 = arith.constant 640 : i32
    %mul3A_78 = arith.muli %arg1, %mul3A_77 : i32
    %add3A_79 = arith.constant 0 : i32
    %add3A_80 = arith.addi %mul3A_78, %add3A_79 : i32
    "tpu.region"() ({
      %run_scoped3A = tpu.sem_alloc : memref<!tpu.dma_semaphore, #tpu.memory_space<semaphore_mem>>
      %dma_start3A = arith.constant 0 : i32
      %dma_start3A_117 = tpu.memref_slice %arg11[%add3A_80, %dma_start3A] : memref<10240x128xf32, #tpu.memory_space<vmem_shared>> -> memref<64x128xf32, #tpu.memory_space<vmem_shared>>
      %dma_start3A_118 = arith.constant 0 : i32
      %dma_start3A_119 = tpu.memref_slice %arg11[%add3A_80, %dma_start3A_118] : memref<10240x128xf32, #tpu.memory_space<vmem_shared>> -> memref<64x128xf32, #tpu.memory_space<vmem_shared>>
      tpu.enqueue_dma source(%dma_start3A_119 : memref<64x128xf32, #tpu.memory_space<vmem_shared>>) target(%arg7 : memref<64x128xf32, #tpu.memory_space<vmem>>) target_semaphore(%run_scoped3A : memref<!tpu.dma_semaphore, #tpu.memory_space<semaphore_mem>>)
      %dma_wait3A = arith.constant 0 : i32
      %dma_wait3A_120 = tpu.memref_slice %arg11[%add3A_80, %dma_wait3A] : memref<10240x128xf32, #tpu.memory_space<vmem_shared>> -> memref<64x128xf32, #tpu.memory_space<vmem_shared>>
      %dma_wait3A_121 = arith.constant 0 : i32
      %dma_wait3A_122 = tpu.memref_slice %arg11[%add3A_80, %dma_wait3A_121] : memref<10240x128xf32, #tpu.memory_space<vmem_shared>> -> memref<64x128xf32, #tpu.memory_space<vmem_shared>>
      tpu.wait_dma2 semaphore(%run_scoped3A : memref<!tpu.dma_semaphore, #tpu.memory_space<semaphore_mem>>) src(%dma_wait3A_122 : memref<64x128xf32, #tpu.memory_space<vmem_shared>>) dst(%arg7 : memref<64x128xf32, #tpu.memory_space<vmem>>)
      tpu.yield
    }) : () -> ()
    "tpu.region"() ({
      %run_scoped3A = tpu.sem_alloc : memref<!tpu.dma_semaphore, #tpu.memory_space<semaphore_mem>>
      %dma_start3A = arith.constant 0 : i32
      %dma_start3A_117 = tpu.memref_slice %arg4[%arg0, %add3A_80, %dma_start3A] : memref<2x10240x128xf32, #tpu.memory_space<hbm>> -> memref<1x64x128xf32, #tpu.memory_space<hbm>>
      %dma_start3A_118 = tpu.memref_squeeze %dma_start3A_117 : memref<1x64x128xf32, #tpu.memory_space<hbm>> -> memref<64x128xf32, #tpu.memory_space<hbm>>
      %dma_start3A_119 = arith.constant 0 : i32
      %dma_start3A_120 = tpu.memref_slice %arg4[%arg0, %add3A_80, %dma_start3A_119] : memref<2x10240x128xf32, #tpu.memory_space<hbm>> -> memref<1x64x128xf32, #tpu.memory_space<hbm>>
      %dma_start3A_121 = tpu.memref_squeeze %dma_start3A_120 : memref<1x64x128xf32, #tpu.memory_space<hbm>> -> memref<64x128xf32, #tpu.memory_space<hbm>>
      tpu.enqueue_dma source(%arg7 : memref<64x128xf32, #tpu.memory_space<vmem>>) target(%dma_start3A_121 : memref<64x128xf32, #tpu.memory_space<hbm>>) target_semaphore(%run_scoped3A : memref<!tpu.dma_semaphore, #tpu.memory_space<semaphore_mem>>)
      %dma_wait3A = arith.constant 0 : i32
      %dma_wait3A_122 = tpu.memref_slice %arg4[%arg0, %add3A_80, %dma_wait3A] : memref<2x10240x128xf32, #tpu.memory_space<hbm>> -> memref<1x64x128xf32, #tpu.memory_space<hbm>>
      %dma_wait3A_123 = tpu.memref_squeeze %dma_wait3A_122 : memref<1x64x128xf32, #tpu.memory_space<hbm>> -> memref<64x128xf32, #tpu.memory_space<hbm>>
      %dma_wait3A_124 = arith.constant 0 : i32
      %dma_wait3A_125 = tpu.memref_slice %arg4[%arg0, %add3A_80, %dma_wait3A_124] : memref<2x10240x128xf32, #tpu.memory_space<hbm>> -> memref<1x64x128xf32, #tpu.memory_space<hbm>>
      %dma_wait3A_126 = tpu.memref_squeeze %dma_wait3A_125 : memref<1x64x128xf32, #tpu.memory_space<hbm>> -> memref<64x128xf32, #tpu.memory_space<hbm>>
      tpu.wait_dma2 semaphore(%run_scoped3A : memref<!tpu.dma_semaphore, #tpu.memory_space<semaphore_mem>>) src(%arg7 : memref<64x128xf32, #tpu.memory_space<vmem>>) dst(%dma_wait3A_126 : memref<64x128xf32, #tpu.memory_space<hbm>>)
      tpu.yield
    }) : () -> ()
    %mul3A_81 = arith.constant 640 : i32
    %mul3A_82 = arith.muli %arg1, %mul3A_81 : i32
    %add3A_83 = arith.constant 64 : i32
    %add3A_84 = arith.addi %mul3A_82, %add3A_83 : i32
    "tpu.region"() ({
      %run_scoped3A = tpu.sem_alloc : memref<!tpu.dma_semaphore, #tpu.memory_space<semaphore_mem>>
      %dma_start3A = arith.constant 0 : i32
      %dma_start3A_117 = tpu.memref_slice %arg11[%add3A_84, %dma_start3A] : memref<10240x128xf32, #tpu.memory_space<vmem_shared>> -> memref<64x128xf32, #tpu.memory_space<vmem_shared>>
      %dma_start3A_118 = arith.constant 0 : i32
      %dma_start3A_119 = tpu.memref_slice %arg11[%add3A_84, %dma_start3A_118] : memref<10240x128xf32, #tpu.memory_space<vmem_shared>> -> memref<64x128xf32, #tpu.memory_space<vmem_shared>>
      tpu.enqueue_dma source(%dma_start3A_119 : memref<64x128xf32, #tpu.memory_space<vmem_shared>>) target(%arg7 : memref<64x128xf32, #tpu.memory_space<vmem>>) target_semaphore(%run_scoped3A : memref<!tpu.dma_semaphore, #tpu.memory_space<semaphore_mem>>)
      %dma_wait3A = arith.constant 0 : i32
      %dma_wait3A_120 = tpu.memref_slice %arg11[%add3A_84, %dma_wait3A] : memref<10240x128xf32, #tpu.memory_space<vmem_shared>> -> memref<64x128xf32, #tpu.memory_space<vmem_shared>>
      %dma_wait3A_121 = arith.constant 0 : i32
      %dma_wait3A_122 = tpu.memref_slice %arg11[%add3A_84, %dma_wait3A_121] : memref<10240x128xf32, #tpu.memory_space<vmem_shared>> -> memref<64x128xf32, #tpu.memory_space<vmem_shared>>
      tpu.wait_dma2 semaphore(%run_scoped3A : memref<!tpu.dma_semaphore, #tpu.memory_space<semaphore_mem>>) src(%dma_wait3A_122 : memref<64x128xf32, #tpu.memory_space<vmem_shared>>) dst(%arg7 : memref<64x128xf32, #tpu.memory_space<vmem>>)
      tpu.yield
    }) : () -> ()
    "tpu.region"() ({
      %run_scoped3A = tpu.sem_alloc : memref<!tpu.dma_semaphore, #tpu.memory_space<semaphore_mem>>
      %dma_start3A = arith.constant 0 : i32
      %dma_start3A_117 = tpu.memref_slice %arg4[%arg0, %add3A_84, %dma_start3A] : memref<2x10240x128xf32, #tpu.memory_space<hbm>> -> memref<1x64x128xf32, #tpu.memory_space<hbm>>
      %dma_start3A_118 = tpu.memref_squeeze %dma_start3A_117 : memref<1x64x128xf32, #tpu.memory_space<hbm>> -> memref<64x128xf32, #tpu.memory_space<hbm>>
      %dma_start3A_119 = arith.constant 0 : i32
      %dma_start3A_120 = tpu.memref_slice %arg4[%arg0, %add3A_84, %dma_start3A_119] : memref<2x10240x128xf32, #tpu.memory_space<hbm>> -> memref<1x64x128xf32, #tpu.memory_space<hbm>>
      %dma_start3A_121 = tpu.memref_squeeze %dma_start3A_120 : memref<1x64x128xf32, #tpu.memory_space<hbm>> -> memref<64x128xf32, #tpu.memory_space<hbm>>
      tpu.enqueue_dma source(%arg7 : memref<64x128xf32, #tpu.memory_space<vmem>>) target(%dma_start3A_121 : memref<64x128xf32, #tpu.memory_space<hbm>>) target_semaphore(%run_scoped3A : memref<!tpu.dma_semaphore, #tpu.memory_space<semaphore_mem>>)
      %dma_wait3A = arith.constant 0 : i32
      %dma_wait3A_122 = tpu.memref_slice %arg4[%arg0, %add3A_84, %dma_wait3A] : memref<2x10240x128xf32, #tpu.memory_space<hbm>> -> memref<1x64x128xf32, #tpu.memory_space<hbm>>
      %dma_wait3A_123 = tpu.memref_squeeze %dma_wait3A_122 : memref<1x64x128xf32, #tpu.memory_space<hbm>> -> memref<64x128xf32, #tpu.memory_space<hbm>>
      %dma_wait3A_124 = arith.constant 0 : i32
      %dma_wait3A_125 = tpu.memref_slice %arg4[%arg0, %add3A_84, %dma_wait3A_124] : memref<2x10240x128xf32, #tpu.memory_space<hbm>> -> memref<1x64x128xf32, #tpu.memory_space<hbm>>
      %dma_wait3A_126 = tpu.memref_squeeze %dma_wait3A_125 : memref<1x64x128xf32, #tpu.memory_space<hbm>> -> memref<64x128xf32, #tpu.memory_space<hbm>>
      tpu.wait_dma2 semaphore(%run_scoped3A : memref<!tpu.dma_semaphore, #tpu.memory_space<semaphore_mem>>) src(%arg7 : memref<64x128xf32, #tpu.memory_space<vmem>>) dst(%dma_wait3A_126 : memref<64x128xf32, #tpu.memory_space<hbm>>)
      tpu.yield
    }) : () -> ()
    %mul3A_85 = arith.constant 640 : i32
    %mul3A_86 = arith.muli %arg1, %mul3A_85 : i32
    %add3A_87 = arith.constant 128 : i32
    %add3A_88 = arith.addi %mul3A_86, %add3A_87 : i32
    "tpu.region"() ({
      %run_scoped3A = tpu.sem_alloc : memref<!tpu.dma_semaphore, #tpu.memory_space<semaphore_mem>>
      %dma_start3A = arith.constant 0 : i32
      %dma_start3A_117 = tpu.memref_slice %arg11[%add3A_88, %dma_start3A] : memref<10240x128xf32, #tpu.memory_space<vmem_shared>> -> memref<64x128xf32, #tpu.memory_space<vmem_shared>>
      %dma_start3A_118 = arith.constant 0 : i32
      %dma_start3A_119 = tpu.memref_slice %arg11[%add3A_88, %dma_start3A_118] : memref<10240x128xf32, #tpu.memory_space<vmem_shared>> -> memref<64x128xf32, #tpu.memory_space<vmem_shared>>
      tpu.enqueue_dma source(%dma_start3A_119 : memref<64x128xf32, #tpu.memory_space<vmem_shared>>) target(%arg7 : memref<64x128xf32, #tpu.memory_space<vmem>>) target_semaphore(%run_scoped3A : memref<!tpu.dma_semaphore, #tpu.memory_space<semaphore_mem>>)
      %dma_wait3A = arith.constant 0 : i32
      %dma_wait3A_120 = tpu.memref_slice %arg11[%add3A_88, %dma_wait3A] : memref<10240x128xf32, #tpu.memory_space<vmem_shared>> -> memref<64x128xf32, #tpu.memory_space<vmem_shared>>
      %dma_wait3A_121 = arith.constant 0 : i32
      %dma_wait3A_122 = tpu.memref_slice %arg11[%add3A_88, %dma_wait3A_121] : memref<10240x128xf32, #tpu.memory_space<vmem_shared>> -> memref<64x128xf32, #tpu.memory_space<vmem_shared>>
      tpu.wait_dma2 semaphore(%run_scoped3A : memref<!tpu.dma_semaphore, #tpu.memory_space<semaphore_mem>>) src(%dma_wait3A_122 : memref<64x128xf32, #tpu.memory_space<vmem_shared>>) dst(%arg7 : memref<64x128xf32, #tpu.memory_space<vmem>>)
      tpu.yield
    }) : () -> ()
    "tpu.region"() ({
      %run_scoped3A = tpu.sem_alloc : memref<!tpu.dma_semaphore, #tpu.memory_space<semaphore_mem>>
      %dma_start3A = arith.constant 0 : i32
      %dma_start3A_117 = tpu.memref_slice %arg4[%arg0, %add3A_88, %dma_start3A] : memref<2x10240x128xf32, #tpu.memory_space<hbm>> -> memref<1x64x128xf32, #tpu.memory_space<hbm>>
      %dma_start3A_118 = tpu.memref_squeeze %dma_start3A_117 : memref<1x64x128xf32, #tpu.memory_space<hbm>> -> memref<64x128xf32, #tpu.memory_space<hbm>>
      %dma_start3A_119 = arith.constant 0 : i32
      %dma_start3A_120 = tpu.memref_slice %arg4[%arg0, %add3A_88, %dma_start3A_119] : memref<2x10240x128xf32, #tpu.memory_space<hbm>> -> memref<1x64x128xf32, #tpu.memory_space<hbm>>
      %dma_start3A_121 = tpu.memref_squeeze %dma_start3A_120 : memref<1x64x128xf32, #tpu.memory_space<hbm>> -> memref<64x128xf32, #tpu.memory_space<hbm>>
      tpu.enqueue_dma source(%arg7 : memref<64x128xf32, #tpu.memory_space<vmem>>) target(%dma_start3A_121 : memref<64x128xf32, #tpu.memory_space<hbm>>) target_semaphore(%run_scoped3A : memref<!tpu.dma_semaphore, #tpu.memory_space<semaphore_mem>>)
      %dma_wait3A = arith.constant 0 : i32
      %dma_wait3A_122 = tpu.memref_slice %arg4[%arg0, %add3A_88, %dma_wait3A] : memref<2x10240x128xf32, #tpu.memory_space<hbm>> -> memref<1x64x128xf32, #tpu.memory_space<hbm>>
      %dma_wait3A_123 = tpu.memref_squeeze %dma_wait3A_122 : memref<1x64x128xf32, #tpu.memory_space<hbm>> -> memref<64x128xf32, #tpu.memory_space<hbm>>
      %dma_wait3A_124 = arith.constant 0 : i32
      %dma_wait3A_125 = tpu.memref_slice %arg4[%arg0, %add3A_88, %dma_wait3A_124] : memref<2x10240x128xf32, #tpu.memory_space<hbm>> -> memref<1x64x128xf32, #tpu.memory_space<hbm>>
      %dma_wait3A_126 = tpu.memref_squeeze %dma_wait3A_125 : memref<1x64x128xf32, #tpu.memory_space<hbm>> -> memref<64x128xf32, #tpu.memory_space<hbm>>
      tpu.wait_dma2 semaphore(%run_scoped3A : memref<!tpu.dma_semaphore, #tpu.memory_space<semaphore_mem>>) src(%arg7 : memref<64x128xf32, #tpu.memory_space<vmem>>) dst(%dma_wait3A_126 : memref<64x128xf32, #tpu.memory_space<hbm>>)
      tpu.yield
    }) : () -> ()
    %mul3A_89 = arith.constant 640 : i32
    %mul3A_90 = arith.muli %arg1, %mul3A_89 : i32
    %add3A_91 = arith.constant 192 : i32
    %add3A_92 = arith.addi %mul3A_90, %add3A_91 : i32
    "tpu.region"() ({
      %run_scoped3A = tpu.sem_alloc : memref<!tpu.dma_semaphore, #tpu.memory_space<semaphore_mem>>
      %dma_start3A = arith.constant 0 : i32
      %dma_start3A_117 = tpu.memref_slice %arg11[%add3A_92, %dma_start3A] : memref<10240x128xf32, #tpu.memory_space<vmem_shared>> -> memref<64x128xf32, #tpu.memory_space<vmem_shared>>
      %dma_start3A_118 = arith.constant 0 : i32
      %dma_start3A_119 = tpu.memref_slice %arg11[%add3A_92, %dma_start3A_118] : memref<10240x128xf32, #tpu.memory_space<vmem_shared>> -> memref<64x128xf32, #tpu.memory_space<vmem_shared>>
      tpu.enqueue_dma source(%dma_start3A_119 : memref<64x128xf32, #tpu.memory_space<vmem_shared>>) target(%arg7 : memref<64x128xf32, #tpu.memory_space<vmem>>) target_semaphore(%run_scoped3A : memref<!tpu.dma_semaphore, #tpu.memory_space<semaphore_mem>>)
      %dma_wait3A = arith.constant 0 : i32
      %dma_wait3A_120 = tpu.memref_slice %arg11[%add3A_92, %dma_wait3A] : memref<10240x128xf32, #tpu.memory_space<vmem_shared>> -> memref<64x128xf32, #tpu.memory_space<vmem_shared>>
      %dma_wait3A_121 = arith.constant 0 : i32
      %dma_wait3A_122 = tpu.memref_slice %arg11[%add3A_92, %dma_wait3A_121] : memref<10240x128xf32, #tpu.memory_space<vmem_shared>> -> memref<64x128xf32, #tpu.memory_space<vmem_shared>>
      tpu.wait_dma2 semaphore(%run_scoped3A : memref<!tpu.dma_semaphore, #tpu.memory_space<semaphore_mem>>) src(%dma_wait3A_122 : memref<64x128xf32, #tpu.memory_space<vmem_shared>>) dst(%arg7 : memref<64x128xf32, #tpu.memory_space<vmem>>)
      tpu.yield
    }) : () -> ()
    "tpu.region"() ({
      %run_scoped3A = tpu.sem_alloc : memref<!tpu.dma_semaphore, #tpu.memory_space<semaphore_mem>>
      %dma_start3A = arith.constant 0 : i32
      %dma_start3A_117 = tpu.memref_slice %arg4[%arg0, %add3A_92, %dma_start3A] : memref<2x10240x128xf32, #tpu.memory_space<hbm>> -> memref<1x64x128xf32, #tpu.memory_space<hbm>>
      %dma_start3A_118 = tpu.memref_squeeze %dma_start3A_117 : memref<1x64x128xf32, #tpu.memory_space<hbm>> -> memref<64x128xf32, #tpu.memory_space<hbm>>
      %dma_start3A_119 = arith.constant 0 : i32
      %dma_start3A_120 = tpu.memref_slice %arg4[%arg0, %add3A_92, %dma_start3A_119] : memref<2x10240x128xf32, #tpu.memory_space<hbm>> -> memref<1x64x128xf32, #tpu.memory_space<hbm>>
      %dma_start3A_121 = tpu.memref_squeeze %dma_start3A_120 : memref<1x64x128xf32, #tpu.memory_space<hbm>> -> memref<64x128xf32, #tpu.memory_space<hbm>>
      tpu.enqueue_dma source(%arg7 : memref<64x128xf32, #tpu.memory_space<vmem>>) target(%dma_start3A_121 : memref<64x128xf32, #tpu.memory_space<hbm>>) target_semaphore(%run_scoped3A : memref<!tpu.dma_semaphore, #tpu.memory_space<semaphore_mem>>)
      %dma_wait3A = arith.constant 0 : i32
      %dma_wait3A_122 = tpu.memref_slice %arg4[%arg0, %add3A_92, %dma_wait3A] : memref<2x10240x128xf32, #tpu.memory_space<hbm>> -> memref<1x64x128xf32, #tpu.memory_space<hbm>>
      %dma_wait3A_123 = tpu.memref_squeeze %dma_wait3A_122 : memref<1x64x128xf32, #tpu.memory_space<hbm>> -> memref<64x128xf32, #tpu.memory_space<hbm>>
      %dma_wait3A_124 = arith.constant 0 : i32
      %dma_wait3A_125 = tpu.memref_slice %arg4[%arg0, %add3A_92, %dma_wait3A_124] : memref<2x10240x128xf32, #tpu.memory_space<hbm>> -> memref<1x64x128xf32, #tpu.memory_space<hbm>>
      %dma_wait3A_126 = tpu.memref_squeeze %dma_wait3A_125 : memref<1x64x128xf32, #tpu.memory_space<hbm>> -> memref<64x128xf32, #tpu.memory_space<hbm>>
      tpu.wait_dma2 semaphore(%run_scoped3A : memref<!tpu.dma_semaphore, #tpu.memory_space<semaphore_mem>>) src(%arg7 : memref<64x128xf32, #tpu.memory_space<vmem>>) dst(%dma_wait3A_126 : memref<64x128xf32, #tpu.memory_space<hbm>>)
      tpu.yield
    }) : () -> ()
    %mul3A_93 = arith.constant 640 : i32
    %mul3A_94 = arith.muli %arg1, %mul3A_93 : i32
    %add3A_95 = arith.constant 256 : i32
    %add3A_96 = arith.addi %mul3A_94, %add3A_95 : i32
    "tpu.region"() ({
      %run_scoped3A = tpu.sem_alloc : memref<!tpu.dma_semaphore, #tpu.memory_space<semaphore_mem>>
      %dma_start3A = arith.constant 0 : i32
      %dma_start3A_117 = tpu.memref_slice %arg11[%add3A_96, %dma_start3A] : memref<10240x128xf32, #tpu.memory_space<vmem_shared>> -> memref<64x128xf32, #tpu.memory_space<vmem_shared>>
      %dma_start3A_118 = arith.constant 0 : i32
      %dma_start3A_119 = tpu.memref_slice %arg11[%add3A_96, %dma_start3A_118] : memref<10240x128xf32, #tpu.memory_space<vmem_shared>> -> memref<64x128xf32, #tpu.memory_space<vmem_shared>>
      tpu.enqueue_dma source(%dma_start3A_119 : memref<64x128xf32, #tpu.memory_space<vmem_shared>>) target(%arg7 : memref<64x128xf32, #tpu.memory_space<vmem>>) target_semaphore(%run_scoped3A : memref<!tpu.dma_semaphore, #tpu.memory_space<semaphore_mem>>)
      %dma_wait3A = arith.constant 0 : i32
      %dma_wait3A_120 = tpu.memref_slice %arg11[%add3A_96, %dma_wait3A] : memref<10240x128xf32, #tpu.memory_space<vmem_shared>> -> memref<64x128xf32, #tpu.memory_space<vmem_shared>>
      %dma_wait3A_121 = arith.constant 0 : i32
      %dma_wait3A_122 = tpu.memref_slice %arg11[%add3A_96, %dma_wait3A_121] : memref<10240x128xf32, #tpu.memory_space<vmem_shared>> -> memref<64x128xf32, #tpu.memory_space<vmem_shared>>
      tpu.wait_dma2 semaphore(%run_scoped3A : memref<!tpu.dma_semaphore, #tpu.memory_space<semaphore_mem>>) src(%dma_wait3A_122 : memref<64x128xf32, #tpu.memory_space<vmem_shared>>) dst(%arg7 : memref<64x128xf32, #tpu.memory_space<vmem>>)
      tpu.yield
    }) : () -> ()
    "tpu.region"() ({
      %run_scoped3A = tpu.sem_alloc : memref<!tpu.dma_semaphore, #tpu.memory_space<semaphore_mem>>
      %dma_start3A = arith.constant 0 : i32
      %dma_start3A_117 = tpu.memref_slice %arg4[%arg0, %add3A_96, %dma_start3A] : memref<2x10240x128xf32, #tpu.memory_space<hbm>> -> memref<1x64x128xf32, #tpu.memory_space<hbm>>
      %dma_start3A_118 = tpu.memref_squeeze %dma_start3A_117 : memref<1x64x128xf32, #tpu.memory_space<hbm>> -> memref<64x128xf32, #tpu.memory_space<hbm>>
      %dma_start3A_119 = arith.constant 0 : i32
      %dma_start3A_120 = tpu.memref_slice %arg4[%arg0, %add3A_96, %dma_start3A_119] : memref<2x10240x128xf32, #tpu.memory_space<hbm>> -> memref<1x64x128xf32, #tpu.memory_space<hbm>>
      %dma_start3A_121 = tpu.memref_squeeze %dma_start3A_120 : memref<1x64x128xf32, #tpu.memory_space<hbm>> -> memref<64x128xf32, #tpu.memory_space<hbm>>
      tpu.enqueue_dma source(%arg7 : memref<64x128xf32, #tpu.memory_space<vmem>>) target(%dma_start3A_121 : memref<64x128xf32, #tpu.memory_space<hbm>>) target_semaphore(%run_scoped3A : memref<!tpu.dma_semaphore, #tpu.memory_space<semaphore_mem>>)
      %dma_wait3A = arith.constant 0 : i32
      %dma_wait3A_122 = tpu.memref_slice %arg4[%arg0, %add3A_96, %dma_wait3A] : memref<2x10240x128xf32, #tpu.memory_space<hbm>> -> memref<1x64x128xf32, #tpu.memory_space<hbm>>
      %dma_wait3A_123 = tpu.memref_squeeze %dma_wait3A_122 : memref<1x64x128xf32, #tpu.memory_space<hbm>> -> memref<64x128xf32, #tpu.memory_space<hbm>>
      %dma_wait3A_124 = arith.constant 0 : i32
      %dma_wait3A_125 = tpu.memref_slice %arg4[%arg0, %add3A_96, %dma_wait3A_124] : memref<2x10240x128xf32, #tpu.memory_space<hbm>> -> memref<1x64x128xf32, #tpu.memory_space<hbm>>
      %dma_wait3A_126 = tpu.memref_squeeze %dma_wait3A_125 : memref<1x64x128xf32, #tpu.memory_space<hbm>> -> memref<64x128xf32, #tpu.memory_space<hbm>>
      tpu.wait_dma2 semaphore(%run_scoped3A : memref<!tpu.dma_semaphore, #tpu.memory_space<semaphore_mem>>) src(%arg7 : memref<64x128xf32, #tpu.memory_space<vmem>>) dst(%dma_wait3A_126 : memref<64x128xf32, #tpu.memory_space<hbm>>)
      tpu.yield
    }) : () -> ()
    %mul3A_97 = arith.constant 640 : i32
    %mul3A_98 = arith.muli %arg1, %mul3A_97 : i32
    %add3A_99 = arith.constant 320 : i32
    %add3A_100 = arith.addi %mul3A_98, %add3A_99 : i32
    "tpu.region"() ({
      %run_scoped3A = tpu.sem_alloc : memref<!tpu.dma_semaphore, #tpu.memory_space<semaphore_mem>>
      %dma_start3A = arith.constant 0 : i32
      %dma_start3A_117 = tpu.memref_slice %arg11[%add3A_100, %dma_start3A] : memref<10240x128xf32, #tpu.memory_space<vmem_shared>> -> memref<64x128xf32, #tpu.memory_space<vmem_shared>>
      %dma_start3A_118 = arith.constant 0 : i32
      %dma_start3A_119 = tpu.memref_slice %arg11[%add3A_100, %dma_start3A_118] : memref<10240x128xf32, #tpu.memory_space<vmem_shared>> -> memref<64x128xf32, #tpu.memory_space<vmem_shared>>
      tpu.enqueue_dma source(%dma_start3A_119 : memref<64x128xf32, #tpu.memory_space<vmem_shared>>) target(%arg7 : memref<64x128xf32, #tpu.memory_space<vmem>>) target_semaphore(%run_scoped3A : memref<!tpu.dma_semaphore, #tpu.memory_space<semaphore_mem>>)
      %dma_wait3A = arith.constant 0 : i32
      %dma_wait3A_120 = tpu.memref_slice %arg11[%add3A_100, %dma_wait3A] : memref<10240x128xf32, #tpu.memory_space<vmem_shared>> -> memref<64x128xf32, #tpu.memory_space<vmem_shared>>
      %dma_wait3A_121 = arith.constant 0 : i32
      %dma_wait3A_122 = tpu.memref_slice %arg11[%add3A_100, %dma_wait3A_121] : memref<10240x128xf32, #tpu.memory_space<vmem_shared>> -> memref<64x128xf32, #tpu.memory_space<vmem_shared>>
      tpu.wait_dma2 semaphore(%run_scoped3A : memref<!tpu.dma_semaphore, #tpu.memory_space<semaphore_mem>>) src(%dma_wait3A_122 : memref<64x128xf32, #tpu.memory_space<vmem_shared>>) dst(%arg7 : memref<64x128xf32, #tpu.memory_space<vmem>>)
      tpu.yield
    }) : () -> ()
    "tpu.region"() ({
      %run_scoped3A = tpu.sem_alloc : memref<!tpu.dma_semaphore, #tpu.memory_space<semaphore_mem>>
      %dma_start3A = arith.constant 0 : i32
      %dma_start3A_117 = tpu.memref_slice %arg4[%arg0, %add3A_100, %dma_start3A] : memref<2x10240x128xf32, #tpu.memory_space<hbm>> -> memref<1x64x128xf32, #tpu.memory_space<hbm>>
      %dma_start3A_118 = tpu.memref_squeeze %dma_start3A_117 : memref<1x64x128xf32, #tpu.memory_space<hbm>> -> memref<64x128xf32, #tpu.memory_space<hbm>>
      %dma_start3A_119 = arith.constant 0 : i32
      %dma_start3A_120 = tpu.memref_slice %arg4[%arg0, %add3A_100, %dma_start3A_119] : memref<2x10240x128xf32, #tpu.memory_space<hbm>> -> memref<1x64x128xf32, #tpu.memory_space<hbm>>
      %dma_start3A_121 = tpu.memref_squeeze %dma_start3A_120 : memref<1x64x128xf32, #tpu.memory_space<hbm>> -> memref<64x128xf32, #tpu.memory_space<hbm>>
      tpu.enqueue_dma source(%arg7 : memref<64x128xf32, #tpu.memory_space<vmem>>) target(%dma_start3A_121 : memref<64x128xf32, #tpu.memory_space<hbm>>) target_semaphore(%run_scoped3A : memref<!tpu.dma_semaphore, #tpu.memory_space<semaphore_mem>>)
      %dma_wait3A = arith.constant 0 : i32
      %dma_wait3A_122 = tpu.memref_slice %arg4[%arg0, %add3A_100, %dma_wait3A] : memref<2x10240x128xf32, #tpu.memory_space<hbm>> -> memref<1x64x128xf32, #tpu.memory_space<hbm>>
      %dma_wait3A_123 = tpu.memref_squeeze %dma_wait3A_122 : memref<1x64x128xf32, #tpu.memory_space<hbm>> -> memref<64x128xf32, #tpu.memory_space<hbm>>
      %dma_wait3A_124 = arith.constant 0 : i32
      %dma_wait3A_125 = tpu.memref_slice %arg4[%arg0, %add3A_100, %dma_wait3A_124] : memref<2x10240x128xf32, #tpu.memory_space<hbm>> -> memref<1x64x128xf32, #tpu.memory_space<hbm>>
      %dma_wait3A_126 = tpu.memref_squeeze %dma_wait3A_125 : memref<1x64x128xf32, #tpu.memory_space<hbm>> -> memref<64x128xf32, #tpu.memory_space<hbm>>
      tpu.wait_dma2 semaphore(%run_scoped3A : memref<!tpu.dma_semaphore, #tpu.memory_space<semaphore_mem>>) src(%arg7 : memref<64x128xf32, #tpu.memory_space<vmem>>) dst(%dma_wait3A_126 : memref<64x128xf32, #tpu.memory_space<hbm>>)
      tpu.yield
    }) : () -> ()
    %mul3A_101 = arith.constant 640 : i32
    %mul3A_102 = arith.muli %arg1, %mul3A_101 : i32
    %add3A_103 = arith.constant 384 : i32
    %add3A_104 = arith.addi %mul3A_102, %add3A_103 : i32
    "tpu.region"() ({
      %run_scoped3A = tpu.sem_alloc : memref<!tpu.dma_semaphore, #tpu.memory_space<semaphore_mem>>
      %dma_start3A = arith.constant 0 : i32
      %dma_start3A_117 = tpu.memref_slice %arg11[%add3A_104, %dma_start3A] : memref<10240x128xf32, #tpu.memory_space<vmem_shared>> -> memref<64x128xf32, #tpu.memory_space<vmem_shared>>
      %dma_start3A_118 = arith.constant 0 : i32
      %dma_start3A_119 = tpu.memref_slice %arg11[%add3A_104, %dma_start3A_118] : memref<10240x128xf32, #tpu.memory_space<vmem_shared>> -> memref<64x128xf32, #tpu.memory_space<vmem_shared>>
      tpu.enqueue_dma source(%dma_start3A_119 : memref<64x128xf32, #tpu.memory_space<vmem_shared>>) target(%arg7 : memref<64x128xf32, #tpu.memory_space<vmem>>) target_semaphore(%run_scoped3A : memref<!tpu.dma_semaphore, #tpu.memory_space<semaphore_mem>>)
      %dma_wait3A = arith.constant 0 : i32
      %dma_wait3A_120 = tpu.memref_slice %arg11[%add3A_104, %dma_wait3A] : memref<10240x128xf32, #tpu.memory_space<vmem_shared>> -> memref<64x128xf32, #tpu.memory_space<vmem_shared>>
      %dma_wait3A_121 = arith.constant 0 : i32
      %dma_wait3A_122 = tpu.memref_slice %arg11[%add3A_104, %dma_wait3A_121] : memref<10240x128xf32, #tpu.memory_space<vmem_shared>> -> memref<64x128xf32, #tpu.memory_space<vmem_shared>>
      tpu.wait_dma2 semaphore(%run_scoped3A : memref<!tpu.dma_semaphore, #tpu.memory_space<semaphore_mem>>) src(%dma_wait3A_122 : memref<64x128xf32, #tpu.memory_space<vmem_shared>>) dst(%arg7 : memref<64x128xf32, #tpu.memory_space<vmem>>)
      tpu.yield
    }) : () -> ()
    "tpu.region"() ({
      %run_scoped3A = tpu.sem_alloc : memref<!tpu.dma_semaphore, #tpu.memory_space<semaphore_mem>>
      %dma_start3A = arith.constant 0 : i32
      %dma_start3A_117 = tpu.memref_slice %arg4[%arg0, %add3A_104, %dma_start3A] : memref<2x10240x128xf32, #tpu.memory_space<hbm>> -> memref<1x64x128xf32, #tpu.memory_space<hbm>>
      %dma_start3A_118 = tpu.memref_squeeze %dma_start3A_117 : memref<1x64x128xf32, #tpu.memory_space<hbm>> -> memref<64x128xf32, #tpu.memory_space<hbm>>
      %dma_start3A_119 = arith.constant 0 : i32
      %dma_start3A_120 = tpu.memref_slice %arg4[%arg0, %add3A_104, %dma_start3A_119] : memref<2x10240x128xf32, #tpu.memory_space<hbm>> -> memref<1x64x128xf32, #tpu.memory_space<hbm>>
      %dma_start3A_121 = tpu.memref_squeeze %dma_start3A_120 : memref<1x64x128xf32, #tpu.memory_space<hbm>> -> memref<64x128xf32, #tpu.memory_space<hbm>>
      tpu.enqueue_dma source(%arg7 : memref<64x128xf32, #tpu.memory_space<vmem>>) target(%dma_start3A_121 : memref<64x128xf32, #tpu.memory_space<hbm>>) target_semaphore(%run_scoped3A : memref<!tpu.dma_semaphore, #tpu.memory_space<semaphore_mem>>)
      %dma_wait3A = arith.constant 0 : i32
      %dma_wait3A_122 = tpu.memref_slice %arg4[%arg0, %add3A_104, %dma_wait3A] : memref<2x10240x128xf32, #tpu.memory_space<hbm>> -> memref<1x64x128xf32, #tpu.memory_space<hbm>>
      %dma_wait3A_123 = tpu.memref_squeeze %dma_wait3A_122 : memref<1x64x128xf32, #tpu.memory_space<hbm>> -> memref<64x128xf32, #tpu.memory_space<hbm>>
      %dma_wait3A_124 = arith.constant 0 : i32
      %dma_wait3A_125 = tpu.memref_slice %arg4[%arg0, %add3A_104, %dma_wait3A_124] : memref<2x10240x128xf32, #tpu.memory_space<hbm>> -> memref<1x64x128xf32, #tpu.memory_space<hbm>>
      %dma_wait3A_126 = tpu.memref_squeeze %dma_wait3A_125 : memref<1x64x128xf32, #tpu.memory_space<hbm>> -> memref<64x128xf32, #tpu.memory_space<hbm>>
      tpu.wait_dma2 semaphore(%run_scoped3A : memref<!tpu.dma_semaphore, #tpu.memory_space<semaphore_mem>>) src(%arg7 : memref<64x128xf32, #tpu.memory_space<vmem>>) dst(%dma_wait3A_126 : memref<64x128xf32, #tpu.memory_space<hbm>>)
      tpu.yield
    }) : () -> ()
    %mul3A_105 = arith.constant 640 : i32
    %mul3A_106 = arith.muli %arg1, %mul3A_105 : i32
    %add3A_107 = arith.constant 448 : i32
    %add3A_108 = arith.addi %mul3A_106, %add3A_107 : i32
    "tpu.region"() ({
      %run_scoped3A = tpu.sem_alloc : memref<!tpu.dma_semaphore, #tpu.memory_space<semaphore_mem>>
      %dma_start3A = arith.constant 0 : i32
      %dma_start3A_117 = tpu.memref_slice %arg11[%add3A_108, %dma_start3A] : memref<10240x128xf32, #tpu.memory_space<vmem_shared>> -> memref<64x128xf32, #tpu.memory_space<vmem_shared>>
      %dma_start3A_118 = arith.constant 0 : i32
      %dma_start3A_119 = tpu.memref_slice %arg11[%add3A_108, %dma_start3A_118] : memref<10240x128xf32, #tpu.memory_space<vmem_shared>> -> memref<64x128xf32, #tpu.memory_space<vmem_shared>>
      tpu.enqueue_dma source(%dma_start3A_119 : memref<64x128xf32, #tpu.memory_space<vmem_shared>>) target(%arg7 : memref<64x128xf32, #tpu.memory_space<vmem>>) target_semaphore(%run_scoped3A : memref<!tpu.dma_semaphore, #tpu.memory_space<semaphore_mem>>)
      %dma_wait3A = arith.constant 0 : i32
      %dma_wait3A_120 = tpu.memref_slice %arg11[%add3A_108, %dma_wait3A] : memref<10240x128xf32, #tpu.memory_space<vmem_shared>> -> memref<64x128xf32, #tpu.memory_space<vmem_shared>>
      %dma_wait3A_121 = arith.constant 0 : i32
      %dma_wait3A_122 = tpu.memref_slice %arg11[%add3A_108, %dma_wait3A_121] : memref<10240x128xf32, #tpu.memory_space<vmem_shared>> -> memref<64x128xf32, #tpu.memory_space<vmem_shared>>
      tpu.wait_dma2 semaphore(%run_scoped3A : memref<!tpu.dma_semaphore, #tpu.memory_space<semaphore_mem>>) src(%dma_wait3A_122 : memref<64x128xf32, #tpu.memory_space<vmem_shared>>) dst(%arg7 : memref<64x128xf32, #tpu.memory_space<vmem>>)
      tpu.yield
    }) : () -> ()
    "tpu.region"() ({
      %run_scoped3A = tpu.sem_alloc : memref<!tpu.dma_semaphore, #tpu.memory_space<semaphore_mem>>
      %dma_start3A = arith.constant 0 : i32
      %dma_start3A_117 = tpu.memref_slice %arg4[%arg0, %add3A_108, %dma_start3A] : memref<2x10240x128xf32, #tpu.memory_space<hbm>> -> memref<1x64x128xf32, #tpu.memory_space<hbm>>
      %dma_start3A_118 = tpu.memref_squeeze %dma_start3A_117 : memref<1x64x128xf32, #tpu.memory_space<hbm>> -> memref<64x128xf32, #tpu.memory_space<hbm>>
      %dma_start3A_119 = arith.constant 0 : i32
      %dma_start3A_120 = tpu.memref_slice %arg4[%arg0, %add3A_108, %dma_start3A_119] : memref<2x10240x128xf32, #tpu.memory_space<hbm>> -> memref<1x64x128xf32, #tpu.memory_space<hbm>>
      %dma_start3A_121 = tpu.memref_squeeze %dma_start3A_120 : memref<1x64x128xf32, #tpu.memory_space<hbm>> -> memref<64x128xf32, #tpu.memory_space<hbm>>
      tpu.enqueue_dma source(%arg7 : memref<64x128xf32, #tpu.memory_space<vmem>>) target(%dma_start3A_121 : memref<64x128xf32, #tpu.memory_space<hbm>>) target_semaphore(%run_scoped3A : memref<!tpu.dma_semaphore, #tpu.memory_space<semaphore_mem>>)
      %dma_wait3A = arith.constant 0 : i32
      %dma_wait3A_122 = tpu.memref_slice %arg4[%arg0, %add3A_108, %dma_wait3A] : memref<2x10240x128xf32, #tpu.memory_space<hbm>> -> memref<1x64x128xf32, #tpu.memory_space<hbm>>
      %dma_wait3A_123 = tpu.memref_squeeze %dma_wait3A_122 : memref<1x64x128xf32, #tpu.memory_space<hbm>> -> memref<64x128xf32, #tpu.memory_space<hbm>>
      %dma_wait3A_124 = arith.constant 0 : i32
      %dma_wait3A_125 = tpu.memref_slice %arg4[%arg0, %add3A_108, %dma_wait3A_124] : memref<2x10240x128xf32, #tpu.memory_space<hbm>> -> memref<1x64x128xf32, #tpu.memory_space<hbm>>
      %dma_wait3A_126 = tpu.memref_squeeze %dma_wait3A_125 : memref<1x64x128xf32, #tpu.memory_space<hbm>> -> memref<64x128xf32, #tpu.memory_space<hbm>>
      tpu.wait_dma2 semaphore(%run_scoped3A : memref<!tpu.dma_semaphore, #tpu.memory_space<semaphore_mem>>) src(%arg7 : memref<64x128xf32, #tpu.memory_space<vmem>>) dst(%dma_wait3A_126 : memref<64x128xf32, #tpu.memory_space<hbm>>)
      tpu.yield
    }) : () -> ()
    %mul3A_109 = arith.constant 640 : i32
    %mul3A_110 = arith.muli %arg1, %mul3A_109 : i32
    %add3A_111 = arith.constant 512 : i32
    %add3A_112 = arith.addi %mul3A_110, %add3A_111 : i32
    "tpu.region"() ({
      %run_scoped3A = tpu.sem_alloc : memref<!tpu.dma_semaphore, #tpu.memory_space<semaphore_mem>>
      %dma_start3A = arith.constant 0 : i32
      %dma_start3A_117 = tpu.memref_slice %arg11[%add3A_112, %dma_start3A] : memref<10240x128xf32, #tpu.memory_space<vmem_shared>> -> memref<64x128xf32, #tpu.memory_space<vmem_shared>>
      %dma_start3A_118 = arith.constant 0 : i32
      %dma_start3A_119 = tpu.memref_slice %arg11[%add3A_112, %dma_start3A_118] : memref<10240x128xf32, #tpu.memory_space<vmem_shared>> -> memref<64x128xf32, #tpu.memory_space<vmem_shared>>
      tpu.enqueue_dma source(%dma_start3A_119 : memref<64x128xf32, #tpu.memory_space<vmem_shared>>) target(%arg7 : memref<64x128xf32, #tpu.memory_space<vmem>>) target_semaphore(%run_scoped3A : memref<!tpu.dma_semaphore, #tpu.memory_space<semaphore_mem>>)
      %dma_wait3A = arith.constant 0 : i32
      %dma_wait3A_120 = tpu.memref_slice %arg11[%add3A_112, %dma_wait3A] : memref<10240x128xf32, #tpu.memory_space<vmem_shared>> -> memref<64x128xf32, #tpu.memory_space<vmem_shared>>
      %dma_wait3A_121 = arith.constant 0 : i32
      %dma_wait3A_122 = tpu.memref_slice %arg11[%add3A_112, %dma_wait3A_121] : memref<10240x128xf32, #tpu.memory_space<vmem_shared>> -> memref<64x128xf32, #tpu.memory_space<vmem_shared>>
      tpu.wait_dma2 semaphore(%run_scoped3A : memref<!tpu.dma_semaphore, #tpu.memory_space<semaphore_mem>>) src(%dma_wait3A_122 : memref<64x128xf32, #tpu.memory_space<vmem_shared>>) dst(%arg7 : memref<64x128xf32, #tpu.memory_space<vmem>>)
      tpu.yield
    }) : () -> ()
    "tpu.region"() ({
      %run_scoped3A = tpu.sem_alloc : memref<!tpu.dma_semaphore, #tpu.memory_space<semaphore_mem>>
      %dma_start3A = arith.constant 0 : i32
      %dma_start3A_117 = tpu.memref_slice %arg4[%arg0, %add3A_112, %dma_start3A] : memref<2x10240x128xf32, #tpu.memory_space<hbm>> -> memref<1x64x128xf32, #tpu.memory_space<hbm>>
      %dma_start3A_118 = tpu.memref_squeeze %dma_start3A_117 : memref<1x64x128xf32, #tpu.memory_space<hbm>> -> memref<64x128xf32, #tpu.memory_space<hbm>>
      %dma_start3A_119 = arith.constant 0 : i32
      %dma_start3A_120 = tpu.memref_slice %arg4[%arg0, %add3A_112, %dma_start3A_119] : memref<2x10240x128xf32, #tpu.memory_space<hbm>> -> memref<1x64x128xf32, #tpu.memory_space<hbm>>
      %dma_start3A_121 = tpu.memref_squeeze %dma_start3A_120 : memref<1x64x128xf32, #tpu.memory_space<hbm>> -> memref<64x128xf32, #tpu.memory_space<hbm>>
      tpu.enqueue_dma source(%arg7 : memref<64x128xf32, #tpu.memory_space<vmem>>) target(%dma_start3A_121 : memref<64x128xf32, #tpu.memory_space<hbm>>) target_semaphore(%run_scoped3A : memref<!tpu.dma_semaphore, #tpu.memory_space<semaphore_mem>>)
      %dma_wait3A = arith.constant 0 : i32
      %dma_wait3A_122 = tpu.memref_slice %arg4[%arg0, %add3A_112, %dma_wait3A] : memref<2x10240x128xf32, #tpu.memory_space<hbm>> -> memref<1x64x128xf32, #tpu.memory_space<hbm>>
      %dma_wait3A_123 = tpu.memref_squeeze %dma_wait3A_122 : memref<1x64x128xf32, #tpu.memory_space<hbm>> -> memref<64x128xf32, #tpu.memory_space<hbm>>
      %dma_wait3A_124 = arith.constant 0 : i32
      %dma_wait3A_125 = tpu.memref_slice %arg4[%arg0, %add3A_112, %dma_wait3A_124] : memref<2x10240x128xf32, #tpu.memory_space<hbm>> -> memref<1x64x128xf32, #tpu.memory_space<hbm>>
      %dma_wait3A_126 = tpu.memref_squeeze %dma_wait3A_125 : memref<1x64x128xf32, #tpu.memory_space<hbm>> -> memref<64x128xf32, #tpu.memory_space<hbm>>
      tpu.wait_dma2 semaphore(%run_scoped3A : memref<!tpu.dma_semaphore, #tpu.memory_space<semaphore_mem>>) src(%arg7 : memref<64x128xf32, #tpu.memory_space<vmem>>) dst(%dma_wait3A_126 : memref<64x128xf32, #tpu.memory_space<hbm>>)
      tpu.yield
    }) : () -> ()
    %mul3A_113 = arith.constant 640 : i32
    %mul3A_114 = arith.muli %arg1, %mul3A_113 : i32
    %add3A_115 = arith.constant 576 : i32
    %add3A_116 = arith.addi %mul3A_114, %add3A_115 : i32
    "tpu.region"() ({
      %run_scoped3A = tpu.sem_alloc : memref<!tpu.dma_semaphore, #tpu.memory_space<semaphore_mem>>
      %dma_start3A = arith.constant 0 : i32
      %dma_start3A_117 = tpu.memref_slice %arg11[%add3A_116, %dma_start3A] : memref<10240x128xf32, #tpu.memory_space<vmem_shared>> -> memref<64x128xf32, #tpu.memory_space<vmem_shared>>
      %dma_start3A_118 = arith.constant 0 : i32
      %dma_start3A_119 = tpu.memref_slice %arg11[%add3A_116, %dma_start3A_118] : memref<10240x128xf32, #tpu.memory_space<vmem_shared>> -> memref<64x128xf32, #tpu.memory_space<vmem_shared>>
      tpu.enqueue_dma source(%dma_start3A_119 : memref<64x128xf32, #tpu.memory_space<vmem_shared>>) target(%arg7 : memref<64x128xf32, #tpu.memory_space<vmem>>) target_semaphore(%run_scoped3A : memref<!tpu.dma_semaphore, #tpu.memory_space<semaphore_mem>>)
      %dma_wait3A = arith.constant 0 : i32
      %dma_wait3A_120 = tpu.memref_slice %arg11[%add3A_116, %dma_wait3A] : memref<10240x128xf32, #tpu.memory_space<vmem_shared>> -> memref<64x128xf32, #tpu.memory_space<vmem_shared>>
      %dma_wait3A_121 = arith.constant 0 : i32
      %dma_wait3A_122 = tpu.memref_slice %arg11[%add3A_116, %dma_wait3A_121] : memref<10240x128xf32, #tpu.memory_space<vmem_shared>> -> memref<64x128xf32, #tpu.memory_space<vmem_shared>>
      tpu.wait_dma2 semaphore(%run_scoped3A : memref<!tpu.dma_semaphore, #tpu.memory_space<semaphore_mem>>) src(%dma_wait3A_122 : memref<64x128xf32, #tpu.memory_space<vmem_shared>>) dst(%arg7 : memref<64x128xf32, #tpu.memory_space<vmem>>)
      tpu.yield
    }) : () -> ()
    "tpu.region"() ({
      %run_scoped3A = tpu.sem_alloc : memref<!tpu.dma_semaphore, #tpu.memory_space<semaphore_mem>>
      %dma_start3A = arith.constant 0 : i32
      %dma_start3A_117 = tpu.memref_slice %arg4[%arg0, %add3A_116, %dma_start3A] : memref<2x10240x128xf32, #tpu.memory_space<hbm>> -> memref<1x64x128xf32, #tpu.memory_space<hbm>>
      %dma_start3A_118 = tpu.memref_squeeze %dma_start3A_117 : memref<1x64x128xf32, #tpu.memory_space<hbm>> -> memref<64x128xf32, #tpu.memory_space<hbm>>
      %dma_start3A_119 = arith.constant 0 : i32
      %dma_start3A_120 = tpu.memref_slice %arg4[%arg0, %add3A_116, %dma_start3A_119] : memref<2x10240x128xf32, #tpu.memory_space<hbm>> -> memref<1x64x128xf32, #tpu.memory_space<hbm>>
      %dma_start3A_121 = tpu.memref_squeeze %dma_start3A_120 : memref<1x64x128xf32, #tpu.memory_space<hbm>> -> memref<64x128xf32, #tpu.memory_space<hbm>>
      tpu.enqueue_dma source(%arg7 : memref<64x128xf32, #tpu.memory_space<vmem>>) target(%dma_start3A_121 : memref<64x128xf32, #tpu.memory_space<hbm>>) target_semaphore(%run_scoped3A : memref<!tpu.dma_semaphore, #tpu.memory_space<semaphore_mem>>)
      %dma_wait3A = arith.constant 0 : i32
      %dma_wait3A_122 = tpu.memref_slice %arg4[%arg0, %add3A_116, %dma_wait3A] : memref<2x10240x128xf32, #tpu.memory_space<hbm>> -> memref<1x64x128xf32, #tpu.memory_space<hbm>>
      %dma_wait3A_123 = tpu.memref_squeeze %dma_wait3A_122 : memref<1x64x128xf32, #tpu.memory_space<hbm>> -> memref<64x128xf32, #tpu.memory_space<hbm>>
      %dma_wait3A_124 = arith.constant 0 : i32
      %dma_wait3A_125 = tpu.memref_slice %arg4[%arg0, %add3A_116, %dma_wait3A_124] : memref<2x10240x128xf32, #tpu.memory_space<hbm>> -> memref<1x64x128xf32, #tpu.memory_space<hbm>>
      %dma_wait3A_126 = tpu.memref_squeeze %dma_wait3A_125 : memref<1x64x128xf32, #tpu.memory_space<hbm>> -> memref<64x128xf32, #tpu.memory_space<hbm>>
      tpu.wait_dma2 semaphore(%run_scoped3A : memref<!tpu.dma_semaphore, #tpu.memory_space<semaphore_mem>>) src(%arg7 : memref<64x128xf32, #tpu.memory_space<vmem>>) dst(%dma_wait3A_126 : memref<64x128xf32, #tpu.memory_space<hbm>>)
      tpu.yield
    }) : () -> ()
    return
  }
}

module attributes {stable_mosaic.version = 14 : i64} {
  func.func @_pre_body(%arg0: memref<10000x128xf32, #tpu.memory_space<vmem>>, %arg1: memref<2x10240xf32, #tpu.memory_space<vmem>>, %arg2: memref<128x128xf32, #tpu.memory_space<vmem>>, %arg3: memref<384x128xf32, #tpu.memory_space<vmem>>, %arg4: memref<384x128xf32, #tpu.memory_space<vmem>>, %arg5: memref<384xf32, #tpu.memory_space<vmem>>, %arg6: memref<384xf32, #tpu.memory_space<vmem>>, %arg7: memref<10000x128xf32, #tpu.memory_space<vmem>>) attributes {dimension_semantics = [], scalar_prefetch = 0 : i64, scratch_operands = 0 : i64, tpu.core_type = #tpu.core_type<tc>} {
    %get3A = arith.constant 0 : index
    %get3A_0 = arith.constant 0 : index
    %get3A_1 = vector.load %arg2[%get3A, %get3A_0] : memref<128x128xf32, #tpu.memory_space<vmem>>, vector<128x128xf32>
    %get3A_2 = arith.constant 0 : index
    %get3A_3 = arith.constant 0 : index
    %get3A_4 = vector.load %arg3[%get3A_2, %get3A_3] : memref<384x128xf32, #tpu.memory_space<vmem>>, vector<384x128xf32>
    %dot_general3A = arith.constant dense<0.000000e+00> : vector<128x384xf32>
    %dot_general3A_5 = tpu.matmul %get3A_1, %get3A_4, %dot_general3A {dimension_numbers = #tpu.dot_dimension_numbers<[1], [1], [0], [0], [0, 0, 1, 0], [], []>, transpose_lhs_hint = false} : vector<128x128xf32>, vector<384x128xf32>, vector<128x384xf32> -> vector<128x384xf32>
    %get3A_6 = arith.constant 0 : index
    %get3A_7 = vector.load %arg5[%get3A_6] : memref<384xf32, #tpu.memory_space<vmem>>, vector<384xf32>
    %broadcast_in_dim3A = vector.shape_cast %get3A_7 : vector<384xf32> to vector<1x384xf32>
    %add3A = vector.broadcast %broadcast_in_dim3A : vector<1x384xf32> to vector<128x384xf32>
    %add3A_8 = arith.addf %dot_general3A_5, %add3A : vector<128x384xf32>
    %get3A_9 = arith.constant 0 : index
    %get3A_10 = arith.constant 0 : index
    %get3A_11 = vector.load %arg4[%get3A_9, %get3A_10] : memref<384x128xf32, #tpu.memory_space<vmem>>, vector<384x128xf32>
    %dot_general3A_12 = arith.constant dense<0.000000e+00> : vector<128x384xf32>
    %dot_general3A_13 = tpu.matmul %get3A_1, %get3A_11, %dot_general3A_12 {dimension_numbers = #tpu.dot_dimension_numbers<[1], [1], [0], [0], [0, 0, 1, 0], [], []>, transpose_lhs_hint = false} : vector<128x128xf32>, vector<384x128xf32>, vector<128x384xf32> -> vector<128x384xf32>
    %get3A_14 = arith.constant 0 : index
    %get3A_15 = vector.load %arg6[%get3A_14] : memref<384xf32, #tpu.memory_space<vmem>>, vector<384xf32>
    %broadcast_in_dim3A_16 = vector.shape_cast %get3A_15 : vector<384xf32> to vector<1x384xf32>
    %add3A_17 = vector.broadcast %broadcast_in_dim3A_16 : vector<1x384xf32> to vector<128x384xf32>
    %add3A_18 = arith.addf %dot_general3A_13, %add3A_17 : vector<128x384xf32>
    %slice3A = vector.extract_strided_slice %add3A_8 {offsets = [0, 0], sizes = [128, 128], strides = [1, 1]} : vector<128x384xf32> to vector<128x128xf32>
    %slice3A_19 = vector.extract_strided_slice %add3A_18 {offsets = [0, 0], sizes = [128, 128], strides = [1, 1]} : vector<128x384xf32> to vector<128x128xf32>
    %add3A_20 = arith.addf %slice3A, %slice3A_19 : vector<128x128xf32>
    %logistic3A = arith.negf %add3A_20 : vector<128x128xf32>
    %logistic3A_21 = math.exp %logistic3A : vector<128x128xf32>
    %logistic3A_22 = arith.constant 1.000000e+00 : f32
    %logistic3A_23 = vector.broadcast %logistic3A_22 : f32 to vector<128x128xf32>
    %logistic3A_24 = arith.addf %logistic3A_23, %logistic3A_21 : vector<128x128xf32>
    %logistic3A_25 = arith.divf %logistic3A_23, %logistic3A_24 : vector<128x128xf32>
    %slice3A_26 = vector.extract_strided_slice %add3A_8 {offsets = [0, 128], sizes = [128, 128], strides = [1, 1]} : vector<128x384xf32> to vector<128x128xf32>
    %slice3A_27 = vector.extract_strided_slice %add3A_18 {offsets = [0, 128], sizes = [128, 128], strides = [1, 1]} : vector<128x384xf32> to vector<128x128xf32>
    %add3A_28 = arith.addf %slice3A_26, %slice3A_27 : vector<128x128xf32>
    %logistic3A_29 = arith.negf %add3A_28 : vector<128x128xf32>
    %logistic3A_30 = math.exp %logistic3A_29 : vector<128x128xf32>
    %logistic3A_31 = arith.constant 1.000000e+00 : f32
    %logistic3A_32 = vector.broadcast %logistic3A_31 : f32 to vector<128x128xf32>
    %logistic3A_33 = arith.addf %logistic3A_32, %logistic3A_30 : vector<128x128xf32>
    %logistic3A_34 = arith.divf %logistic3A_32, %logistic3A_33 : vector<128x128xf32>
    %slice3A_35 = vector.extract_strided_slice %add3A_8 {offsets = [0, 256], sizes = [128, 128], strides = [1, 1]} : vector<128x384xf32> to vector<128x128xf32>
    %slice3A_36 = vector.extract_strided_slice %add3A_18 {offsets = [0, 256], sizes = [128, 128], strides = [1, 1]} : vector<128x384xf32> to vector<128x128xf32>
    %mul3A = arith.mulf %logistic3A_25, %slice3A_36 : vector<128x128xf32>
    %add3A_37 = arith.addf %slice3A_35, %mul3A : vector<128x128xf32>
    %tanh3A = math.tanh %add3A_37 : vector<128x128xf32>
    %sub3A = arith.constant 1.000000e+00 : f32
    %sub3A_38 = vector.broadcast %sub3A : f32 to vector<128x128xf32>
    %sub3A_39 = arith.subf %sub3A_38, %logistic3A_34 : vector<128x128xf32>
    %mul3A_40 = arith.mulf %sub3A_39, %tanh3A : vector<128x128xf32>
    %mul3A_41 = arith.mulf %logistic3A_34, %get3A_1 : vector<128x128xf32>
    %add3A_42 = arith.addf %mul3A_40, %mul3A_41 : vector<128x128xf32>
    %get3A_43 = arith.constant 0 : index
    %get3A_44 = arith.constant 0 : index
    %get3A_45 = vector.load %arg0[%get3A_43, %get3A_44] : memref<10000x128xf32, #tpu.memory_space<vmem>>, vector<10000x128xf32>
    %dot_general3A_46 = arith.constant dense<0.000000e+00> : vector<10000x128xf32>
    %dot_general3A_47 = tpu.matmul %get3A_45, %add3A_42, %dot_general3A_46 {dimension_numbers = #tpu.dot_dimension_numbers<[1], [0], [0], [1], [0, 0, 1, 1], [], []>, transpose_lhs_hint = false} : vector<10000x128xf32>, vector<128x128xf32>, vector<10000x128xf32> -> vector<10000x128xf32>
    %get3A_48 = arith.constant 0 : index
    %get3A_49 = arith.constant 0 : index
    %get3A_50 = vector.load %arg1[%get3A_48, %get3A_49] : memref<2x10240xf32, #tpu.memory_space<vmem>>, vector<1x10000xf32>
    %get3A_51 = vector.shape_cast %get3A_50 : vector<1x10000xf32> to vector<10000xf32>
    %add3A_52 = arith.constant 1.000000e+00 : f32
    %add3A_53 = vector.broadcast %add3A_52 : f32 to vector<10000xf32>
    %add3A_54 = arith.addf %add3A_53, %get3A_51 : vector<10000xf32>
    %get3A_55 = arith.constant 1 : index
    %get3A_56 = arith.constant 0 : index
    %get3A_57 = vector.load %arg1[%get3A_55, %get3A_56] : memref<2x10240xf32, #tpu.memory_space<vmem>>, vector<1x10000xf32>
    %get3A_58 = vector.shape_cast %get3A_57 : vector<1x10000xf32> to vector<10000xf32>
    %add3A_59 = arith.addf %add3A_54, %get3A_58 : vector<10000xf32>
    %rsqrt3A = math.rsqrt %add3A_59 : vector<10000xf32>
    %broadcast_in_dim3A_60 = vector.shape_cast %rsqrt3A : vector<10000xf32> to vector<10000x1xf32>
    %mul3A_61 = vector.broadcast %broadcast_in_dim3A_60 : vector<10000x1xf32> to vector<10000x128xf32>
    %mul3A_62 = arith.mulf %dot_general3A_47, %mul3A_61 : vector<10000x128xf32>
    %swap3A = arith.constant 0 : index
    %swap3A_63 = arith.constant 0 : index
    %swap3A_64 = vector.load %arg7[%swap3A, %swap3A_63] : memref<10000x128xf32, #tpu.memory_space<vmem>>, vector<10000x128xf32>
    tpu.vector_store %arg7[%swap3A, %swap3A_63], %mul3A_62 {strides = array<i32>} : memref<10000x128xf32, #tpu.memory_space<vmem>>, vector<10000x128xf32>,
    return
  }
}

module attributes {stable_mosaic.version = 14 : i64} {
  func.func @_post_body(%arg0: memref<2x10240x128xf32, #tpu.memory_space<vmem>>, %arg1: memref<10000x128xf32, #tpu.memory_space<vmem>>, %arg2: memref<2x10240xf32, #tpu.memory_space<vmem>>, %arg3: memref<2x128xf32, #tpu.memory_space<vmem>>, %arg4: memref<2xf32, #tpu.memory_space<vmem>>, %arg5: memref<10000x2xf32, #tpu.memory_space<vmem>>) attributes {dimension_semantics = [], scalar_prefetch = 0 : i64, scratch_operands = 0 : i64, tpu.core_type = #tpu.core_type<tc>} {
    %get3A = arith.constant 0 : index
    %get3A_0 = arith.constant 0 : index
    %get3A_1 = vector.load %arg2[%get3A, %get3A_0] : memref<2x10240xf32, #tpu.memory_space<vmem>>, vector<1x10000xf32>
    %get3A_2 = vector.shape_cast %get3A_1 : vector<1x10000xf32> to vector<10000xf32>
    %add3A = arith.constant 1.000000e+00 : f32
    %add3A_3 = vector.broadcast %add3A : f32 to vector<10000xf32>
    %add3A_4 = arith.addf %add3A_3, %get3A_2 : vector<10000xf32>
    %get3A_5 = arith.constant 1 : index
    %get3A_6 = arith.constant 0 : index
    %get3A_7 = vector.load %arg2[%get3A_5, %get3A_6] : memref<2x10240xf32, #tpu.memory_space<vmem>>, vector<1x10000xf32>
    %get3A_8 = vector.shape_cast %get3A_7 : vector<1x10000xf32> to vector<10000xf32>
    %add3A_9 = arith.addf %add3A_4, %get3A_8 : vector<10000xf32>
    %rsqrt3A = math.rsqrt %add3A_9 : vector<10000xf32>
    %get3A_10 = arith.constant 0 : index
    %get3A_11 = arith.constant 0 : index
    %get3A_12 = arith.constant 0 : index
    %get3A_13 = vector.load %arg0[%get3A_10, %get3A_11, %get3A_12] : memref<2x10240x128xf32, #tpu.memory_space<vmem>>, vector<1x10000x128xf32>
    %get3A_14 = vector.shape_cast %get3A_13 : vector<1x10000x128xf32> to vector<10000x128xf32>
    %get3A_15 = arith.constant 1 : index
    %get3A_16 = arith.constant 0 : index
    %get3A_17 = arith.constant 0 : index
    %get3A_18 = vector.load %arg0[%get3A_15, %get3A_16, %get3A_17] : memref<2x10240x128xf32, #tpu.memory_space<vmem>>, vector<1x10000x128xf32>
    %get3A_19 = vector.shape_cast %get3A_18 : vector<1x10000x128xf32> to vector<10000x128xf32>
    %add3A_20 = arith.addf %get3A_14, %get3A_19 : vector<10000x128xf32>
    %get3A_21 = arith.constant 0 : index
    %get3A_22 = arith.constant 0 : index
    %get3A_23 = vector.load %arg1[%get3A_21, %get3A_22] : memref<10000x128xf32, #tpu.memory_space<vmem>>, vector<10000x128xf32>
    %add3A_24 = arith.addf %add3A_20, %get3A_23 : vector<10000x128xf32>
    %broadcast_in_dim3A = vector.shape_cast %rsqrt3A : vector<10000xf32> to vector<10000x1xf32>
    %mul3A = vector.broadcast %broadcast_in_dim3A : vector<10000x1xf32> to vector<10000x128xf32>
    %mul3A_25 = arith.mulf %add3A_24, %mul3A : vector<10000x128xf32>
    %max3A = arith.constant 0.000000e+00 : f32
    %max3A_26 = vector.broadcast %max3A : f32 to vector<10000x128xf32>
    %max3A_27 = arith.maximumf %mul3A_25, %max3A_26 : vector<10000x128xf32>
    %get3A_28 = arith.constant 0 : index
    %get3A_29 = arith.constant 0 : index
    %get3A_30 = vector.load %arg3[%get3A_28, %get3A_29] : memref<2x128xf32, #tpu.memory_space<vmem>>, vector<2x128xf32>
    %dot_general3A = arith.constant dense<0.000000e+00> : vector<10000x2xf32>
    %dot_general3A_31 = tpu.matmul %max3A_27, %get3A_30, %dot_general3A {dimension_numbers = #tpu.dot_dimension_numbers<[1], [1], [0], [0], [0, 0, 1, 0], [], []>, transpose_lhs_hint = false} : vector<10000x128xf32>, vector<2x128xf32>, vector<10000x2xf32> -> vector<10000x2xf32>
    %get3A_32 = arith.constant 0 : index
    %get3A_33 = vector.load %arg4[%get3A_32] : memref<2xf32, #tpu.memory_space<vmem>>, vector<2xf32>
    %broadcast_in_dim3A_34 = vector.shape_cast %get3A_33 : vector<2xf32> to vector<1x2xf32>
    %add3A_35 = vector.broadcast %broadcast_in_dim3A_34 : vector<1x2xf32> to vector<10000x2xf32>
    %add3A_36 = arith.addf %dot_general3A_31, %add3A_35 : vector<10000x2xf32>
    %swap3A = arith.constant 0 : index
    %swap3A_37 = arith.constant 0 : index
    %swap3A_38 = vector.load %arg5[%swap3A, %swap3A_37] : memref<10000x2xf32, #tpu.memory_space<vmem>>, vector<10000x2xf32>
    tpu.vector_store %arg5[%swap3A, %swap3A_37], %add3A_36 {strides = array<i32>} : memref<10000x2xf32, #tpu.memory_space<vmem>>, vector<10000x2xf32>,
    return
  }
}

</mosaic_0001>

<sc_bundles>
// kernel: kernel.6.cloned.1.call-start
scs
__scs_entry_jumppad:
0x0: {  	(pc) =	sbr.rel $0x88, $3  }
0x1: {  	(tag) =	ssettag $0x0;
	lr =	simm.s32 $0x1  }
0x2: {  	[smem:$0x3F98] =	sst lr;
	_ =	strace $0xD0000000  }
0x3: {  	_ = 	snop  }
0x4: {  	_ = 	snop  }
0x5: {  	_ = 	snop  }
0x6: {  	_ = 	snop  }
0x7: {  	_ = 	snop  }
__scs_overlays_trampoline_lowered:
0x8: {  	[smem:$0x3FA7] =	sst s0  }
0x9: {  	[smem:$0x3FA8] =	sst s1  }
0xa: {  	[smem:$0x3FA9] =	sst s2  }
0xb: {  	[smem:$0x3FAA] =	sst s3  }
0xc: {  	[smem:$0x3FAB] =	sst s4  }
0xd: {  	[smem:$0x3FAC] =	sst s5  }
0xe: {  	[smem:$0x3FAD] =	sst s6  }
0xf: {  	[smem:$0x3FAE] =	sst s7  }
0x10: {  	[smem:$0x3FAF] =	sst s8  }
0x11: {  	[smem:$0x3FB0] =	sst s9;
	s0 =	simm.s32 @!p0 $0x0  }
0x12: {  	s1 =	sld [smem:$0x3F96];
	s0 =	simm.s32 @p0 $0x1  }
0x13: {  	[smem:$0x3FB1] =	sst s0;
	s0 =	simm.s32 @!p1 $0x0  }
0x14: {  	s2 =	sld [smem:$0x3F95];
	s0 =	simm.s32 @p1 $0x1  }
0x15: {  	[smem:$0x3FB2] =	sst s0;
	s0 =	simm.s32 @!p2 $0x0  }
0x16: {  	s3 =	sld [smem:$0x3FDB];
	s0 =	simm.s32 @p2 $0x1  }
0x17: {  	s4 =	simm.s32 $0x1BF5;
	[smem:$0x3FB4] =	sst s0  }
0x18: {  	s0 =	sld [smem:$0x3F97];
	_ =	swait.ge [sflag:s4], $0x0  }
0x19: {  	s7 =	sld [smem:$0x3F98]  }
0x1a: {  	s8 =	sadd.s32 $0xFFFFE003, lr  }
0x1b: {  	s9 =	sadd.s32 $0xFFFFFEF7, lr;
	s5 =	simm.s32 $0xFFFFFFFF;
	p2 =	slt.u32 s8, $0xFFFFF086  }
0x1c: {  	p1 =	slt.u32 s9, $0xF7A;
	s5 =	simm.s32 @!p2 $0x0  }
0x1d: {  	s5 =	simm.s32 @p1 $0x1;
	p0 =	seq.s32 s7, s2  }
0x1e: {  	s7 =	smul.u32 @!p0 $0xF7A, s2;
	p2 =	seq.s32 @!p0 s5, $0x0  }
0x1f: {  	s9 =	smul.u32 $0xF7A, s1;
	s8 =	simm.s32 @!p0 $0x1BF5;
	p2 =	por !p2, p0  }
0x20: {  	[sflag:s8] =	ssyncset.s32 @!p0 $0xFFFFF086;
	s6 =	sadd.s32 @!p0 s3, s7;
	s7 =	simm.s32 @!p0 $0x108  }
0x21: {  	s3 =	sadd.s32 s3, s9;
	s6 =	sadd.s32 @!p0 $0x88, s6;
	s7 =	simm.s32 @p2 $0x1082  }
0x22: {  	[simem:s7], [sflag:s8] =	dma.local @!p0 [hbm:s6], $0xF7A  }
0x23: {  	s9 =	sor.u32 $0xD0000000, s2;
	s6 =	simm.s32 $0x108;
	_ =	swait.ge @!p0 [sflag:s8], $0x0  }
0x24: {  	s3 =	sadd.s32 $0x88, s3;
	s6 =	simm.s32 @!p1 $0x1082;
	[sflag:s4] =	ssyncset.s32 $0xFFFFF086  }
0x25: {  	[simem:s6], [sflag:s4] =	dma.local [hbm:s3], $0xF7A  }
0x26: {  	[smem:$0x3F98] =	sst s1;
	(tag) =	ssettag s2;
	_ =	strace s9  }
0x27: {  	s1 =	sld [smem:$0x3FA8]  }
0x28: {  	s2 =	sld [smem:$0x3FA9]  }
0x29: {  	s4 =	sld [smem:$0x3FAB]  }
0x2a: {  	p0 =	seq.s32 s5, $0x0;
	s5 =	sld [smem:$0x3FAC]  }
0x2b: {  	s6 =	sld [smem:$0x3FAD]  }
0x2c: {  	s7 =	sld [smem:$0x3FAE]  }
0x2d: {  	s3 =	simm.s32 $0x108;
	s8 =	sld [smem:$0x3FAF]  }
0x2e: {  	s3 =	simm.s32 @!p0 $0x1082;
	s9 =	sld [smem:$0x3FB0]  }
0x2f: {  	lr =	sadd.s32 s0, s3;
	s0 =	sld [smem:$0x3FA7]  }
0x30: {  	s3 =	sld [smem:$0x3FAA]  }
0x31: {  	[smem:$0x3FB3] =	sst s10  }
0x32: {  	s10 =	sld [smem:$0x3FB1];
	_ =	sdelay $0x3  }
0x33: {  	p0 =	seq.s32 s10, $0x1;
	s10 =	sld [smem:$0x3FB3];
	_ =	sdelay $0x3  }
0x34: {  	[smem:$0x3FB3] =	sst s10  }
0x35: {  	s10 =	sld [smem:$0x3FB2];
	_ =	sdelay $0x3  }
0x36: {  	p1 =	seq.s32 s10, $0x1;
	s10 =	sld [smem:$0x3FB3];
	_ =	sdelay $0x3  }
0x37: {  	[smem:$0x3FB3] =	sst s10  }
0x38: {  	s10 =	sld [smem:$0x3FB4]  }
0x39: {  	_ = 	snop;
	(pc) =	sbr.ind lr, $3  }
0x3a: {  	_ = 	snop  }
0x3b: {  	_ = 	snop  }
0x3c: {  	p2 =	seq.s32 s10, $0x1;
	s10 =	sld [smem:$0x3FB3]  }
0x3d: {  	_ =	shalt  }
0x3e: {  	_ =	shalt  }
0x3f: {  	_ =	shalt  }
0x40: {  	_ =	shalt  }
0x41: {  	_ =	shalt  }
0x42: {  	_ =	shalt  }
0x43: {  	_ =	shalt  }
0x44: {  	_ =	shalt  }
0x45: {  	_ =	shalt  }
0x46: {  	_ =	shalt  }
0x47: {  	_ =	shalt  }
0x48: {  	_ =	shalt  }
0x49: {  	_ =	shalt  }
0x4a: {  	_ =	shalt  }
0x4b: {  	_ =	shalt  }
0x4c: {  	_ =	shalt  }
0x4d: {  	_ =	shalt  }
0x4e: {  	_ =	shalt  }
0x4f: {  	_ =	shalt  }
0x50: {  	_ =	shalt  }
0x51: {  	_ =	shalt  }
0x52: {  	_ =	shalt  }
0x53: {  	_ =	shalt  }
0x54: {  	_ =	shalt  }
0x55: {  	_ =	shalt  }
0x56: {  	_ =	shalt  }
0x57: {  	_ =	shalt  }
0x58: {  	_ =	shalt  }
0x59: {  	_ =	shalt  }
0x5a: {  	_ =	shalt  }
0x5b: {  	_ =	shalt  }
0x5c: {  	_ =	shalt  }
0x5d: {  	_ =	shalt  }
0x5e: {  	_ =	shalt  }
0x5f: {  	_ =	shalt  }
0x60: {  	_ =	shalt  }
0x61: {  	_ =	shalt  }
0x62: {  	_ =	shalt  }
0x63: {  	_ =	shalt  }
0x64: {  	_ =	shalt  }
0x65: {  	_ =	shalt  }
0x66: {  	_ =	shalt  }
0x67: {  	_ =	shalt  }
0x68: {  	_ =	shalt  }
0x69: {  	_ =	shalt  }
0x6a: {  	_ =	shalt  }
0x6b: {  	_ =	shalt  }
0x6c: {  	_ =	shalt  }
0x6d: {  	_ =	shalt  }
0x6e: {  	_ =	shalt  }
0x6f: {  	_ =	shalt  }
0x70: {  	_ =	shalt  }
0x71: {  	_ =	shalt  }
0x72: {  	_ =	shalt  }
0x73: {  	_ =	shalt  }
0x74: {  	_ =	shalt  }
0x75: {  	_ =	shalt  }
0x76: {  	_ =	shalt  }
0x77: {  	_ =	shalt  }
0x78: {  	_ =	shalt  }
0x79: {  	_ =	shalt  }
0x7a: {  	_ =	shalt  }
0x7b: {  	_ =	shalt  }
0x7c: {  	_ =	shalt  }
0x7d: {  	_ =	shalt  }
0x7e: {  	_ =	shalt  }
0x7f: {  	_ =	shalt  }
0x80: {  	_ =	shalt  }
0x81: {  	_ =	shalt  }
0x82: {  	_ =	shalt  }
0x83: {  	_ =	shalt  }
0x84: {  	_ =	shalt  }
0x85: {  	_ =	shalt  }
0x86: {  	_ =	shalt  }
0x87: {  	_ =	shalt  }
.Lfunc_end0:
.L_simem_size_0:
called_computation_lowered:
.L_overlay_start_0:
0x88: {  	s2 =	sld [smem:$0x3FD9]  }
0x89: {  	s3 =	sld [smem:$0x3FFE];
	_ =	sdelay $0x1  }
0x8a: {  	s1 =	srdreg.scid  }
0x8b: {  	s0 =	sand.u32 $0x1, s1  }
0x8c: {  	s16 =	sshll.u32 s0, $0xA;
	s2 =	sadd.s32 s3, s2  }
0x8d: {  	s2 =	sadd.s32 s2, s16  }
0x8e: {  	[smem:$0x3FBF] =	sst s2  }
0x8f: {  	_ = 	snop  }
0x90: {  	(tm) =	ssettm $0x1  }
0x91: {  	s17 =	sld [smem:$0x3FFB];
	_ =	sdelay $0x3  }
0x92: {  	_ =	strace s17  }
0x93: {  	s2 =	sld [smem:$0x3FFC];
	_ =	sdelay $0x3  }
0x94: {  	_ =	strace s2  }
0x95: {  	s2 =	sld [smem:$0x3FFD];
	_ =	sdelay $0x3  }
0x96: {  	_ =	strace s2  }
0x97: {  	_ =	strace $0x8FFFFFFF  }
0x98: {  	s18 =	sld [smem:$0x3FDB];
	_ =	sdelay $0x1  }
0x99: {  	s19 =	simm.s32 $_scs_section_size  }
0x9a: {  	s4 =	simm.s32 $_size__tile_overlayer_lowered;
	s5 =	simm.s32 $_tile_overlayer_lowered  }
0x9b: {  	s22 =	simm.s32 $0x1BFF;
	s21 =	sshll.u32 s5, $0x1;
	s2 =	sadd.s32 s19, s18  }
0x9c: {  	s6 =	simm.s32 $0x0;
	s20 =	sshll.u32 s4, $0x1;
	s4 =	sadd.s32 s21, s2  }
0x9d: {  	[timem:s6], [sflag:s22] =	dma.local [hbm:s4], s20  }
0x9e: {  	_ =	swait.ge [sflag:s22], s20  }
0x9f: {  	s3 =	ssub.s32 $0x0, s20;
	[sflag:s22] =	ssyncset.done $0x0  }
0xa0: {  	[sflag:s22] =	ssyncadd.s32 s3;
	_ =	sdelay $0x1  }
0xa1: {  	s23 =	simm.s32 $0x1B8B  }
0xa2: {  	_ =	swait.ge [sflag:s23], $0x1  }
0xa3: {  	[sflag:s23] =	ssyncset.done $0x0  }
0xa4: {  	s25 =	simm.s32 $0x1B8E;
	s24 =	sld [smem:$0x3FFE];
	[sflag:s23] =	ssyncadd.s32 $0xFFFFFFFF  }
0xa5: {  	s26 =	simm.s32 $execute0_lowered;
	[smem:$0x3FD2] =	sst s25  }
0xa6: {  	s4 =	sshll.u32 s26, $0x1;
	_ =	strace $0x80000046;
	[dreg:$0x1] =	wrdreg $0xFFFFFFFF  }
0xa7: {  	s28 =	simm.s32 $_size_execute0_lowered;
	s2 =	sadd.s32 s2, s4;
	[dreg:$0x0] =	wrdreg $0x0  }
0xa8: {  	s4 =	sshll.u32 s28, $0x1;
	[dreg:$0x2] =	wrdreg s2  }
0xa9: {  	[dreg:$0x3] =	wrdreg s4  }
0xaa: {  	[dreg:$0x4] =	wrdreg $0xC0  }
0xab: {  	_ =	task [dreg:s6], $0x5FFFF  }
0xac: {  	[dreg:$0x1] =	wrdreg $0xFFFFFFFF  }
0xad: {  	[dreg:$0x0] =	wrdreg $0x60  }
0xae: {  	[dreg:$0x2] =	wrdreg s24  }
0xaf: {  	[dreg:$0x3] =	wrdreg $0x53000  }
0xb0: {  	[dreg:$0x4] =	wrdreg $0x9  }
0xb1: {  	_ =	task.clear_ibuf [dreg:s6], $0x5FFFF;
	_ =	strace $0x90000046  }
0xb2: {  	s29 =	simm.s32 $0x9;
	_ =	strace $0x80000048  }
0xb3: {  	_ =	swait.ge [sflag:s29], $0x1  }
0xb4: {  	[sflag:s29] =	ssyncadd.s32 $0xFFFFFFFF  }
0xb5: {  	_ =	strace $0x90000048  }
0xb6: {  	_ =	sfence  }
0xb7: {  	s30 =	sld [smem:$0x0];
	_ =	sdelay $0x2  }
0xb8: {  	s31 =	sshll.u32 s1, $0xD;
	s1 =	sshrl.u32 s1, $0x2  }
0xb9: {  	s3 =	sand.u32 $0x4000, s31;
	s1 =	sadd.s32 s1, s30  }
0xba: {  	s0 =	sor.u32 s3, s0;
	s1 =	sshll.u32 s1, $0x11  }
0xbb: {  	s0 =	sor.u32 s1, s0  }
0xbc: {  	s0 =	sadd.s32 $0x8F2B, s0  }
0xbd: {  	[sflag:s0] =	ssyncadd.remote.s32 $0x1  }
0xbe: {  	_ =	sfence.sel $0xFFFF  }
0xbf: {  	[dreg:$0x0] =	wrdreg $0xFFFFFFFF;
	(pc) =	sbr.abs _section_cstart, $3  }
0xc0: {  	[dreg:$0x1] =	wrdreg $0xFFFFFFFF  }
0xc1: {  	_ =	task.clear_ibuf [dreg:s6], $0x2FFFF;
	_ =	strace $0x9FFFFFFF  }
0xc2: {  	(tm) =	ssettm $0x7FFFFFFF  }
0xc3: {  	_ =	shalt  }
tec
execute0_lowered:
.L_overlay_start_1:
0x0: {  	(tag) =	ssettag $0x1  }
0x1: {  	s4 =	rddreg [dreg:$0x0]  }
0x2: {  	s2 =	rddreg [dreg:$0x1]  }
0x3: {  	s3 =	srdreg.scid;
	s1 =	stileid.u32  }
0x4: {  	s0 =	rddreg [dreg:$0x2];
	s10 =	simm.s32 $0x40;
	s11 =	simm.s32 $0x5000  }
0x5: {  	s12 =	simm.s32 $0x80;
	s13 =	simm.s32 $0x100;
	s14 =	simm.s32 $0x0  }
0x6: {  	s5 =	sand.u32 $0x1, s3;
	s6 =	sshll.u32 s1, $0x1;
	s7 =	smul.u32 $0x500, s1  }
0x7: {  	s3 =	simm.s32 $0x0;
	s30 =	smul.u32 $0xA00, s1;
	s6 =	sor.u32 s5, s6  }
0x8: {  	[smem:$0x7FF] =	sst s3;
	s8 =	sshll.u32 s5, $0x7;
	s5 =	ssub.s32 $0x2, s5  }
0x9: {  	s6 =	smul.u32 $0xA00, s6;
	_ =	strace $0x80000047;
	s7 =	sor.u32 s8, s7  }
0xa: {  	s31 =	sshrl.u32 s5, $0x1;
	s8 =	sshrl.u32 s30, $0x2;
	s7 =	sshrl.u32 s7, $0x3  }
0xb: {  	s9 =	ssub.s32 s5, s31;
	s6 =	sadd.s32 s6, s4;
	s7 =	sadd.s32 s7, s4  }
0xc: {  	s4 =	sadd.s32 s8, s2;
	s8 =	simm.s32 $0x5080;
	s5 =	sadd.s32 $0x1E00, s6  }
0xd: {  	v0 =	vimm.f32 $0.0e+00;
	v1 =	vimm.f32 $1.000000000e+00;
	s6 =	sadd.s32 $0x15E00, s7;
	s7 =	smax.u32 s9, $0x1;
	s9 =	simm.s32 $0x1  }
.LBB2_1:
0xe: {  	[tilespmem:$0x5080] =	vst v0  }
0xf: {  	[tilespmem:$0x5090] =	vst v0  }
0x10: {  	[tilespmem:$0x50A0] =	vst v0  }
0x11: {  	[tilespmem:$0x50B0] =	vst v0  }
0x12: {  	[tilespmem:$0x50C0] =	vst v0  }
0x13: {  	[tilespmem:$0x50D0] =	vst v0  }
0x14: {  	[tilespmem:$0x50E0] =	vst v0  }
0x15: {  	[tilespmem:$0x50F0] =	vst v0  }
0x16: {  	[tilespmem:$0x5100] =	vst v0  }
0x17: {  	[tilespmem:$0x5110] =	vst v0  }
0x18: {  	[tilespmem:$0x5120] =	vst v0  }
0x19: {  	[tilespmem:$0x5130] =	vst v0  }
0x1a: {  	[tilespmem:$0x5140] =	vst v0  }
0x1b: {  	[tilespmem:$0x5150] =	vst v0  }
0x1c: {  	[tilespmem:$0x5160] =	vst v0  }
0x1d: {  	[tilespmem:$0x5170] =	vst v0  }
0x1e: {  	[tilespmem:$0x5180] =	vst v0  }
0x1f: {  	[tilespmem:$0x5190] =	vst v0  }
0x20: {  	[tilespmem:$0x51A0] =	vst v0  }
0x21: {  	[tilespmem:$0x51B0] =	vst v0  }
0x22: {  	[tilespmem:$0x51C0] =	vst v0  }
0x23: {  	[tilespmem:$0x51D0] =	vst v0  }
0x24: {  	[tilespmem:$0x51E0] =	vst v0  }
0x25: {  	[tilespmem:$0x51F0] =	vst v0  }
0x26: {  	[tilespmem:$0x5200] =	vst v0  }
0x27: {  	[tilespmem:$0x5210] =	vst v0  }
0x28: {  	[tilespmem:$0x5220] =	vst v0  }
0x29: {  	[tilespmem:$0x5230] =	vst v0  }
0x2a: {  	[tilespmem:$0x5240] =	vst v0  }
0x2b: {  	[tilespmem:$0x5250] =	vst v0  }
0x2c: {  	[tilespmem:$0x5260] =	vst v0  }
0x2d: {  	[tilespmem:$0x5270] =	vst v0  }
0x2e: {  	[tilespmem:$0x5280] =	vst v0  }
0x2f: {  	[tilespmem:$0x5290] =	vst v0  }
0x30: {  	[tilespmem:$0x52A0] =	vst v0  }
0x31: {  	[tilespmem:$0x52B0] =	vst v0  }
0x32: {  	[tilespmem:$0x52C0] =	vst v0  }
0x33: {  	[tilespmem:$0x52D0] =	vst v0  }
0x34: {  	[tilespmem:$0x52E0] =	vst v0  }
0x35: {  	[tilespmem:$0x52F0] =	vst v0  }
0x36: {  	[tilespmem:$0x5000] =	vst v1  }
0x37: {  	[tilespmem:$0x5010] =	vst v1  }
0x38: {  	[tilespmem:$0x5020] =	vst v1  }
0x39: {  	[tilespmem:$0x5030] =	vst v1  }
0x3a: {  	[spmem:s4] =	stream.linear.scatter [tilespmem:s8], [sflag:$0x1], $0x280, $0x38;
	[tilespmem:$0x5580] =	vst v63  }
0x3b: {  	_ =	swait.ge [sflag:s9], $0x280  }
0x3c: {  	[sflag:s9] =	ssyncset.done $0x0  }
0x3d: {  	[sflag:s9] =	ssyncadd.s32 $0xFFFFFD80  }
0x3e: {  	[bflag:$0x0] =	sbarrier.arrive $0xFFFF  }
0x3f: {  	[tilespmem:s3], [sflag:$0x1] =	stream.linear.gather [hbm4b:s5+s3], $0x5000, $0x38;
	[tilespmem:$0x5580] =	vst v63  }
0x40: {  	_ =	swait.ge [sflag:s9], $0x5000  }
0x41: {  	[sflag:s9] =	ssyncset.done $0x0  }
0x42: {  	s15 =	simm.s32 $0x0;
	[sflag:s9] =	ssyncadd.s32 $0xFFFFB000  }
0x43: {  	[spmem:s2] =	stream.indirect.scatter.add.f32 [tilespmem:s11], [sflag:$0x1], $0x1, s15, s10, $0xb8;
	[tilespmem:$0x5580] =	vst v63  }
0x44: {  	_ =	swait.ge [sflag:s9], $0x40  }
0x45: {  	s15 =	simm.s32 $0x200;
	[sflag:s9] =	ssyncset.done $0x0  }
.LBB2_2:
0x46: {  	s16 =	sshra.s32 s15, $0x2;
	[sflag:s9] =	ssyncadd.s32 $0xFFFFFFC0;
	p0 =	sne.s32 s15, $0x13E00  }
0x47: {  	[spmem:s2] =	stream.indirect.scatter.add.f32 [tilespmem:s11], [sflag:$0x1], $0x1, s16, s10, $0xb8;
	[tilespmem:$0x5580] =	vst v63  }
.Ltmp0:
0x48: {  	_ = 	snop;
	(pc) =	sbr.rel @p0 .LBB2_2-.Ltmp0, $4  }
0x49: {  	_ = 	snop  }
0x4a: {  	s15 =	sadd.s32 $0x200, s15  }
0x4b: {  	_ =	swait.ge [sflag:s9], $0x40  }
0x4c: {  	[sflag:s9] =	ssyncset.done $0x0  }
0x4d: {  	[sflag:s9] =	ssyncadd.s32 $0xFFFFFFC0  }
0x4e: {  	[bflag:$0x0] =	sbarrier.arrive $0xFFFF  }
0x4f: {  	[tilespmem:s8], [sflag:$0x1] =	stream.linear.gather [spmem:s4], $0x280, $0x38;
	[tilespmem:$0x5580] =	vst v63  }
0x50: {  	s14 =	sadd.s32 $0x1, s14;
	_ =	swait.ge [sflag:s9], $0x280  }
0x51: {  	p0 =	sne.s32 s14, s7;
	[sflag:s9] =	ssyncset.done $0x0  }
.Ltmp1:
0x52: {  	[sflag:s9] =	ssyncadd.s32 $0xFFFFFD80;
	(pc) =	sbr.rel @p0 .LBB2_1-.Ltmp1, $4  }
0x53: {  	[hbm4b:s6+s12] =	stream.strided.scatter [tilespmem:s8], [sflag:$0x1], $0x280, s13, s12, $0x38;
	[tilespmem:$0x5580] =	vst v63  }
0x54: {  	_ =	swait.ge [sflag:s9], $0x280  }
0x55: {  	[sflag:s9] =	ssyncset.done $0x0  }
0x56: {  	[sflag:s9] =	ssyncadd.s32 $0xFFFFFD80  }
0x57: {  	_ =	sfence.sel $0x180000  }
0x58: {  	[bflag:$0x0] =	sbarrier.arrive $0xFFFF  }
0x59: {  	p0 =	sne.s32 s1, $0x0;
	_ =	strace $0x90000047  }
0x5a: {  	s0 =	sadd.s32 @!p0 $0x100000, s0;
	[bflag:$0x2] =	sbarrier.arrive $0xFFFF  }
0x5b: {  	[sflag:s0] =	ssyncadd.tile.s32 @!p0 $0x1;
	_ =	shalt  }
.Lfunc_end2:
_tile_overlayer_lowered:
.L_overlay_start_2:
0x5c: {  	(tag) =	ssettag $0x2  }
0x5d: {  	s0 =	rddreg [dreg:$0x0];
	s2 =	stileid.u32  }
0x5e: {  	s1 =	rddreg [dreg:$0x1];
	p0 =	sne.s32 s2, $0x0  }
0x5f: {  	s3 =	rddreg [dreg:$0x2];
	[bflag:$0x3] =	sbarrier.arrive $0xFFFF;
	s2 =	simm.s32 @!p0 $0x1C01  }
0x60: {  	[timem:s3], [sflag:s2] =	dma.local @!p0 [hbm:s0], s1  }
0x61: {  	s0 =	simm.s32 @!p0 $0x1  }
0x62: {  	_ =	swait.ge @!p0 [sflag:s0], s1  }
0x63: {  	s1 =	ssub.s32 @!p0 $0x0, s1;
	[sflag:s0] =	ssyncset.done @!p0 $0x0  }
0x64: {  	[sflag:s0] =	ssyncadd.s32 @!p0 s1  }
0x65: {  	[bflag:$0x3] =	sbarrier.arrive $0xFFFF  }
0x66: {  	_ =	shalt  }

// kernel: kernel.9.cloned.1.call-start
scs
__scs_entry_jumppad:
0x0: {  	(pc) =	sbr.rel $0x88, $3  }
0x1: {  	(tag) =	ssettag $0x0;
	lr =	simm.s32 $0x1  }
0x2: {  	[smem:$0x3F98] =	sst lr;
	_ =	strace $0xD0000000  }
0x3: {  	_ = 	snop  }
0x4: {  	_ = 	snop  }
0x5: {  	_ = 	snop  }
0x6: {  	_ = 	snop  }
0x7: {  	_ = 	snop  }
__scs_overlays_trampoline_lowered:
0x8: {  	[smem:$0x3FA7] =	sst s0  }
0x9: {  	[smem:$0x3FA8] =	sst s1  }
0xa: {  	[smem:$0x3FA9] =	sst s2  }
0xb: {  	[smem:$0x3FAA] =	sst s3  }
0xc: {  	[smem:$0x3FAB] =	sst s4  }
0xd: {  	[smem:$0x3FAC] =	sst s5  }
0xe: {  	[smem:$0x3FAD] =	sst s6  }
0xf: {  	[smem:$0x3FAE] =	sst s7  }
0x10: {  	[smem:$0x3FAF] =	sst s8  }
0x11: {  	[smem:$0x3FB0] =	sst s9;
	s0 =	simm.s32 @!p0 $0x0  }
0x12: {  	s1 =	sld [smem:$0x3F96];
	s0 =	simm.s32 @p0 $0x1  }
0x13: {  	[smem:$0x3FB1] =	sst s0;
	s0 =	simm.s32 @!p1 $0x0  }
0x14: {  	s2 =	sld [smem:$0x3F95];
	s0 =	simm.s32 @p1 $0x1  }
0x15: {  	[smem:$0x3FB2] =	sst s0;
	s0 =	simm.s32 @!p2 $0x0  }
0x16: {  	s3 =	sld [smem:$0x3FDB];
	s0 =	simm.s32 @p2 $0x1  }
0x17: {  	s4 =	simm.s32 $0x1BF5;
	[smem:$0x3FB4] =	sst s0  }
0x18: {  	s0 =	sld [smem:$0x3F97];
	_ =	swait.ge [sflag:s4], $0x0  }
0x19: {  	s7 =	sld [smem:$0x3F98]  }
0x1a: {  	s8 =	sadd.s32 $0xFFFFE003, lr  }
0x1b: {  	s9 =	sadd.s32 $0xFFFFFEF7, lr;
	s5 =	simm.s32 $0xFFFFFFFF;
	p2 =	slt.u32 s8, $0xFFFFF086  }
0x1c: {  	p1 =	slt.u32 s9, $0xF7A;
	s5 =	simm.s32 @!p2 $0x0  }
0x1d: {  	s5 =	simm.s32 @p1 $0x1;
	p0 =	seq.s32 s7, s2  }
0x1e: {  	s7 =	smul.u32 @!p0 $0xF7A, s2;
	p2 =	seq.s32 @!p0 s5, $0x0  }
0x1f: {  	s9 =	smul.u32 $0xF7A, s1;
	s8 =	simm.s32 @!p0 $0x1BF5;
	p2 =	por !p2, p0  }
0x20: {  	[sflag:s8] =	ssyncset.s32 @!p0 $0xFFFFF086;
	s6 =	sadd.s32 @!p0 s3, s7;
	s7 =	simm.s32 @!p0 $0x108  }
0x21: {  	s3 =	sadd.s32 s3, s9;
	s6 =	sadd.s32 @!p0 $0x88, s6;
	s7 =	simm.s32 @p2 $0x1082  }
0x22: {  	[simem:s7], [sflag:s8] =	dma.local @!p0 [hbm:s6], $0xF7A  }
0x23: {  	s9 =	sor.u32 $0xD0000000, s2;
	s6 =	simm.s32 $0x108;
	_ =	swait.ge @!p0 [sflag:s8], $0x0  }
0x24: {  	s3 =	sadd.s32 $0x88, s3;
	s6 =	simm.s32 @!p1 $0x1082;
	[sflag:s4] =	ssyncset.s32 $0xFFFFF086  }
0x25: {  	[simem:s6], [sflag:s4] =	dma.local [hbm:s3], $0xF7A  }
0x26: {  	[smem:$0x3F98] =	sst s1;
	(tag) =	ssettag s2;
	_ =	strace s9  }
0x27: {  	s1 =	sld [smem:$0x3FA8]  }
0x28: {  	s2 =	sld [smem:$0x3FA9]  }
0x29: {  	s4 =	sld [smem:$0x3FAB]  }
0x2a: {  	p0 =	seq.s32 s5, $0x0;
	s5 =	sld [smem:$0x3FAC]  }
0x2b: {  	s6 =	sld [smem:$0x3FAD]  }
0x2c: {  	s7 =	sld [smem:$0x3FAE]  }
0x2d: {  	s3 =	simm.s32 $0x108;
	s8 =	sld [smem:$0x3FAF]  }
0x2e: {  	s3 =	simm.s32 @!p0 $0x1082;
	s9 =	sld [smem:$0x3FB0]  }
0x2f: {  	lr =	sadd.s32 s0, s3;
	s0 =	sld [smem:$0x3FA7]  }
0x30: {  	s3 =	sld [smem:$0x3FAA]  }
0x31: {  	[smem:$0x3FB3] =	sst s10  }
0x32: {  	s10 =	sld [smem:$0x3FB1];
	_ =	sdelay $0x3  }
0x33: {  	p0 =	seq.s32 s10, $0x1;
	s10 =	sld [smem:$0x3FB3];
	_ =	sdelay $0x3  }
0x34: {  	[smem:$0x3FB3] =	sst s10  }
0x35: {  	s10 =	sld [smem:$0x3FB2];
	_ =	sdelay $0x3  }
0x36: {  	p1 =	seq.s32 s10, $0x1;
	s10 =	sld [smem:$0x3FB3];
	_ =	sdelay $0x3  }
0x37: {  	[smem:$0x3FB3] =	sst s10  }
0x38: {  	s10 =	sld [smem:$0x3FB4]  }
0x39: {  	_ = 	snop;
	(pc) =	sbr.ind lr, $3  }
0x3a: {  	_ = 	snop  }
0x3b: {  	_ = 	snop  }
0x3c: {  	p2 =	seq.s32 s10, $0x1;
	s10 =	sld [smem:$0x3FB3]  }
0x3d: {  	_ =	shalt  }
0x3e: {  	_ =	shalt  }
0x3f: {  	_ =	shalt  }
0x40: {  	_ =	shalt  }
0x41: {  	_ =	shalt  }
0x42: {  	_ =	shalt  }
0x43: {  	_ =	shalt  }
0x44: {  	_ =	shalt  }
0x45: {  	_ =	shalt  }
0x46: {  	_ =	shalt  }
0x47: {  	_ =	shalt  }
0x48: {  	_ =	shalt  }
0x49: {  	_ =	shalt  }
0x4a: {  	_ =	shalt  }
0x4b: {  	_ =	shalt  }
0x4c: {  	_ =	shalt  }
0x4d: {  	_ =	shalt  }
0x4e: {  	_ =	shalt  }
0x4f: {  	_ =	shalt  }
0x50: {  	_ =	shalt  }
0x51: {  	_ =	shalt  }
0x52: {  	_ =	shalt  }
0x53: {  	_ =	shalt  }
0x54: {  	_ =	shalt  }
0x55: {  	_ =	shalt  }
0x56: {  	_ =	shalt  }
0x57: {  	_ =	shalt  }
0x58: {  	_ =	shalt  }
0x59: {  	_ =	shalt  }
0x5a: {  	_ =	shalt  }
0x5b: {  	_ =	shalt  }
0x5c: {  	_ =	shalt  }
0x5d: {  	_ =	shalt  }
0x5e: {  	_ =	shalt  }
0x5f: {  	_ =	shalt  }
0x60: {  	_ =	shalt  }
0x61: {  	_ =	shalt  }
0x62: {  	_ =	shalt  }
0x63: {  	_ =	shalt  }
0x64: {  	_ =	shalt  }
0x65: {  	_ =	shalt  }
0x66: {  	_ =	shalt  }
0x67: {  	_ =	shalt  }
0x68: {  	_ =	shalt  }
0x69: {  	_ =	shalt  }
0x6a: {  	_ =	shalt  }
0x6b: {  	_ =	shalt  }
0x6c: {  	_ =	shalt  }
0x6d: {  	_ =	shalt  }
0x6e: {  	_ =	shalt  }
0x6f: {  	_ =	shalt  }
0x70: {  	_ =	shalt  }
0x71: {  	_ =	shalt  }
0x72: {  	_ =	shalt  }
0x73: {  	_ =	shalt  }
0x74: {  	_ =	shalt  }
0x75: {  	_ =	shalt  }
0x76: {  	_ =	shalt  }
0x77: {  	_ =	shalt  }
0x78: {  	_ =	shalt  }
0x79: {  	_ =	shalt  }
0x7a: {  	_ =	shalt  }
0x7b: {  	_ =	shalt  }
0x7c: {  	_ =	shalt  }
0x7d: {  	_ =	shalt  }
0x7e: {  	_ =	shalt  }
0x7f: {  	_ =	shalt  }
0x80: {  	_ =	shalt  }
0x81: {  	_ =	shalt  }
0x82: {  	_ =	shalt  }
0x83: {  	_ =	shalt  }
0x84: {  	_ =	shalt  }
0x85: {  	_ =	shalt  }
0x86: {  	_ =	shalt  }
0x87: {  	_ =	shalt  }
.Lfunc_end0:
.L_simem_size_0:
called_computation.1_lowered:
.L_overlay_start_0:
0x88: {  	s2 =	sld [smem:$0x3FD9]  }
0x89: {  	s3 =	sld [smem:$0x3FFE];
	_ =	sdelay $0x1  }
0x8a: {  	s1 =	srdreg.scid  }
0x8b: {  	s0 =	sand.u32 $0x1, s1  }
0x8c: {  	s16 =	sshll.u32 s0, $0xA;
	s2 =	sadd.s32 s3, s2  }
0x8d: {  	s2 =	sadd.s32 s2, s16  }
0x8e: {  	[smem:$0x3FBF] =	sst s2  }
0x8f: {  	_ = 	snop  }
0x90: {  	(tm) =	ssettm $0x1  }
0x91: {  	s17 =	sld [smem:$0x3FFB];
	_ =	sdelay $0x3  }
0x92: {  	_ =	strace s17  }
0x93: {  	s2 =	sld [smem:$0x3FFC];
	_ =	sdelay $0x3  }
0x94: {  	_ =	strace s2  }
0x95: {  	s2 =	sld [smem:$0x3FFD];
	_ =	sdelay $0x3  }
0x96: {  	_ =	strace s2  }
0x97: {  	_ =	strace $0x8FFFFFFF  }
0x98: {  	s18 =	sld [smem:$0x3FDB];
	_ =	sdelay $0x1  }
0x99: {  	s19 =	simm.s32 $_scs_section_size  }
0x9a: {  	s4 =	simm.s32 $_size__tile_overlayer_lowered;
	s5 =	simm.s32 $_tile_overlayer_lowered  }
0x9b: {  	s22 =	simm.s32 $0x1BFF;
	s21 =	sshll.u32 s5, $0x1;
	s2 =	sadd.s32 s19, s18  }
0x9c: {  	s6 =	simm.s32 $0x0;
	s20 =	sshll.u32 s4, $0x1;
	s4 =	sadd.s32 s21, s2  }
0x9d: {  	[timem:s6], [sflag:s22] =	dma.local [hbm:s4], s20  }
0x9e: {  	_ =	swait.ge [sflag:s22], s20  }
0x9f: {  	s3 =	ssub.s32 $0x0, s20;
	[sflag:s22] =	ssyncset.done $0x0  }
0xa0: {  	[sflag:s22] =	ssyncadd.s32 s3;
	_ =	sdelay $0x1  }
0xa1: {  	s23 =	simm.s32 $0x1B8B  }
0xa2: {  	_ =	swait.ge [sflag:s23], $0x1  }
0xa3: {  	[sflag:s23] =	ssyncset.done $0x0  }
0xa4: {  	s25 =	simm.s32 $0x1B8E;
	s24 =	sld [smem:$0x3FFE];
	[sflag:s23] =	ssyncadd.s32 $0xFFFFFFFF  }
0xa5: {  	s26 =	simm.s32 $execute0_lowered;
	[smem:$0x3FD2] =	sst s25  }
0xa6: {  	s4 =	sshll.u32 s26, $0x1;
	_ =	strace $0x80000049;
	[dreg:$0x1] =	wrdreg $0xFFFFFFFF  }
0xa7: {  	s28 =	simm.s32 $_size_execute0_lowered;
	s2 =	sadd.s32 s2, s4;
	[dreg:$0x0] =	wrdreg $0x0  }
0xa8: {  	s4 =	sshll.u32 s28, $0x1;
	[dreg:$0x2] =	wrdreg s2  }
0xa9: {  	[dreg:$0x3] =	wrdreg s4  }
0xaa: {  	[dreg:$0x4] =	wrdreg $0xC0  }
0xab: {  	_ =	task [dreg:s6], $0x5FFFF  }
0xac: {  	[dreg:$0x1] =	wrdreg $0xFFFFFFFF  }
0xad: {  	[dreg:$0x0] =	wrdreg $0x60  }
0xae: {  	[dreg:$0x2] =	wrdreg s24  }
0xaf: {  	[dreg:$0x3] =	wrdreg $0xA0000  }
0xb0: {  	[dreg:$0x4] =	wrdreg $0x9  }
0xb1: {  	_ =	task.clear_ibuf [dreg:s6], $0x5FFFF;
	_ =	strace $0x90000049  }
0xb2: {  	s29 =	simm.s32 $0x9;
	_ =	strace $0x8000004B  }
0xb3: {  	_ =	swait.ge [sflag:s29], $0x1  }
0xb4: {  	[sflag:s29] =	ssyncadd.s32 $0xFFFFFFFF  }
0xb5: {  	_ =	strace $0x9000004B  }
0xb6: {  	_ =	sfence  }
0xb7: {  	s30 =	sld [smem:$0x0];
	_ =	sdelay $0x2  }
0xb8: {  	s31 =	sshll.u32 s1, $0xD;
	s1 =	sshrl.u32 s1, $0x2  }
0xb9: {  	s3 =	sand.u32 $0x4000, s31;
	s1 =	sadd.s32 s1, s30  }
0xba: {  	s0 =	sor.u32 s3, s0;
	s1 =	sshll.u32 s1, $0x11  }
0xbb: {  	s0 =	sor.u32 s1, s0  }
0xbc: {  	s0 =	sadd.s32 $0x8F2B, s0  }
0xbd: {  	[sflag:s0] =	ssyncadd.remote.s32 $0x1  }
0xbe: {  	_ =	sfence.sel $0xFFFF  }
0xbf: {  	[dreg:$0x0] =	wrdreg $0xFFFFFFFF;
	(pc) =	sbr.abs _section_cstart, $3  }
0xc0: {  	[dreg:$0x1] =	wrdreg $0xFFFFFFFF  }
0xc1: {  	_ =	task.clear_ibuf [dreg:s6], $0x2FFFF;
	_ =	strace $0x9FFFFFFF  }
0xc2: {  	(tm) =	ssettm $0x7FFFFFFF  }
0xc3: {  	_ =	shalt  }
tec
execute0_lowered:
.L_overlay_start_1:
0x0: {  	(tag) =	ssettag $0x1  }
0x1: {  	s0 =	rddreg [dreg:$0x0]  }
0x2: {  	s1 =	rddreg [dreg:$0x1];
	s2 =	simm.s32 $0x0  }
0x3: {  	s3 =	simm.s32 $0x80;
	[smem:$0x7FF] =	sst s2  }
0x4: {  	s19 =	simm.s32 $0x100;
	_ =	strace $0x8000004A;
	[dreg:$0x3] =	wrdreg s3  }
0x5: {  	s20 =	simm.s32 $0x180;
	[dreg:$0x4] =	wrdreg s19  }
0x6: {  	s21 =	simm.s32 $0x800;
	[dreg:$0x5] =	wrdreg s20  }
0x7: {  	s22 =	simm.s32 $0x200;
	[dreg:$0x6] =	wrdreg s21  }
0x8: {  	s23 =	simm.s32 $0x880;
	[dreg:$0x7] =	wrdreg s22  }
0x9: {  	s24 =	simm.s32 $0x280;
	[dreg:$0x8] =	wrdreg s23  }
0xa: {  	s25 =	simm.s32 $0x900;
	[dreg:$0x9] =	wrdreg s24  }
0xb: {  	s26 =	simm.s32 $0x300;
	[dreg:$0xa] =	wrdreg s25  }
0xc: {  	s31 =	simm.s32 $0x980;
	[dreg:$0xb] =	wrdreg s26  }
0xd: {  	s4 =	simm.s32 $0x380;
	[dreg:$0xc] =	wrdreg s31  }
0xe: {  	s5 =	simm.s32 $0xA00;
	[dreg:$0xd] =	wrdreg s4  }
0xf: {  	s6 =	simm.s32 $0x400;
	[dreg:$0xe] =	wrdreg s5  }
0x10: {  	s7 =	simm.s32 $0xA80;
	[dreg:$0xf] =	wrdreg s6  }
0x11: {  	s8 =	simm.s32 $0x480;
	[dreg:$0x10] =	wrdreg s7  }
0x12: {  	s9 =	simm.s32 $0xB00;
	[dreg:$0x11] =	wrdreg s8  }
0x13: {  	s10 =	simm.s32 $0x500;
	[dreg:$0x12] =	wrdreg s9  }
0x14: {  	s11 =	simm.s32 $0xB80;
	[dreg:$0x13] =	wrdreg s10  }
0x15: {  	s12 =	simm.s32 $0x580;
	[dreg:$0x14] =	wrdreg s11  }
0x16: {  	s13 =	simm.s32 $0xC00;
	[dreg:$0x15] =	wrdreg s12  }
0x17: {  	s15 =	simm.s32 $0x600;
	[dreg:$0x16] =	wrdreg s13  }
0x18: {  	s16 =	simm.s32 $0xC80;
	[dreg:$0x17] =	wrdreg s15  }
0x19: {  	s17 =	simm.s32 $0x680;
	[dreg:$0x18] =	wrdreg s16  }
0x1a: {  	s18 =	simm.s32 $0x700;
	[dreg:$0x19] =	wrdreg s17  }
0x1b: {  	s7 =	simm.s32 $0xD00;
	[dreg:$0x1b] =	wrdreg s18  }
0x1c: {  	s19 =	simm.s32 $0xD80;
	[dreg:$0x1a] =	wrdreg s7  }
0x1d: {  	s8 =	simm.s32 $0x780;
	[dreg:$0x1c] =	wrdreg s19  }
0x1e: {  	s9 =	simm.s32 $0xE00;
	[dreg:$0x1d] =	wrdreg s8  }
0x1f: {  	s10 =	simm.s32 $0xE80;
	[dreg:$0x1e] =	wrdreg s9  }
0x20: {  	s11 =	simm.s32 $0xF00;
	[dreg:$0x1f] =	wrdreg s10  }
0x21: {  	s12 =	simm.s32 $0xF80;
	[smem:$0x7CC] =	sst s11  }
0x22: {  	s13 =	simm.s32 $0x1080;
	[smem:$0x7CD] =	sst s12  }
0x23: {  	s30 =	simm.s32 $0x1;
	s16 =	simm.s32 $0x1100;
	[smem:$0x7CE] =	sst s13  }
0x24: {  	s29 =	simm.s32 $0x1E00;
	s21 =	simm.s32 $0x1180;
	[smem:$0x7CF] =	sst s16  }
0x25: {  	s4 =	sadd.s32 $0x65A00, s0;
	s22 =	simm.s32 $0x1800;
	[smem:$0x7D0] =	sst s21  }
0x26: {  	s5 =	srdreg.scid;
	s23 =	simm.s32 $0x1200;
	[smem:$0x7D1] =	sst s22  }
0x27: {  	s20 =	stileid.u32;
	s24 =	simm.s32 $0x1280;
	[smem:$0x7D2] =	sst s23  }
0x28: {  	s25 =	simm.s32 $0x1900;
	s26 =	simm.s32 $0x1300;
	[smem:$0x7D4] =	sst s24  }
0x29: {  	s31 =	simm.s32 $0x1980;
	s15 =	smul.u32 $0x14000, s20;
	[smem:$0x7D5] =	sst s25  }
0x2a: {  	s14 =	sand.u32 $0x1, s5;
	s17 =	smul.u32 $0x12, s20;
	[smem:$0x7D6] =	sst s26  }
0x2b: {  	s18 =	sshll.u32 s20, $0x1;
	s19 =	simm.s32 $0x1880;
	[smem:$0x7D7] =	sst s31  }
0x2c: {  	s22 =	simm.s32 $0x1400;
	s23 =	simm.s32 $0x1A80;
	[smem:$0x7D3] =	sst s19  }
0x2d: {  	s24 =	simm.s32 $0x1480;
	s26 =	simm.s32 $0x1B00;
	[smem:$0x7DB] =	sst s22  }
0x2e: {  	s31 =	simm.s32 $0x1500;
	s5 =	ssub.s32 $0x2, s14;
	[smem:$0x7DD] =	sst s23  }
0x2f: {  	p0 =	seq.s32 s14, $0x0;
	s16 =	sor.u32 $0x120, s18;
	[smem:$0x7DE] =	sst s24  }
0x30: {  	s14 =	smul.u32 $0x140000, s14;
	s18 =	simm.s32 $0x1380;
	[smem:$0x7DF] =	sst s26  }
0x31: {  	s19 =	simm.s32 $0x1A00;
	[smem:$0x7E1] =	sst s31;
	s22 =	simm.s32 $0x1600  }
0x32: {  	s24 =	simm.s32 $0x1C80;
	s26 =	simm.s32 $0x1D00;
	s6 =	sshrl.u32 s5, $0x1  }
0x33: {  	s7 =	sadd.s32 $0x6000, s15;
	s8 =	sadd.s32 $0x8000, s15;
	[smem:$0x7D9] =	sst s18  }
0x34: {  	s9 =	sadd.s32 $0xA000, s15;
	s10 =	sadd.s32 $0xC000, s15;
	[smem:$0x7DA] =	sst s19  }
0x35: {  	s11 =	sadd.s32 $0xE000, s15;
	s12 =	sadd.s32 $0x10000, s15;
	[smem:$0x7E6] =	sst s22  }
0x36: {  	s13 =	sadd.s32 $0x12000, s15;
	s16 =	smov.u32 @p0 s17;
	[smem:$0x7E7] =	sst s24  }
0x37: {  	s19 =	simm.s32 $0x1580;
	[smem:$0x7EA] =	sst s26;
	s26 =	simm.s32 $0x1780  }
0x38: {  	s3 =	ssub.s32 s5, s6;
	s5 =	sor.u32 $0x2000, s15;
	s6 =	sadd.s32 $0x4000, s15  }
0x39: {  	s15 =	sadd.s32 s15, s14;
	s18 =	sadd.s32 s14, s7;
	[smem:$0x7E3] =	sst s19  }
0x3a: {  	s23 =	sadd.s32 s14, s8;
	s31 =	sadd.s32 s14, s9;
	s19 =	simm.s32 $0x1D80  }
0x3b: {  	s22 =	sadd.s32 s14, s11;
	s24 =	sadd.s32 s14, s12;
	[smem:$0x7F2] =	sst s26  }
0x3c: {  	s26 =	sadd.s32 s13, s1;
	s15 =	sshrl.u32 s15, $0x3;
	s21 =	sadd.s32 s14, s5  }
0x3d: {  	s25 =	sadd.s32 s14, s6;
	[smem:$0x7EC] =	sst s19;
	s5 =	sadd.s32 s5, s1  }
0x3e: {  	s6 =	sadd.s32 s6, s1;
	s19 =	simm.s32 $0x9;
	[smem:$0x7FB] =	sst s26  }
0x3f: {  	s3 =	smax.u32 s3, $0x1;
	s15 =	sadd.s32 s4, s15;
	[smem:$0x7F3] =	sst s5  }
0x40: {  	s17 =	sshrl.u32 s21, $0x3;
	s21 =	simm.s32 $0x1C00;
	[smem:$0x7F4] =	sst s6  }
0x41: {  	s19 =	simm.s32 @!p0 $0x1;
	[smem:$0x7FC] =	sst s3;
	s3 =	simm.s32 $0x2000  }
0x42: {  	s5 =	simm.s32 $0x1000;
	s6 =	simm.s32 $0x40;
	[smem:$0x7D8] =	sst s15  }
0x43: {  	s17 =	sadd.s32 s4, s17;
	[smem:$0x7E5] =	sst s21;
	s21 =	sadd.s32 s14, s10  }
0x44: {  	s15 =	sshrl.u32 s22, $0x3;
	s14 =	sadd.s32 s14, s13;
	s22 =	sshll.u32 s19, $0x1  }
0x45: {  	[smem:$0x7DC] =	sst s17;
	s17 =	sshrl.u32 s25, $0x3;
	s25 =	simm.s32 $0x1680  }
0x46: {  	s13 =	simm.s32 $0x5;
	s15 =	sadd.s32 s4, s15;
	[smem:$0x7E9] =	sst s25  }
0x47: {  	s14 =	sshrl.u32 s14, $0x3;
	s17 =	sadd.s32 s4, s17;
	[smem:$0x7EF] =	sst s15  }
0x48: {  	s15 =	sshrl.u32 s24, $0x3;
	s25 =	smul.u32 $0x50000, s20;
	s20 =	sadd.s32 s9, s1  }
0x49: {  	s24 =	sadd.s32 s12, s1;
	s9 =	simm.s32 $0x8000;
	[smem:$0x7E0] =	sst s17  }
0x4a: {  	s12 =	simm.s32 $0x4;
	s17 =	simm.s32 $0x1B80;
	[smem:$0x7F7] =	sst s20  }
0x4b: {  	s15 =	sadd.s32 s4, s15;
	[smem:$0x7FA] =	sst s24;
	s20 =	simm.s32 $0x0  }
0x4c: {  	[smem:$0x7E2] =	sst s17;
	s17 =	sshrl.u32 s18, $0x3;
	s18 =	simm.s32 $0x1700  }
0x4d: {  	[smem:$0x7F0] =	sst s15;
	s15 =	sadd.s32 $0x3E800, s0;
	s17 =	sadd.s32 s4, s17  }
0x4e: {  	[smem:$0x7EB] =	sst s18;
	s18 =	sadd.s32 s8, s1;
	s8 =	simm.s32 $0x6000  }
0x4f: {  	[smem:$0x7E4] =	sst s17;
	s17 =	sshrl.u32 s23, $0x3;
	s23 =	sshrl.u32 s21, $0x3  }
0x50: {  	[smem:$0x7F6] =	sst s18;
	s21 =	sadd.s32 s10, s1;
	s10 =	simm.s32 $0x2  }
0x51: {  	s18 =	simm.s32 $0x1F80;
	s17 =	sadd.s32 s4, s17;
	[smem:$0x7F8] =	sst s21  }
0x52: {  	[smem:$0x7E8] =	sst s17;
	s17 =	sshrl.u32 s31, $0x3;
	s31 =	sshrl.u32 s25, $0x2  }
0x53: {  	s17 =	sadd.s32 s4, s17;
	s25 =	sadd.s32 s31, s1;
	s31 =	sshll.u32 s16, $0x9  }
0x54: {  	[smem:$0x7ED] =	sst s17;
	s17 =	sadd.s32 s4, s23;
	s4 =	sadd.s32 s4, s14  }
0x55: {  	s14 =	sadd.s32 $0x16800, s0;
	s23 =	sadd.s32 s11, s1;
	[smem:$0x7EE] =	sst s17  }
0x56: {  	s0 =	sadd.s32 s16, s22;
	s11 =	simm.s32 $0x3;
	[smem:$0x7F1] =	sst s4  }
0x57: {  	s17 =	sadd.s32 s7, s1;
	[smem:$0x7F9] =	sst s23;
	s28 =	sadd.s32 $0xFFFFFFFF, s0  }
0x58: {  	s0 =	sadd.s32 s14, s31;
	s23 =	sadd.s32 $0x2, s16;
	s4 =	simm.s32 $0x6  }
0x59: {  	s7 =	simm.s32 $0x4000;
	s16 =	simm.s32 $0x1E80;
	[smem:$0x7F5] =	sst s17  }
0x5a: {  	v0 =	vimm.f32 $0.0e+00;
	[smem:$0x7FD] =	sst s0;
	s22 =	sadd.s32 $0x200, s0;
	s17 =	simm.s32 $0x1F00  }
.LBB2_1:
0x5b: {  	s0 =	sand.u32 $0x7E00, s2  }
0x5c: {  	s21 =	sand.u32 $0x70, s2;
	s31 =	sshrl.u32 s0, $0x2  }
0x5d: {  	s0 =	simm.s32 $0x40;
	s31 =	sor.u32 s21, s31;
	s21 =	simm.s32 $0x0  }
.LBB2_2:
0x5e: {  	p0 =	sne.s32 s0, $0x7FC0  }
0x5f: {  	[tilespmem:s31+$0x2000] =	vst v0;
	s21 =	sadd.s32 $0x10, s21;
	s31 =	smov.u32 s0;
	s0 =	sadd.s32 $0x40, s0  }
.Ltmp0:
0x60: {  	(pc) =	sbr.rel @p0 .LBB2_2-.Ltmp0, $4  }
0x61: {  	_ = 	snop  }
0x62: {  	s31 =	sand.u32 $0x7E00, s31  }
0x63: {  	s24 =	sand.u32 $0x70, s21;
	s31 =	sshrl.u32 s31, $0x2  }
0x64: {  	s31 =	sor.u32 s24, s31  }
0x65: {  	[tilespmem:s31+$0x2000] =	vst v0  }
0x66: {  	[spmem:s25] =	stream.linear.scatter [tilespmem:s3], [sflag:$0x6], $0x2000, $0x38;
	[tilespmem:$0x1E000] =	vst v63  }
0x67: {  	_ =	swait.ge [sflag:s4], $0x2000  }
0x68: {  	s0 =	sld [smem:$0x7F3]  }
0x69: {  	[sflag:s4] =	ssyncset.done $0x0  }
0x6a: {  	[sflag:s4] =	ssyncadd.s32 $0xFFFFE000  }
0x6b: {  	[spmem:s0] =	stream.linear.scatter [tilespmem:s3], [sflag:$0x6], $0x2000, $0x38;
	[tilespmem:$0x1E000] =	vst v63  }
0x6c: {  	_ =	swait.ge [sflag:s4], $0x2000  }
0x6d: {  	s26 =	smov.u32 s25;
	s25 =	sld [smem:$0x7F4]  }
0x6e: {  	[sflag:s4] =	ssyncset.done $0x0  }
0x6f: {  	[sflag:s4] =	ssyncadd.s32 $0xFFFFE000  }
0x70: {  	[spmem:s25] =	stream.linear.scatter [tilespmem:s3], [sflag:$0x6], $0x2000, $0x38;
	[tilespmem:$0x1E000] =	vst v63  }
0x71: {  	_ =	swait.ge [sflag:s4], $0x2000  }
0x72: {  	s21 =	sld [smem:$0x7F5]  }
0x73: {  	[sflag:s4] =	ssyncset.done $0x0  }
0x74: {  	[sflag:s4] =	ssyncadd.s32 $0xFFFFE000  }
0x75: {  	[spmem:s21] =	stream.linear.scatter [tilespmem:s3], [sflag:$0x6], $0x2000, $0x38;
	[tilespmem:$0x1E000] =	vst v63  }
0x76: {  	_ =	swait.ge [sflag:s4], $0x2000  }
0x77: {  	s24 =	sld [smem:$0x7F6]  }
0x78: {  	[sflag:s4] =	ssyncset.done $0x0  }
0x79: {  	[sflag:s4] =	ssyncadd.s32 $0xFFFFE000  }
0x7a: {  	[spmem:s24] =	stream.linear.scatter [tilespmem:s3], [sflag:$0x6], $0x2000, $0x38;
	[tilespmem:$0x1E000] =	vst v63  }
0x7b: {  	_ =	swait.ge [sflag:s4], $0x2000  }
0x7c: {  	s25 =	sld [smem:$0x7F7]  }
0x7d: {  	[sflag:s4] =	ssyncset.done $0x0  }
0x7e: {  	[sflag:s4] =	ssyncadd.s32 $0xFFFFE000  }
0x7f: {  	[spmem:s25] =	stream.linear.scatter [tilespmem:s3], [sflag:$0x6], $0x2000, $0x38;
	[tilespmem:$0x1E000] =	vst v63  }
0x80: {  	_ =	swait.ge [sflag:s4], $0x2000  }
0x81: {  	s21 =	sld [smem:$0x7F8]  }
0x82: {  	[sflag:s4] =	ssyncset.done $0x0  }
0x83: {  	[sflag:s4] =	ssyncadd.s32 $0xFFFFE000  }
0x84: {  	[spmem:s21] =	stream.linear.scatter [tilespmem:s3], [sflag:$0x6], $0x2000, $0x38;
	[tilespmem:$0x1E000] =	vst v63  }
0x85: {  	_ =	swait.ge [sflag:s4], $0x2000  }
0x86: {  	s24 =	sld [smem:$0x7F9]  }
0x87: {  	[sflag:s4] =	ssyncset.done $0x0  }
0x88: {  	[sflag:s4] =	ssyncadd.s32 $0xFFFFE000  }
0x89: {  	[spmem:s24] =	stream.linear.scatter [tilespmem:s3], [sflag:$0x6], $0x2000, $0x38;
	[tilespmem:$0x1E000] =	vst v63  }
0x8a: {  	_ =	swait.ge [sflag:s4], $0x2000  }
0x8b: {  	s25 =	sld [smem:$0x7FA]  }
0x8c: {  	[sflag:s4] =	ssyncset.done $0x0  }
0x8d: {  	[sflag:s4] =	ssyncadd.s32 $0xFFFFE000  }
0x8e: {  	[spmem:s25] =	stream.linear.scatter [tilespmem:s3], [sflag:$0x6], $0x2000, $0x38;
	[tilespmem:$0x1E000] =	vst v63  }
0x8f: {  	_ =	swait.ge [sflag:s4], $0x2000  }
0x90: {  	s21 =	sld [smem:$0x7FB]  }
0x91: {  	[sflag:s4] =	ssyncset.done $0x0  }
0x92: {  	[sflag:s4] =	ssyncadd.s32 $0xFFFFE000  }
0x93: {  	[spmem:s21] =	stream.linear.scatter [tilespmem:s3], [sflag:$0x6], $0x2000, $0x38;
	[tilespmem:$0x1E000] =	vst v63  }
0x94: {  	_ =	swait.ge [sflag:s4], $0x2000  }
0x95: {  	[sflag:s4] =	ssyncset.done $0x0  }
0x96: {  	[sflag:s4] =	ssyncadd.s32 $0xFFFFE000  }
0x97: {  	[bflag:$0x0] =	sbarrier.arrive $0xFFFF  }
0x98: {  	s24 =	sld [smem:$0x7FD];
	_ =	sdelay $0x2  }
0x99: {  	[tilespmem:s2], [sflag:$0x6] =	stream.linear.gather [hbm4b:s24+s2], $0x1000, $0x38;
	[tilespmem:$0x1E000] =	vst v63  }
0x9a: {  	_ =	swait.ge [sflag:s4], $0x1000  }
0x9b: {  	[sflag:s4] =	ssyncset.done $0x0  }
0x9c: {  	[sflag:s4] =	ssyncadd.s32 $0xFFFFF000  }
0x9d: {  	[tilespmem:s5], [sflag:$0x1] =	stream.linear.gather [hbm4b:s22+s2], $0x1000, $0x38;
	[tilespmem:$0x1E000] =	vst v63  }
0x9e: {  	_ = 	snop  }
0x9f: {  	[tilespmem:s3], [sflag:$0x2] =	stream.indirect.gather [hbm4b:s15+s6], $0x80, s2, s6, $0xb8;
	[tilespmem:$0x1E000] =	vst v63  }
0xa0: {  	s25 =	rddreg [dreg:$0x3]  }
0xa1: {  	[tilespmem:s7], [sflag:$0x3] =	stream.indirect.gather [hbm4b:s15+s6], $0x80, s25, s6, $0xb8;
	[tilespmem:$0x1E000] =	vst v63  }
0xa2: {  	s21 =	rddreg [dreg:$0x4]  }
0xa3: {  	[tilespmem:s8], [sflag:$0x4] =	stream.indirect.gather [hbm4b:s15+s6], $0x80, s21, s6, $0xb8;
	[tilespmem:$0x1E000] =	vst v63  }
0xa4: {  	s24 =	rddreg [dreg:$0x5]  }
0xa5: {  	[tilespmem:s9], [sflag:$0x5] =	stream.indirect.gather [hbm4b:s15+s6], $0x80, s24, s6, $0xb8;
	[tilespmem:$0x1E000] =	vst v63  }
0xa6: {  	_ =	swait.ge [sflag:s10], $0x2000  }
0xa7: {  	[sflag:s10] =	ssyncset.done $0x0  }
0xa8: {  	s25 =	rddreg [dreg:$0x6];
	[sflag:s10] =	ssyncadd.s32 $0xFFFFE000  }
0xa9: {  	[spmem:s1] =	stream.indirect.scatter.add.f32 [tilespmem:s3], [sflag:$0x6], $0x80, s25, s6, $0xb8;
	[tilespmem:$0x1E000] =	vst v63  }
0xaa: {  	_ =	swait.ge [sflag:s4], $0x2000  }
0xab: {  	[sflag:s4] =	ssyncset.done $0x0  }
0xac: {  	s21 =	rddreg [dreg:$0x7];
	[sflag:s4] =	ssyncadd.s32 $0xFFFFE000  }
0xad: {  	[tilespmem:s3], [sflag:$0x2] =	stream.indirect.gather [hbm4b:s15+s6], $0x80, s21, s6, $0xb8;
	[tilespmem:$0x1E000] =	vst v63  }
0xae: {  	_ =	swait.ge [sflag:s11], $0x2000  }
0xaf: {  	[sflag:s11] =	ssyncset.done $0x0  }
0xb0: {  	s24 =	rddreg [dreg:$0x8];
	[sflag:s11] =	ssyncadd.s32 $0xFFFFE000  }
0xb1: {  	[spmem:s1] =	stream.indirect.scatter.add.f32 [tilespmem:s7], [sflag:$0x6], $0x80, s24, s6, $0xb8;
	[tilespmem:$0x1E000] =	vst v63  }
0xb2: {  	_ =	swait.ge [sflag:s4], $0x2000  }
0xb3: {  	[sflag:s4] =	ssyncset.done $0x0  }
0xb4: {  	s25 =	rddreg [dreg:$0x9];
	[sflag:s4] =	ssyncadd.s32 $0xFFFFE000  }
0xb5: {  	[tilespmem:s7], [sflag:$0x3] =	stream.indirect.gather [hbm4b:s15+s6], $0x80, s25, s6, $0xb8;
	[tilespmem:$0x1E000] =	vst v63  }
0xb6: {  	_ =	swait.ge [sflag:s12], $0x2000  }
0xb7: {  	[sflag:s12] =	ssyncset.done $0x0  }
0xb8: {  	s21 =	rddreg [dreg:$0xa];
	[sflag:s12] =	ssyncadd.s32 $0xFFFFE000  }
0xb9: {  	[spmem:s1] =	stream.indirect.scatter.add.f32 [tilespmem:s8], [sflag:$0x6], $0x80, s21, s6, $0xb8;
	[tilespmem:$0x1E000] =	vst v63  }
0xba: {  	_ =	swait.ge [sflag:s4], $0x2000  }
0xbb: {  	[sflag:s4] =	ssyncset.done $0x0  }
0xbc: {  	s24 =	rddreg [dreg:$0xb];
	[sflag:s4] =	ssyncadd.s32 $0xFFFFE000  }
0xbd: {  	[tilespmem:s8], [sflag:$0x4] =	stream.indirect.gather [hbm4b:s15+s6], $0x80, s24, s6, $0xb8;
	[tilespmem:$0x1E000] =	vst v63  }
0xbe: {  	_ =	swait.ge [sflag:s13], $0x2000  }
0xbf: {  	[sflag:s13] =	ssyncset.done $0x0  }
0xc0: {  	s25 =	rddreg [dreg:$0xc];
	[sflag:s13] =	ssyncadd.s32 $0xFFFFE000  }
0xc1: {  	[spmem:s1] =	stream.indirect.scatter.add.f32 [tilespmem:s9], [sflag:$0x6], $0x80, s25, s6, $0xb8;
	[tilespmem:$0x1E000] =	vst v63  }
0xc2: {  	_ =	swait.ge [sflag:s4], $0x2000  }
0xc3: {  	[sflag:s4] =	ssyncset.done $0x0  }
0xc4: {  	s21 =	rddreg [dreg:$0xd];
	[sflag:s4] =	ssyncadd.s32 $0xFFFFE000  }
0xc5: {  	[tilespmem:s9], [sflag:$0x5] =	stream.indirect.gather [hbm4b:s15+s6], $0x80, s21, s6, $0xb8;
	[tilespmem:$0x1E000] =	vst v63  }
0xc6: {  	_ =	swait.ge [sflag:s10], $0x2000  }
0xc7: {  	[sflag:s10] =	ssyncset.done $0x0  }
0xc8: {  	s24 =	rddreg [dreg:$0xe];
	[sflag:s10] =	ssyncadd.s32 $0xFFFFE000  }
0xc9: {  	[spmem:s1] =	stream.indirect.scatter.add.f32 [tilespmem:s3], [sflag:$0x6], $0x80, s24, s6, $0xb8;
	[tilespmem:$0x1E000] =	vst v63  }
0xca: {  	_ =	swait.ge [sflag:s4], $0x2000  }
0xcb: {  	[sflag:s4] =	ssyncset.done $0x0  }
0xcc: {  	s25 =	rddreg [dreg:$0xf];
	[sflag:s4] =	ssyncadd.s32 $0xFFFFE000  }
0xcd: {  	[tilespmem:s3], [sflag:$0x2] =	stream.indirect.gather [hbm4b:s15+s6], $0x80, s25, s6, $0xb8;
	[tilespmem:$0x1E000] =	vst v63  }
0xce: {  	_ =	swait.ge [sflag:s11], $0x2000  }
0xcf: {  	[sflag:s11] =	ssyncset.done $0x0  }
0xd0: {  	s21 =	rddreg [dreg:$0x10];
	[sflag:s11] =	ssyncadd.s32 $0xFFFFE000  }
0xd1: {  	[spmem:s1] =	stream.indirect.scatter.add.f32 [tilespmem:s7], [sflag:$0x6], $0x80, s21, s6, $0xb8;
	[tilespmem:$0x1E000] =	vst v63  }
0xd2: {  	_ =	swait.ge [sflag:s4], $0x2000  }
0xd3: {  	[sflag:s4] =	ssyncset.done $0x0  }
0xd4: {  	s24 =	rddreg [dreg:$0x11];
	[sflag:s4] =	ssyncadd.s32 $0xFFFFE000  }
0xd5: {  	[tilespmem:s7], [sflag:$0x3] =	stream.indirect.gather [hbm4b:s15+s6], $0x80, s24, s6, $0xb8;
	[tilespmem:$0x1E000] =	vst v63  }
0xd6: {  	_ =	swait.ge [sflag:s12], $0x2000  }
0xd7: {  	[sflag:s12] =	ssyncset.done $0x0  }
0xd8: {  	s25 =	rddreg [dreg:$0x12];
	[sflag:s12] =	ssyncadd.s32 $0xFFFFE000  }
0xd9: {  	[spmem:s1] =	stream.indirect.scatter.add.f32 [tilespmem:s8], [sflag:$0x6], $0x80, s25, s6, $0xb8;
	[tilespmem:$0x1E000] =	vst v63  }
0xda: {  	_ =	swait.ge [sflag:s4], $0x2000  }
0xdb: {  	[sflag:s4] =	ssyncset.done $0x0  }
0xdc: {  	s21 =	rddreg [dreg:$0x13];
	[sflag:s4] =	ssyncadd.s32 $0xFFFFE000  }
0xdd: {  	[tilespmem:s8], [sflag:$0x4] =	stream.indirect.gather [hbm4b:s15+s6], $0x80, s21, s6, $0xb8;
	[tilespmem:$0x1E000] =	vst v63  }
0xde: {  	_ =	swait.ge [sflag:s13], $0x2000  }
0xdf: {  	[sflag:s13] =	ssyncset.done $0x0  }
0xe0: {  	s24 =	rddreg [dreg:$0x14];
	[sflag:s13] =	ssyncadd.s32 $0xFFFFE000  }
0xe1: {  	[spmem:s1] =	stream.indirect.scatter.add.f32 [tilespmem:s9], [sflag:$0x6], $0x80, s24, s6, $0xb8;
	[tilespmem:$0x1E000] =	vst v63  }
0xe2: {  	_ =	swait.ge [sflag:s4], $0x2000  }
0xe3: {  	[sflag:s4] =	ssyncset.done $0x0  }
0xe4: {  	s25 =	rddreg [dreg:$0x15];
	[sflag:s4] =	ssyncadd.s32 $0xFFFFE000  }
0xe5: {  	[tilespmem:s9], [sflag:$0x5] =	stream.indirect.gather [hbm4b:s15+s6], $0x80, s25, s6, $0xb8;
	[tilespmem:$0x1E000] =	vst v63  }
0xe6: {  	_ =	swait.ge [sflag:s10], $0x2000  }
0xe7: {  	[sflag:s10] =	ssyncset.done $0x0  }
0xe8: {  	s21 =	rddreg [dreg:$0x16];
	[sflag:s10] =	ssyncadd.s32 $0xFFFFE000  }
0xe9: {  	[spmem:s1] =	stream.indirect.scatter.add.f32 [tilespmem:s3], [sflag:$0x6], $0x80, s21, s6, $0xb8;
	[tilespmem:$0x1E000] =	vst v63  }
0xea: {  	_ =	swait.ge [sflag:s4], $0x2000  }
0xeb: {  	[sflag:s4] =	ssyncset.done $0x0  }
0xec: {  	s24 =	rddreg [dreg:$0x17];
	[sflag:s4] =	ssyncadd.s32 $0xFFFFE000  }
0xed: {  	[tilespmem:s3], [sflag:$0x2] =	stream.indirect.gather [hbm4b:s15+s6], $0x80, s24, s6, $0xb8;
	[tilespmem:$0x1E000] =	vst v63  }
0xee: {  	_ =	swait.ge [sflag:s11], $0x2000  }
0xef: {  	[sflag:s11] =	ssyncset.done $0x0  }
0xf0: {  	s25 =	rddreg [dreg:$0x18];
	[sflag:s11] =	ssyncadd.s32 $0xFFFFE000  }
0xf1: {  	[spmem:s1] =	stream.indirect.scatter.add.f32 [tilespmem:s7], [sflag:$0x6], $0x80, s25, s6, $0xb8;
	[tilespmem:$0x1E000] =	vst v63  }
0xf2: {  	_ =	swait.ge [sflag:s4], $0x2000  }
0xf3: {  	[sflag:s4] =	ssyncset.done $0x0  }
0xf4: {  	s21 =	rddreg [dreg:$0x19];
	[sflag:s4] =	ssyncadd.s32 $0xFFFFE000  }
0xf5: {  	[tilespmem:s7], [sflag:$0x3] =	stream.indirect.gather [hbm4b:s15+s6], $0x80, s21, s6, $0xb8;
	[tilespmem:$0x1E000] =	vst v63  }
0xf6: {  	_ =	swait.ge [sflag:s12], $0x2000  }
0xf7: {  	[sflag:s12] =	ssyncset.done $0x0  }
0xf8: {  	s24 =	rddreg [dreg:$0x1a];
	[sflag:s12] =	ssyncadd.s32 $0xFFFFE000  }
0xf9: {  	[spmem:s1] =	stream.indirect.scatter.add.f32 [tilespmem:s8], [sflag:$0x6], $0x80, s24, s6, $0xb8;
	[tilespmem:$0x1E000] =	vst v63  }
0xfa: {  	_ =	swait.ge [sflag:s4], $0x2000  }
0xfb: {  	[sflag:s4] =	ssyncset.done $0x0  }
0xfc: {  	s25 =	rddreg [dreg:$0x1b];
	[sflag:s4] =	ssyncadd.s32 $0xFFFFE000  }
0xfd: {  	[tilespmem:s8], [sflag:$0x4] =	stream.indirect.gather [hbm4b:s15+s6], $0x80, s25, s6, $0xb8;
	[tilespmem:$0x1E000] =	vst v63  }
0xfe: {  	_ =	swait.ge [sflag:s13], $0x2000  }
0xff: {  	[sflag:s13] =	ssyncset.done $0x0  }
0x100: {  	s21 =	rddreg [dreg:$0x1c];
	[sflag:s13] =	ssyncadd.s32 $0xFFFFE000  }
0x101: {  	[spmem:s1] =	stream.indirect.scatter.add.f32 [tilespmem:s9], [sflag:$0x6], $0x80, s21, s6, $0xb8;
	[tilespmem:$0x1E000] =	vst v63  }
0x102: {  	_ =	swait.ge [sflag:s4], $0x2000  }
0x103: {  	[sflag:s4] =	ssyncset.done $0x0  }
0x104: {  	s24 =	rddreg [dreg:$0x1d];
	[sflag:s4] =	ssyncadd.s32 $0xFFFFE000  }
0x105: {  	[tilespmem:s9], [sflag:$0x5] =	stream.indirect.gather [hbm4b:s15+s6], $0x80, s24, s6, $0xb8;
	[tilespmem:$0x1E000] =	vst v63  }
0x106: {  	_ =	swait.ge [sflag:s10], $0x2000  }
0x107: {  	[sflag:s10] =	ssyncset.done $0x0  }
0x108: {  	s25 =	rddreg [dreg:$0x1e];
	[sflag:s10] =	ssyncadd.s32 $0xFFFFE000  }
0x109: {  	[spmem:s1] =	stream.indirect.scatter.add.f32 [tilespmem:s3], [sflag:$0x6], $0x80, s25, s6, $0xb8;
	[tilespmem:$0x1E000] =	vst v63  }
0x10a: {  	_ =	swait.ge [sflag:s4], $0x2000  }
0x10b: {  	[sflag:s4] =	ssyncset.done $0x0  }
0x10c: {  	[sflag:s4] =	ssyncadd.s32 $0xFFFFE000  }
0x10d: {  	_ =	swait.ge [sflag:s11], $0x2000  }
0x10e: {  	[sflag:s11] =	ssyncset.done $0x0  }
0x10f: {  	s21 =	rddreg [dreg:$0x1f];
	[sflag:s11] =	ssyncadd.s32 $0xFFFFE000  }
0x110: {  	[spmem:s1] =	stream.indirect.scatter.add.f32 [tilespmem:s7], [sflag:$0x6], $0x80, s21, s6, $0xb8;
	[tilespmem:$0x1E000] =	vst v63  }
0x111: {  	_ =	swait.ge [sflag:s4], $0x2000  }
0x112: {  	[sflag:s4] =	ssyncset.done $0x0  }
0x113: {  	[sflag:s4] =	ssyncadd.s32 $0xFFFFE000  }
0x114: {  	_ =	swait.ge [sflag:s12], $0x2000  }
0x115: {  	s24 =	sld [smem:$0x7CC]  }
0x116: {  	[sflag:s12] =	ssyncset.done $0x0  }
0x117: {  	[sflag:s12] =	ssyncadd.s32 $0xFFFFE000  }
0x118: {  	[spmem:s1] =	stream.indirect.scatter.add.f32 [tilespmem:s8], [sflag:$0x6], $0x80, s24, s6, $0xb8;
	[tilespmem:$0x1E000] =	vst v63  }
0x119: {  	_ =	swait.ge [sflag:s4], $0x2000  }
0x11a: {  	[sflag:s4] =	ssyncset.done $0x0  }
0x11b: {  	[sflag:s4] =	ssyncadd.s32 $0xFFFFE000  }
0x11c: {  	_ =	swait.ge [sflag:s13], $0x2000  }
0x11d: {  	s25 =	sld [smem:$0x7CD]  }
0x11e: {  	[sflag:s13] =	ssyncset.done $0x0  }
0x11f: {  	p0 =	slt.s32 s28, s23;
	s0 =	smov.u32 s23;
	[sflag:s13] =	ssyncadd.s32 $0xFFFFE000  }
0x120: {  	[spmem:s1] =	stream.indirect.scatter.add.f32 [tilespmem:s9], [sflag:$0x6], $0x80, s25, s6, $0xb8;
	[tilespmem:$0x1E000] =	vst v63  }
0x121: {  	s0 =	smov.u32 @p0 s28;
	_ =	swait.ge [sflag:s4], $0x2000  }
0x122: {  	p0 =	slt.s32 s0, $0x13F;
	[sflag:s4] =	ssyncset.done $0x0  }
0x123: {  	s0 =	simm.s32 @!p0 $0x13F;
	[sflag:s4] =	ssyncadd.s32 $0xFFFFE000  }
0x124: {  	s0 =	sshll.u32 s0, $0x9;
	_ =	swait.ge [sflag:s30], $0x1000  }
0x125: {  	s0 =	sand.u32 $0x1FFFFE00, s0;
	[sflag:s30] =	ssyncset.done $0x0  }
0x126: {  	s0 =	sadd.s32 s14, s0;
	[sflag:s30] =	ssyncadd.s32 $0xFFFFF000  }
0x127: {  	[tilespmem:s2], [sflag:$0x1] =	stream.linear.gather [hbm4b:s0+s2], $0x1000, $0x38;
	[tilespmem:$0x1E000] =	vst v63  }
0x128: {  	s21 =	sld [smem:$0x7CE]  }
0x129: {  	[tilespmem:s3], [sflag:$0x2] =	stream.indirect.gather [hbm4b:s15+s6], $0x80, s5, s6, $0xb8;
	[tilespmem:$0x1E000] =	vst v63  }
0x12a: {  	s24 =	sld [smem:$0x7CF]  }
0x12b: {  	[tilespmem:s7], [sflag:$0x3] =	stream.indirect.gather [hbm4b:s15+s6], $0x80, s21, s6, $0xb8;
	[tilespmem:$0x1E000] =	vst v63  }
0x12c: {  	s25 =	sld [smem:$0x7D0]  }
0x12d: {  	[tilespmem:s8], [sflag:$0x4] =	stream.indirect.gather [hbm4b:s15+s6], $0x80, s24, s6, $0xb8;
	[tilespmem:$0x1E000] =	vst v63  }
0x12e: {  	_ = 	snop  }
0x12f: {  	[tilespmem:s9], [sflag:$0x5] =	stream.indirect.gather [hbm4b:s15+s6], $0x80, s25, s6, $0xb8;
	[tilespmem:$0x1E000] =	vst v63  }
0x130: {  	_ =	swait.ge [sflag:s10], $0x2000  }
0x131: {  	s21 =	sld [smem:$0x7D1]  }
0x132: {  	[sflag:s10] =	ssyncset.done $0x0  }
0x133: {  	[sflag:s10] =	ssyncadd.s32 $0xFFFFE000  }
0x134: {  	[spmem:s1] =	stream.indirect.scatter.add.f32 [tilespmem:s3], [sflag:$0x6], $0x80, s21, s6, $0xb8;
	[tilespmem:$0x1E000] =	vst v63  }
0x135: {  	_ =	swait.ge [sflag:s4], $0x2000  }
0x136: {  	s24 =	sld [smem:$0x7D2]  }
0x137: {  	[sflag:s4] =	ssyncset.done $0x0  }
0x138: {  	[sflag:s4] =	ssyncadd.s32 $0xFFFFE000  }
0x139: {  	[tilespmem:s3], [sflag:$0x2] =	stream.indirect.gather [hbm4b:s15+s6], $0x80, s24, s6, $0xb8;
	[tilespmem:$0x1E000] =	vst v63  }
0x13a: {  	_ =	swait.ge [sflag:s11], $0x2000  }
0x13b: {  	s25 =	sld [smem:$0x7D3]  }
0x13c: {  	[sflag:s11] =	ssyncset.done $0x0  }
0x13d: {  	[sflag:s11] =	ssyncadd.s32 $0xFFFFE000  }
0x13e: {  	[spmem:s1] =	stream.indirect.scatter.add.f32 [tilespmem:s7], [sflag:$0x6], $0x80, s25, s6, $0xb8;
	[tilespmem:$0x1E000] =	vst v63  }
0x13f: {  	_ =	swait.ge [sflag:s4], $0x2000  }
0x140: {  	s21 =	sld [smem:$0x7D4]  }
0x141: {  	[sflag:s4] =	ssyncset.done $0x0  }
0x142: {  	[sflag:s4] =	ssyncadd.s32 $0xFFFFE000  }
0x143: {  	[tilespmem:s7], [sflag:$0x3] =	stream.indirect.gather [hbm4b:s15+s6], $0x80, s21, s6, $0xb8;
	[tilespmem:$0x1E000] =	vst v63  }
0x144: {  	_ =	swait.ge [sflag:s12], $0x2000  }
0x145: {  	s24 =	sld [smem:$0x7D5]  }
0x146: {  	[sflag:s12] =	ssyncset.done $0x0  }
0x147: {  	[sflag:s12] =	ssyncadd.s32 $0xFFFFE000  }
0x148: {  	[spmem:s1] =	stream.indirect.scatter.add.f32 [tilespmem:s8], [sflag:$0x6], $0x80, s24, s6, $0xb8;
	[tilespmem:$0x1E000] =	vst v63  }
0x149: {  	_ =	swait.ge [sflag:s4], $0x2000  }
0x14a: {  	s25 =	sld [smem:$0x7D6]  }
0x14b: {  	[sflag:s4] =	ssyncset.done $0x0  }
0x14c: {  	[sflag:s4] =	ssyncadd.s32 $0xFFFFE000  }
0x14d: {  	[tilespmem:s8], [sflag:$0x4] =	stream.indirect.gather [hbm4b:s15+s6], $0x80, s25, s6, $0xb8;
	[tilespmem:$0x1E000] =	vst v63  }
0x14e: {  	_ =	swait.ge [sflag:s13], $0x2000  }
0x14f: {  	s21 =	sld [smem:$0x7D7]  }
0x150: {  	[sflag:s13] =	ssyncset.done $0x0  }
0x151: {  	[sflag:s13] =	ssyncadd.s32 $0xFFFFE000  }
0x152: {  	[spmem:s1] =	stream.indirect.scatter.add.f32 [tilespmem:s9], [sflag:$0x6], $0x80, s21, s6, $0xb8;
	[tilespmem:$0x1E000] =	vst v63  }
0x153: {  	_ =	swait.ge [sflag:s4], $0x2000  }
0x154: {  	s24 =	sld [smem:$0x7D9]  }
0x155: {  	[sflag:s4] =	ssyncset.done $0x0  }
0x156: {  	[sflag:s4] =	ssyncadd.s32 $0xFFFFE000  }
0x157: {  	[tilespmem:s9], [sflag:$0x5] =	stream.indirect.gather [hbm4b:s15+s6], $0x80, s24, s6, $0xb8;
	[tilespmem:$0x1E000] =	vst v63  }
0x158: {  	_ =	swait.ge [sflag:s10], $0x2000  }
0x159: {  	s25 =	sld [smem:$0x7DA]  }
0x15a: {  	[sflag:s10] =	ssyncset.done $0x0  }
0x15b: {  	[sflag:s10] =	ssyncadd.s32 $0xFFFFE000  }
0x15c: {  	[spmem:s1] =	stream.indirect.scatter.add.f32 [tilespmem:s3], [sflag:$0x6], $0x80, s25, s6, $0xb8;
	[tilespmem:$0x1E000] =	vst v63  }
0x15d: {  	_ =	swait.ge [sflag:s4], $0x2000  }
0x15e: {  	s21 =	sld [smem:$0x7DB]  }
0x15f: {  	[sflag:s4] =	ssyncset.done $0x0  }
0x160: {  	[sflag:s4] =	ssyncadd.s32 $0xFFFFE000  }
0x161: {  	[tilespmem:s3], [sflag:$0x2] =	stream.indirect.gather [hbm4b:s15+s6], $0x80, s21, s6, $0xb8;
	[tilespmem:$0x1E000] =	vst v63  }
0x162: {  	_ =	swait.ge [sflag:s11], $0x2000  }
0x163: {  	s24 =	sld [smem:$0x7DD]  }
0x164: {  	[sflag:s11] =	ssyncset.done $0x0  }
0x165: {  	[sflag:s11] =	ssyncadd.s32 $0xFFFFE000  }
0x166: {  	[spmem:s1] =	stream.indirect.scatter.add.f32 [tilespmem:s7], [sflag:$0x6], $0x80, s24, s6, $0xb8;
	[tilespmem:$0x1E000] =	vst v63  }
0x167: {  	_ =	swait.ge [sflag:s4], $0x2000  }
0x168: {  	s25 =	sld [smem:$0x7DE]  }
0x169: {  	[sflag:s4] =	ssyncset.done $0x0  }
0x16a: {  	[sflag:s4] =	ssyncadd.s32 $0xFFFFE000  }
0x16b: {  	[tilespmem:s7], [sflag:$0x3] =	stream.indirect.gather [hbm4b:s15+s6], $0x80, s25, s6, $0xb8;
	[tilespmem:$0x1E000] =	vst v63  }
0x16c: {  	_ =	swait.ge [sflag:s12], $0x2000  }
0x16d: {  	s21 =	sld [smem:$0x7DF]  }
0x16e: {  	[sflag:s12] =	ssyncset.done $0x0  }
0x16f: {  	[sflag:s12] =	ssyncadd.s32 $0xFFFFE000  }
0x170: {  	[spmem:s1] =	stream.indirect.scatter.add.f32 [tilespmem:s8], [sflag:$0x6], $0x80, s21, s6, $0xb8;
	[tilespmem:$0x1E000] =	vst v63  }
0x171: {  	_ =	swait.ge [sflag:s4], $0x2000  }
0x172: {  	s24 =	sld [smem:$0x7E1]  }
0x173: {  	[sflag:s4] =	ssyncset.done $0x0  }
0x174: {  	[sflag:s4] =	ssyncadd.s32 $0xFFFFE000  }
0x175: {  	[tilespmem:s8], [sflag:$0x4] =	stream.indirect.gather [hbm4b:s15+s6], $0x80, s24, s6, $0xb8;
	[tilespmem:$0x1E000] =	vst v63  }
0x176: {  	_ =	swait.ge [sflag:s13], $0x2000  }
0x177: {  	s25 =	sld [smem:$0x7E2]  }
0x178: {  	[sflag:s13] =	ssyncset.done $0x0  }
0x179: {  	[sflag:s13] =	ssyncadd.s32 $0xFFFFE000  }
0x17a: {  	[spmem:s1] =	stream.indirect.scatter.add.f32 [tilespmem:s9], [sflag:$0x6], $0x80, s25, s6, $0xb8;
	[tilespmem:$0x1E000] =	vst v63  }
0x17b: {  	_ =	swait.ge [sflag:s4], $0x2000  }
0x17c: {  	s21 =	sld [smem:$0x7E3]  }
0x17d: {  	[sflag:s4] =	ssyncset.done $0x0  }
0x17e: {  	[sflag:s4] =	ssyncadd.s32 $0xFFFFE000  }
0x17f: {  	[tilespmem:s9], [sflag:$0x5] =	stream.indirect.gather [hbm4b:s15+s6], $0x80, s21, s6, $0xb8;
	[tilespmem:$0x1E000] =	vst v63  }
0x180: {  	_ =	swait.ge [sflag:s10], $0x2000  }
0x181: {  	s24 =	sld [smem:$0x7E5]  }
0x182: {  	[sflag:s10] =	ssyncset.done $0x0  }
0x183: {  	[sflag:s10] =	ssyncadd.s32 $0xFFFFE000  }
0x184: {  	[spmem:s1] =	stream.indirect.scatter.add.f32 [tilespmem:s3], [sflag:$0x6], $0x80, s24, s6, $0xb8;
	[tilespmem:$0x1E000] =	vst v63  }
0x185: {  	_ =	swait.ge [sflag:s4], $0x2000  }
0x186: {  	s25 =	sld [smem:$0x7E6]  }
0x187: {  	[sflag:s4] =	ssyncset.done $0x0  }
0x188: {  	[sflag:s4] =	ssyncadd.s32 $0xFFFFE000  }
0x189: {  	[tilespmem:s3], [sflag:$0x2] =	stream.indirect.gather [hbm4b:s15+s6], $0x80, s25, s6, $0xb8;
	[tilespmem:$0x1E000] =	vst v63  }
0x18a: {  	_ =	swait.ge [sflag:s11], $0x2000  }
0x18b: {  	s21 =	sld [smem:$0x7E7]  }
0x18c: {  	[sflag:s11] =	ssyncset.done $0x0  }
0x18d: {  	[sflag:s11] =	ssyncadd.s32 $0xFFFFE000  }
0x18e: {  	[spmem:s1] =	stream.indirect.scatter.add.f32 [tilespmem:s7], [sflag:$0x6], $0x80, s21, s6, $0xb8;
	[tilespmem:$0x1E000] =	vst v63  }
0x18f: {  	_ =	swait.ge [sflag:s4], $0x2000  }
0x190: {  	s24 =	sld [smem:$0x7E9]  }
0x191: {  	[sflag:s4] =	ssyncset.done $0x0  }
0x192: {  	[sflag:s4] =	ssyncadd.s32 $0xFFFFE000  }
0x193: {  	[tilespmem:s7], [sflag:$0x3] =	stream.indirect.gather [hbm4b:s15+s6], $0x80, s24, s6, $0xb8;
	[tilespmem:$0x1E000] =	vst v63  }
0x194: {  	_ =	swait.ge [sflag:s12], $0x2000  }
0x195: {  	s25 =	sld [smem:$0x7EA]  }
0x196: {  	[sflag:s12] =	ssyncset.done $0x0  }
0x197: {  	[sflag:s12] =	ssyncadd.s32 $0xFFFFE000  }
0x198: {  	[spmem:s1] =	stream.indirect.scatter.add.f32 [tilespmem:s8], [sflag:$0x6], $0x80, s25, s6, $0xb8;
	[tilespmem:$0x1E000] =	vst v63  }
0x199: {  	_ =	swait.ge [sflag:s4], $0x2000  }
0x19a: {  	s21 =	sld [smem:$0x7EB]  }
0x19b: {  	[sflag:s4] =	ssyncset.done $0x0  }
0x19c: {  	[sflag:s4] =	ssyncadd.s32 $0xFFFFE000  }
0x19d: {  	[tilespmem:s8], [sflag:$0x4] =	stream.indirect.gather [hbm4b:s15+s6], $0x80, s21, s6, $0xb8;
	[tilespmem:$0x1E000] =	vst v63  }
0x19e: {  	_ =	swait.ge [sflag:s13], $0x2000  }
0x19f: {  	s24 =	sld [smem:$0x7EC]  }
0x1a0: {  	[sflag:s13] =	ssyncset.done $0x0  }
0x1a1: {  	[sflag:s13] =	ssyncadd.s32 $0xFFFFE000  }
0x1a2: {  	[spmem:s1] =	stream.indirect.scatter.add.f32 [tilespmem:s9], [sflag:$0x6], $0x80, s24, s6, $0xb8;
	[tilespmem:$0x1E000] =	vst v63  }
0x1a3: {  	_ =	swait.ge [sflag:s4], $0x2000  }
0x1a4: {  	s25 =	sld [smem:$0x7F2]  }
0x1a5: {  	[sflag:s4] =	ssyncset.done $0x0  }
0x1a6: {  	[sflag:s4] =	ssyncadd.s32 $0xFFFFE000  }
0x1a7: {  	[tilespmem:s9], [sflag:$0x5] =	stream.indirect.gather [hbm4b:s15+s6], $0x80, s25, s6, $0xb8;
	[tilespmem:$0x1E000] =	vst v63  }
0x1a8: {  	_ =	swait.ge [sflag:s10], $0x2000  }
0x1a9: {  	[sflag:s10] =	ssyncset.done $0x0  }
0x1aa: {  	[sflag:s10] =	ssyncadd.s32 $0xFFFFE000  }
0x1ab: {  	[spmem:s1] =	stream.indirect.scatter.add.f32 [tilespmem:s3], [sflag:$0x6], $0x80, s29, s6, $0xb8;
	[tilespmem:$0x1E000] =	vst v63  }
0x1ac: {  	_ =	swait.ge [sflag:s4], $0x2000  }
0x1ad: {  	[sflag:s4] =	ssyncset.done $0x0  }
0x1ae: {  	[sflag:s4] =	ssyncadd.s32 $0xFFFFE000  }
0x1af: {  	_ =	swait.ge [sflag:s11], $0x2000  }
0x1b0: {  	[sflag:s11] =	ssyncset.done $0x0  }
0x1b1: {  	[sflag:s11] =	ssyncadd.s32 $0xFFFFE000  }
0x1b2: {  	[spmem:s1] =	stream.indirect.scatter.add.f32 [tilespmem:s7], [sflag:$0x6], $0x80, s16, s6, $0xb8;
	[tilespmem:$0x1E000] =	vst v63  }
0x1b3: {  	_ =	swait.ge [sflag:s4], $0x2000  }
0x1b4: {  	[sflag:s4] =	ssyncset.done $0x0  }
0x1b5: {  	[sflag:s4] =	ssyncadd.s32 $0xFFFFE000  }
0x1b6: {  	_ =	swait.ge [sflag:s12], $0x2000  }
0x1b7: {  	[sflag:s12] =	ssyncset.done $0x0  }
0x1b8: {  	[sflag:s12] =	ssyncadd.s32 $0xFFFFE000  }
0x1b9: {  	[spmem:s1] =	stream.indirect.scatter.add.f32 [tilespmem:s8], [sflag:$0x6], $0x80, s17, s6, $0xb8;
	[tilespmem:$0x1E000] =	vst v63  }
0x1ba: {  	_ =	swait.ge [sflag:s4], $0x2000  }
0x1bb: {  	[sflag:s4] =	ssyncset.done $0x0  }
0x1bc: {  	[sflag:s4] =	ssyncadd.s32 $0xFFFFE000  }
0x1bd: {  	_ =	swait.ge [sflag:s13], $0x2000  }
0x1be: {  	[sflag:s13] =	ssyncset.done $0x0  }
0x1bf: {  	p0 =	sne.s32 s19, $0x1;
	[sflag:s13] =	ssyncadd.s32 $0xFFFFE000  }
0x1c0: {  	[spmem:s1] =	stream.indirect.scatter.add.f32 [tilespmem:s9], [sflag:$0x6], $0x80, s18, s6, $0xb8;
	[tilespmem:$0x1E000] =	vst v63  }
.Ltmp1:
0x1c1: {  	_ =	swait.ge [sflag:s4], $0x2000;
	(pc) =	sbr.rel @!p0 .LBB2_5-.Ltmp1, $4  }
0x1c2: {  	[sflag:s4] =	ssyncset.done $0x0  }
0x1c3: {  	[sflag:s4] =	ssyncadd.s32 $0xFFFFE000  }
0x1c4: {  	s31 =	smov.u32 s23;
	_ =	swait.ge [sflag:s30], $0x1000  }
0x1c5: {  	s0 =	smov.u32 s22;
	s21 =	sadd.s32 $0xFFFFFFFF, s19;
	[sflag:s30] =	ssyncset.done $0x0  }
.LBB2_4:
0x1c6: {  	[sflag:s30] =	ssyncadd.s32 $0xFFFFF000;
	s0 =	sadd.s32 $0x400, s0  }
0x1c7: {  	[tilespmem:s5], [sflag:$0x1] =	stream.linear.gather [hbm4b:s0+s2], $0x1000, $0x38;
	[tilespmem:$0x1E000] =	vst v63  }
0x1c8: {  	_ = 	snop  }
0x1c9: {  	[tilespmem:s3], [sflag:$0x2] =	stream.indirect.gather [hbm4b:s15+s6], $0x80, s2, s6, $0xb8;
	[tilespmem:$0x1E000] =	vst v63  }
0x1ca: {  	s24 =	rddreg [dreg:$0x3]  }
0x1cb: {  	[tilespmem:s7], [sflag:$0x3] =	stream.indirect.gather [hbm4b:s15+s6], $0x80, s24, s6, $0xb8;
	[tilespmem:$0x1E000] =	vst v63  }
0x1cc: {  	s25 =	rddreg [dreg:$0x4]  }
0x1cd: {  	[tilespmem:s8], [sflag:$0x4] =	stream.indirect.gather [hbm4b:s15+s6], $0x80, s25, s6, $0xb8;
	[tilespmem:$0x1E000] =	vst v63  }
0x1ce: {  	s24 =	rddreg [dreg:$0x5]  }
0x1cf: {  	[tilespmem:s9], [sflag:$0x5] =	stream.indirect.gather [hbm4b:s15+s6], $0x80, s24, s6, $0xb8;
	[tilespmem:$0x1E000] =	vst v63  }
0x1d0: {  	_ =	swait.ge [sflag:s10], $0x2000  }
0x1d1: {  	[sflag:s10] =	ssyncset.done $0x0  }
0x1d2: {  	s25 =	rddreg [dreg:$0x6];
	[sflag:s10] =	ssyncadd.s32 $0xFFFFE000  }
0x1d3: {  	[spmem:s1] =	stream.indirect.scatter.add.f32 [tilespmem:s3], [sflag:$0x6], $0x80, s25, s6, $0xb8;
	[tilespmem:$0x1E000] =	vst v63  }
0x1d4: {  	_ =	swait.ge [sflag:s4], $0x2000  }
0x1d5: {  	[sflag:s4] =	ssyncset.done $0x0  }
0x1d6: {  	s25 =	rddreg [dreg:$0x7];
	[sflag:s4] =	ssyncadd.s32 $0xFFFFE000  }
0x1d7: {  	[tilespmem:s3], [sflag:$0x2] =	stream.indirect.gather [hbm4b:s15+s6], $0x80, s25, s6, $0xb8;
	[tilespmem:$0x1E000] =	vst v63  }
0x1d8: {  	_ =	swait.ge [sflag:s11], $0x2000  }
0x1d9: {  	[sflag:s11] =	ssyncset.done $0x0  }
0x1da: {  	s25 =	rddreg [dreg:$0x8];
	[sflag:s11] =	ssyncadd.s32 $0xFFFFE000  }
0x1db: {  	[spmem:s1] =	stream.indirect.scatter.add.f32 [tilespmem:s7], [sflag:$0x6], $0x80, s25, s6, $0xb8;
	[tilespmem:$0x1E000] =	vst v63  }
0x1dc: {  	_ =	swait.ge [sflag:s4], $0x2000  }
0x1dd: {  	[sflag:s4] =	ssyncset.done $0x0  }
0x1de: {  	s25 =	rddreg [dreg:$0x9];
	[sflag:s4] =	ssyncadd.s32 $0xFFFFE000  }
0x1df: {  	[tilespmem:s7], [sflag:$0x3] =	stream.indirect.gather [hbm4b:s15+s6], $0x80, s25, s6, $0xb8;
	[tilespmem:$0x1E000] =	vst v63  }
0x1e0: {  	_ =	swait.ge [sflag:s12], $0x2000  }
0x1e1: {  	[sflag:s12] =	ssyncset.done $0x0  }
0x1e2: {  	s25 =	rddreg [dreg:$0xa];
	[sflag:s12] =	ssyncadd.s32 $0xFFFFE000  }
0x1e3: {  	[spmem:s1] =	stream.indirect.scatter.add.f32 [tilespmem:s8], [sflag:$0x6], $0x80, s25, s6, $0xb8;
	[tilespmem:$0x1E000] =	vst v63  }
0x1e4: {  	_ =	swait.ge [sflag:s4], $0x2000  }
0x1e5: {  	[sflag:s4] =	ssyncset.done $0x0  }
0x1e6: {  	s25 =	rddreg [dreg:$0xb];
	[sflag:s4] =	ssyncadd.s32 $0xFFFFE000  }
0x1e7: {  	[tilespmem:s8], [sflag:$0x4] =	stream.indirect.gather [hbm4b:s15+s6], $0x80, s25, s6, $0xb8;
	[tilespmem:$0x1E000] =	vst v63  }
0x1e8: {  	_ =	swait.ge [sflag:s13], $0x2000  }
0x1e9: {  	[sflag:s13] =	ssyncset.done $0x0  }
0x1ea: {  	s25 =	rddreg [dreg:$0xc];
	[sflag:s13] =	ssyncadd.s32 $0xFFFFE000  }
0x1eb: {  	[spmem:s1] =	stream.indirect.scatter.add.f32 [tilespmem:s9], [sflag:$0x6], $0x80, s25, s6, $0xb8;
	[tilespmem:$0x1E000] =	vst v63  }
0x1ec: {  	_ =	swait.ge [sflag:s4], $0x2000  }
0x1ed: {  	[sflag:s4] =	ssyncset.done $0x0  }
0x1ee: {  	s25 =	rddreg [dreg:$0xd];
	[sflag:s4] =	ssyncadd.s32 $0xFFFFE000  }
0x1ef: {  	[tilespmem:s9], [sflag:$0x5] =	stream.indirect.gather [hbm4b:s15+s6], $0x80, s25, s6, $0xb8;
	[tilespmem:$0x1E000] =	vst v63  }
0x1f0: {  	_ =	swait.ge [sflag:s10], $0x2000  }
0x1f1: {  	[sflag:s10] =	ssyncset.done $0x0  }
0x1f2: {  	s25 =	rddreg [dreg:$0xe];
	[sflag:s10] =	ssyncadd.s32 $0xFFFFE000  }
0x1f3: {  	[spmem:s1] =	stream.indirect.scatter.add.f32 [tilespmem:s3], [sflag:$0x6], $0x80, s25, s6, $0xb8;
	[tilespmem:$0x1E000] =	vst v63  }
0x1f4: {  	_ =	swait.ge [sflag:s4], $0x2000  }
0x1f5: {  	[sflag:s4] =	ssyncset.done $0x0  }
0x1f6: {  	s25 =	rddreg [dreg:$0xf];
	[sflag:s4] =	ssyncadd.s32 $0xFFFFE000  }
0x1f7: {  	[tilespmem:s3], [sflag:$0x2] =	stream.indirect.gather [hbm4b:s15+s6], $0x80, s25, s6, $0xb8;
	[tilespmem:$0x1E000] =	vst v63  }
0x1f8: {  	_ =	swait.ge [sflag:s11], $0x2000  }
0x1f9: {  	[sflag:s11] =	ssyncset.done $0x0  }
0x1fa: {  	s25 =	rddreg [dreg:$0x10];
	[sflag:s11] =	ssyncadd.s32 $0xFFFFE000  }
0x1fb: {  	[spmem:s1] =	stream.indirect.scatter.add.f32 [tilespmem:s7], [sflag:$0x6], $0x80, s25, s6, $0xb8;
	[tilespmem:$0x1E000] =	vst v63  }
0x1fc: {  	_ =	swait.ge [sflag:s4], $0x2000  }
0x1fd: {  	[sflag:s4] =	ssyncset.done $0x0  }
0x1fe: {  	s25 =	rddreg [dreg:$0x11];
	[sflag:s4] =	ssyncadd.s32 $0xFFFFE000  }
0x1ff: {  	[tilespmem:s7], [sflag:$0x3] =	stream.indirect.gather [hbm4b:s15+s6], $0x80, s25, s6, $0xb8;
	[tilespmem:$0x1E000] =	vst v63  }
0x200: {  	_ =	swait.ge [sflag:s12], $0x2000  }
0x201: {  	[sflag:s12] =	ssyncset.done $0x0  }
0x202: {  	s25 =	rddreg [dreg:$0x12];
	[sflag:s12] =	ssyncadd.s32 $0xFFFFE000  }
0x203: {  	[spmem:s1] =	stream.indirect.scatter.add.f32 [tilespmem:s8], [sflag:$0x6], $0x80, s25, s6, $0xb8;
	[tilespmem:$0x1E000] =	vst v63  }
0x204: {  	_ =	swait.ge [sflag:s4], $0x2000  }
0x205: {  	[sflag:s4] =	ssyncset.done $0x0  }
0x206: {  	s25 =	rddreg [dreg:$0x13];
	[sflag:s4] =	ssyncadd.s32 $0xFFFFE000  }
0x207: {  	[tilespmem:s8], [sflag:$0x4] =	stream.indirect.gather [hbm4b:s15+s6], $0x80, s25, s6, $0xb8;
	[tilespmem:$0x1E000] =	vst v63  }
0x208: {  	_ =	swait.ge [sflag:s13], $0x2000  }
0x209: {  	[sflag:s13] =	ssyncset.done $0x0  }
0x20a: {  	s25 =	rddreg [dreg:$0x14];
	[sflag:s13] =	ssyncadd.s32 $0xFFFFE000  }
0x20b: {  	[spmem:s1] =	stream.indirect.scatter.add.f32 [tilespmem:s9], [sflag:$0x6], $0x80, s25, s6, $0xb8;
	[tilespmem:$0x1E000] =	vst v63  }
0x20c: {  	_ =	swait.ge [sflag:s4], $0x2000  }
0x20d: {  	[sflag:s4] =	ssyncset.done $0x0  }
0x20e: {  	s25 =	rddreg [dreg:$0x15];
	[sflag:s4] =	ssyncadd.s32 $0xFFFFE000  }
0x20f: {  	[tilespmem:s9], [sflag:$0x5] =	stream.indirect.gather [hbm4b:s15+s6], $0x80, s25, s6, $0xb8;
	[tilespmem:$0x1E000] =	vst v63  }
0x210: {  	_ =	swait.ge [sflag:s10], $0x2000  }
0x211: {  	[sflag:s10] =	ssyncset.done $0x0  }
0x212: {  	s25 =	rddreg [dreg:$0x16];
	[sflag:s10] =	ssyncadd.s32 $0xFFFFE000  }
0x213: {  	[spmem:s1] =	stream.indirect.scatter.add.f32 [tilespmem:s3], [sflag:$0x6], $0x80, s25, s6, $0xb8;
	[tilespmem:$0x1E000] =	vst v63  }
0x214: {  	_ =	swait.ge [sflag:s4], $0x2000  }
0x215: {  	[sflag:s4] =	ssyncset.done $0x0  }
0x216: {  	s25 =	rddreg [dreg:$0x17];
	[sflag:s4] =	ssyncadd.s32 $0xFFFFE000  }
0x217: {  	[tilespmem:s3], [sflag:$0x2] =	stream.indirect.gather [hbm4b:s15+s6], $0x80, s25, s6, $0xb8;
	[tilespmem:$0x1E000] =	vst v63  }
0x218: {  	_ =	swait.ge [sflag:s11], $0x2000  }
0x219: {  	[sflag:s11] =	ssyncset.done $0x0  }
0x21a: {  	s25 =	rddreg [dreg:$0x18];
	[sflag:s11] =	ssyncadd.s32 $0xFFFFE000  }
0x21b: {  	[spmem:s1] =	stream.indirect.scatter.add.f32 [tilespmem:s7], [sflag:$0x6], $0x80, s25, s6, $0xb8;
	[tilespmem:$0x1E000] =	vst v63  }
0x21c: {  	_ =	swait.ge [sflag:s4], $0x2000  }
0x21d: {  	[sflag:s4] =	ssyncset.done $0x0  }
0x21e: {  	s25 =	rddreg [dreg:$0x19];
	[sflag:s4] =	ssyncadd.s32 $0xFFFFE000  }
0x21f: {  	[tilespmem:s7], [sflag:$0x3] =	stream.indirect.gather [hbm4b:s15+s6], $0x80, s25, s6, $0xb8;
	[tilespmem:$0x1E000] =	vst v63  }
0x220: {  	_ =	swait.ge [sflag:s12], $0x2000  }
0x221: {  	[sflag:s12] =	ssyncset.done $0x0  }
0x222: {  	s25 =	rddreg [dreg:$0x1a];
	[sflag:s12] =	ssyncadd.s32 $0xFFFFE000  }
0x223: {  	[spmem:s1] =	stream.indirect.scatter.add.f32 [tilespmem:s8], [sflag:$0x6], $0x80, s25, s6, $0xb8;
	[tilespmem:$0x1E000] =	vst v63  }
0x224: {  	_ =	swait.ge [sflag:s4], $0x2000  }
0x225: {  	[sflag:s4] =	ssyncset.done $0x0  }
0x226: {  	s25 =	rddreg [dreg:$0x1b];
	[sflag:s4] =	ssyncadd.s32 $0xFFFFE000  }
0x227: {  	[tilespmem:s8], [sflag:$0x4] =	stream.indirect.gather [hbm4b:s15+s6], $0x80, s25, s6, $0xb8;
	[tilespmem:$0x1E000] =	vst v63  }
0x228: {  	_ =	swait.ge [sflag:s13], $0x2000  }
0x229: {  	[sflag:s13] =	ssyncset.done $0x0  }
0x22a: {  	s25 =	rddreg [dreg:$0x1c];
	[sflag:s13] =	ssyncadd.s32 $0xFFFFE000  }
0x22b: {  	[spmem:s1] =	stream.indirect.scatter.add.f32 [tilespmem:s9], [sflag:$0x6], $0x80, s25, s6, $0xb8;
	[tilespmem:$0x1E000] =	vst v63  }
0x22c: {  	_ =	swait.ge [sflag:s4], $0x2000  }
0x22d: {  	[sflag:s4] =	ssyncset.done $0x0  }
0x22e: {  	s25 =	rddreg [dreg:$0x1d];
	[sflag:s4] =	ssyncadd.s32 $0xFFFFE000  }
0x22f: {  	[tilespmem:s9], [sflag:$0x5] =	stream.indirect.gather [hbm4b:s15+s6], $0x80, s25, s6, $0xb8;
	[tilespmem:$0x1E000] =	vst v63  }
0x230: {  	_ =	swait.ge [sflag:s10], $0x2000  }
0x231: {  	[sflag:s10] =	ssyncset.done $0x0  }
0x232: {  	s25 =	rddreg [dreg:$0x1e];
	[sflag:s10] =	ssyncadd.s32 $0xFFFFE000  }
0x233: {  	[spmem:s1] =	stream.indirect.scatter.add.f32 [tilespmem:s3], [sflag:$0x6], $0x80, s25, s6, $0xb8;
	[tilespmem:$0x1E000] =	vst v63  }
0x234: {  	_ =	swait.ge [sflag:s4], $0x2000  }
0x235: {  	[sflag:s4] =	ssyncset.done $0x0  }
0x236: {  	[sflag:s4] =	ssyncadd.s32 $0xFFFFE000  }
0x237: {  	_ =	swait.ge [sflag:s11], $0x2000  }
0x238: {  	[sflag:s11] =	ssyncset.done $0x0  }
0x239: {  	s25 =	rddreg [dreg:$0x1f];
	[sflag:s11] =	ssyncadd.s32 $0xFFFFE000  }
0x23a: {  	[spmem:s1] =	stream.indirect.scatter.add.f32 [tilespmem:s7], [sflag:$0x6], $0x80, s25, s6, $0xb8;
	[tilespmem:$0x1E000] =	vst v63  }
0x23b: {  	_ =	swait.ge [sflag:s4], $0x2000  }
0x23c: {  	[sflag:s4] =	ssyncset.done $0x0  }
0x23d: {  	[sflag:s4] =	ssyncadd.s32 $0xFFFFE000  }
0x23e: {  	_ =	swait.ge [sflag:s12], $0x2000  }
0x23f: {  	s25 =	sld [smem:$0x7CC]  }
0x240: {  	[sflag:s12] =	ssyncset.done $0x0  }
0x241: {  	[sflag:s12] =	ssyncadd.s32 $0xFFFFE000  }
0x242: {  	[spmem:s1] =	stream.indirect.scatter.add.f32 [tilespmem:s8], [sflag:$0x6], $0x80, s25, s6, $0xb8;
	[tilespmem:$0x1E000] =	vst v63  }
0x243: {  	_ =	swait.ge [sflag:s4], $0x2000  }
0x244: {  	[sflag:s4] =	ssyncset.done $0x0  }
0x245: {  	[sflag:s4] =	ssyncadd.s32 $0xFFFFE000  }
0x246: {  	_ =	swait.ge [sflag:s13], $0x2000  }
0x247: {  	s25 =	sld [smem:$0x7CD]  }
0x248: {  	s31 =	sadd.s32 $0x2, s31;
	[sflag:s13] =	ssyncset.done $0x0  }
0x249: {  	p1 =	slt.s32 s28, s31;
	s24 =	smov.u32 s31;
	[sflag:s13] =	ssyncadd.s32 $0xFFFFE000  }
0x24a: {  	[spmem:s1] =	stream.indirect.scatter.add.f32 [tilespmem:s9], [sflag:$0x6], $0x80, s25, s6, $0xb8;
	[tilespmem:$0x1E000] =	vst v63  }
0x24b: {  	s24 =	smov.u32 @p1 s28;
	_ =	swait.ge [sflag:s4], $0x2000  }
0x24c: {  	p1 =	slt.s32 s24, $0x13F;
	[sflag:s4] =	ssyncset.done $0x0  }
0x24d: {  	s24 =	simm.s32 @!p1 $0x13F;
	[sflag:s4] =	ssyncadd.s32 $0xFFFFE000  }
0x24e: {  	s24 =	sshll.u32 s24, $0x9;
	_ =	swait.ge [sflag:s30], $0x1000  }
0x24f: {  	s24 =	sand.u32 $0x1FFFFE00, s24;
	[sflag:s30] =	ssyncset.done $0x0  }
0x250: {  	s24 =	sadd.s32 s14, s24;
	[sflag:s30] =	ssyncadd.s32 $0xFFFFF000  }
0x251: {  	[tilespmem:s2], [sflag:$0x1] =	stream.linear.gather [hbm4b:s24+s2], $0x1000, $0x38;
	[tilespmem:$0x1E000] =	vst v63  }
0x252: {  	s24 =	sld [smem:$0x7CE]  }
0x253: {  	[tilespmem:s3], [sflag:$0x2] =	stream.indirect.gather [hbm4b:s15+s6], $0x80, s5, s6, $0xb8;
	[tilespmem:$0x1E000] =	vst v63  }
0x254: {  	s25 =	sld [smem:$0x7CF]  }
0x255: {  	[tilespmem:s7], [sflag:$0x3] =	stream.indirect.gather [hbm4b:s15+s6], $0x80, s24, s6, $0xb8;
	[tilespmem:$0x1E000] =	vst v63  }
0x256: {  	s24 =	sld [smem:$0x7D0]  }
0x257: {  	[tilespmem:s8], [sflag:$0x4] =	stream.indirect.gather [hbm4b:s15+s6], $0x80, s25, s6, $0xb8;
	[tilespmem:$0x1E000] =	vst v63  }
0x258: {  	_ = 	snop  }
0x259: {  	[tilespmem:s9], [sflag:$0x5] =	stream.indirect.gather [hbm4b:s15+s6], $0x80, s24, s6, $0xb8;
	[tilespmem:$0x1E000] =	vst v63  }
0x25a: {  	_ =	swait.ge [sflag:s10], $0x2000  }
0x25b: {  	s25 =	sld [smem:$0x7D1]  }
0x25c: {  	[sflag:s10] =	ssyncset.done $0x0  }
0x25d: {  	[sflag:s10] =	ssyncadd.s32 $0xFFFFE000  }
0x25e: {  	[spmem:s1] =	stream.indirect.scatter.add.f32 [tilespmem:s3], [sflag:$0x6], $0x80, s25, s6, $0xb8;
	[tilespmem:$0x1E000] =	vst v63  }
0x25f: {  	_ =	swait.ge [sflag:s4], $0x2000  }
0x260: {  	s25 =	sld [smem:$0x7D2]  }
0x261: {  	[sflag:s4] =	ssyncset.done $0x0  }
0x262: {  	[sflag:s4] =	ssyncadd.s32 $0xFFFFE000  }
0x263: {  	[tilespmem:s3], [sflag:$0x2] =	stream.indirect.gather [hbm4b:s15+s6], $0x80, s25, s6, $0xb8;
	[tilespmem:$0x1E000] =	vst v63  }
0x264: {  	_ =	swait.ge [sflag:s11], $0x2000  }
0x265: {  	s25 =	sld [smem:$0x7D3]  }
0x266: {  	[sflag:s11] =	ssyncset.done $0x0  }
0x267: {  	[sflag:s11] =	ssyncadd.s32 $0xFFFFE000  }
0x268: {  	[spmem:s1] =	stream.indirect.scatter.add.f32 [tilespmem:s7], [sflag:$0x6], $0x80, s25, s6, $0xb8;
	[tilespmem:$0x1E000] =	vst v63  }
0x269: {  	_ =	swait.ge [sflag:s4], $0x2000  }
0x26a: {  	s25 =	sld [smem:$0x7D4]  }
0x26b: {  	[sflag:s4] =	ssyncset.done $0x0  }
0x26c: {  	[sflag:s4] =	ssyncadd.s32 $0xFFFFE000  }
0x26d: {  	[tilespmem:s7], [sflag:$0x3] =	stream.indirect.gather [hbm4b:s15+s6], $0x80, s25, s6, $0xb8;
	[tilespmem:$0x1E000] =	vst v63  }
0x26e: {  	_ =	swait.ge [sflag:s12], $0x2000  }
0x26f: {  	s25 =	sld [smem:$0x7D5]  }
0x270: {  	[sflag:s12] =	ssyncset.done $0x0  }
0x271: {  	[sflag:s12] =	ssyncadd.s32 $0xFFFFE000  }
0x272: {  	[spmem:s1] =	stream.indirect.scatter.add.f32 [tilespmem:s8], [sflag:$0x6], $0x80, s25, s6, $0xb8;
	[tilespmem:$0x1E000] =	vst v63  }
0x273: {  	_ =	swait.ge [sflag:s4], $0x2000  }
0x274: {  	s25 =	sld [smem:$0x7D6]  }
0x275: {  	[sflag:s4] =	ssyncset.done $0x0  }
0x276: {  	[sflag:s4] =	ssyncadd.s32 $0xFFFFE000  }
0x277: {  	[tilespmem:s8], [sflag:$0x4] =	stream.indirect.gather [hbm4b:s15+s6], $0x80, s25, s6, $0xb8;
	[tilespmem:$0x1E000] =	vst v63  }
0x278: {  	_ =	swait.ge [sflag:s13], $0x2000  }
0x279: {  	s25 =	sld [smem:$0x7D7]  }
0x27a: {  	[sflag:s13] =	ssyncset.done $0x0  }
0x27b: {  	[sflag:s13] =	ssyncadd.s32 $0xFFFFE000  }
0x27c: {  	[spmem:s1] =	stream.indirect.scatter.add.f32 [tilespmem:s9], [sflag:$0x6], $0x80, s25, s6, $0xb8;
	[tilespmem:$0x1E000] =	vst v63  }
0x27d: {  	_ =	swait.ge [sflag:s4], $0x2000  }
0x27e: {  	s25 =	sld [smem:$0x7D9]  }
0x27f: {  	[sflag:s4] =	ssyncset.done $0x0  }
0x280: {  	[sflag:s4] =	ssyncadd.s32 $0xFFFFE000  }
0x281: {  	[tilespmem:s9], [sflag:$0x5] =	stream.indirect.gather [hbm4b:s15+s6], $0x80, s25, s6, $0xb8;
	[tilespmem:$0x1E000] =	vst v63  }
0x282: {  	_ =	swait.ge [sflag:s10], $0x2000  }
0x283: {  	s25 =	sld [smem:$0x7DA]  }
0x284: {  	[sflag:s10] =	ssyncset.done $0x0  }
0x285: {  	[sflag:s10] =	ssyncadd.s32 $0xFFFFE000  }
0x286: {  	[spmem:s1] =	stream.indirect.scatter.add.f32 [tilespmem:s3], [sflag:$0x6], $0x80, s25, s6, $0xb8;
	[tilespmem:$0x1E000] =	vst v63  }
0x287: {  	_ =	swait.ge [sflag:s4], $0x2000  }
0x288: {  	s25 =	sld [smem:$0x7DB]  }
0x289: {  	[sflag:s4] =	ssyncset.done $0x0  }
0x28a: {  	[sflag:s4] =	ssyncadd.s32 $0xFFFFE000  }
0x28b: {  	[tilespmem:s3], [sflag:$0x2] =	stream.indirect.gather [hbm4b:s15+s6], $0x80, s25, s6, $0xb8;
	[tilespmem:$0x1E000] =	vst v63  }
0x28c: {  	_ =	swait.ge [sflag:s11], $0x2000  }
0x28d: {  	s25 =	sld [smem:$0x7DD]  }
0x28e: {  	[sflag:s11] =	ssyncset.done $0x0  }
0x28f: {  	[sflag:s11] =	ssyncadd.s32 $0xFFFFE000  }
0x290: {  	[spmem:s1] =	stream.indirect.scatter.add.f32 [tilespmem:s7], [sflag:$0x6], $0x80, s25, s6, $0xb8;
	[tilespmem:$0x1E000] =	vst v63  }
0x291: {  	_ =	swait.ge [sflag:s4], $0x2000  }
0x292: {  	s25 =	sld [smem:$0x7DE]  }
0x293: {  	[sflag:s4] =	ssyncset.done $0x0  }
0x294: {  	[sflag:s4] =	ssyncadd.s32 $0xFFFFE000  }
0x295: {  	[tilespmem:s7], [sflag:$0x3] =	stream.indirect.gather [hbm4b:s15+s6], $0x80, s25, s6, $0xb8;
	[tilespmem:$0x1E000] =	vst v63  }
0x296: {  	_ =	swait.ge [sflag:s12], $0x2000  }
0x297: {  	s25 =	sld [smem:$0x7DF]  }
0x298: {  	[sflag:s12] =	ssyncset.done $0x0  }
0x299: {  	[sflag:s12] =	ssyncadd.s32 $0xFFFFE000  }
0x29a: {  	[spmem:s1] =	stream.indirect.scatter.add.f32 [tilespmem:s8], [sflag:$0x6], $0x80, s25, s6, $0xb8;
	[tilespmem:$0x1E000] =	vst v63  }
0x29b: {  	_ =	swait.ge [sflag:s4], $0x2000  }
0x29c: {  	s25 =	sld [smem:$0x7E1]  }
0x29d: {  	[sflag:s4] =	ssyncset.done $0x0  }
0x29e: {  	[sflag:s4] =	ssyncadd.s32 $0xFFFFE000  }
0x29f: {  	[tilespmem:s8], [sflag:$0x4] =	stream.indirect.gather [hbm4b:s15+s6], $0x80, s25, s6, $0xb8;
	[tilespmem:$0x1E000] =	vst v63  }
0x2a0: {  	_ =	swait.ge [sflag:s13], $0x2000  }
0x2a1: {  	s25 =	sld [smem:$0x7E2]  }
0x2a2: {  	[sflag:s13] =	ssyncset.done $0x0  }
0x2a3: {  	[sflag:s13] =	ssyncadd.s32 $0xFFFFE000  }
0x2a4: {  	[spmem:s1] =	stream.indirect.scatter.add.f32 [tilespmem:s9], [sflag:$0x6], $0x80, s25, s6, $0xb8;
	[tilespmem:$0x1E000] =	vst v63  }
0x2a5: {  	_ =	swait.ge [sflag:s4], $0x2000  }
0x2a6: {  	s25 =	sld [smem:$0x7E3]  }
0x2a7: {  	[sflag:s4] =	ssyncset.done $0x0  }
0x2a8: {  	[sflag:s4] =	ssyncadd.s32 $0xFFFFE000  }
0x2a9: {  	[tilespmem:s9], [sflag:$0x5] =	stream.indirect.gather [hbm4b:s15+s6], $0x80, s25, s6, $0xb8;
	[tilespmem:$0x1E000] =	vst v63  }
0x2aa: {  	_ =	swait.ge [sflag:s10], $0x2000  }
0x2ab: {  	s25 =	sld [smem:$0x7E5]  }
0x2ac: {  	[sflag:s10] =	ssyncset.done $0x0  }
0x2ad: {  	[sflag:s10] =	ssyncadd.s32 $0xFFFFE000  }
0x2ae: {  	[spmem:s1] =	stream.indirect.scatter.add.f32 [tilespmem:s3], [sflag:$0x6], $0x80, s25, s6, $0xb8;
	[tilespmem:$0x1E000] =	vst v63  }
0x2af: {  	_ =	swait.ge [sflag:s4], $0x2000  }
0x2b0: {  	s25 =	sld [smem:$0x7E6]  }
0x2b1: {  	[sflag:s4] =	ssyncset.done $0x0  }
0x2b2: {  	[sflag:s4] =	ssyncadd.s32 $0xFFFFE000  }
0x2b3: {  	[tilespmem:s3], [sflag:$0x2] =	stream.indirect.gather [hbm4b:s15+s6], $0x80, s25, s6, $0xb8;
	[tilespmem:$0x1E000] =	vst v63  }
0x2b4: {  	_ =	swait.ge [sflag:s11], $0x2000  }
0x2b5: {  	s25 =	sld [smem:$0x7E7]  }
0x2b6: {  	[sflag:s11] =	ssyncset.done $0x0  }
0x2b7: {  	[sflag:s11] =	ssyncadd.s32 $0xFFFFE000  }
0x2b8: {  	[spmem:s1] =	stream.indirect.scatter.add.f32 [tilespmem:s7], [sflag:$0x6], $0x80, s25, s6, $0xb8;
	[tilespmem:$0x1E000] =	vst v63  }
0x2b9: {  	_ =	swait.ge [sflag:s4], $0x2000  }
0x2ba: {  	s25 =	sld [smem:$0x7E9]  }
0x2bb: {  	[sflag:s4] =	ssyncset.done $0x0  }
0x2bc: {  	[sflag:s4] =	ssyncadd.s32 $0xFFFFE000  }
0x2bd: {  	[tilespmem:s7], [sflag:$0x3] =	stream.indirect.gather [hbm4b:s15+s6], $0x80, s25, s6, $0xb8;
	[tilespmem:$0x1E000] =	vst v63  }
0x2be: {  	_ =	swait.ge [sflag:s12], $0x2000  }
0x2bf: {  	s25 =	sld [smem:$0x7EA]  }
0x2c0: {  	[sflag:s12] =	ssyncset.done $0x0  }
0x2c1: {  	[sflag:s12] =	ssyncadd.s32 $0xFFFFE000  }
0x2c2: {  	[spmem:s1] =	stream.indirect.scatter.add.f32 [tilespmem:s8], [sflag:$0x6], $0x80, s25, s6, $0xb8;
	[tilespmem:$0x1E000] =	vst v63  }
0x2c3: {  	_ =	swait.ge [sflag:s4], $0x2000  }
0x2c4: {  	s25 =	sld [smem:$0x7EB]  }
0x2c5: {  	[sflag:s4] =	ssyncset.done $0x0  }
0x2c6: {  	[sflag:s4] =	ssyncadd.s32 $0xFFFFE000  }
0x2c7: {  	[tilespmem:s8], [sflag:$0x4] =	stream.indirect.gather [hbm4b:s15+s6], $0x80, s25, s6, $0xb8;
	[tilespmem:$0x1E000] =	vst v63  }
0x2c8: {  	_ =	swait.ge [sflag:s13], $0x2000  }
0x2c9: {  	s25 =	sld [smem:$0x7EC]  }
0x2ca: {  	[sflag:s13] =	ssyncset.done $0x0  }
0x2cb: {  	[sflag:s13] =	ssyncadd.s32 $0xFFFFE000  }
0x2cc: {  	[spmem:s1] =	stream.indirect.scatter.add.f32 [tilespmem:s9], [sflag:$0x6], $0x80, s25, s6, $0xb8;
	[tilespmem:$0x1E000] =	vst v63  }
0x2cd: {  	_ =	swait.ge [sflag:s4], $0x2000  }
0x2ce: {  	s25 =	sld [smem:$0x7F2]  }
0x2cf: {  	[sflag:s4] =	ssyncset.done $0x0  }
0x2d0: {  	[sflag:s4] =	ssyncadd.s32 $0xFFFFE000  }
0x2d1: {  	[tilespmem:s9], [sflag:$0x5] =	stream.indirect.gather [hbm4b:s15+s6], $0x80, s25, s6, $0xb8;
	[tilespmem:$0x1E000] =	vst v63  }
0x2d2: {  	_ =	swait.ge [sflag:s10], $0x2000  }
0x2d3: {  	[sflag:s10] =	ssyncset.done $0x0  }
0x2d4: {  	[sflag:s10] =	ssyncadd.s32 $0xFFFFE000  }
0x2d5: {  	[spmem:s1] =	stream.indirect.scatter.add.f32 [tilespmem:s3], [sflag:$0x6], $0x80, s29, s6, $0xb8;
	[tilespmem:$0x1E000] =	vst v63  }
0x2d6: {  	_ =	swait.ge [sflag:s4], $0x2000  }
0x2d7: {  	[sflag:s4] =	ssyncset.done $0x0  }
0x2d8: {  	[sflag:s4] =	ssyncadd.s32 $0xFFFFE000  }
0x2d9: {  	_ =	swait.ge [sflag:s11], $0x2000  }
0x2da: {  	[sflag:s11] =	ssyncset.done $0x0  }
0x2db: {  	[sflag:s11] =	ssyncadd.s32 $0xFFFFE000  }
0x2dc: {  	[spmem:s1] =	stream.indirect.scatter.add.f32 [tilespmem:s7], [sflag:$0x6], $0x80, s16, s6, $0xb8;
	[tilespmem:$0x1E000] =	vst v63  }
0x2dd: {  	_ =	swait.ge [sflag:s4], $0x2000  }
0x2de: {  	[sflag:s4] =	ssyncset.done $0x0  }
0x2df: {  	[sflag:s4] =	ssyncadd.s32 $0xFFFFE000  }
0x2e0: {  	_ =	swait.ge [sflag:s12], $0x2000  }
0x2e1: {  	[sflag:s12] =	ssyncset.done $0x0  }
0x2e2: {  	[sflag:s12] =	ssyncadd.s32 $0xFFFFE000  }
0x2e3: {  	[spmem:s1] =	stream.indirect.scatter.add.f32 [tilespmem:s8], [sflag:$0x6], $0x80, s17, s6, $0xb8;
	[tilespmem:$0x1E000] =	vst v63  }
0x2e4: {  	_ =	swait.ge [sflag:s4], $0x2000  }
0x2e5: {  	[sflag:s4] =	ssyncset.done $0x0  }
0x2e6: {  	[sflag:s4] =	ssyncadd.s32 $0xFFFFE000  }
0x2e7: {  	_ =	swait.ge [sflag:s13], $0x2000  }
0x2e8: {  	[sflag:s13] =	ssyncset.done $0x0  }
0x2e9: {  	p0 =	sne.s32 s21, $0x1;
	[sflag:s13] =	ssyncadd.s32 $0xFFFFE000  }
0x2ea: {  	[spmem:s1] =	stream.indirect.scatter.add.f32 [tilespmem:s9], [sflag:$0x6], $0x80, s18, s6, $0xb8;
	[tilespmem:$0x1E000] =	vst v63  }
.Ltmp2:
0x2eb: {  	_ =	swait.ge [sflag:s4], $0x2000;
	(pc) =	sbr.rel @p0 .LBB2_4-.Ltmp2, $4  }
0x2ec: {  	[sflag:s4] =	ssyncset.done $0x0  }
0x2ed: {  	[sflag:s4] =	ssyncadd.s32 $0xFFFFE000  }
0x2ee: {  	_ =	swait.ge [sflag:s30], $0x1000  }
0x2ef: {  	s21 =	sadd.s32 $0xFFFFFFFF, s21;
	[sflag:s30] =	ssyncset.done $0x0  }
.LBB2_5:
0x2f0: {  	[sflag:s30] =	ssyncadd.s32 $0xFFFFF000  }
0x2f1: {  	[bflag:$0x0] =	sbarrier.arrive $0xFFFF  }
0x2f2: {  	[tilespmem:s3], [sflag:$0x6] =	stream.linear.gather [spmem:s26], $0x2000, $0x38;
	[tilespmem:$0x1E000] =	vst v63  }
0x2f3: {  	_ =	swait.ge [sflag:s4], $0x2000  }
0x2f4: {  	s0 =	sld [smem:$0x7D8]  }
0x2f5: {  	[sflag:s4] =	ssyncset.done $0x0  }
0x2f6: {  	[sflag:s4] =	ssyncadd.s32 $0xFFFFE000  }
0x2f7: {  	[hbm4b:s0+s2] =	stream.linear.scatter [tilespmem:s3], [sflag:$0x6], $0x2000, $0x38;
	[tilespmem:$0x1E000] =	vst v63  }
0x2f8: {  	_ =	swait.ge [sflag:s4], $0x2000  }
0x2f9: {  	s24 =	sld [smem:$0x7F3]  }
0x2fa: {  	[sflag:s4] =	ssyncset.done $0x0  }
0x2fb: {  	[sflag:s4] =	ssyncadd.s32 $0xFFFFE000  }
0x2fc: {  	[tilespmem:s3], [sflag:$0x6] =	stream.linear.gather [spmem:s24], $0x2000, $0x38;
	[tilespmem:$0x1E000] =	vst v63  }
0x2fd: {  	_ =	swait.ge [sflag:s4], $0x2000  }
0x2fe: {  	s25 =	smov.u32 s26;
	s26 =	sld [smem:$0x7DC]  }
0x2ff: {  	[sflag:s4] =	ssyncset.done $0x0  }
0x300: {  	[sflag:s4] =	ssyncadd.s32 $0xFFFFE000  }
0x301: {  	[hbm4b:s26+s2] =	stream.linear.scatter [tilespmem:s3], [sflag:$0x6], $0x2000, $0x38;
	[tilespmem:$0x1E000] =	vst v63  }
0x302: {  	_ =	swait.ge [sflag:s4], $0x2000  }
0x303: {  	s31 =	sld [smem:$0x7F4]  }
0x304: {  	[sflag:s4] =	ssyncset.done $0x0  }
0x305: {  	[sflag:s4] =	ssyncadd.s32 $0xFFFFE000  }
0x306: {  	[tilespmem:s3], [sflag:$0x6] =	stream.linear.gather [spmem:s31], $0x2000, $0x38;
	[tilespmem:$0x1E000] =	vst v63  }
0x307: {  	_ =	swait.ge [sflag:s4], $0x2000  }
0x308: {  	s21 =	sld [smem:$0x7E0]  }
0x309: {  	[sflag:s4] =	ssyncset.done $0x0  }
0x30a: {  	[sflag:s4] =	ssyncadd.s32 $0xFFFFE000  }
0x30b: {  	[hbm4b:s21+s2] =	stream.linear.scatter [tilespmem:s3], [sflag:$0x6], $0x2000, $0x38;
	[tilespmem:$0x1E000] =	vst v63  }
0x30c: {  	_ =	swait.ge [sflag:s4], $0x2000  }
0x30d: {  	s24 =	sld [smem:$0x7F5]  }
0x30e: {  	[sflag:s4] =	ssyncset.done $0x0  }
0x30f: {  	[sflag:s4] =	ssyncadd.s32 $0xFFFFE000  }
0x310: {  	[tilespmem:s3], [sflag:$0x6] =	stream.linear.gather [spmem:s24], $0x2000, $0x38;
	[tilespmem:$0x1E000] =	vst v63  }
0x311: {  	_ =	swait.ge [sflag:s4], $0x2000  }
0x312: {  	s26 =	sld [smem:$0x7E4]  }
0x313: {  	[sflag:s4] =	ssyncset.done $0x0  }
0x314: {  	[sflag:s4] =	ssyncadd.s32 $0xFFFFE000  }
0x315: {  	[hbm4b:s26+s2] =	stream.linear.scatter [tilespmem:s3], [sflag:$0x6], $0x2000, $0x38;
	[tilespmem:$0x1E000] =	vst v63  }
0x316: {  	_ =	swait.ge [sflag:s4], $0x2000  }
0x317: {  	s31 =	sld [smem:$0x7F6]  }
0x318: {  	[sflag:s4] =	ssyncset.done $0x0  }
0x319: {  	[sflag:s4] =	ssyncadd.s32 $0xFFFFE000  }
0x31a: {  	[tilespmem:s3], [sflag:$0x6] =	stream.linear.gather [spmem:s31], $0x2000, $0x38;
	[tilespmem:$0x1E000] =	vst v63  }
0x31b: {  	_ =	swait.ge [sflag:s4], $0x2000  }
0x31c: {  	s21 =	sld [smem:$0x7E8]  }
0x31d: {  	[sflag:s4] =	ssyncset.done $0x0  }
0x31e: {  	[sflag:s4] =	ssyncadd.s32 $0xFFFFE000  }
0x31f: {  	[hbm4b:s21+s2] =	stream.linear.scatter [tilespmem:s3], [sflag:$0x6], $0x2000, $0x38;
	[tilespmem:$0x1E000] =	vst v63  }
0x320: {  	_ =	swait.ge [sflag:s4], $0x2000  }
0x321: {  	s24 =	sld [smem:$0x7F7]  }
0x322: {  	[sflag:s4] =	ssyncset.done $0x0  }
0x323: {  	[sflag:s4] =	ssyncadd.s32 $0xFFFFE000  }
0x324: {  	[tilespmem:s3], [sflag:$0x6] =	stream.linear.gather [spmem:s24], $0x2000, $0x38;
	[tilespmem:$0x1E000] =	vst v63  }
0x325: {  	_ =	swait.ge [sflag:s4], $0x2000  }
0x326: {  	s26 =	sld [smem:$0x7ED]  }
0x327: {  	[sflag:s4] =	ssyncset.done $0x0  }
0x328: {  	[sflag:s4] =	ssyncadd.s32 $0xFFFFE000  }
0x329: {  	[hbm4b:s26+s2] =	stream.linear.scatter [tilespmem:s3], [sflag:$0x6], $0x2000, $0x38;
	[tilespmem:$0x1E000] =	vst v63  }
0x32a: {  	_ =	swait.ge [sflag:s4], $0x2000  }
0x32b: {  	s31 =	sld [smem:$0x7F8]  }
0x32c: {  	[sflag:s4] =	ssyncset.done $0x0  }
0x32d: {  	[sflag:s4] =	ssyncadd.s32 $0xFFFFE000  }
0x32e: {  	[tilespmem:s3], [sflag:$0x6] =	stream.linear.gather [spmem:s31], $0x2000, $0x38;
	[tilespmem:$0x1E000] =	vst v63  }
0x32f: {  	_ =	swait.ge [sflag:s4], $0x2000  }
0x330: {  	s21 =	sld [smem:$0x7EE]  }
0x331: {  	[sflag:s4] =	ssyncset.done $0x0  }
0x332: {  	[sflag:s4] =	ssyncadd.s32 $0xFFFFE000  }
0x333: {  	[hbm4b:s21+s2] =	stream.linear.scatter [tilespmem:s3], [sflag:$0x6], $0x2000, $0x38;
	[tilespmem:$0x1E000] =	vst v63  }
0x334: {  	_ =	swait.ge [sflag:s4], $0x2000  }
0x335: {  	s24 =	sld [smem:$0x7F9]  }
0x336: {  	[sflag:s4] =	ssyncset.done $0x0  }
0x337: {  	[sflag:s4] =	ssyncadd.s32 $0xFFFFE000  }
0x338: {  	[tilespmem:s3], [sflag:$0x6] =	stream.linear.gather [spmem:s24], $0x2000, $0x38;
	[tilespmem:$0x1E000] =	vst v63  }
0x339: {  	_ =	swait.ge [sflag:s4], $0x2000  }
0x33a: {  	s26 =	sld [smem:$0x7EF]  }
0x33b: {  	[sflag:s4] =	ssyncset.done $0x0  }
0x33c: {  	[sflag:s4] =	ssyncadd.s32 $0xFFFFE000  }
0x33d: {  	[hbm4b:s26+s2] =	stream.linear.scatter [tilespmem:s3], [sflag:$0x6], $0x2000, $0x38;
	[tilespmem:$0x1E000] =	vst v63  }
0x33e: {  	_ =	swait.ge [sflag:s4], $0x2000  }
0x33f: {  	s31 =	sld [smem:$0x7FA]  }
0x340: {  	[sflag:s4] =	ssyncset.done $0x0  }
0x341: {  	[sflag:s4] =	ssyncadd.s32 $0xFFFFE000  }
0x342: {  	[tilespmem:s3], [sflag:$0x6] =	stream.linear.gather [spmem:s31], $0x2000, $0x38;
	[tilespmem:$0x1E000] =	vst v63  }
0x343: {  	_ =	swait.ge [sflag:s4], $0x2000  }
0x344: {  	s21 =	sld [smem:$0x7F0]  }
0x345: {  	[sflag:s4] =	ssyncset.done $0x0  }
0x346: {  	[sflag:s4] =	ssyncadd.s32 $0xFFFFE000  }
0x347: {  	[hbm4b:s21+s2] =	stream.linear.scatter [tilespmem:s3], [sflag:$0x6], $0x2000, $0x38;
	[tilespmem:$0x1E000] =	vst v63  }
0x348: {  	_ =	swait.ge [sflag:s4], $0x2000  }
0x349: {  	s24 =	sld [smem:$0x7FB]  }
0x34a: {  	[sflag:s4] =	ssyncset.done $0x0  }
0x34b: {  	[sflag:s4] =	ssyncadd.s32 $0xFFFFE000  }
0x34c: {  	[tilespmem:s3], [sflag:$0x6] =	stream.linear.gather [spmem:s24], $0x2000, $0x38;
	[tilespmem:$0x1E000] =	vst v63  }
0x34d: {  	_ =	swait.ge [sflag:s4], $0x2000  }
0x34e: {  	s26 =	sld [smem:$0x7F1]  }
0x34f: {  	[sflag:s4] =	ssyncset.done $0x0  }
0x350: {  	[sflag:s4] =	ssyncadd.s32 $0xFFFFE000  }
0x351: {  	[hbm4b:s26+s2] =	stream.linear.scatter [tilespmem:s3], [sflag:$0x6], $0x2000, $0x38;
	[tilespmem:$0x1E000] =	vst v63  }
0x352: {  	_ =	swait.ge [sflag:s4], $0x2000  }
0x353: {  	s31 =	sld [smem:$0x7FC];
	_ =	sdelay $0x1  }
0x354: {  	s20 =	sadd.s32 $0x1, s20  }
0x355: {  	p0 =	sne.s32 s20, s31  }
.Ltmp3:
0x356: {  	_ = 	snop;
	(pc) =	sbr.rel @p0 .LBB2_1-.Ltmp3, $3  }
0x357: {  	_ =	sdelay $0x1  }
0x358: {  	[sflag:s4] =	ssyncset.done $0x0  }
0x359: {  	[sflag:s4] =	ssyncadd.s32 $0xFFFFE000  }
0x35a: {  	_ =	sfence.sel $0x180000  }
0x35b: {  	[bflag:$0x0] =	sbarrier.arrive $0xFFFF  }
0x35c: {  	_ =	strace $0x9000004A  }
0x35d: {  	s0 =	stileid.u32;
	[bflag:$0x2] =	sbarrier.arrive $0xFFFF  }
0x35e: {  	p0 =	sne.s32 s0, $0x0;
	s0 =	rddreg [dreg:$0x2]  }
0x35f: {  	s0 =	sadd.s32 @!p0 $0x100000, s0  }
0x360: {  	[sflag:s0] =	ssyncadd.tile.s32 @!p0 $0x1;
	_ =	shalt  }
.Lfunc_end2:
_tile_overlayer_lowered:
.L_overlay_start_2:
0x361: {  	(tag) =	ssettag $0x2  }
0x362: {  	s0 =	rddreg [dreg:$0x0];
	s2 =	stileid.u32  }
0x363: {  	s1 =	rddreg [dreg:$0x1];
	p0 =	sne.s32 s2, $0x0  }
0x364: {  	s3 =	rddreg [dreg:$0x2];
	[bflag:$0x3] =	sbarrier.arrive $0xFFFF;
	s2 =	simm.s32 @!p0 $0x1C06  }
0x365: {  	[timem:s3], [sflag:s2] =	dma.local @!p0 [hbm:s0], s1  }
0x366: {  	s0 =	simm.s32 @!p0 $0x6  }
0x367: {  	_ =	swait.ge @!p0 [sflag:s0], s1  }
0x368: {  	s1 =	ssub.s32 @!p0 $0x0, s1;
	[sflag:s0] =	ssyncset.done @!p0 $0x0  }
0x369: {  	[sflag:s0] =	ssyncadd.s32 @!p0 s1  }
0x36a: {  	[bflag:$0x3] =	sbarrier.arrive $0xFFFF  }
0x36b: {  	_ =	shalt  }

</sc_bundles>
